<compile_context>
chip_gen: v7x
topology: tpu7x:2x2x1
jax: 0.10.2.dev20260603
libtpu: 0.0.44.dev20260713+nightly
codegen_flags: <defaults>
</compile_context>

<pallas_src>
import functools
import math

import numpy as np
import jax
import jax.numpy as jnp
from jax import lax
from jax.experimental import pallas as pl
from jax.experimental.pallas import tpu as pltpu
from jax.experimental.pallas import tpu_sc as plsc

_B = 4096
_S = 200
_D = 64
_NV = 1000000

_INFO = plsc.get_sparse_core_info()
_NC = _INFO.num_cores
_NS = _INFO.num_subcores
_NW = _NC * _NS
_TOTAL = _B * _S
_BPW = _B // _NW
_NBUF = 2
_NGROUP = _BPW // _NBUF
_LANES = 16

assert _B % _NW == 0 and _BPW % _NBUF == 0


def _make_pe():
    position = np.arange(0, _S, dtype=np.float64)[:, None]
    div_term = np.exp(
        np.arange(0, _D, 2, dtype=np.float64) * -(math.log(10000.0) / _D))
    pe = np.zeros((_S, _D), dtype=np.float64)
    pe[:, 0::2] = np.sin(position * div_term)
    pe[:, 1::2] = np.cos(position * div_term)
    return jnp.asarray(pe, dtype=jnp.float32)


_mesh = plsc.VectorSubcoreMesh(core_axis_name="c", subcore_axis_name="s")


@functools.partial(
    pl.kernel,
    mesh=_mesh,
    out_type=jax.ShapeDtypeStruct((_TOTAL, _D), jnp.float32),
    scratch_types=[
        pltpu.VMEM((_NBUF, 1, _S), jnp.int32),
        pltpu.VMEM((_S, _D), jnp.float32),
        pltpu.VMEM((_NBUF, _S, _D), jnp.float32),
        pltpu.VMEM((_NBUF, _S, _D), jnp.float32),
        pltpu.SemaphoreType.DMA((_NBUF,)),
        pltpu.SemaphoreType.DMA((_NBUF,)),
        pltpu.SemaphoreType.DMA((_NBUF,)),
    ],
    compiler_params=pltpu.CompilerParams(use_tc_tiling_on_sc=True),
)
def _gather_pe(table, xmat, pef, out, idx_s, pe_v, gbuf, sbuf,
               isem, gsem, ssem):
    wid = lax.axis_index("s") * _NC + lax.axis_index("c")
    b0 = wid * _BPW
    pltpu.sync_copy(pef, pe_v)

    def idx_start(j, k):
        pltpu.async_copy(
            xmat.at[pl.ds(b0 + j, 1)], idx_s.at[k], isem.at[k])

    def idx_wait(j, k):
        pltpu.make_async_copy(
            xmat.at[pl.ds(b0 + j, 1)], idx_s.at[k], isem.at[k]).wait()

    def gather_start(k):
        def grp_dma(gi, carry):
            vec = idx_s[k, 0, pl.ds(gi * _LANES, _LANES)]
            for e in range(_LANES):
                r = gi * _LANES + e
                s = vec[e]
                pltpu.async_copy(
                    table.at[pl.ds(s, 1)], gbuf.at[k, pl.ds(r, 1)],
                    gsem.at[k])
            return carry

        lax.fori_loop(0, _S // _LANES, grp_dma, 0, unroll=False)
        vec = idx_s[k, 0, pl.ds(_S - _LANES, _LANES)]
        for e in range(_S % _LANES):
            r = (_S // _LANES) * _LANES + e
            s = vec[(_LANES - _S % _LANES) + e]
            pltpu.async_copy(
                table.at[pl.ds(s, 1)], gbuf.at[k, pl.ds(r, 1)], gsem.at[k])

    def gather_wait(k):
        pltpu.make_async_copy(
            table.at[pl.ds(0, _S)], gbuf.at[k], gsem.at[k]).wait()

    def scatter_start(j, k):
        pltpu.async_copy(
            sbuf.at[k], out.at[pl.ds((b0 + j) * _S, _S)], ssem.at[k])

    def scatter_wait(j, k):
        pltpu.make_async_copy(
            sbuf.at[k], out.at[pl.ds((b0 + j) * _S, _S)], ssem.at[k]).wait()

    for k in range(_NBUF):
        idx_start(k, k)
    for k in range(_NBUF):
        idx_wait(k, k)
        gather_start(k)

    def group_body(g, carry):
        for k in range(_NBUF):
            j = g * _NBUF + k
            gather_wait(k)

            @pl.when(g < _NGROUP - 1)
            def _():
                idx_start(j + _NBUF, k)

            @pl.when(g > 0)
            def _():
                scatter_wait(j - _NBUF, k)

            def row_body(r, carry2):
                for d in range(_D // _LANES):
                    sl = pl.ds(d * _LANES, _LANES)
                    sbuf[k, r, sl] = gbuf[k, r, sl] * 8.0 + pe_v[r, sl]
                return carry2

            lax.fori_loop(0, _S, row_body, 0, unroll=4)
            scatter_start(j, k)

            @pl.when(g < _NGROUP - 1)
            def _():
                idx_wait(j + _NBUF, k)
                gather_start(k)
        return carry

    lax.fori_loop(0, _NGROUP, group_body, 0, unroll=False)

    for k in range(_NBUF):
        scatter_wait(_BPW - _NBUF + k, k)


def kernel(x, weight):
    pe = _make_pe()
    out = _gather_pe(weight, x.astype(jnp.int32), pe)
    return out.reshape(_B, _S, _D)

# --- scband reference (transcript-rebuilt; emitter-appended) ---
"""Pipeline reference for scband-positional-encoding-9998683865497 (READ-ONLY COPY).

The authoritative reference and input builder live on the scoring server;
editing this copy changes nothing except your own understanding.
"""

import jax, jax.numpy as jnp
import numpy as np
import math

NUM_EMBEDDINGS = 1000000
EMBEDDING_DIM = 64
DIM = 64
MAX_LEN = 5000
PADDING_IDX = 0
BATCH = 4096
SEQ = 200


def make_pe(max_len, dim):
    position = np.arange(0, max_len, dtype=np.float64)[:, None]
    div_term = np.exp(np.arange(0, dim, 2, dtype=np.float64) * -(math.log(10000.0) / dim))
    pe = np.zeros((max_len, dim), dtype=np.float64)
    pe[:, 0::2] = np.sin(position * div_term)
    pe[:, 1::2] = np.cos(position * div_term)
    return jnp.asarray(pe[None, :, :], dtype=jnp.float32)  # [1, max_len, dim]


def setup_inputs(seed: int = 0) -> dict:
    key = jax.random.key(seed)
    k_idx, k_w = jax.random.split(key)
    x = jax.random.randint(k_idx, (BATCH, SEQ), 0, NUM_EMBEDDINGS, dtype=jnp.int64) if jax.config.jax_enable_x64 else jax.random.randint(k_idx, (BATCH, SEQ), 0, NUM_EMBEDDINGS, dtype=jnp.int32)
    weight = jax.random.normal(k_w, (NUM_EMBEDDINGS, EMBEDDING_DIM), dtype=jnp.float32)
    # nn.Embedding zeroes the padding_idx row at init
    weight = weight.at[PADDING_IDX].set(0.0)
    return {"x": x, "weight": weight}


def reference(x, weight):
    pe = make_pe(MAX_LEN, DIM)
    emb = jnp.take(weight, x, axis=0)            # [B, S, dim] embedding gather
    emb = emb * math.sqrt(DIM)
    out = emb + pe[:, : x.shape[1]]              # step is None branch
    # dropout_prob = 0.0 -> identity
    return out

if __name__ == "__main__":
    import jax
    _d = setup_inputs()
    print(jax.jit(kernel)(*tuple(_d.values())))

</pallas_src>

<mosaic_0001>
#map = affine_map<(d0, d1) -> (0, 0)>
module attributes {stable_mosaic.version = 14 : i64} {
  func.func @_gather_pe(%arg0: i32, %arg1: i32, %arg2: memref<1000000x64xf32, #tpu.memory_space<hbm>>, %arg3: memref<4096x200xi32, #tpu.memory_space<hbm>>, %arg4: memref<200x64xf32, #tpu.memory_space<hbm>>, %arg5: memref<819200x64xf32, #tpu.memory_space<hbm>>, %arg6: memref<2x1x200xi32, #tpu.memory_space<vmem>>, %arg7: memref<200x64xf32, #tpu.memory_space<vmem>>, %arg8: memref<2x200x64xf32, #tpu.memory_space<vmem>>, %arg9: memref<2x200x64xf32, #tpu.memory_space<vmem>>, %arg10: memref<2x!tpu.dma_semaphore, #tpu.memory_space<semaphore_mem>>, %arg11: memref<2x!tpu.dma_semaphore, #tpu.memory_space<semaphore_mem>>, %arg12: memref<2x!tpu.dma_semaphore, #tpu.memory_space<semaphore_mem>>) attributes {dimension_semantics = [#tpu.dimension_semantics<core_parallel>, #tpu.dimension_semantics<subcore_parallel>], iteration_bounds = array<i64: 2, 16>, scalar_prefetch = 0 : i64, scratch_operands = 7 : i64, tpu.core_type = #tpu.core_type<sc_vector_subcore>, window_params = [{transform_indices = #map}, {transform_indices = #map}, {transform_indices = #map}, {transform_indices = #map}]} {
    %mul3A = arith.constant 2 : i32
    %mul3A_0 = arith.muli %arg1, %mul3A : i32
    %add3A = arith.addi %mul3A_0, %arg0 : i32
    %mul3A_1 = arith.constant 128 : i32
    %mul3A_2 = arith.muli %add3A, %mul3A_1 : i32
    "tpu.region"() ({
      %run_scoped3A = tpu.sem_alloc : memref<!tpu.dma_semaphore, #tpu.memory_space<semaphore_mem>>
      tpu.enqueue_dma source(%arg4 : memref<200x64xf32, #tpu.memory_space<hbm>>) target(%arg7 : memref<200x64xf32, #tpu.memory_space<vmem>>) target_semaphore(%run_scoped3A : memref<!tpu.dma_semaphore, #tpu.memory_space<semaphore_mem>>)
      tpu.wait_dma2 semaphore(%run_scoped3A : memref<!tpu.dma_semaphore, #tpu.memory_space<semaphore_mem>>) src(%arg4 : memref<200x64xf32, #tpu.memory_space<hbm>>) dst(%arg7 : memref<200x64xf32, #tpu.memory_space<vmem>>)
      tpu.yield
    }) : () -> ()
    %add3A_3 = arith.constant 0 : i32
    %add3A_4 = arith.addi %mul3A_2, %add3A_3 : i32
    %dma_start3A = arith.constant 0 : i32
    %dma_start3A_5 = arith.constant 0 : i32
    %dma_start3A_6 = arith.constant 0 : i32
    %dma_start3A_7 = arith.constant 0 : i32
    %dma_start3A_8 = tpu.memref_slice %arg6[%dma_start3A, %dma_start3A_6, %dma_start3A_7] : memref<2x1x200xi32, #tpu.memory_space<vmem>> -> memref<1x1x200xi32, #tpu.memory_space<vmem>>
    %dma_start3A_9 = tpu.memref_squeeze %dma_start3A_8 : memref<1x1x200xi32, #tpu.memory_space<vmem>> -> memref<1x200xi32, #tpu.memory_space<vmem>>
    %dma_start3A_10 = arith.constant 0 : i32
    %dma_start3A_11 = tpu.memref_slice %arg3[%add3A_4, %dma_start3A_10] : memref<4096x200xi32, #tpu.memory_space<hbm>> -> memref<1x200xi32, #tpu.memory_space<hbm>>
    %dma_start3A_12 = tpu.memref_slice %arg10[%dma_start3A_5] : memref<2x!tpu.dma_semaphore, #tpu.memory_space<semaphore_mem>> -> memref<1x!tpu.dma_semaphore, #tpu.memory_space<semaphore_mem>>
    %dma_start3A_13 = tpu.memref_squeeze %dma_start3A_12 : memref<1x!tpu.dma_semaphore, #tpu.memory_space<semaphore_mem>> -> memref<!tpu.dma_semaphore, #tpu.memory_space<semaphore_mem>>
    %dma_start3A_14 = arith.constant 0 : i32
    %dma_start3A_15 = arith.constant 0 : i32
    %dma_start3A_16 = tpu.memref_slice %arg6[%dma_start3A, %dma_start3A_14, %dma_start3A_15] : memref<2x1x200xi32, #tpu.memory_space<vmem>> -> memref<1x1x200xi32, #tpu.memory_space<vmem>>
    %dma_start3A_17 = tpu.memref_squeeze %dma_start3A_16 : memref<1x1x200xi32, #tpu.memory_space<vmem>> -> memref<1x200xi32, #tpu.memory_space<vmem>>
    %dma_start3A_18 = arith.constant 0 : i32
    %dma_start3A_19 = tpu.memref_slice %arg3[%add3A_4, %dma_start3A_18] : memref<4096x200xi32, #tpu.memory_space<hbm>> -> memref<1x200xi32, #tpu.memory_space<hbm>>
    tpu.enqueue_dma source(%dma_start3A_19 : memref<1x200xi32, #tpu.memory_space<hbm>>) target(%dma_start3A_17 : memref<1x200xi32, #tpu.memory_space<vmem>>) target_semaphore(%dma_start3A_13 : memref<!tpu.dma_semaphore, #tpu.memory_space<semaphore_mem>>)
    %add3A_20 = arith.constant 1 : i32
    %add3A_21 = arith.addi %mul3A_2, %add3A_20 : i32
    %dma_start3A_22 = arith.constant 1 : i32
    %dma_start3A_23 = arith.constant 1 : i32
    %dma_start3A_24 = arith.constant 0 : i32
    %dma_start3A_25 = arith.constant 0 : i32
    %dma_start3A_26 = tpu.memref_slice %arg6[%dma_start3A_22, %dma_start3A_24, %dma_start3A_25] : memref<2x1x200xi32, #tpu.memory_space<vmem>> -> memref<1x1x200xi32, #tpu.memory_space<vmem>>
    %dma_start3A_27 = tpu.memref_squeeze %dma_start3A_26 : memref<1x1x200xi32, #tpu.memory_space<vmem>> -> memref<1x200xi32, #tpu.memory_space<vmem>>
    %dma_start3A_28 = arith.constant 0 : i32
    %dma_start3A_29 = tpu.memref_slice %arg3[%add3A_21, %dma_start3A_28] : memref<4096x200xi32, #tpu.memory_space<hbm>> -> memref<1x200xi32, #tpu.memory_space<hbm>>
    %dma_start3A_30 = tpu.memref_slice %arg10[%dma_start3A_23] : memref<2x!tpu.dma_semaphore, #tpu.memory_space<semaphore_mem>> -> memref<1x!tpu.dma_semaphore, #tpu.memory_space<semaphore_mem>>
    %dma_start3A_31 = tpu.memref_squeeze %dma_start3A_30 : memref<1x!tpu.dma_semaphore, #tpu.memory_space<semaphore_mem>> -> memref<!tpu.dma_semaphore, #tpu.memory_space<semaphore_mem>>
    %dma_start3A_32 = arith.constant 0 : i32
    %dma_start3A_33 = arith.constant 0 : i32
    %dma_start3A_34 = tpu.memref_slice %arg6[%dma_start3A_22, %dma_start3A_32, %dma_start3A_33] : memref<2x1x200xi32, #tpu.memory_space<vmem>> -> memref<1x1x200xi32, #tpu.memory_space<vmem>>
    %dma_start3A_35 = tpu.memref_squeeze %dma_start3A_34 : memref<1x1x200xi32, #tpu.memory_space<vmem>> -> memref<1x200xi32, #tpu.memory_space<vmem>>
    %dma_start3A_36 = arith.constant 0 : i32
    %dma_start3A_37 = tpu.memref_slice %arg3[%add3A_21, %dma_start3A_36] : memref<4096x200xi32, #tpu.memory_space<hbm>> -> memref<1x200xi32, #tpu.memory_space<hbm>>
    tpu.enqueue_dma source(%dma_start3A_37 : memref<1x200xi32, #tpu.memory_space<hbm>>) target(%dma_start3A_35 : memref<1x200xi32, #tpu.memory_space<vmem>>) target_semaphore(%dma_start3A_31 : memref<!tpu.dma_semaphore, #tpu.memory_space<semaphore_mem>>)
    %add3A_38 = arith.constant 0 : i32
    %add3A_39 = arith.addi %mul3A_2, %add3A_38 : i32
    %dma_wait3A = arith.constant 0 : i32
    %dma_wait3A_40 = arith.constant 0 : i32
    %dma_wait3A_41 = arith.constant 0 : i32
    %dma_wait3A_42 = arith.constant 0 : i32
    %dma_wait3A_43 = tpu.memref_slice %arg6[%dma_wait3A, %dma_wait3A_41, %dma_wait3A_42] : memref<2x1x200xi32, #tpu.memory_space<vmem>> -> memref<1x1x200xi32, #tpu.memory_space<vmem>>
    %dma_wait3A_44 = tpu.memref_squeeze %dma_wait3A_43 : memref<1x1x200xi32, #tpu.memory_space<vmem>> -> memref<1x200xi32, #tpu.memory_space<vmem>>
    %dma_wait3A_45 = arith.constant 0 : i32
    %dma_wait3A_46 = tpu.memref_slice %arg3[%add3A_39, %dma_wait3A_45] : memref<4096x200xi32, #tpu.memory_space<hbm>> -> memref<1x200xi32, #tpu.memory_space<hbm>>
    %dma_wait3A_47 = tpu.memref_slice %arg10[%dma_wait3A_40] : memref<2x!tpu.dma_semaphore, #tpu.memory_space<semaphore_mem>> -> memref<1x!tpu.dma_semaphore, #tpu.memory_space<semaphore_mem>>
    %dma_wait3A_48 = tpu.memref_squeeze %dma_wait3A_47 : memref<1x!tpu.dma_semaphore, #tpu.memory_space<semaphore_mem>> -> memref<!tpu.dma_semaphore, #tpu.memory_space<semaphore_mem>>
    %dma_wait3A_49 = arith.constant 0 : i32
    %dma_wait3A_50 = arith.constant 0 : i32
    %dma_wait3A_51 = tpu.memref_slice %arg6[%dma_wait3A, %dma_wait3A_49, %dma_wait3A_50] : memref<2x1x200xi32, #tpu.memory_space<vmem>> -> memref<1x1x200xi32, #tpu.memory_space<vmem>>
    %dma_wait3A_52 = tpu.memref_squeeze %dma_wait3A_51 : memref<1x1x200xi32, #tpu.memory_space<vmem>> -> memref<1x200xi32, #tpu.memory_space<vmem>>
    %dma_wait3A_53 = arith.constant 0 : i32
    %dma_wait3A_54 = tpu.memref_slice %arg3[%add3A_39, %dma_wait3A_53] : memref<4096x200xi32, #tpu.memory_space<hbm>> -> memref<1x200xi32, #tpu.memory_space<hbm>>
    tpu.wait_dma2 semaphore(%dma_wait3A_48 : memref<!tpu.dma_semaphore, #tpu.memory_space<semaphore_mem>>) src(%dma_wait3A_54 : memref<1x200xi32, #tpu.memory_space<hbm>>) dst(%dma_wait3A_52 : memref<1x200xi32, #tpu.memory_space<vmem>>)
    %scan3A = arith.constant 0 : i32
    %scan3A_55 = arith.constant 0 : i32
    %scan3A_56 = arith.constant 12 : i32
    %scan3A_57 = arith.addi %scan3A_55, %scan3A_56 : i32
    %scan3A_58 = arith.constant 1 : i32
    scf.for %scan3A_429 = %scan3A_55 to %scan3A_57 step %scan3A_58  : i32 {
      %mul3A_430 = arith.constant 16 : i32
      %mul3A_431 = arith.muli %scan3A_429, %mul3A_430 : i32
      %get3A_432 = arith.constant 0 : i32
      %get3A_433 = arith.constant 0 : i32
      %get3A_434 = arith.index_cast %get3A_432 : i32 to index
      %get3A_435 = arith.index_cast %get3A_433 : i32 to index
      %get3A_436 = arith.index_cast %mul3A_431 : i32 to index
      %get3A_437 = tpu.vector_load %arg6[%get3A_434, %get3A_435, %get3A_436] {strides = array<i32>} : memref<2x1x200xi32, #tpu.memory_space<vmem>>, vector<1x1x16xi32>,
      %get3A_438 = vector.shape_cast %get3A_437 : vector<1x1x16xi32> to vector<16xi32>
      %mul3A_439 = arith.constant 16 : i32
      %mul3A_440 = arith.muli %scan3A_429, %mul3A_439 : i32
      %add3A_441 = arith.constant 0 : i32
      %add3A_442 = arith.addi %mul3A_440, %add3A_441 : i32
      %slice3A_443 = vector.extract_strided_slice %get3A_438 {offsets = [0], sizes = [1], strides = [1]} : vector<16xi32> to vector<1xi32>
      %squeeze3A_444 = vector.extract %slice3A_443[0] : i32 from vector<1xi32>
      %dma_start3A_445 = arith.constant 0 : i32
      %dma_start3A_446 = arith.constant 0 : i32
      %dma_start3A_447 = arith.constant 0 : i32
      %dma_start3A_448 = tpu.memref_slice %arg8[%dma_start3A_445, %add3A_442, %dma_start3A_447] : memref<2x200x64xf32, #tpu.memory_space<vmem>> -> memref<1x1x64xf32, #tpu.memory_space<vmem>>
      %dma_start3A_449 = tpu.memref_squeeze %dma_start3A_448 : memref<1x1x64xf32, #tpu.memory_space<vmem>> -> memref<1x64xf32, #tpu.memory_space<vmem>>
      %dma_start3A_450 = arith.constant 0 : i32
      %dma_start3A_451 = tpu.memref_slice %arg2[%squeeze3A_444, %dma_start3A_450] : memref<1000000x64xf32, #tpu.memory_space<hbm>> -> memref<1x64xf32, #tpu.memory_space<hbm>>
      %dma_start3A_452 = tpu.memref_slice %arg11[%dma_start3A_446] : memref<2x!tpu.dma_semaphore, #tpu.memory_space<semaphore_mem>> -> memref<1x!tpu.dma_semaphore, #tpu.memory_space<semaphore_mem>>
      %dma_start3A_453 = tpu.memref_squeeze %dma_start3A_452 : memref<1x!tpu.dma_semaphore, #tpu.memory_space<semaphore_mem>> -> memref<!tpu.dma_semaphore, #tpu.memory_space<semaphore_mem>>
      %dma_start3A_454 = arith.constant 0 : i32
      %dma_start3A_455 = tpu.memref_slice %arg8[%dma_start3A_445, %add3A_442, %dma_start3A_454] : memref<2x200x64xf32, #tpu.memory_space<vmem>> -> memref<1x1x64xf32, #tpu.memory_space<vmem>>
      %dma_start3A_456 = tpu.memref_squeeze %dma_start3A_455 : memref<1x1x64xf32, #tpu.memory_space<vmem>> -> memref<1x64xf32, #tpu.memory_space<vmem>>
      %dma_start3A_457 = arith.constant 0 : i32
      %dma_start3A_458 = tpu.memref_slice %arg2[%squeeze3A_444, %dma_start3A_457] : memref<1000000x64xf32, #tpu.memory_space<hbm>> -> memref<1x64xf32, #tpu.memory_space<hbm>>
      tpu.enqueue_dma source(%dma_start3A_458 : memref<1x64xf32, #tpu.memory_space<hbm>>) target(%dma_start3A_456 : memref<1x64xf32, #tpu.memory_space<vmem>>) target_semaphore(%dma_start3A_453 : memref<!tpu.dma_semaphore, #tpu.memory_space<semaphore_mem>>)
      %mul3A_459 = arith.constant 16 : i32
      %mul3A_460 = arith.muli %scan3A_429, %mul3A_459 : i32
      %add3A_461 = arith.constant 1 : i32
      %add3A_462 = arith.addi %mul3A_460, %add3A_461 : i32
      %slice3A_463 = vector.extract_strided_slice %get3A_438 {offsets = [1], sizes = [1], strides = [1]} : vector<16xi32> to vector<1xi32>
      %squeeze3A_464 = vector.extract %slice3A_463[0] : i32 from vector<1xi32>
      %dma_start3A_465 = arith.constant 0 : i32
      %dma_start3A_466 = arith.constant 0 : i32
      %dma_start3A_467 = arith.constant 0 : i32
      %dma_start3A_468 = tpu.memref_slice %arg8[%dma_start3A_465, %add3A_462, %dma_start3A_467] : memref<2x200x64xf32, #tpu.memory_space<vmem>> -> memref<1x1x64xf32, #tpu.memory_space<vmem>>
      %dma_start3A_469 = tpu.memref_squeeze %dma_start3A_468 : memref<1x1x64xf32, #tpu.memory_space<vmem>> -> memref<1x64xf32, #tpu.memory_space<vmem>>
      %dma_start3A_470 = arith.constant 0 : i32
      %dma_start3A_471 = tpu.memref_slice %arg2[%squeeze3A_464, %dma_start3A_470] : memref<1000000x64xf32, #tpu.memory_space<hbm>> -> memref<1x64xf32, #tpu.memory_space<hbm>>
      %dma_start3A_472 = tpu.memref_slice %arg11[%dma_start3A_466] : memref<2x!tpu.dma_semaphore, #tpu.memory_space<semaphore_mem>> -> memref<1x!tpu.dma_semaphore, #tpu.memory_space<semaphore_mem>>
      %dma_start3A_473 = tpu.memref_squeeze %dma_start3A_472 : memref<1x!tpu.dma_semaphore, #tpu.memory_space<semaphore_mem>> -> memref<!tpu.dma_semaphore, #tpu.memory_space<semaphore_mem>>
      %dma_start3A_474 = arith.constant 0 : i32
      %dma_start3A_475 = tpu.memref_slice %arg8[%dma_start3A_465, %add3A_462, %dma_start3A_474] : memref<2x200x64xf32, #tpu.memory_space<vmem>> -> memref<1x1x64xf32, #tpu.memory_space<vmem>>
      %dma_start3A_476 = tpu.memref_squeeze %dma_start3A_475 : memref<1x1x64xf32, #tpu.memory_space<vmem>> -> memref<1x64xf32, #tpu.memory_space<vmem>>
      %dma_start3A_477 = arith.constant 0 : i32
      %dma_start3A_478 = tpu.memref_slice %arg2[%squeeze3A_464, %dma_start3A_477] : memref<1000000x64xf32, #tpu.memory_space<hbm>> -> memref<1x64xf32, #tpu.memory_space<hbm>>
      tpu.enqueue_dma source(%dma_start3A_478 : memref<1x64xf32, #tpu.memory_space<hbm>>) target(%dma_start3A_476 : memref<1x64xf32, #tpu.memory_space<vmem>>) target_semaphore(%dma_start3A_473 : memref<!tpu.dma_semaphore, #tpu.memory_space<semaphore_mem>>)
      %mul3A_479 = arith.constant 16 : i32
      %mul3A_480 = arith.muli %scan3A_429, %mul3A_479 : i32
      %add3A_481 = arith.constant 2 : i32
      %add3A_482 = arith.addi %mul3A_480, %add3A_481 : i32
      %slice3A_483 = vector.extract_strided_slice %get3A_438 {offsets = [2], sizes = [1], strides = [1]} : vector<16xi32> to vector<1xi32>
      %squeeze3A_484 = vector.extract %slice3A_483[0] : i32 from vector<1xi32>
      %dma_start3A_485 = arith.constant 0 : i32
      %dma_start3A_486 = arith.constant 0 : i32
      %dma_start3A_487 = arith.constant 0 : i32
      %dma_start3A_488 = tpu.memref_slice %arg8[%dma_start3A_485, %add3A_482, %dma_start3A_487] : memref<2x200x64xf32, #tpu.memory_space<vmem>> -> memref<1x1x64xf32, #tpu.memory_space<vmem>>
      %dma_start3A_489 = tpu.memref_squeeze %dma_start3A_488 : memref<1x1x64xf32, #tpu.memory_space<vmem>> -> memref<1x64xf32, #tpu.memory_space<vmem>>
      %dma_start3A_490 = arith.constant 0 : i32
      %dma_start3A_491 = tpu.memref_slice %arg2[%squeeze3A_484, %dma_start3A_490] : memref<1000000x64xf32, #tpu.memory_space<hbm>> -> memref<1x64xf32, #tpu.memory_space<hbm>>
      %dma_start3A_492 = tpu.memref_slice %arg11[%dma_start3A_486] : memref<2x!tpu.dma_semaphore, #tpu.memory_space<semaphore_mem>> -> memref<1x!tpu.dma_semaphore, #tpu.memory_space<semaphore_mem>>
      %dma_start3A_493 = tpu.memref_squeeze %dma_start3A_492 : memref<1x!tpu.dma_semaphore, #tpu.memory_space<semaphore_mem>> -> memref<!tpu.dma_semaphore, #tpu.memory_space<semaphore_mem>>
      %dma_start3A_494 = arith.constant 0 : i32
      %dma_start3A_495 = tpu.memref_slice %arg8[%dma_start3A_485, %add3A_482, %dma_start3A_494] : memref<2x200x64xf32, #tpu.memory_space<vmem>> -> memref<1x1x64xf32, #tpu.memory_space<vmem>>
      %dma_start3A_496 = tpu.memref_squeeze %dma_start3A_495 : memref<1x1x64xf32, #tpu.memory_space<vmem>> -> memref<1x64xf32, #tpu.memory_space<vmem>>
      %dma_start3A_497 = arith.constant 0 : i32
      %dma_start3A_498 = tpu.memref_slice %arg2[%squeeze3A_484, %dma_start3A_497] : memref<1000000x64xf32, #tpu.memory_space<hbm>> -> memref<1x64xf32, #tpu.memory_space<hbm>>
      tpu.enqueue_dma source(%dma_start3A_498 : memref<1x64xf32, #tpu.memory_space<hbm>>) target(%dma_start3A_496 : memref<1x64xf32, #tpu.memory_space<vmem>>) target_semaphore(%dma_start3A_493 : memref<!tpu.dma_semaphore, #tpu.memory_space<semaphore_mem>>)
      %mul3A_499 = arith.constant 16 : i32
      %mul3A_500 = arith.muli %scan3A_429, %mul3A_499 : i32
      %add3A_501 = arith.constant 3 : i32
      %add3A_502 = arith.addi %mul3A_500, %add3A_501 : i32
      %slice3A_503 = vector.extract_strided_slice %get3A_438 {offsets = [3], sizes = [1], strides = [1]} : vector<16xi32> to vector<1xi32>
      %squeeze3A_504 = vector.extract %slice3A_503[0] : i32 from vector<1xi32>
      %dma_start3A_505 = arith.constant 0 : i32
      %dma_start3A_506 = arith.constant 0 : i32
      %dma_start3A_507 = arith.constant 0 : i32
      %dma_start3A_508 = tpu.memref_slice %arg8[%dma_start3A_505, %add3A_502, %dma_start3A_507] : memref<2x200x64xf32, #tpu.memory_space<vmem>> -> memref<1x1x64xf32, #tpu.memory_space<vmem>>
      %dma_start3A_509 = tpu.memref_squeeze %dma_start3A_508 : memref<1x1x64xf32, #tpu.memory_space<vmem>> -> memref<1x64xf32, #tpu.memory_space<vmem>>
      %dma_start3A_510 = arith.constant 0 : i32
      %dma_start3A_511 = tpu.memref_slice %arg2[%squeeze3A_504, %dma_start3A_510] : memref<1000000x64xf32, #tpu.memory_space<hbm>> -> memref<1x64xf32, #tpu.memory_space<hbm>>
      %dma_start3A_512 = tpu.memref_slice %arg11[%dma_start3A_506] : memref<2x!tpu.dma_semaphore, #tpu.memory_space<semaphore_mem>> -> memref<1x!tpu.dma_semaphore, #tpu.memory_space<semaphore_mem>>
      %dma_start3A_513 = tpu.memref_squeeze %dma_start3A_512 : memref<1x!tpu.dma_semaphore, #tpu.memory_space<semaphore_mem>> -> memref<!tpu.dma_semaphore, #tpu.memory_space<semaphore_mem>>
      %dma_start3A_514 = arith.constant 0 : i32
      %dma_start3A_515 = tpu.memref_slice %arg8[%dma_start3A_505, %add3A_502, %dma_start3A_514] : memref<2x200x64xf32, #tpu.memory_space<vmem>> -> memref<1x1x64xf32, #tpu.memory_space<vmem>>
      %dma_start3A_516 = tpu.memref_squeeze %dma_start3A_515 : memref<1x1x64xf32, #tpu.memory_space<vmem>> -> memref<1x64xf32, #tpu.memory_space<vmem>>
      %dma_start3A_517 = arith.constant 0 : i32
      %dma_start3A_518 = tpu.memref_slice %arg2[%squeeze3A_504, %dma_start3A_517] : memref<1000000x64xf32, #tpu.memory_space<hbm>> -> memref<1x64xf32, #tpu.memory_space<hbm>>
      tpu.enqueue_dma source(%dma_start3A_518 : memref<1x64xf32, #tpu.memory_space<hbm>>) target(%dma_start3A_516 : memref<1x64xf32, #tpu.memory_space<vmem>>) target_semaphore(%dma_start3A_513 : memref<!tpu.dma_semaphore, #tpu.memory_space<semaphore_mem>>)
      %mul3A_519 = arith.constant 16 : i32
      %mul3A_520 = arith.muli %scan3A_429, %mul3A_519 : i32
      %add3A_521 = arith.constant 4 : i32
      %add3A_522 = arith.addi %mul3A_520, %add3A_521 : i32
      %slice3A_523 = vector.extract_strided_slice %get3A_438 {offsets = [4], sizes = [1], strides = [1]} : vector<16xi32> to vector<1xi32>
      %squeeze3A_524 = vector.extract %slice3A_523[0] : i32 from vector<1xi32>
      %dma_start3A_525 = arith.constant 0 : i32
      %dma_start3A_526 = arith.constant 0 : i32
      %dma_start3A_527 = arith.constant 0 : i32
      %dma_start3A_528 = tpu.memref_slice %arg8[%dma_start3A_525, %add3A_522, %dma_start3A_527] : memref<2x200x64xf32, #tpu.memory_space<vmem>> -> memref<1x1x64xf32, #tpu.memory_space<vmem>>
      %dma_start3A_529 = tpu.memref_squeeze %dma_start3A_528 : memref<1x1x64xf32, #tpu.memory_space<vmem>> -> memref<1x64xf32, #tpu.memory_space<vmem>>
      %dma_start3A_530 = arith.constant 0 : i32
      %dma_start3A_531 = tpu.memref_slice %arg2[%squeeze3A_524, %dma_start3A_530] : memref<1000000x64xf32, #tpu.memory_space<hbm>> -> memref<1x64xf32, #tpu.memory_space<hbm>>
      %dma_start3A_532 = tpu.memref_slice %arg11[%dma_start3A_526] : memref<2x!tpu.dma_semaphore, #tpu.memory_space<semaphore_mem>> -> memref<1x!tpu.dma_semaphore, #tpu.memory_space<semaphore_mem>>
      %dma_start3A_533 = tpu.memref_squeeze %dma_start3A_532 : memref<1x!tpu.dma_semaphore, #tpu.memory_space<semaphore_mem>> -> memref<!tpu.dma_semaphore, #tpu.memory_space<semaphore_mem>>
      %dma_start3A_534 = arith.constant 0 : i32
      %dma_start3A_535 = tpu.memref_slice %arg8[%dma_start3A_525, %add3A_522, %dma_start3A_534] : memref<2x200x64xf32, #tpu.memory_space<vmem>> -> memref<1x1x64xf32, #tpu.memory_space<vmem>>
      %dma_start3A_536 = tpu.memref_squeeze %dma_start3A_535 : memref<1x1x64xf32, #tpu.memory_space<vmem>> -> memref<1x64xf32, #tpu.memory_space<vmem>>
      %dma_start3A_537 = arith.constant 0 : i32
      %dma_start3A_538 = tpu.memref_slice %arg2[%squeeze3A_524, %dma_start3A_537] : memref<1000000x64xf32, #tpu.memory_space<hbm>> -> memref<1x64xf32, #tpu.memory_space<hbm>>
      tpu.enqueue_dma source(%dma_start3A_538 : memref<1x64xf32, #tpu.memory_space<hbm>>) target(%dma_start3A_536 : memref<1x64xf32, #tpu.memory_space<vmem>>) target_semaphore(%dma_start3A_533 : memref<!tpu.dma_semaphore, #tpu.memory_space<semaphore_mem>>)
      %mul3A_539 = arith.constant 16 : i32
      %mul3A_540 = arith.muli %scan3A_429, %mul3A_539 : i32
      %add3A_541 = arith.constant 5 : i32
      %add3A_542 = arith.addi %mul3A_540, %add3A_541 : i32
      %slice3A_543 = vector.extract_strided_slice %get3A_438 {offsets = [5], sizes = [1], strides = [1]} : vector<16xi32> to vector<1xi32>
      %squeeze3A_544 = vector.extract %slice3A_543[0] : i32 from vector<1xi32>
      %dma_start3A_545 = arith.constant 0 : i32
      %dma_start3A_546 = arith.constant 0 : i32
      %dma_start3A_547 = arith.constant 0 : i32
      %dma_start3A_548 = tpu.memref_slice %arg8[%dma_start3A_545, %add3A_542, %dma_start3A_547] : memref<2x200x64xf32, #tpu.memory_space<vmem>> -> memref<1x1x64xf32, #tpu.memory_space<vmem>>
      %dma_start3A_549 = tpu.memref_squeeze %dma_start3A_548 : memref<1x1x64xf32, #tpu.memory_space<vmem>> -> memref<1x64xf32, #tpu.memory_space<vmem>>
      %dma_start3A_550 = arith.constant 0 : i32
      %dma_start3A_551 = tpu.memref_slice %arg2[%squeeze3A_544, %dma_start3A_550] : memref<1000000x64xf32, #tpu.memory_space<hbm>> -> memref<1x64xf32, #tpu.memory_space<hbm>>
      %dma_start3A_552 = tpu.memref_slice %arg11[%dma_start3A_546] : memref<2x!tpu.dma_semaphore, #tpu.memory_space<semaphore_mem>> -> memref<1x!tpu.dma_semaphore, #tpu.memory_space<semaphore_mem>>
      %dma_start3A_553 = tpu.memref_squeeze %dma_start3A_552 : memref<1x!tpu.dma_semaphore, #tpu.memory_space<semaphore_mem>> -> memref<!tpu.dma_semaphore, #tpu.memory_space<semaphore_mem>>
      %dma_start3A_554 = arith.constant 0 : i32
      %dma_start3A_555 = tpu.memref_slice %arg8[%dma_start3A_545, %add3A_542, %dma_start3A_554] : memref<2x200x64xf32, #tpu.memory_space<vmem>> -> memref<1x1x64xf32, #tpu.memory_space<vmem>>
      %dma_start3A_556 = tpu.memref_squeeze %dma_start3A_555 : memref<1x1x64xf32, #tpu.memory_space<vmem>> -> memref<1x64xf32, #tpu.memory_space<vmem>>
      %dma_start3A_557 = arith.constant 0 : i32
      %dma_start3A_558 = tpu.memref_slice %arg2[%squeeze3A_544, %dma_start3A_557] : memref<1000000x64xf32, #tpu.memory_space<hbm>> -> memref<1x64xf32, #tpu.memory_space<hbm>>
      tpu.enqueue_dma source(%dma_start3A_558 : memref<1x64xf32, #tpu.memory_space<hbm>>) target(%dma_start3A_556 : memref<1x64xf32, #tpu.memory_space<vmem>>) target_semaphore(%dma_start3A_553 : memref<!tpu.dma_semaphore, #tpu.memory_space<semaphore_mem>>)
      %mul3A_559 = arith.constant 16 : i32
      %mul3A_560 = arith.muli %scan3A_429, %mul3A_559 : i32
      %add3A_561 = arith.constant 6 : i32
      %add3A_562 = arith.addi %mul3A_560, %add3A_561 : i32
      %slice3A_563 = vector.extract_strided_slice %get3A_438 {offsets = [6], sizes = [1], strides = [1]} : vector<16xi32> to vector<1xi32>
      %squeeze3A_564 = vector.extract %slice3A_563[0] : i32 from vector<1xi32>
      %dma_start3A_565 = arith.constant 0 : i32
      %dma_start3A_566 = arith.constant 0 : i32
      %dma_start3A_567 = arith.constant 0 : i32
      %dma_start3A_568 = tpu.memref_slice %arg8[%dma_start3A_565, %add3A_562, %dma_start3A_567] : memref<2x200x64xf32, #tpu.memory_space<vmem>> -> memref<1x1x64xf32, #tpu.memory_space<vmem>>
      %dma_start3A_569 = tpu.memref_squeeze %dma_start3A_568 : memref<1x1x64xf32, #tpu.memory_space<vmem>> -> memref<1x64xf32, #tpu.memory_space<vmem>>
      %dma_start3A_570 = arith.constant 0 : i32
      %dma_start3A_571 = tpu.memref_slice %arg2[%squeeze3A_564, %dma_start3A_570] : memref<1000000x64xf32, #tpu.memory_space<hbm>> -> memref<1x64xf32, #tpu.memory_space<hbm>>
      %dma_start3A_572 = tpu.memref_slice %arg11[%dma_start3A_566] : memref<2x!tpu.dma_semaphore, #tpu.memory_space<semaphore_mem>> -> memref<1x!tpu.dma_semaphore, #tpu.memory_space<semaphore_mem>>
      %dma_start3A_573 = tpu.memref_squeeze %dma_start3A_572 : memref<1x!tpu.dma_semaphore, #tpu.memory_space<semaphore_mem>> -> memref<!tpu.dma_semaphore, #tpu.memory_space<semaphore_mem>>
      %dma_start3A_574 = arith.constant 0 : i32
      %dma_start3A_575 = tpu.memref_slice %arg8[%dma_start3A_565, %add3A_562, %dma_start3A_574] : memref<2x200x64xf32, #tpu.memory_space<vmem>> -> memref<1x1x64xf32, #tpu.memory_space<vmem>>
      %dma_start3A_576 = tpu.memref_squeeze %dma_start3A_575 : memref<1x1x64xf32, #tpu.memory_space<vmem>> -> memref<1x64xf32, #tpu.memory_space<vmem>>
      %dma_start3A_577 = arith.constant 0 : i32
      %dma_start3A_578 = tpu.memref_slice %arg2[%squeeze3A_564, %dma_start3A_577] : memref<1000000x64xf32, #tpu.memory_space<hbm>> -> memref<1x64xf32, #tpu.memory_space<hbm>>
      tpu.enqueue_dma source(%dma_start3A_578 : memref<1x64xf32, #tpu.memory_space<hbm>>) target(%dma_start3A_576 : memref<1x64xf32, #tpu.memory_space<vmem>>) target_semaphore(%dma_start3A_573 : memref<!tpu.dma_semaphore, #tpu.memory_space<semaphore_mem>>)
      %mul3A_579 = arith.constant 16 : i32
      %mul3A_580 = arith.muli %scan3A_429, %mul3A_579 : i32
      %add3A_581 = arith.constant 7 : i32
      %add3A_582 = arith.addi %mul3A_580, %add3A_581 : i32
      %slice3A_583 = vector.extract_strided_slice %get3A_438 {offsets = [7], sizes = [1], strides = [1]} : vector<16xi32> to vector<1xi32>
      %squeeze3A_584 = vector.extract %slice3A_583[0] : i32 from vector<1xi32>
      %dma_start3A_585 = arith.constant 0 : i32
      %dma_start3A_586 = arith.constant 0 : i32
      %dma_start3A_587 = arith.constant 0 : i32
      %dma_start3A_588 = tpu.memref_slice %arg8[%dma_start3A_585, %add3A_582, %dma_start3A_587] : memref<2x200x64xf32, #tpu.memory_space<vmem>> -> memref<1x1x64xf32, #tpu.memory_space<vmem>>
      %dma_start3A_589 = tpu.memref_squeeze %dma_start3A_588 : memref<1x1x64xf32, #tpu.memory_space<vmem>> -> memref<1x64xf32, #tpu.memory_space<vmem>>
      %dma_start3A_590 = arith.constant 0 : i32
      %dma_start3A_591 = tpu.memref_slice %arg2[%squeeze3A_584, %dma_start3A_590] : memref<1000000x64xf32, #tpu.memory_space<hbm>> -> memref<1x64xf32, #tpu.memory_space<hbm>>
      %dma_start3A_592 = tpu.memref_slice %arg11[%dma_start3A_586] : memref<2x!tpu.dma_semaphore, #tpu.memory_space<semaphore_mem>> -> memref<1x!tpu.dma_semaphore, #tpu.memory_space<semaphore_mem>>
      %dma_start3A_593 = tpu.memref_squeeze %dma_start3A_592 : memref<1x!tpu.dma_semaphore, #tpu.memory_space<semaphore_mem>> -> memref<!tpu.dma_semaphore, #tpu.memory_space<semaphore_mem>>
      %dma_start3A_594 = arith.constant 0 : i32
      %dma_start3A_595 = tpu.memref_slice %arg8[%dma_start3A_585, %add3A_582, %dma_start3A_594] : memref<2x200x64xf32, #tpu.memory_space<vmem>> -> memref<1x1x64xf32, #tpu.memory_space<vmem>>
      %dma_start3A_596 = tpu.memref_squeeze %dma_start3A_595 : memref<1x1x64xf32, #tpu.memory_space<vmem>> -> memref<1x64xf32, #tpu.memory_space<vmem>>
      %dma_start3A_597 = arith.constant 0 : i32
      %dma_start3A_598 = tpu.memref_slice %arg2[%squeeze3A_584, %dma_start3A_597] : memref<1000000x64xf32, #tpu.memory_space<hbm>> -> memref<1x64xf32, #tpu.memory_space<hbm>>
      tpu.enqueue_dma source(%dma_start3A_598 : memref<1x64xf32, #tpu.memory_space<hbm>>) target(%dma_start3A_596 : memref<1x64xf32, #tpu.memory_space<vmem>>) target_semaphore(%dma_start3A_593 : memref<!tpu.dma_semaphore, #tpu.memory_space<semaphore_mem>>)
      %mul3A_599 = arith.constant 16 : i32
      %mul3A_600 = arith.muli %scan3A_429, %mul3A_599 : i32
      %add3A_601 = arith.constant 8 : i32
      %add3A_602 = arith.addi %mul3A_600, %add3A_601 : i32
      %slice3A_603 = vector.extract_strided_slice %get3A_438 {offsets = [8], sizes = [1], strides = [1]} : vector<16xi32> to vector<1xi32>
      %squeeze3A_604 = vector.extract %slice3A_603[0] : i32 from vector<1xi32>
      %dma_start3A_605 = arith.constant 0 : i32
      %dma_start3A_606 = arith.constant 0 : i32
      %dma_start3A_607 = arith.constant 0 : i32
      %dma_start3A_608 = tpu.memref_slice %arg8[%dma_start3A_605, %add3A_602, %dma_start3A_607] : memref<2x200x64xf32, #tpu.memory_space<vmem>> -> memref<1x1x64xf32, #tpu.memory_space<vmem>>
      %dma_start3A_609 = tpu.memref_squeeze %dma_start3A_608 : memref<1x1x64xf32, #tpu.memory_space<vmem>> -> memref<1x64xf32, #tpu.memory_space<vmem>>
      %dma_start3A_610 = arith.constant 0 : i32
      %dma_start3A_611 = tpu.memref_slice %arg2[%squeeze3A_604, %dma_start3A_610] : memref<1000000x64xf32, #tpu.memory_space<hbm>> -> memref<1x64xf32, #tpu.memory_space<hbm>>
      %dma_start3A_612 = tpu.memref_slice %arg11[%dma_start3A_606] : memref<2x!tpu.dma_semaphore, #tpu.memory_space<semaphore_mem>> -> memref<1x!tpu.dma_semaphore, #tpu.memory_space<semaphore_mem>>
      %dma_start3A_613 = tpu.memref_squeeze %dma_start3A_612 : memref<1x!tpu.dma_semaphore, #tpu.memory_space<semaphore_mem>> -> memref<!tpu.dma_semaphore, #tpu.memory_space<semaphore_mem>>
      %dma_start3A_614 = arith.constant 0 : i32
      %dma_start3A_615 = tpu.memref_slice %arg8[%dma_start3A_605, %add3A_602, %dma_start3A_614] : memref<2x200x64xf32, #tpu.memory_space<vmem>> -> memref<1x1x64xf32, #tpu.memory_space<vmem>>
      %dma_start3A_616 = tpu.memref_squeeze %dma_start3A_615 : memref<1x1x64xf32, #tpu.memory_space<vmem>> -> memref<1x64xf32, #tpu.memory_space<vmem>>
      %dma_start3A_617 = arith.constant 0 : i32
      %dma_start3A_618 = tpu.memref_slice %arg2[%squeeze3A_604, %dma_start3A_617] : memref<1000000x64xf32, #tpu.memory_space<hbm>> -> memref<1x64xf32, #tpu.memory_space<hbm>>
      tpu.enqueue_dma source(%dma_start3A_618 : memref<1x64xf32, #tpu.memory_space<hbm>>) target(%dma_start3A_616 : memref<1x64xf32, #tpu.memory_space<vmem>>) target_semaphore(%dma_start3A_613 : memref<!tpu.dma_semaphore, #tpu.memory_space<semaphore_mem>>)
      %mul3A_619 = arith.constant 16 : i32
      %mul3A_620 = arith.muli %scan3A_429, %mul3A_619 : i32
      %add3A_621 = arith.constant 9 : i32
      %add3A_622 = arith.addi %mul3A_620, %add3A_621 : i32
      %slice3A_623 = vector.extract_strided_slice %get3A_438 {offsets = [9], sizes = [1], strides = [1]} : vector<16xi32> to vector<1xi32>
      %squeeze3A_624 = vector.extract %slice3A_623[0] : i32 from vector<1xi32>
      %dma_start3A_625 = arith.constant 0 : i32
      %dma_start3A_626 = arith.constant 0 : i32
      %dma_start3A_627 = arith.constant 0 : i32
      %dma_start3A_628 = tpu.memref_slice %arg8[%dma_start3A_625, %add3A_622, %dma_start3A_627] : memref<2x200x64xf32, #tpu.memory_space<vmem>> -> memref<1x1x64xf32, #tpu.memory_space<vmem>>
      %dma_start3A_629 = tpu.memref_squeeze %dma_start3A_628 : memref<1x1x64xf32, #tpu.memory_space<vmem>> -> memref<1x64xf32, #tpu.memory_space<vmem>>
      %dma_start3A_630 = arith.constant 0 : i32
      %dma_start3A_631 = tpu.memref_slice %arg2[%squeeze3A_624, %dma_start3A_630] : memref<1000000x64xf32, #tpu.memory_space<hbm>> -> memref<1x64xf32, #tpu.memory_space<hbm>>
      %dma_start3A_632 = tpu.memref_slice %arg11[%dma_start3A_626] : memref<2x!tpu.dma_semaphore, #tpu.memory_space<semaphore_mem>> -> memref<1x!tpu.dma_semaphore, #tpu.memory_space<semaphore_mem>>
      %dma_start3A_633 = tpu.memref_squeeze %dma_start3A_632 : memref<1x!tpu.dma_semaphore, #tpu.memory_space<semaphore_mem>> -> memref<!tpu.dma_semaphore, #tpu.memory_space<semaphore_mem>>
      %dma_start3A_634 = arith.constant 0 : i32
      %dma_start3A_635 = tpu.memref_slice %arg8[%dma_start3A_625, %add3A_622, %dma_start3A_634] : memref<2x200x64xf32, #tpu.memory_space<vmem>> -> memref<1x1x64xf32, #tpu.memory_space<vmem>>
      %dma_start3A_636 = tpu.memref_squeeze %dma_start3A_635 : memref<1x1x64xf32, #tpu.memory_space<vmem>> -> memref<1x64xf32, #tpu.memory_space<vmem>>
      %dma_start3A_637 = arith.constant 0 : i32
      %dma_start3A_638 = tpu.memref_slice %arg2[%squeeze3A_624, %dma_start3A_637] : memref<1000000x64xf32, #tpu.memory_space<hbm>> -> memref<1x64xf32, #tpu.memory_space<hbm>>
      tpu.enqueue_dma source(%dma_start3A_638 : memref<1x64xf32, #tpu.memory_space<hbm>>) target(%dma_start3A_636 : memref<1x64xf32, #tpu.memory_space<vmem>>) target_semaphore(%dma_start3A_633 : memref<!tpu.dma_semaphore, #tpu.memory_space<semaphore_mem>>)
      %mul3A_639 = arith.constant 16 : i32
      %mul3A_640 = arith.muli %scan3A_429, %mul3A_639 : i32
      %add3A_641 = arith.constant 10 : i32
      %add3A_642 = arith.addi %mul3A_640, %add3A_641 : i32
      %slice3A_643 = vector.extract_strided_slice %get3A_438 {offsets = [10], sizes = [1], strides = [1]} : vector<16xi32> to vector<1xi32>
      %squeeze3A_644 = vector.extract %slice3A_643[0] : i32 from vector<1xi32>
      %dma_start3A_645 = arith.constant 0 : i32
      %dma_start3A_646 = arith.constant 0 : i32
      %dma_start3A_647 = arith.constant 0 : i32
      %dma_start3A_648 = tpu.memref_slice %arg8[%dma_start3A_645, %add3A_642, %dma_start3A_647] : memref<2x200x64xf32, #tpu.memory_space<vmem>> -> memref<1x1x64xf32, #tpu.memory_space<vmem>>
      %dma_start3A_649 = tpu.memref_squeeze %dma_start3A_648 : memref<1x1x64xf32, #tpu.memory_space<vmem>> -> memref<1x64xf32, #tpu.memory_space<vmem>>
      %dma_start3A_650 = arith.constant 0 : i32
      %dma_start3A_651 = tpu.memref_slice %arg2[%squeeze3A_644, %dma_start3A_650] : memref<1000000x64xf32, #tpu.memory_space<hbm>> -> memref<1x64xf32, #tpu.memory_space<hbm>>
      %dma_start3A_652 = tpu.memref_slice %arg11[%dma_start3A_646] : memref<2x!tpu.dma_semaphore, #tpu.memory_space<semaphore_mem>> -> memref<1x!tpu.dma_semaphore, #tpu.memory_space<semaphore_mem>>
      %dma_start3A_653 = tpu.memref_squeeze %dma_start3A_652 : memref<1x!tpu.dma_semaphore, #tpu.memory_space<semaphore_mem>> -> memref<!tpu.dma_semaphore, #tpu.memory_space<semaphore_mem>>
      %dma_start3A_654 = arith.constant 0 : i32
      %dma_start3A_655 = tpu.memref_slice %arg8[%dma_start3A_645, %add3A_642, %dma_start3A_654] : memref<2x200x64xf32, #tpu.memory_space<vmem>> -> memref<1x1x64xf32, #tpu.memory_space<vmem>>
      %dma_start3A_656 = tpu.memref_squeeze %dma_start3A_655 : memref<1x1x64xf32, #tpu.memory_space<vmem>> -> memref<1x64xf32, #tpu.memory_space<vmem>>
      %dma_start3A_657 = arith.constant 0 : i32
      %dma_start3A_658 = tpu.memref_slice %arg2[%squeeze3A_644, %dma_start3A_657] : memref<1000000x64xf32, #tpu.memory_space<hbm>> -> memref<1x64xf32, #tpu.memory_space<hbm>>
      tpu.enqueue_dma source(%dma_start3A_658 : memref<1x64xf32, #tpu.memory_space<hbm>>) target(%dma_start3A_656 : memref<1x64xf32, #tpu.memory_space<vmem>>) target_semaphore(%dma_start3A_653 : memref<!tpu.dma_semaphore, #tpu.memory_space<semaphore_mem>>)
      %mul3A_659 = arith.constant 16 : i32
      %mul3A_660 = arith.muli %scan3A_429, %mul3A_659 : i32
      %add3A_661 = arith.constant 11 : i32
      %add3A_662 = arith.addi %mul3A_660, %add3A_661 : i32
      %slice3A_663 = vector.extract_strided_slice %get3A_438 {offsets = [11], sizes = [1], strides = [1]} : vector<16xi32> to vector<1xi32>
      %squeeze3A_664 = vector.extract %slice3A_663[0] : i32 from vector<1xi32>
      %dma_start3A_665 = arith.constant 0 : i32
      %dma_start3A_666 = arith.constant 0 : i32
      %dma_start3A_667 = arith.constant 0 : i32
      %dma_start3A_668 = tpu.memref_slice %arg8[%dma_start3A_665, %add3A_662, %dma_start3A_667] : memref<2x200x64xf32, #tpu.memory_space<vmem>> -> memref<1x1x64xf32, #tpu.memory_space<vmem>>
      %dma_start3A_669 = tpu.memref_squeeze %dma_start3A_668 : memref<1x1x64xf32, #tpu.memory_space<vmem>> -> memref<1x64xf32, #tpu.memory_space<vmem>>
      %dma_start3A_670 = arith.constant 0 : i32
      %dma_start3A_671 = tpu.memref_slice %arg2[%squeeze3A_664, %dma_start3A_670] : memref<1000000x64xf32, #tpu.memory_space<hbm>> -> memref<1x64xf32, #tpu.memory_space<hbm>>
      %dma_start3A_672 = tpu.memref_slice %arg11[%dma_start3A_666] : memref<2x!tpu.dma_semaphore, #tpu.memory_space<semaphore_mem>> -> memref<1x!tpu.dma_semaphore, #tpu.memory_space<semaphore_mem>>
      %dma_start3A_673 = tpu.memref_squeeze %dma_start3A_672 : memref<1x!tpu.dma_semaphore, #tpu.memory_space<semaphore_mem>> -> memref<!tpu.dma_semaphore, #tpu.memory_space<semaphore_mem>>
      %dma_start3A_674 = arith.constant 0 : i32
      %dma_start3A_675 = tpu.memref_slice %arg8[%dma_start3A_665, %add3A_662, %dma_start3A_674] : memref<2x200x64xf32, #tpu.memory_space<vmem>> -> memref<1x1x64xf32, #tpu.memory_space<vmem>>
      %dma_start3A_676 = tpu.memref_squeeze %dma_start3A_675 : memref<1x1x64xf32, #tpu.memory_space<vmem>> -> memref<1x64xf32, #tpu.memory_space<vmem>>
      %dma_start3A_677 = arith.constant 0 : i32
      %dma_start3A_678 = tpu.memref_slice %arg2[%squeeze3A_664, %dma_start3A_677] : memref<1000000x64xf32, #tpu.memory_space<hbm>> -> memref<1x64xf32, #tpu.memory_space<hbm>>
      tpu.enqueue_dma source(%dma_start3A_678 : memref<1x64xf32, #tpu.memory_space<hbm>>) target(%dma_start3A_676 : memref<1x64xf32, #tpu.memory_space<vmem>>) target_semaphore(%dma_start3A_673 : memref<!tpu.dma_semaphore, #tpu.memory_space<semaphore_mem>>)
      %mul3A_679 = arith.constant 16 : i32
      %mul3A_680 = arith.muli %scan3A_429, %mul3A_679 : i32
      %add3A_681 = arith.constant 12 : i32
      %add3A_682 = arith.addi %mul3A_680, %add3A_681 : i32
      %slice3A_683 = vector.extract_strided_slice %get3A_438 {offsets = [12], sizes = [1], strides = [1]} : vector<16xi32> to vector<1xi32>
      %squeeze3A_684 = vector.extract %slice3A_683[0] : i32 from vector<1xi32>
      %dma_start3A_685 = arith.constant 0 : i32
      %dma_start3A_686 = arith.constant 0 : i32
      %dma_start3A_687 = arith.constant 0 : i32
      %dma_start3A_688 = tpu.memref_slice %arg8[%dma_start3A_685, %add3A_682, %dma_start3A_687] : memref<2x200x64xf32, #tpu.memory_space<vmem>> -> memref<1x1x64xf32, #tpu.memory_space<vmem>>
      %dma_start3A_689 = tpu.memref_squeeze %dma_start3A_688 : memref<1x1x64xf32, #tpu.memory_space<vmem>> -> memref<1x64xf32, #tpu.memory_space<vmem>>
      %dma_start3A_690 = arith.constant 0 : i32
      %dma_start3A_691 = tpu.memref_slice %arg2[%squeeze3A_684, %dma_start3A_690] : memref<1000000x64xf32, #tpu.memory_space<hbm>> -> memref<1x64xf32, #tpu.memory_space<hbm>>
      %dma_start3A_692 = tpu.memref_slice %arg11[%dma_start3A_686] : memref<2x!tpu.dma_semaphore, #tpu.memory_space<semaphore_mem>> -> memref<1x!tpu.dma_semaphore, #tpu.memory_space<semaphore_mem>>
      %dma_start3A_693 = tpu.memref_squeeze %dma_start3A_692 : memref<1x!tpu.dma_semaphore, #tpu.memory_space<semaphore_mem>> -> memref<!tpu.dma_semaphore, #tpu.memory_space<semaphore_mem>>
      %dma_start3A_694 = arith.constant 0 : i32
      %dma_start3A_695 = tpu.memref_slice %arg8[%dma_start3A_685, %add3A_682, %dma_start3A_694] : memref<2x200x64xf32, #tpu.memory_space<vmem>> -> memref<1x1x64xf32, #tpu.memory_space<vmem>>
      %dma_start3A_696 = tpu.memref_squeeze %dma_start3A_695 : memref<1x1x64xf32, #tpu.memory_space<vmem>> -> memref<1x64xf32, #tpu.memory_space<vmem>>
      %dma_start3A_697 = arith.constant 0 : i32
      %dma_start3A_698 = tpu.memref_slice %arg2[%squeeze3A_684, %dma_start3A_697] : memref<1000000x64xf32, #tpu.memory_space<hbm>> -> memref<1x64xf32, #tpu.memory_space<hbm>>
      tpu.enqueue_dma source(%dma_start3A_698 : memref<1x64xf32, #tpu.memory_space<hbm>>) target(%dma_start3A_696 : memref<1x64xf32, #tpu.memory_space<vmem>>) target_semaphore(%dma_start3A_693 : memref<!tpu.dma_semaphore, #tpu.memory_space<semaphore_mem>>)
      %mul3A_699 = arith.constant 16 : i32
      %mul3A_700 = arith.muli %scan3A_429, %mul3A_699 : i32
      %add3A_701 = arith.constant 13 : i32
      %add3A_702 = arith.addi %mul3A_700, %add3A_701 : i32
      %slice3A_703 = vector.extract_strided_slice %get3A_438 {offsets = [13], sizes = [1], strides = [1]} : vector<16xi32> to vector<1xi32>
      %squeeze3A_704 = vector.extract %slice3A_703[0] : i32 from vector<1xi32>
      %dma_start3A_705 = arith.constant 0 : i32
      %dma_start3A_706 = arith.constant 0 : i32
      %dma_start3A_707 = arith.constant 0 : i32
      %dma_start3A_708 = tpu.memref_slice %arg8[%dma_start3A_705, %add3A_702, %dma_start3A_707] : memref<2x200x64xf32, #tpu.memory_space<vmem>> -> memref<1x1x64xf32, #tpu.memory_space<vmem>>
      %dma_start3A_709 = tpu.memref_squeeze %dma_start3A_708 : memref<1x1x64xf32, #tpu.memory_space<vmem>> -> memref<1x64xf32, #tpu.memory_space<vmem>>
      %dma_start3A_710 = arith.constant 0 : i32
      %dma_start3A_711 = tpu.memref_slice %arg2[%squeeze3A_704, %dma_start3A_710] : memref<1000000x64xf32, #tpu.memory_space<hbm>> -> memref<1x64xf32, #tpu.memory_space<hbm>>
      %dma_start3A_712 = tpu.memref_slice %arg11[%dma_start3A_706] : memref<2x!tpu.dma_semaphore, #tpu.memory_space<semaphore_mem>> -> memref<1x!tpu.dma_semaphore, #tpu.memory_space<semaphore_mem>>
      %dma_start3A_713 = tpu.memref_squeeze %dma_start3A_712 : memref<1x!tpu.dma_semaphore, #tpu.memory_space<semaphore_mem>> -> memref<!tpu.dma_semaphore, #tpu.memory_space<semaphore_mem>>
      %dma_start3A_714 = arith.constant 0 : i32
      %dma_start3A_715 = tpu.memref_slice %arg8[%dma_start3A_705, %add3A_702, %dma_start3A_714] : memref<2x200x64xf32, #tpu.memory_space<vmem>> -> memref<1x1x64xf32, #tpu.memory_space<vmem>>
      %dma_start3A_716 = tpu.memref_squeeze %dma_start3A_715 : memref<1x1x64xf32, #tpu.memory_space<vmem>> -> memref<1x64xf32, #tpu.memory_space<vmem>>
      %dma_start3A_717 = arith.constant 0 : i32
      %dma_start3A_718 = tpu.memref_slice %arg2[%squeeze3A_704, %dma_start3A_717] : memref<1000000x64xf32, #tpu.memory_space<hbm>> -> memref<1x64xf32, #tpu.memory_space<hbm>>
      tpu.enqueue_dma source(%dma_start3A_718 : memref<1x64xf32, #tpu.memory_space<hbm>>) target(%dma_start3A_716 : memref<1x64xf32, #tpu.memory_space<vmem>>) target_semaphore(%dma_start3A_713 : memref<!tpu.dma_semaphore, #tpu.memory_space<semaphore_mem>>)
      %mul3A_719 = arith.constant 16 : i32
      %mul3A_720 = arith.muli %scan3A_429, %mul3A_719 : i32
      %add3A_721 = arith.constant 14 : i32
      %add3A_722 = arith.addi %mul3A_720, %add3A_721 : i32
      %slice3A_723 = vector.extract_strided_slice %get3A_438 {offsets = [14], sizes = [1], strides = [1]} : vector<16xi32> to vector<1xi32>
      %squeeze3A_724 = vector.extract %slice3A_723[0] : i32 from vector<1xi32>
      %dma_start3A_725 = arith.constant 0 : i32
      %dma_start3A_726 = arith.constant 0 : i32
      %dma_start3A_727 = arith.constant 0 : i32
      %dma_start3A_728 = tpu.memref_slice %arg8[%dma_start3A_725, %add3A_722, %dma_start3A_727] : memref<2x200x64xf32, #tpu.memory_space<vmem>> -> memref<1x1x64xf32, #tpu.memory_space<vmem>>
      %dma_start3A_729 = tpu.memref_squeeze %dma_start3A_728 : memref<1x1x64xf32, #tpu.memory_space<vmem>> -> memref<1x64xf32, #tpu.memory_space<vmem>>
      %dma_start3A_730 = arith.constant 0 : i32
      %dma_start3A_731 = tpu.memref_slice %arg2[%squeeze3A_724, %dma_start3A_730] : memref<1000000x64xf32, #tpu.memory_space<hbm>> -> memref<1x64xf32, #tpu.memory_space<hbm>>
      %dma_start3A_732 = tpu.memref_slice %arg11[%dma_start3A_726] : memref<2x!tpu.dma_semaphore, #tpu.memory_space<semaphore_mem>> -> memref<1x!tpu.dma_semaphore, #tpu.memory_space<semaphore_mem>>
      %dma_start3A_733 = tpu.memref_squeeze %dma_start3A_732 : memref<1x!tpu.dma_semaphore, #tpu.memory_space<semaphore_mem>> -> memref<!tpu.dma_semaphore, #tpu.memory_space<semaphore_mem>>
      %dma_start3A_734 = arith.constant 0 : i32
      %dma_start3A_735 = tpu.memref_slice %arg8[%dma_start3A_725, %add3A_722, %dma_start3A_734] : memref<2x200x64xf32, #tpu.memory_space<vmem>> -> memref<1x1x64xf32, #tpu.memory_space<vmem>>
      %dma_start3A_736 = tpu.memref_squeeze %dma_start3A_735 : memref<1x1x64xf32, #tpu.memory_space<vmem>> -> memref<1x64xf32, #tpu.memory_space<vmem>>
      %dma_start3A_737 = arith.constant 0 : i32
      %dma_start3A_738 = tpu.memref_slice %arg2[%squeeze3A_724, %dma_start3A_737] : memref<1000000x64xf32, #tpu.memory_space<hbm>> -> memref<1x64xf32, #tpu.memory_space<hbm>>
      tpu.enqueue_dma source(%dma_start3A_738 : memref<1x64xf32, #tpu.memory_space<hbm>>) target(%dma_start3A_736 : memref<1x64xf32, #tpu.memory_space<vmem>>) target_semaphore(%dma_start3A_733 : memref<!tpu.dma_semaphore, #tpu.memory_space<semaphore_mem>>)
      %mul3A_739 = arith.constant 16 : i32
      %mul3A_740 = arith.muli %scan3A_429, %mul3A_739 : i32
      %add3A_741 = arith.constant 15 : i32
      %add3A_742 = arith.addi %mul3A_740, %add3A_741 : i32
      %slice3A_743 = vector.extract_strided_slice %get3A_438 {offsets = [15], sizes = [1], strides = [1]} : vector<16xi32> to vector<1xi32>
      %squeeze3A_744 = vector.extract %slice3A_743[0] : i32 from vector<1xi32>
      %dma_start3A_745 = arith.constant 0 : i32
      %dma_start3A_746 = arith.constant 0 : i32
      %dma_start3A_747 = arith.constant 0 : i32
      %dma_start3A_748 = tpu.memref_slice %arg8[%dma_start3A_745, %add3A_742, %dma_start3A_747] : memref<2x200x64xf32, #tpu.memory_space<vmem>> -> memref<1x1x64xf32, #tpu.memory_space<vmem>>
      %dma_start3A_749 = tpu.memref_squeeze %dma_start3A_748 : memref<1x1x64xf32, #tpu.memory_space<vmem>> -> memref<1x64xf32, #tpu.memory_space<vmem>>
      %dma_start3A_750 = arith.constant 0 : i32
      %dma_start3A_751 = tpu.memref_slice %arg2[%squeeze3A_744, %dma_start3A_750] : memref<1000000x64xf32, #tpu.memory_space<hbm>> -> memref<1x64xf32, #tpu.memory_space<hbm>>
      %dma_start3A_752 = tpu.memref_slice %arg11[%dma_start3A_746] : memref<2x!tpu.dma_semaphore, #tpu.memory_space<semaphore_mem>> -> memref<1x!tpu.dma_semaphore, #tpu.memory_space<semaphore_mem>>
      %dma_start3A_753 = tpu.memref_squeeze %dma_start3A_752 : memref<1x!tpu.dma_semaphore, #tpu.memory_space<semaphore_mem>> -> memref<!tpu.dma_semaphore, #tpu.memory_space<semaphore_mem>>
      %dma_start3A_754 = arith.constant 0 : i32
      %dma_start3A_755 = tpu.memref_slice %arg8[%dma_start3A_745, %add3A_742, %dma_start3A_754] : memref<2x200x64xf32, #tpu.memory_space<vmem>> -> memref<1x1x64xf32, #tpu.memory_space<vmem>>
      %dma_start3A_756 = tpu.memref_squeeze %dma_start3A_755 : memref<1x1x64xf32, #tpu.memory_space<vmem>> -> memref<1x64xf32, #tpu.memory_space<vmem>>
      %dma_start3A_757 = arith.constant 0 : i32
      %dma_start3A_758 = tpu.memref_slice %arg2[%squeeze3A_744, %dma_start3A_757] : memref<1000000x64xf32, #tpu.memory_space<hbm>> -> memref<1x64xf32, #tpu.memory_space<hbm>>
      tpu.enqueue_dma source(%dma_start3A_758 : memref<1x64xf32, #tpu.memory_space<hbm>>) target(%dma_start3A_756 : memref<1x64xf32, #tpu.memory_space<vmem>>) target_semaphore(%dma_start3A_753 : memref<!tpu.dma_semaphore, #tpu.memory_space<semaphore_mem>>)
    }
    %scan3A_59 = arith.constant 12 : i32
    %get3A = arith.constant 0 : i32
    %get3A_60 = arith.constant 0 : i32
    %get3A_61 = arith.index_cast %get3A : i32 to index
    %get3A_62 = arith.index_cast %get3A_60 : i32 to index
    %get3A_63 = arith.constant 184 : index
    %get3A_64 = tpu.vector_load %arg6[%get3A_61, %get3A_62, %get3A_63] {strides = array<i32>} : memref<2x1x200xi32, #tpu.memory_space<vmem>>, vector<1x1x16xi32>,
    %get3A_65 = vector.shape_cast %get3A_64 : vector<1x1x16xi32> to vector<16xi32>
    %slice3A = vector.extract_strided_slice %get3A_65 {offsets = [8], sizes = [1], strides = [1]} : vector<16xi32> to vector<1xi32>
    %squeeze3A = vector.extract %slice3A[0] : i32 from vector<1xi32>
    %dma_start3A_66 = arith.constant 0 : i32
    %dma_start3A_67 = arith.constant 0 : i32
    %dma_start3A_68 = arith.constant 192 : i32
    %dma_start3A_69 = arith.constant 0 : i32
    %dma_start3A_70 = tpu.memref_slice %arg8[%dma_start3A_66, %dma_start3A_68, %dma_start3A_69] : memref<2x200x64xf32, #tpu.memory_space<vmem>> -> memref<1x1x64xf32, #tpu.memory_space<vmem>>
    %dma_start3A_71 = tpu.memref_squeeze %dma_start3A_70 : memref<1x1x64xf32, #tpu.memory_space<vmem>> -> memref<1x64xf32, #tpu.memory_space<vmem>>
    %dma_start3A_72 = arith.constant 0 : i32
    %dma_start3A_73 = tpu.memref_slice %arg2[%squeeze3A, %dma_start3A_72] : memref<1000000x64xf32, #tpu.memory_space<hbm>> -> memref<1x64xf32, #tpu.memory_space<hbm>>
    %dma_start3A_74 = tpu.memref_slice %arg11[%dma_start3A_67] : memref<2x!tpu.dma_semaphore, #tpu.memory_space<semaphore_mem>> -> memref<1x!tpu.dma_semaphore, #tpu.memory_space<semaphore_mem>>
    %dma_start3A_75 = tpu.memref_squeeze %dma_start3A_74 : memref<1x!tpu.dma_semaphore, #tpu.memory_space<semaphore_mem>> -> memref<!tpu.dma_semaphore, #tpu.memory_space<semaphore_mem>>
    %dma_start3A_76 = arith.constant 192 : i32
    %dma_start3A_77 = arith.constant 0 : i32
    %dma_start3A_78 = tpu.memref_slice %arg8[%dma_start3A_66, %dma_start3A_76, %dma_start3A_77] : memref<2x200x64xf32, #tpu.memory_space<vmem>> -> memref<1x1x64xf32, #tpu.memory_space<vmem>>
    %dma_start3A_79 = tpu.memref_squeeze %dma_start3A_78 : memref<1x1x64xf32, #tpu.memory_space<vmem>> -> memref<1x64xf32, #tpu.memory_space<vmem>>
    %dma_start3A_80 = arith.constant 0 : i32
    %dma_start3A_81 = tpu.memref_slice %arg2[%squeeze3A, %dma_start3A_80] : memref<1000000x64xf32, #tpu.memory_space<hbm>> -> memref<1x64xf32, #tpu.memory_space<hbm>>
    tpu.enqueue_dma source(%dma_start3A_81 : memref<1x64xf32, #tpu.memory_space<hbm>>) target(%dma_start3A_79 : memref<1x64xf32, #tpu.memory_space<vmem>>) target_semaphore(%dma_start3A_75 : memref<!tpu.dma_semaphore, #tpu.memory_space<semaphore_mem>>)
    %slice3A_82 = vector.extract_strided_slice %get3A_65 {offsets = [9], sizes = [1], strides = [1]} : vector<16xi32> to vector<1xi32>
    %squeeze3A_83 = vector.extract %slice3A_82[0] : i32 from vector<1xi32>
    %dma_start3A_84 = arith.constant 0 : i32
    %dma_start3A_85 = arith.constant 0 : i32
    %dma_start3A_86 = arith.constant 193 : i32
    %dma_start3A_87 = arith.constant 0 : i32
    %dma_start3A_88 = tpu.memref_slice %arg8[%dma_start3A_84, %dma_start3A_86, %dma_start3A_87] : memref<2x200x64xf32, #tpu.memory_space<vmem>> -> memref<1x1x64xf32, #tpu.memory_space<vmem>>
    %dma_start3A_89 = tpu.memref_squeeze %dma_start3A_88 : memref<1x1x64xf32, #tpu.memory_space<vmem>> -> memref<1x64xf32, #tpu.memory_space<vmem>>
    %dma_start3A_90 = arith.constant 0 : i32
    %dma_start3A_91 = tpu.memref_slice %arg2[%squeeze3A_83, %dma_start3A_90] : memref<1000000x64xf32, #tpu.memory_space<hbm>> -> memref<1x64xf32, #tpu.memory_space<hbm>>
    %dma_start3A_92 = tpu.memref_slice %arg11[%dma_start3A_85] : memref<2x!tpu.dma_semaphore, #tpu.memory_space<semaphore_mem>> -> memref<1x!tpu.dma_semaphore, #tpu.memory_space<semaphore_mem>>
    %dma_start3A_93 = tpu.memref_squeeze %dma_start3A_92 : memref<1x!tpu.dma_semaphore, #tpu.memory_space<semaphore_mem>> -> memref<!tpu.dma_semaphore, #tpu.memory_space<semaphore_mem>>
    %dma_start3A_94 = arith.constant 193 : i32
    %dma_start3A_95 = arith.constant 0 : i32
    %dma_start3A_96 = tpu.memref_slice %arg8[%dma_start3A_84, %dma_start3A_94, %dma_start3A_95] : memref<2x200x64xf32, #tpu.memory_space<vmem>> -> memref<1x1x64xf32, #tpu.memory_space<vmem>>
    %dma_start3A_97 = tpu.memref_squeeze %dma_start3A_96 : memref<1x1x64xf32, #tpu.memory_space<vmem>> -> memref<1x64xf32, #tpu.memory_space<vmem>>
    %dma_start3A_98 = arith.constant 0 : i32
    %dma_start3A_99 = tpu.memref_slice %arg2[%squeeze3A_83, %dma_start3A_98] : memref<1000000x64xf32, #tpu.memory_space<hbm>> -> memref<1x64xf32, #tpu.memory_space<hbm>>
    tpu.enqueue_dma source(%dma_start3A_99 : memref<1x64xf32, #tpu.memory_space<hbm>>) target(%dma_start3A_97 : memref<1x64xf32, #tpu.memory_space<vmem>>) target_semaphore(%dma_start3A_93 : memref<!tpu.dma_semaphore, #tpu.memory_space<semaphore_mem>>)
    %slice3A_100 = vector.extract_strided_slice %get3A_65 {offsets = [10], sizes = [1], strides = [1]} : vector<16xi32> to vector<1xi32>
    %squeeze3A_101 = vector.extract %slice3A_100[0] : i32 from vector<1xi32>
    %dma_start3A_102 = arith.constant 0 : i32
    %dma_start3A_103 = arith.constant 0 : i32
    %dma_start3A_104 = arith.constant 194 : i32
    %dma_start3A_105 = arith.constant 0 : i32
    %dma_start3A_106 = tpu.memref_slice %arg8[%dma_start3A_102, %dma_start3A_104, %dma_start3A_105] : memref<2x200x64xf32, #tpu.memory_space<vmem>> -> memref<1x1x64xf32, #tpu.memory_space<vmem>>
    %dma_start3A_107 = tpu.memref_squeeze %dma_start3A_106 : memref<1x1x64xf32, #tpu.memory_space<vmem>> -> memref<1x64xf32, #tpu.memory_space<vmem>>
    %dma_start3A_108 = arith.constant 0 : i32
    %dma_start3A_109 = tpu.memref_slice %arg2[%squeeze3A_101, %dma_start3A_108] : memref<1000000x64xf32, #tpu.memory_space<hbm>> -> memref<1x64xf32, #tpu.memory_space<hbm>>
    %dma_start3A_110 = tpu.memref_slice %arg11[%dma_start3A_103] : memref<2x!tpu.dma_semaphore, #tpu.memory_space<semaphore_mem>> -> memref<1x!tpu.dma_semaphore, #tpu.memory_space<semaphore_mem>>
    %dma_start3A_111 = tpu.memref_squeeze %dma_start3A_110 : memref<1x!tpu.dma_semaphore, #tpu.memory_space<semaphore_mem>> -> memref<!tpu.dma_semaphore, #tpu.memory_space<semaphore_mem>>
    %dma_start3A_112 = arith.constant 194 : i32
    %dma_start3A_113 = arith.constant 0 : i32
    %dma_start3A_114 = tpu.memref_slice %arg8[%dma_start3A_102, %dma_start3A_112, %dma_start3A_113] : memref<2x200x64xf32, #tpu.memory_space<vmem>> -> memref<1x1x64xf32, #tpu.memory_space<vmem>>
    %dma_start3A_115 = tpu.memref_squeeze %dma_start3A_114 : memref<1x1x64xf32, #tpu.memory_space<vmem>> -> memref<1x64xf32, #tpu.memory_space<vmem>>
    %dma_start3A_116 = arith.constant 0 : i32
    %dma_start3A_117 = tpu.memref_slice %arg2[%squeeze3A_101, %dma_start3A_116] : memref<1000000x64xf32, #tpu.memory_space<hbm>> -> memref<1x64xf32, #tpu.memory_space<hbm>>
    tpu.enqueue_dma source(%dma_start3A_117 : memref<1x64xf32, #tpu.memory_space<hbm>>) target(%dma_start3A_115 : memref<1x64xf32, #tpu.memory_space<vmem>>) target_semaphore(%dma_start3A_111 : memref<!tpu.dma_semaphore, #tpu.memory_space<semaphore_mem>>)
    %slice3A_118 = vector.extract_strided_slice %get3A_65 {offsets = [11], sizes = [1], strides = [1]} : vector<16xi32> to vector<1xi32>
    %squeeze3A_119 = vector.extract %slice3A_118[0] : i32 from vector<1xi32>
    %dma_start3A_120 = arith.constant 0 : i32
    %dma_start3A_121 = arith.constant 0 : i32
    %dma_start3A_122 = arith.constant 195 : i32
    %dma_start3A_123 = arith.constant 0 : i32
    %dma_start3A_124 = tpu.memref_slice %arg8[%dma_start3A_120, %dma_start3A_122, %dma_start3A_123] : memref<2x200x64xf32, #tpu.memory_space<vmem>> -> memref<1x1x64xf32, #tpu.memory_space<vmem>>
    %dma_start3A_125 = tpu.memref_squeeze %dma_start3A_124 : memref<1x1x64xf32, #tpu.memory_space<vmem>> -> memref<1x64xf32, #tpu.memory_space<vmem>>
    %dma_start3A_126 = arith.constant 0 : i32
    %dma_start3A_127 = tpu.memref_slice %arg2[%squeeze3A_119, %dma_start3A_126] : memref<1000000x64xf32, #tpu.memory_space<hbm>> -> memref<1x64xf32, #tpu.memory_space<hbm>>
    %dma_start3A_128 = tpu.memref_slice %arg11[%dma_start3A_121] : memref<2x!tpu.dma_semaphore, #tpu.memory_space<semaphore_mem>> -> memref<1x!tpu.dma_semaphore, #tpu.memory_space<semaphore_mem>>
    %dma_start3A_129 = tpu.memref_squeeze %dma_start3A_128 : memref<1x!tpu.dma_semaphore, #tpu.memory_space<semaphore_mem>> -> memref<!tpu.dma_semaphore, #tpu.memory_space<semaphore_mem>>
    %dma_start3A_130 = arith.constant 195 : i32
    %dma_start3A_131 = arith.constant 0 : i32
    %dma_start3A_132 = tpu.memref_slice %arg8[%dma_start3A_120, %dma_start3A_130, %dma_start3A_131] : memref<2x200x64xf32, #tpu.memory_space<vmem>> -> memref<1x1x64xf32, #tpu.memory_space<vmem>>
    %dma_start3A_133 = tpu.memref_squeeze %dma_start3A_132 : memref<1x1x64xf32, #tpu.memory_space<vmem>> -> memref<1x64xf32, #tpu.memory_space<vmem>>
    %dma_start3A_134 = arith.constant 0 : i32
    %dma_start3A_135 = tpu.memref_slice %arg2[%squeeze3A_119, %dma_start3A_134] : memref<1000000x64xf32, #tpu.memory_space<hbm>> -> memref<1x64xf32, #tpu.memory_space<hbm>>
    tpu.enqueue_dma source(%dma_start3A_135 : memref<1x64xf32, #tpu.memory_space<hbm>>) target(%dma_start3A_133 : memref<1x64xf32, #tpu.memory_space<vmem>>) target_semaphore(%dma_start3A_129 : memref<!tpu.dma_semaphore, #tpu.memory_space<semaphore_mem>>)
    %slice3A_136 = vector.extract_strided_slice %get3A_65 {offsets = [12], sizes = [1], strides = [1]} : vector<16xi32> to vector<1xi32>
    %squeeze3A_137 = vector.extract %slice3A_136[0] : i32 from vector<1xi32>
    %dma_start3A_138 = arith.constant 0 : i32
    %dma_start3A_139 = arith.constant 0 : i32
    %dma_start3A_140 = arith.constant 196 : i32
    %dma_start3A_141 = arith.constant 0 : i32
    %dma_start3A_142 = tpu.memref_slice %arg8[%dma_start3A_138, %dma_start3A_140, %dma_start3A_141] : memref<2x200x64xf32, #tpu.memory_space<vmem>> -> memref<1x1x64xf32, #tpu.memory_space<vmem>>
    %dma_start3A_143 = tpu.memref_squeeze %dma_start3A_142 : memref<1x1x64xf32, #tpu.memory_space<vmem>> -> memref<1x64xf32, #tpu.memory_space<vmem>>
    %dma_start3A_144 = arith.constant 0 : i32
    %dma_start3A_145 = tpu.memref_slice %arg2[%squeeze3A_137, %dma_start3A_144] : memref<1000000x64xf32, #tpu.memory_space<hbm>> -> memref<1x64xf32, #tpu.memory_space<hbm>>
    %dma_start3A_146 = tpu.memref_slice %arg11[%dma_start3A_139] : memref<2x!tpu.dma_semaphore, #tpu.memory_space<semaphore_mem>> -> memref<1x!tpu.dma_semaphore, #tpu.memory_space<semaphore_mem>>
    %dma_start3A_147 = tpu.memref_squeeze %dma_start3A_146 : memref<1x!tpu.dma_semaphore, #tpu.memory_space<semaphore_mem>> -> memref<!tpu.dma_semaphore, #tpu.memory_space<semaphore_mem>>
    %dma_start3A_148 = arith.constant 196 : i32
    %dma_start3A_149 = arith.constant 0 : i32
    %dma_start3A_150 = tpu.memref_slice %arg8[%dma_start3A_138, %dma_start3A_148, %dma_start3A_149] : memref<2x200x64xf32, #tpu.memory_space<vmem>> -> memref<1x1x64xf32, #tpu.memory_space<vmem>>
    %dma_start3A_151 = tpu.memref_squeeze %dma_start3A_150 : memref<1x1x64xf32, #tpu.memory_space<vmem>> -> memref<1x64xf32, #tpu.memory_space<vmem>>
    %dma_start3A_152 = arith.constant 0 : i32
    %dma_start3A_153 = tpu.memref_slice %arg2[%squeeze3A_137, %dma_start3A_152] : memref<1000000x64xf32, #tpu.memory_space<hbm>> -> memref<1x64xf32, #tpu.memory_space<hbm>>
    tpu.enqueue_dma source(%dma_start3A_153 : memref<1x64xf32, #tpu.memory_space<hbm>>) target(%dma_start3A_151 : memref<1x64xf32, #tpu.memory_space<vmem>>) target_semaphore(%dma_start3A_147 : memref<!tpu.dma_semaphore, #tpu.memory_space<semaphore_mem>>)
    %slice3A_154 = vector.extract_strided_slice %get3A_65 {offsets = [13], sizes = [1], strides = [1]} : vector<16xi32> to vector<1xi32>
    %squeeze3A_155 = vector.extract %slice3A_154[0] : i32 from vector<1xi32>
    %dma_start3A_156 = arith.constant 0 : i32
    %dma_start3A_157 = arith.constant 0 : i32
    %dma_start3A_158 = arith.constant 197 : i32
    %dma_start3A_159 = arith.constant 0 : i32
    %dma_start3A_160 = tpu.memref_slice %arg8[%dma_start3A_156, %dma_start3A_158, %dma_start3A_159] : memref<2x200x64xf32, #tpu.memory_space<vmem>> -> memref<1x1x64xf32, #tpu.memory_space<vmem>>
    %dma_start3A_161 = tpu.memref_squeeze %dma_start3A_160 : memref<1x1x64xf32, #tpu.memory_space<vmem>> -> memref<1x64xf32, #tpu.memory_space<vmem>>
    %dma_start3A_162 = arith.constant 0 : i32
    %dma_start3A_163 = tpu.memref_slice %arg2[%squeeze3A_155, %dma_start3A_162] : memref<1000000x64xf32, #tpu.memory_space<hbm>> -> memref<1x64xf32, #tpu.memory_space<hbm>>
    %dma_start3A_164 = tpu.memref_slice %arg11[%dma_start3A_157] : memref<2x!tpu.dma_semaphore, #tpu.memory_space<semaphore_mem>> -> memref<1x!tpu.dma_semaphore, #tpu.memory_space<semaphore_mem>>
    %dma_start3A_165 = tpu.memref_squeeze %dma_start3A_164 : memref<1x!tpu.dma_semaphore, #tpu.memory_space<semaphore_mem>> -> memref<!tpu.dma_semaphore, #tpu.memory_space<semaphore_mem>>
    %dma_start3A_166 = arith.constant 197 : i32
    %dma_start3A_167 = arith.constant 0 : i32
    %dma_start3A_168 = tpu.memref_slice %arg8[%dma_start3A_156, %dma_start3A_166, %dma_start3A_167] : memref<2x200x64xf32, #tpu.memory_space<vmem>> -> memref<1x1x64xf32, #tpu.memory_space<vmem>>
    %dma_start3A_169 = tpu.memref_squeeze %dma_start3A_168 : memref<1x1x64xf32, #tpu.memory_space<vmem>> -> memref<1x64xf32, #tpu.memory_space<vmem>>
    %dma_start3A_170 = arith.constant 0 : i32
    %dma_start3A_171 = tpu.memref_slice %arg2[%squeeze3A_155, %dma_start3A_170] : memref<1000000x64xf32, #tpu.memory_space<hbm>> -> memref<1x64xf32, #tpu.memory_space<hbm>>
    tpu.enqueue_dma source(%dma_start3A_171 : memref<1x64xf32, #tpu.memory_space<hbm>>) target(%dma_start3A_169 : memref<1x64xf32, #tpu.memory_space<vmem>>) target_semaphore(%dma_start3A_165 : memref<!tpu.dma_semaphore, #tpu.memory_space<semaphore_mem>>)
    %slice3A_172 = vector.extract_strided_slice %get3A_65 {offsets = [14], sizes = [1], strides = [1]} : vector<16xi32> to vector<1xi32>
    %squeeze3A_173 = vector.extract %slice3A_172[0] : i32 from vector<1xi32>
    %dma_start3A_174 = arith.constant 0 : i32
    %dma_start3A_175 = arith.constant 0 : i32
    %dma_start3A_176 = arith.constant 198 : i32
    %dma_start3A_177 = arith.constant 0 : i32
    %dma_start3A_178 = tpu.memref_slice %arg8[%dma_start3A_174, %dma_start3A_176, %dma_start3A_177] : memref<2x200x64xf32, #tpu.memory_space<vmem>> -> memref<1x1x64xf32, #tpu.memory_space<vmem>>
    %dma_start3A_179 = tpu.memref_squeeze %dma_start3A_178 : memref<1x1x64xf32, #tpu.memory_space<vmem>> -> memref<1x64xf32, #tpu.memory_space<vmem>>
    %dma_start3A_180 = arith.constant 0 : i32
    %dma_start3A_181 = tpu.memref_slice %arg2[%squeeze3A_173, %dma_start3A_180] : memref<1000000x64xf32, #tpu.memory_space<hbm>> -> memref<1x64xf32, #tpu.memory_space<hbm>>
    %dma_start3A_182 = tpu.memref_slice %arg11[%dma_start3A_175] : memref<2x!tpu.dma_semaphore, #tpu.memory_space<semaphore_mem>> -> memref<1x!tpu.dma_semaphore, #tpu.memory_space<semaphore_mem>>
    %dma_start3A_183 = tpu.memref_squeeze %dma_start3A_182 : memref<1x!tpu.dma_semaphore, #tpu.memory_space<semaphore_mem>> -> memref<!tpu.dma_semaphore, #tpu.memory_space<semaphore_mem>>
    %dma_start3A_184 = arith.constant 198 : i32
    %dma_start3A_185 = arith.constant 0 : i32
    %dma_start3A_186 = tpu.memref_slice %arg8[%dma_start3A_174, %dma_start3A_184, %dma_start3A_185] : memref<2x200x64xf32, #tpu.memory_space<vmem>> -> memref<1x1x64xf32, #tpu.memory_space<vmem>>
    %dma_start3A_187 = tpu.memref_squeeze %dma_start3A_186 : memref<1x1x64xf32, #tpu.memory_space<vmem>> -> memref<1x64xf32, #tpu.memory_space<vmem>>
    %dma_start3A_188 = arith.constant 0 : i32
    %dma_start3A_189 = tpu.memref_slice %arg2[%squeeze3A_173, %dma_start3A_188] : memref<1000000x64xf32, #tpu.memory_space<hbm>> -> memref<1x64xf32, #tpu.memory_space<hbm>>
    tpu.enqueue_dma source(%dma_start3A_189 : memref<1x64xf32, #tpu.memory_space<hbm>>) target(%dma_start3A_187 : memref<1x64xf32, #tpu.memory_space<vmem>>) target_semaphore(%dma_start3A_183 : memref<!tpu.dma_semaphore, #tpu.memory_space<semaphore_mem>>)
    %slice3A_190 = vector.extract_strided_slice %get3A_65 {offsets = [15], sizes = [1], strides = [1]} : vector<16xi32> to vector<1xi32>
    %squeeze3A_191 = vector.extract %slice3A_190[0] : i32 from vector<1xi32>
    %dma_start3A_192 = arith.constant 0 : i32
    %dma_start3A_193 = arith.constant 0 : i32
    %dma_start3A_194 = arith.constant 199 : i32
    %dma_start3A_195 = arith.constant 0 : i32
    %dma_start3A_196 = tpu.memref_slice %arg8[%dma_start3A_192, %dma_start3A_194, %dma_start3A_195] : memref<2x200x64xf32, #tpu.memory_space<vmem>> -> memref<1x1x64xf32, #tpu.memory_space<vmem>>
    %dma_start3A_197 = tpu.memref_squeeze %dma_start3A_196 : memref<1x1x64xf32, #tpu.memory_space<vmem>> -> memref<1x64xf32, #tpu.memory_space<vmem>>
    %dma_start3A_198 = arith.constant 0 : i32
    %dma_start3A_199 = tpu.memref_slice %arg2[%squeeze3A_191, %dma_start3A_198] : memref<1000000x64xf32, #tpu.memory_space<hbm>> -> memref<1x64xf32, #tpu.memory_space<hbm>>
    %dma_start3A_200 = tpu.memref_slice %arg11[%dma_start3A_193] : memref<2x!tpu.dma_semaphore, #tpu.memory_space<semaphore_mem>> -> memref<1x!tpu.dma_semaphore, #tpu.memory_space<semaphore_mem>>
    %dma_start3A_201 = tpu.memref_squeeze %dma_start3A_200 : memref<1x!tpu.dma_semaphore, #tpu.memory_space<semaphore_mem>> -> memref<!tpu.dma_semaphore, #tpu.memory_space<semaphore_mem>>
    %dma_start3A_202 = arith.constant 199 : i32
    %dma_start3A_203 = arith.constant 0 : i32
    %dma_start3A_204 = tpu.memref_slice %arg8[%dma_start3A_192, %dma_start3A_202, %dma_start3A_203] : memref<2x200x64xf32, #tpu.memory_space<vmem>> -> memref<1x1x64xf32, #tpu.memory_space<vmem>>
    %dma_start3A_205 = tpu.memref_squeeze %dma_start3A_204 : memref<1x1x64xf32, #tpu.memory_space<vmem>> -> memref<1x64xf32, #tpu.memory_space<vmem>>
    %dma_start3A_206 = arith.constant 0 : i32
    %dma_start3A_207 = tpu.memref_slice %arg2[%squeeze3A_191, %dma_start3A_206] : memref<1000000x64xf32, #tpu.memory_space<hbm>> -> memref<1x64xf32, #tpu.memory_space<hbm>>
    tpu.enqueue_dma source(%dma_start3A_207 : memref<1x64xf32, #tpu.memory_space<hbm>>) target(%dma_start3A_205 : memref<1x64xf32, #tpu.memory_space<vmem>>) target_semaphore(%dma_start3A_201 : memref<!tpu.dma_semaphore, #tpu.memory_space<semaphore_mem>>)
    %add3A_208 = arith.constant 1 : i32
    %add3A_209 = arith.addi %mul3A_2, %add3A_208 : i32
    %dma_wait3A_210 = arith.constant 1 : i32
    %dma_wait3A_211 = arith.constant 1 : i32
    %dma_wait3A_212 = arith.constant 0 : i32
    %dma_wait3A_213 = arith.constant 0 : i32
    %dma_wait3A_214 = tpu.memref_slice %arg6[%dma_wait3A_210, %dma_wait3A_212, %dma_wait3A_213] : memref<2x1x200xi32, #tpu.memory_space<vmem>> -> memref<1x1x200xi32, #tpu.memory_space<vmem>>
    %dma_wait3A_215 = tpu.memref_squeeze %dma_wait3A_214 : memref<1x1x200xi32, #tpu.memory_space<vmem>> -> memref<1x200xi32, #tpu.memory_space<vmem>>
    %dma_wait3A_216 = arith.constant 0 : i32
    %dma_wait3A_217 = tpu.memref_slice %arg3[%add3A_209, %dma_wait3A_216] : memref<4096x200xi32, #tpu.memory_space<hbm>> -> memref<1x200xi32, #tpu.memory_space<hbm>>
    %dma_wait3A_218 = tpu.memref_slice %arg10[%dma_wait3A_211] : memref<2x!tpu.dma_semaphore, #tpu.memory_space<semaphore_mem>> -> memref<1x!tpu.dma_semaphore, #tpu.memory_space<semaphore_mem>>
    %dma_wait3A_219 = tpu.memref_squeeze %dma_wait3A_218 : memref<1x!tpu.dma_semaphore, #tpu.memory_space<semaphore_mem>> -> memref<!tpu.dma_semaphore, #tpu.memory_space<semaphore_mem>>
    %dma_wait3A_220 = arith.constant 0 : i32
    %dma_wait3A_221 = arith.constant 0 : i32
    %dma_wait3A_222 = tpu.memref_slice %arg6[%dma_wait3A_210, %dma_wait3A_220, %dma_wait3A_221] : memref<2x1x200xi32, #tpu.memory_space<vmem>> -> memref<1x1x200xi32, #tpu.memory_space<vmem>>
    %dma_wait3A_223 = tpu.memref_squeeze %dma_wait3A_222 : memref<1x1x200xi32, #tpu.memory_space<vmem>> -> memref<1x200xi32, #tpu.memory_space<vmem>>
    %dma_wait3A_224 = arith.constant 0 : i32
    %dma_wait3A_225 = tpu.memref_slice %arg3[%add3A_209, %dma_wait3A_224] : memref<4096x200xi32, #tpu.memory_space<hbm>> -> memref<1x200xi32, #tpu.memory_space<hbm>>
    tpu.wait_dma2 semaphore(%dma_wait3A_219 : memref<!tpu.dma_semaphore, #tpu.memory_space<semaphore_mem>>) src(%dma_wait3A_225 : memref<1x200xi32, #tpu.memory_space<hbm>>) dst(%dma_wait3A_223 : memref<1x200xi32, #tpu.memory_space<vmem>>)
    %scan3A_226 = arith.constant 0 : i32
    %scan3A_227 = arith.constant 0 : i32
    %scan3A_228 = arith.constant 12 : i32
    %scan3A_229 = arith.addi %scan3A_227, %scan3A_228 : i32
    %scan3A_230 = arith.constant 1 : i32
    scf.for %scan3A_429 = %scan3A_227 to %scan3A_229 step %scan3A_230  : i32 {
      %mul3A_430 = arith.constant 16 : i32
      %mul3A_431 = arith.muli %scan3A_429, %mul3A_430 : i32
      %get3A_432 = arith.constant 1 : i32
      %get3A_433 = arith.constant 0 : i32
      %get3A_434 = arith.index_cast %get3A_432 : i32 to index
      %get3A_435 = arith.index_cast %get3A_433 : i32 to index
      %get3A_436 = arith.index_cast %mul3A_431 : i32 to index
      %get3A_437 = tpu.vector_load %arg6[%get3A_434, %get3A_435, %get3A_436] {strides = array<i32>} : memref<2x1x200xi32, #tpu.memory_space<vmem>>, vector<1x1x16xi32>,
      %get3A_438 = vector.shape_cast %get3A_437 : vector<1x1x16xi32> to vector<16xi32>
      %mul3A_439 = arith.constant 16 : i32
      %mul3A_440 = arith.muli %scan3A_429, %mul3A_439 : i32
      %add3A_441 = arith.constant 0 : i32
      %add3A_442 = arith.addi %mul3A_440, %add3A_441 : i32
      %slice3A_443 = vector.extract_strided_slice %get3A_438 {offsets = [0], sizes = [1], strides = [1]} : vector<16xi32> to vector<1xi32>
      %squeeze3A_444 = vector.extract %slice3A_443[0] : i32 from vector<1xi32>
      %dma_start3A_445 = arith.constant 1 : i32
      %dma_start3A_446 = arith.constant 1 : i32
      %dma_start3A_447 = arith.constant 0 : i32
      %dma_start3A_448 = tpu.memref_slice %arg8[%dma_start3A_445, %add3A_442, %dma_start3A_447] : memref<2x200x64xf32, #tpu.memory_space<vmem>> -> memref<1x1x64xf32, #tpu.memory_space<vmem>>
      %dma_start3A_449 = tpu.memref_squeeze %dma_start3A_448 : memref<1x1x64xf32, #tpu.memory_space<vmem>> -> memref<1x64xf32, #tpu.memory_space<vmem>>
      %dma_start3A_450 = arith.constant 0 : i32
      %dma_start3A_451 = tpu.memref_slice %arg2[%squeeze3A_444, %dma_start3A_450] : memref<1000000x64xf32, #tpu.memory_space<hbm>> -> memref<1x64xf32, #tpu.memory_space<hbm>>
      %dma_start3A_452 = tpu.memref_slice %arg11[%dma_start3A_446] : memref<2x!tpu.dma_semaphore, #tpu.memory_space<semaphore_mem>> -> memref<1x!tpu.dma_semaphore, #tpu.memory_space<semaphore_mem>>
      %dma_start3A_453 = tpu.memref_squeeze %dma_start3A_452 : memref<1x!tpu.dma_semaphore, #tpu.memory_space<semaphore_mem>> -> memref<!tpu.dma_semaphore, #tpu.memory_space<semaphore_mem>>
      %dma_start3A_454 = arith.constant 0 : i32
      %dma_start3A_455 = tpu.memref_slice %arg8[%dma_start3A_445, %add3A_442, %dma_start3A_454] : memref<2x200x64xf32, #tpu.memory_space<vmem>> -> memref<1x1x64xf32, #tpu.memory_space<vmem>>
      %dma_start3A_456 = tpu.memref_squeeze %dma_start3A_455 : memref<1x1x64xf32, #tpu.memory_space<vmem>> -> memref<1x64xf32, #tpu.memory_space<vmem>>
      %dma_start3A_457 = arith.constant 0 : i32
      %dma_start3A_458 = tpu.memref_slice %arg2[%squeeze3A_444, %dma_start3A_457] : memref<1000000x64xf32, #tpu.memory_space<hbm>> -> memref<1x64xf32, #tpu.memory_space<hbm>>
      tpu.enqueue_dma source(%dma_start3A_458 : memref<1x64xf32, #tpu.memory_space<hbm>>) target(%dma_start3A_456 : memref<1x64xf32, #tpu.memory_space<vmem>>) target_semaphore(%dma_start3A_453 : memref<!tpu.dma_semaphore, #tpu.memory_space<semaphore_mem>>)
      %mul3A_459 = arith.constant 16 : i32
      %mul3A_460 = arith.muli %scan3A_429, %mul3A_459 : i32
      %add3A_461 = arith.constant 1 : i32
      %add3A_462 = arith.addi %mul3A_460, %add3A_461 : i32
      %slice3A_463 = vector.extract_strided_slice %get3A_438 {offsets = [1], sizes = [1], strides = [1]} : vector<16xi32> to vector<1xi32>
      %squeeze3A_464 = vector.extract %slice3A_463[0] : i32 from vector<1xi32>
      %dma_start3A_465 = arith.constant 1 : i32
      %dma_start3A_466 = arith.constant 1 : i32
      %dma_start3A_467 = arith.constant 0 : i32
      %dma_start3A_468 = tpu.memref_slice %arg8[%dma_start3A_465, %add3A_462, %dma_start3A_467] : memref<2x200x64xf32, #tpu.memory_space<vmem>> -> memref<1x1x64xf32, #tpu.memory_space<vmem>>
      %dma_start3A_469 = tpu.memref_squeeze %dma_start3A_468 : memref<1x1x64xf32, #tpu.memory_space<vmem>> -> memref<1x64xf32, #tpu.memory_space<vmem>>
      %dma_start3A_470 = arith.constant 0 : i32
      %dma_start3A_471 = tpu.memref_slice %arg2[%squeeze3A_464, %dma_start3A_470] : memref<1000000x64xf32, #tpu.memory_space<hbm>> -> memref<1x64xf32, #tpu.memory_space<hbm>>
      %dma_start3A_472 = tpu.memref_slice %arg11[%dma_start3A_466] : memref<2x!tpu.dma_semaphore, #tpu.memory_space<semaphore_mem>> -> memref<1x!tpu.dma_semaphore, #tpu.memory_space<semaphore_mem>>
      %dma_start3A_473 = tpu.memref_squeeze %dma_start3A_472 : memref<1x!tpu.dma_semaphore, #tpu.memory_space<semaphore_mem>> -> memref<!tpu.dma_semaphore, #tpu.memory_space<semaphore_mem>>
      %dma_start3A_474 = arith.constant 0 : i32
      %dma_start3A_475 = tpu.memref_slice %arg8[%dma_start3A_465, %add3A_462, %dma_start3A_474] : memref<2x200x64xf32, #tpu.memory_space<vmem>> -> memref<1x1x64xf32, #tpu.memory_space<vmem>>
      %dma_start3A_476 = tpu.memref_squeeze %dma_start3A_475 : memref<1x1x64xf32, #tpu.memory_space<vmem>> -> memref<1x64xf32, #tpu.memory_space<vmem>>
      %dma_start3A_477 = arith.constant 0 : i32
      %dma_start3A_478 = tpu.memref_slice %arg2[%squeeze3A_464, %dma_start3A_477] : memref<1000000x64xf32, #tpu.memory_space<hbm>> -> memref<1x64xf32, #tpu.memory_space<hbm>>
      tpu.enqueue_dma source(%dma_start3A_478 : memref<1x64xf32, #tpu.memory_space<hbm>>) target(%dma_start3A_476 : memref<1x64xf32, #tpu.memory_space<vmem>>) target_semaphore(%dma_start3A_473 : memref<!tpu.dma_semaphore, #tpu.memory_space<semaphore_mem>>)
      %mul3A_479 = arith.constant 16 : i32
      %mul3A_480 = arith.muli %scan3A_429, %mul3A_479 : i32
      %add3A_481 = arith.constant 2 : i32
      %add3A_482 = arith.addi %mul3A_480, %add3A_481 : i32
      %slice3A_483 = vector.extract_strided_slice %get3A_438 {offsets = [2], sizes = [1], strides = [1]} : vector<16xi32> to vector<1xi32>
      %squeeze3A_484 = vector.extract %slice3A_483[0] : i32 from vector<1xi32>
      %dma_start3A_485 = arith.constant 1 : i32
      %dma_start3A_486 = arith.constant 1 : i32
      %dma_start3A_487 = arith.constant 0 : i32
      %dma_start3A_488 = tpu.memref_slice %arg8[%dma_start3A_485, %add3A_482, %dma_start3A_487] : memref<2x200x64xf32, #tpu.memory_space<vmem>> -> memref<1x1x64xf32, #tpu.memory_space<vmem>>
      %dma_start3A_489 = tpu.memref_squeeze %dma_start3A_488 : memref<1x1x64xf32, #tpu.memory_space<vmem>> -> memref<1x64xf32, #tpu.memory_space<vmem>>
      %dma_start3A_490 = arith.constant 0 : i32
      %dma_start3A_491 = tpu.memref_slice %arg2[%squeeze3A_484, %dma_start3A_490] : memref<1000000x64xf32, #tpu.memory_space<hbm>> -> memref<1x64xf32, #tpu.memory_space<hbm>>
      %dma_start3A_492 = tpu.memref_slice %arg11[%dma_start3A_486] : memref<2x!tpu.dma_semaphore, #tpu.memory_space<semaphore_mem>> -> memref<1x!tpu.dma_semaphore, #tpu.memory_space<semaphore_mem>>
      %dma_start3A_493 = tpu.memref_squeeze %dma_start3A_492 : memref<1x!tpu.dma_semaphore, #tpu.memory_space<semaphore_mem>> -> memref<!tpu.dma_semaphore, #tpu.memory_space<semaphore_mem>>
      %dma_start3A_494 = arith.constant 0 : i32
      %dma_start3A_495 = tpu.memref_slice %arg8[%dma_start3A_485, %add3A_482, %dma_start3A_494] : memref<2x200x64xf32, #tpu.memory_space<vmem>> -> memref<1x1x64xf32, #tpu.memory_space<vmem>>
      %dma_start3A_496 = tpu.memref_squeeze %dma_start3A_495 : memref<1x1x64xf32, #tpu.memory_space<vmem>> -> memref<1x64xf32, #tpu.memory_space<vmem>>
      %dma_start3A_497 = arith.constant 0 : i32
      %dma_start3A_498 = tpu.memref_slice %arg2[%squeeze3A_484, %dma_start3A_497] : memref<1000000x64xf32, #tpu.memory_space<hbm>> -> memref<1x64xf32, #tpu.memory_space<hbm>>
      tpu.enqueue_dma source(%dma_start3A_498 : memref<1x64xf32, #tpu.memory_space<hbm>>) target(%dma_start3A_496 : memref<1x64xf32, #tpu.memory_space<vmem>>) target_semaphore(%dma_start3A_493 : memref<!tpu.dma_semaphore, #tpu.memory_space<semaphore_mem>>)
      %mul3A_499 = arith.constant 16 : i32
      %mul3A_500 = arith.muli %scan3A_429, %mul3A_499 : i32
      %add3A_501 = arith.constant 3 : i32
      %add3A_502 = arith.addi %mul3A_500, %add3A_501 : i32
      %slice3A_503 = vector.extract_strided_slice %get3A_438 {offsets = [3], sizes = [1], strides = [1]} : vector<16xi32> to vector<1xi32>
      %squeeze3A_504 = vector.extract %slice3A_503[0] : i32 from vector<1xi32>
      %dma_start3A_505 = arith.constant 1 : i32
      %dma_start3A_506 = arith.constant 1 : i32
      %dma_start3A_507 = arith.constant 0 : i32
      %dma_start3A_508 = tpu.memref_slice %arg8[%dma_start3A_505, %add3A_502, %dma_start3A_507] : memref<2x200x64xf32, #tpu.memory_space<vmem>> -> memref<1x1x64xf32, #tpu.memory_space<vmem>>
      %dma_start3A_509 = tpu.memref_squeeze %dma_start3A_508 : memref<1x1x64xf32, #tpu.memory_space<vmem>> -> memref<1x64xf32, #tpu.memory_space<vmem>>
      %dma_start3A_510 = arith.constant 0 : i32
      %dma_start3A_511 = tpu.memref_slice %arg2[%squeeze3A_504, %dma_start3A_510] : memref<1000000x64xf32, #tpu.memory_space<hbm>> -> memref<1x64xf32, #tpu.memory_space<hbm>>
      %dma_start3A_512 = tpu.memref_slice %arg11[%dma_start3A_506] : memref<2x!tpu.dma_semaphore, #tpu.memory_space<semaphore_mem>> -> memref<1x!tpu.dma_semaphore, #tpu.memory_space<semaphore_mem>>
      %dma_start3A_513 = tpu.memref_squeeze %dma_start3A_512 : memref<1x!tpu.dma_semaphore, #tpu.memory_space<semaphore_mem>> -> memref<!tpu.dma_semaphore, #tpu.memory_space<semaphore_mem>>
      %dma_start3A_514 = arith.constant 0 : i32
      %dma_start3A_515 = tpu.memref_slice %arg8[%dma_start3A_505, %add3A_502, %dma_start3A_514] : memref<2x200x64xf32, #tpu.memory_space<vmem>> -> memref<1x1x64xf32, #tpu.memory_space<vmem>>
      %dma_start3A_516 = tpu.memref_squeeze %dma_start3A_515 : memref<1x1x64xf32, #tpu.memory_space<vmem>> -> memref<1x64xf32, #tpu.memory_space<vmem>>
      %dma_start3A_517 = arith.constant 0 : i32
      %dma_start3A_518 = tpu.memref_slice %arg2[%squeeze3A_504, %dma_start3A_517] : memref<1000000x64xf32, #tpu.memory_space<hbm>> -> memref<1x64xf32, #tpu.memory_space<hbm>>
      tpu.enqueue_dma source(%dma_start3A_518 : memref<1x64xf32, #tpu.memory_space<hbm>>) target(%dma_start3A_516 : memref<1x64xf32, #tpu.memory_space<vmem>>) target_semaphore(%dma_start3A_513 : memref<!tpu.dma_semaphore, #tpu.memory_space<semaphore_mem>>)
      %mul3A_519 = arith.constant 16 : i32
      %mul3A_520 = arith.muli %scan3A_429, %mul3A_519 : i32
      %add3A_521 = arith.constant 4 : i32
      %add3A_522 = arith.addi %mul3A_520, %add3A_521 : i32
      %slice3A_523 = vector.extract_strided_slice %get3A_438 {offsets = [4], sizes = [1], strides = [1]} : vector<16xi32> to vector<1xi32>
      %squeeze3A_524 = vector.extract %slice3A_523[0] : i32 from vector<1xi32>
      %dma_start3A_525 = arith.constant 1 : i32
      %dma_start3A_526 = arith.constant 1 : i32
      %dma_start3A_527 = arith.constant 0 : i32
      %dma_start3A_528 = tpu.memref_slice %arg8[%dma_start3A_525, %add3A_522, %dma_start3A_527] : memref<2x200x64xf32, #tpu.memory_space<vmem>> -> memref<1x1x64xf32, #tpu.memory_space<vmem>>
      %dma_start3A_529 = tpu.memref_squeeze %dma_start3A_528 : memref<1x1x64xf32, #tpu.memory_space<vmem>> -> memref<1x64xf32, #tpu.memory_space<vmem>>
      %dma_start3A_530 = arith.constant 0 : i32
      %dma_start3A_531 = tpu.memref_slice %arg2[%squeeze3A_524, %dma_start3A_530] : memref<1000000x64xf32, #tpu.memory_space<hbm>> -> memref<1x64xf32, #tpu.memory_space<hbm>>
      %dma_start3A_532 = tpu.memref_slice %arg11[%dma_start3A_526] : memref<2x!tpu.dma_semaphore, #tpu.memory_space<semaphore_mem>> -> memref<1x!tpu.dma_semaphore, #tpu.memory_space<semaphore_mem>>
      %dma_start3A_533 = tpu.memref_squeeze %dma_start3A_532 : memref<1x!tpu.dma_semaphore, #tpu.memory_space<semaphore_mem>> -> memref<!tpu.dma_semaphore, #tpu.memory_space<semaphore_mem>>
      %dma_start3A_534 = arith.constant 0 : i32
      %dma_start3A_535 = tpu.memref_slice %arg8[%dma_start3A_525, %add3A_522, %dma_start3A_534] : memref<2x200x64xf32, #tpu.memory_space<vmem>> -> memref<1x1x64xf32, #tpu.memory_space<vmem>>
      %dma_start3A_536 = tpu.memref_squeeze %dma_start3A_535 : memref<1x1x64xf32, #tpu.memory_space<vmem>> -> memref<1x64xf32, #tpu.memory_space<vmem>>
      %dma_start3A_537 = arith.constant 0 : i32
      %dma_start3A_538 = tpu.memref_slice %arg2[%squeeze3A_524, %dma_start3A_537] : memref<1000000x64xf32, #tpu.memory_space<hbm>> -> memref<1x64xf32, #tpu.memory_space<hbm>>
      tpu.enqueue_dma source(%dma_start3A_538 : memref<1x64xf32, #tpu.memory_space<hbm>>) target(%dma_start3A_536 : memref<1x64xf32, #tpu.memory_space<vmem>>) target_semaphore(%dma_start3A_533 : memref<!tpu.dma_semaphore, #tpu.memory_space<semaphore_mem>>)
      %mul3A_539 = arith.constant 16 : i32
      %mul3A_540 = arith.muli %scan3A_429, %mul3A_539 : i32
      %add3A_541 = arith.constant 5 : i32
      %add3A_542 = arith.addi %mul3A_540, %add3A_541 : i32
      %slice3A_543 = vector.extract_strided_slice %get3A_438 {offsets = [5], sizes = [1], strides = [1]} : vector<16xi32> to vector<1xi32>
      %squeeze3A_544 = vector.extract %slice3A_543[0] : i32 from vector<1xi32>
      %dma_start3A_545 = arith.constant 1 : i32
      %dma_start3A_546 = arith.constant 1 : i32
      %dma_start3A_547 = arith.constant 0 : i32
      %dma_start3A_548 = tpu.memref_slice %arg8[%dma_start3A_545, %add3A_542, %dma_start3A_547] : memref<2x200x64xf32, #tpu.memory_space<vmem>> -> memref<1x1x64xf32, #tpu.memory_space<vmem>>
      %dma_start3A_549 = tpu.memref_squeeze %dma_start3A_548 : memref<1x1x64xf32, #tpu.memory_space<vmem>> -> memref<1x64xf32, #tpu.memory_space<vmem>>
      %dma_start3A_550 = arith.constant 0 : i32
      %dma_start3A_551 = tpu.memref_slice %arg2[%squeeze3A_544, %dma_start3A_550] : memref<1000000x64xf32, #tpu.memory_space<hbm>> -> memref<1x64xf32, #tpu.memory_space<hbm>>
      %dma_start3A_552 = tpu.memref_slice %arg11[%dma_start3A_546] : memref<2x!tpu.dma_semaphore, #tpu.memory_space<semaphore_mem>> -> memref<1x!tpu.dma_semaphore, #tpu.memory_space<semaphore_mem>>
      %dma_start3A_553 = tpu.memref_squeeze %dma_start3A_552 : memref<1x!tpu.dma_semaphore, #tpu.memory_space<semaphore_mem>> -> memref<!tpu.dma_semaphore, #tpu.memory_space<semaphore_mem>>
      %dma_start3A_554 = arith.constant 0 : i32
      %dma_start3A_555 = tpu.memref_slice %arg8[%dma_start3A_545, %add3A_542, %dma_start3A_554] : memref<2x200x64xf32, #tpu.memory_space<vmem>> -> memref<1x1x64xf32, #tpu.memory_space<vmem>>
      %dma_start3A_556 = tpu.memref_squeeze %dma_start3A_555 : memref<1x1x64xf32, #tpu.memory_space<vmem>> -> memref<1x64xf32, #tpu.memory_space<vmem>>
      %dma_start3A_557 = arith.constant 0 : i32
      %dma_start3A_558 = tpu.memref_slice %arg2[%squeeze3A_544, %dma_start3A_557] : memref<1000000x64xf32, #tpu.memory_space<hbm>> -> memref<1x64xf32, #tpu.memory_space<hbm>>
      tpu.enqueue_dma source(%dma_start3A_558 : memref<1x64xf32, #tpu.memory_space<hbm>>) target(%dma_start3A_556 : memref<1x64xf32, #tpu.memory_space<vmem>>) target_semaphore(%dma_start3A_553 : memref<!tpu.dma_semaphore, #tpu.memory_space<semaphore_mem>>)
      %mul3A_559 = arith.constant 16 : i32
      %mul3A_560 = arith.muli %scan3A_429, %mul3A_559 : i32
      %add3A_561 = arith.constant 6 : i32
      %add3A_562 = arith.addi %mul3A_560, %add3A_561 : i32
      %slice3A_563 = vector.extract_strided_slice %get3A_438 {offsets = [6], sizes = [1], strides = [1]} : vector<16xi32> to vector<1xi32>
      %squeeze3A_564 = vector.extract %slice3A_563[0] : i32 from vector<1xi32>
      %dma_start3A_565 = arith.constant 1 : i32
      %dma_start3A_566 = arith.constant 1 : i32
      %dma_start3A_567 = arith.constant 0 : i32
      %dma_start3A_568 = tpu.memref_slice %arg8[%dma_start3A_565, %add3A_562, %dma_start3A_567] : memref<2x200x64xf32, #tpu.memory_space<vmem>> -> memref<1x1x64xf32, #tpu.memory_space<vmem>>
      %dma_start3A_569 = tpu.memref_squeeze %dma_start3A_568 : memref<1x1x64xf32, #tpu.memory_space<vmem>> -> memref<1x64xf32, #tpu.memory_space<vmem>>
      %dma_start3A_570 = arith.constant 0 : i32
      %dma_start3A_571 = tpu.memref_slice %arg2[%squeeze3A_564, %dma_start3A_570] : memref<1000000x64xf32, #tpu.memory_space<hbm>> -> memref<1x64xf32, #tpu.memory_space<hbm>>
      %dma_start3A_572 = tpu.memref_slice %arg11[%dma_start3A_566] : memref<2x!tpu.dma_semaphore, #tpu.memory_space<semaphore_mem>> -> memref<1x!tpu.dma_semaphore, #tpu.memory_space<semaphore_mem>>
      %dma_start3A_573 = tpu.memref_squeeze %dma_start3A_572 : memref<1x!tpu.dma_semaphore, #tpu.memory_space<semaphore_mem>> -> memref<!tpu.dma_semaphore, #tpu.memory_space<semaphore_mem>>
      %dma_start3A_574 = arith.constant 0 : i32
      %dma_start3A_575 = tpu.memref_slice %arg8[%dma_start3A_565, %add3A_562, %dma_start3A_574] : memref<2x200x64xf32, #tpu.memory_space<vmem>> -> memref<1x1x64xf32, #tpu.memory_space<vmem>>
      %dma_start3A_576 = tpu.memref_squeeze %dma_start3A_575 : memref<1x1x64xf32, #tpu.memory_space<vmem>> -> memref<1x64xf32, #tpu.memory_space<vmem>>
      %dma_start3A_577 = arith.constant 0 : i32
      %dma_start3A_578 = tpu.memref_slice %arg2[%squeeze3A_564, %dma_start3A_577] : memref<1000000x64xf32, #tpu.memory_space<hbm>> -> memref<1x64xf32, #tpu.memory_space<hbm>>
      tpu.enqueue_dma source(%dma_start3A_578 : memref<1x64xf32, #tpu.memory_space<hbm>>) target(%dma_start3A_576 : memref<1x64xf32, #tpu.memory_space<vmem>>) target_semaphore(%dma_start3A_573 : memref<!tpu.dma_semaphore, #tpu.memory_space<semaphore_mem>>)
      %mul3A_579 = arith.constant 16 : i32
      %mul3A_580 = arith.muli %scan3A_429, %mul3A_579 : i32
      %add3A_581 = arith.constant 7 : i32
      %add3A_582 = arith.addi %mul3A_580, %add3A_581 : i32
      %slice3A_583 = vector.extract_strided_slice %get3A_438 {offsets = [7], sizes = [1], strides = [1]} : vector<16xi32> to vector<1xi32>
      %squeeze3A_584 = vector.extract %slice3A_583[0] : i32 from vector<1xi32>
      %dma_start3A_585 = arith.constant 1 : i32
      %dma_start3A_586 = arith.constant 1 : i32
      %dma_start3A_587 = arith.constant 0 : i32
      %dma_start3A_588 = tpu.memref_slice %arg8[%dma_start3A_585, %add3A_582, %dma_start3A_587] : memref<2x200x64xf32, #tpu.memory_space<vmem>> -> memref<1x1x64xf32, #tpu.memory_space<vmem>>
      %dma_start3A_589 = tpu.memref_squeeze %dma_start3A_588 : memref<1x1x64xf32, #tpu.memory_space<vmem>> -> memref<1x64xf32, #tpu.memory_space<vmem>>
      %dma_start3A_590 = arith.constant 0 : i32
      %dma_start3A_591 = tpu.memref_slice %arg2[%squeeze3A_584, %dma_start3A_590] : memref<1000000x64xf32, #tpu.memory_space<hbm>> -> memref<1x64xf32, #tpu.memory_space<hbm>>
      %dma_start3A_592 = tpu.memref_slice %arg11[%dma_start3A_586] : memref<2x!tpu.dma_semaphore, #tpu.memory_space<semaphore_mem>> -> memref<1x!tpu.dma_semaphore, #tpu.memory_space<semaphore_mem>>
      %dma_start3A_593 = tpu.memref_squeeze %dma_start3A_592 : memref<1x!tpu.dma_semaphore, #tpu.memory_space<semaphore_mem>> -> memref<!tpu.dma_semaphore, #tpu.memory_space<semaphore_mem>>
      %dma_start3A_594 = arith.constant 0 : i32
      %dma_start3A_595 = tpu.memref_slice %arg8[%dma_start3A_585, %add3A_582, %dma_start3A_594] : memref<2x200x64xf32, #tpu.memory_space<vmem>> -> memref<1x1x64xf32, #tpu.memory_space<vmem>>
      %dma_start3A_596 = tpu.memref_squeeze %dma_start3A_595 : memref<1x1x64xf32, #tpu.memory_space<vmem>> -> memref<1x64xf32, #tpu.memory_space<vmem>>
      %dma_start3A_597 = arith.constant 0 : i32
      %dma_start3A_598 = tpu.memref_slice %arg2[%squeeze3A_584, %dma_start3A_597] : memref<1000000x64xf32, #tpu.memory_space<hbm>> -> memref<1x64xf32, #tpu.memory_space<hbm>>
      tpu.enqueue_dma source(%dma_start3A_598 : memref<1x64xf32, #tpu.memory_space<hbm>>) target(%dma_start3A_596 : memref<1x64xf32, #tpu.memory_space<vmem>>) target_semaphore(%dma_start3A_593 : memref<!tpu.dma_semaphore, #tpu.memory_space<semaphore_mem>>)
      %mul3A_599 = arith.constant 16 : i32
      %mul3A_600 = arith.muli %scan3A_429, %mul3A_599 : i32
      %add3A_601 = arith.constant 8 : i32
      %add3A_602 = arith.addi %mul3A_600, %add3A_601 : i32
      %slice3A_603 = vector.extract_strided_slice %get3A_438 {offsets = [8], sizes = [1], strides = [1]} : vector<16xi32> to vector<1xi32>
      %squeeze3A_604 = vector.extract %slice3A_603[0] : i32 from vector<1xi32>
      %dma_start3A_605 = arith.constant 1 : i32
      %dma_start3A_606 = arith.constant 1 : i32
      %dma_start3A_607 = arith.constant 0 : i32
      %dma_start3A_608 = tpu.memref_slice %arg8[%dma_start3A_605, %add3A_602, %dma_start3A_607] : memref<2x200x64xf32, #tpu.memory_space<vmem>> -> memref<1x1x64xf32, #tpu.memory_space<vmem>>
      %dma_start3A_609 = tpu.memref_squeeze %dma_start3A_608 : memref<1x1x64xf32, #tpu.memory_space<vmem>> -> memref<1x64xf32, #tpu.memory_space<vmem>>
      %dma_start3A_610 = arith.constant 0 : i32
      %dma_start3A_611 = tpu.memref_slice %arg2[%squeeze3A_604, %dma_start3A_610] : memref<1000000x64xf32, #tpu.memory_space<hbm>> -> memref<1x64xf32, #tpu.memory_space<hbm>>
      %dma_start3A_612 = tpu.memref_slice %arg11[%dma_start3A_606] : memref<2x!tpu.dma_semaphore, #tpu.memory_space<semaphore_mem>> -> memref<1x!tpu.dma_semaphore, #tpu.memory_space<semaphore_mem>>
      %dma_start3A_613 = tpu.memref_squeeze %dma_start3A_612 : memref<1x!tpu.dma_semaphore, #tpu.memory_space<semaphore_mem>> -> memref<!tpu.dma_semaphore, #tpu.memory_space<semaphore_mem>>
      %dma_start3A_614 = arith.constant 0 : i32
      %dma_start3A_615 = tpu.memref_slice %arg8[%dma_start3A_605, %add3A_602, %dma_start3A_614] : memref<2x200x64xf32, #tpu.memory_space<vmem>> -> memref<1x1x64xf32, #tpu.memory_space<vmem>>
      %dma_start3A_616 = tpu.memref_squeeze %dma_start3A_615 : memref<1x1x64xf32, #tpu.memory_space<vmem>> -> memref<1x64xf32, #tpu.memory_space<vmem>>
      %dma_start3A_617 = arith.constant 0 : i32
      %dma_start3A_618 = tpu.memref_slice %arg2[%squeeze3A_604, %dma_start3A_617] : memref<1000000x64xf32, #tpu.memory_space<hbm>> -> memref<1x64xf32, #tpu.memory_space<hbm>>
      tpu.enqueue_dma source(%dma_start3A_618 : memref<1x64xf32, #tpu.memory_space<hbm>>) target(%dma_start3A_616 : memref<1x64xf32, #tpu.memory_space<vmem>>) target_semaphore(%dma_start3A_613 : memref<!tpu.dma_semaphore, #tpu.memory_space<semaphore_mem>>)
      %mul3A_619 = arith.constant 16 : i32
      %mul3A_620 = arith.muli %scan3A_429, %mul3A_619 : i32
      %add3A_621 = arith.constant 9 : i32
      %add3A_622 = arith.addi %mul3A_620, %add3A_621 : i32
      %slice3A_623 = vector.extract_strided_slice %get3A_438 {offsets = [9], sizes = [1], strides = [1]} : vector<16xi32> to vector<1xi32>
      %squeeze3A_624 = vector.extract %slice3A_623[0] : i32 from vector<1xi32>
      %dma_start3A_625 = arith.constant 1 : i32
      %dma_start3A_626 = arith.constant 1 : i32
      %dma_start3A_627 = arith.constant 0 : i32
      %dma_start3A_628 = tpu.memref_slice %arg8[%dma_start3A_625, %add3A_622, %dma_start3A_627] : memref<2x200x64xf32, #tpu.memory_space<vmem>> -> memref<1x1x64xf32, #tpu.memory_space<vmem>>
      %dma_start3A_629 = tpu.memref_squeeze %dma_start3A_628 : memref<1x1x64xf32, #tpu.memory_space<vmem>> -> memref<1x64xf32, #tpu.memory_space<vmem>>
      %dma_start3A_630 = arith.constant 0 : i32
      %dma_start3A_631 = tpu.memref_slice %arg2[%squeeze3A_624, %dma_start3A_630] : memref<1000000x64xf32, #tpu.memory_space<hbm>> -> memref<1x64xf32, #tpu.memory_space<hbm>>
      %dma_start3A_632 = tpu.memref_slice %arg11[%dma_start3A_626] : memref<2x!tpu.dma_semaphore, #tpu.memory_space<semaphore_mem>> -> memref<1x!tpu.dma_semaphore, #tpu.memory_space<semaphore_mem>>
      %dma_start3A_633 = tpu.memref_squeeze %dma_start3A_632 : memref<1x!tpu.dma_semaphore, #tpu.memory_space<semaphore_mem>> -> memref<!tpu.dma_semaphore, #tpu.memory_space<semaphore_mem>>
      %dma_start3A_634 = arith.constant 0 : i32
      %dma_start3A_635 = tpu.memref_slice %arg8[%dma_start3A_625, %add3A_622, %dma_start3A_634] : memref<2x200x64xf32, #tpu.memory_space<vmem>> -> memref<1x1x64xf32, #tpu.memory_space<vmem>>
      %dma_start3A_636 = tpu.memref_squeeze %dma_start3A_635 : memref<1x1x64xf32, #tpu.memory_space<vmem>> -> memref<1x64xf32, #tpu.memory_space<vmem>>
      %dma_start3A_637 = arith.constant 0 : i32
      %dma_start3A_638 = tpu.memref_slice %arg2[%squeeze3A_624, %dma_start3A_637] : memref<1000000x64xf32, #tpu.memory_space<hbm>> -> memref<1x64xf32, #tpu.memory_space<hbm>>
      tpu.enqueue_dma source(%dma_start3A_638 : memref<1x64xf32, #tpu.memory_space<hbm>>) target(%dma_start3A_636 : memref<1x64xf32, #tpu.memory_space<vmem>>) target_semaphore(%dma_start3A_633 : memref<!tpu.dma_semaphore, #tpu.memory_space<semaphore_mem>>)
      %mul3A_639 = arith.constant 16 : i32
      %mul3A_640 = arith.muli %scan3A_429, %mul3A_639 : i32
      %add3A_641 = arith.constant 10 : i32
      %add3A_642 = arith.addi %mul3A_640, %add3A_641 : i32
      %slice3A_643 = vector.extract_strided_slice %get3A_438 {offsets = [10], sizes = [1], strides = [1]} : vector<16xi32> to vector<1xi32>
      %squeeze3A_644 = vector.extract %slice3A_643[0] : i32 from vector<1xi32>
      %dma_start3A_645 = arith.constant 1 : i32
      %dma_start3A_646 = arith.constant 1 : i32
      %dma_start3A_647 = arith.constant 0 : i32
      %dma_start3A_648 = tpu.memref_slice %arg8[%dma_start3A_645, %add3A_642, %dma_start3A_647] : memref<2x200x64xf32, #tpu.memory_space<vmem>> -> memref<1x1x64xf32, #tpu.memory_space<vmem>>
      %dma_start3A_649 = tpu.memref_squeeze %dma_start3A_648 : memref<1x1x64xf32, #tpu.memory_space<vmem>> -> memref<1x64xf32, #tpu.memory_space<vmem>>
      %dma_start3A_650 = arith.constant 0 : i32
      %dma_start3A_651 = tpu.memref_slice %arg2[%squeeze3A_644, %dma_start3A_650] : memref<1000000x64xf32, #tpu.memory_space<hbm>> -> memref<1x64xf32, #tpu.memory_space<hbm>>
      %dma_start3A_652 = tpu.memref_slice %arg11[%dma_start3A_646] : memref<2x!tpu.dma_semaphore, #tpu.memory_space<semaphore_mem>> -> memref<1x!tpu.dma_semaphore, #tpu.memory_space<semaphore_mem>>
      %dma_start3A_653 = tpu.memref_squeeze %dma_start3A_652 : memref<1x!tpu.dma_semaphore, #tpu.memory_space<semaphore_mem>> -> memref<!tpu.dma_semaphore, #tpu.memory_space<semaphore_mem>>
      %dma_start3A_654 = arith.constant 0 : i32
      %dma_start3A_655 = tpu.memref_slice %arg8[%dma_start3A_645, %add3A_642, %dma_start3A_654] : memref<2x200x64xf32, #tpu.memory_space<vmem>> -> memref<1x1x64xf32, #tpu.memory_space<vmem>>
      %dma_start3A_656 = tpu.memref_squeeze %dma_start3A_655 : memref<1x1x64xf32, #tpu.memory_space<vmem>> -> memref<1x64xf32, #tpu.memory_space<vmem>>
      %dma_start3A_657 = arith.constant 0 : i32
      %dma_start3A_658 = tpu.memref_slice %arg2[%squeeze3A_644, %dma_start3A_657] : memref<1000000x64xf32, #tpu.memory_space<hbm>> -> memref<1x64xf32, #tpu.memory_space<hbm>>
      tpu.enqueue_dma source(%dma_start3A_658 : memref<1x64xf32, #tpu.memory_space<hbm>>) target(%dma_start3A_656 : memref<1x64xf32, #tpu.memory_space<vmem>>) target_semaphore(%dma_start3A_653 : memref<!tpu.dma_semaphore, #tpu.memory_space<semaphore_mem>>)
      %mul3A_659 = arith.constant 16 : i32
      %mul3A_660 = arith.muli %scan3A_429, %mul3A_659 : i32
      %add3A_661 = arith.constant 11 : i32
      %add3A_662 = arith.addi %mul3A_660, %add3A_661 : i32
      %slice3A_663 = vector.extract_strided_slice %get3A_438 {offsets = [11], sizes = [1], strides = [1]} : vector<16xi32> to vector<1xi32>
      %squeeze3A_664 = vector.extract %slice3A_663[0] : i32 from vector<1xi32>
      %dma_start3A_665 = arith.constant 1 : i32
      %dma_start3A_666 = arith.constant 1 : i32
      %dma_start3A_667 = arith.constant 0 : i32
      %dma_start3A_668 = tpu.memref_slice %arg8[%dma_start3A_665, %add3A_662, %dma_start3A_667] : memref<2x200x64xf32, #tpu.memory_space<vmem>> -> memref<1x1x64xf32, #tpu.memory_space<vmem>>
      %dma_start3A_669 = tpu.memref_squeeze %dma_start3A_668 : memref<1x1x64xf32, #tpu.memory_space<vmem>> -> memref<1x64xf32, #tpu.memory_space<vmem>>
      %dma_start3A_670 = arith.constant 0 : i32
      %dma_start3A_671 = tpu.memref_slice %arg2[%squeeze3A_664, %dma_start3A_670] : memref<1000000x64xf32, #tpu.memory_space<hbm>> -> memref<1x64xf32, #tpu.memory_space<hbm>>
      %dma_start3A_672 = tpu.memref_slice %arg11[%dma_start3A_666] : memref<2x!tpu.dma_semaphore, #tpu.memory_space<semaphore_mem>> -> memref<1x!tpu.dma_semaphore, #tpu.memory_space<semaphore_mem>>
      %dma_start3A_673 = tpu.memref_squeeze %dma_start3A_672 : memref<1x!tpu.dma_semaphore, #tpu.memory_space<semaphore_mem>> -> memref<!tpu.dma_semaphore, #tpu.memory_space<semaphore_mem>>
      %dma_start3A_674 = arith.constant 0 : i32
      %dma_start3A_675 = tpu.memref_slice %arg8[%dma_start3A_665, %add3A_662, %dma_start3A_674] : memref<2x200x64xf32, #tpu.memory_space<vmem>> -> memref<1x1x64xf32, #tpu.memory_space<vmem>>
      %dma_start3A_676 = tpu.memref_squeeze %dma_start3A_675 : memref<1x1x64xf32, #tpu.memory_space<vmem>> -> memref<1x64xf32, #tpu.memory_space<vmem>>
      %dma_start3A_677 = arith.constant 0 : i32
      %dma_start3A_678 = tpu.memref_slice %arg2[%squeeze3A_664, %dma_start3A_677] : memref<1000000x64xf32, #tpu.memory_space<hbm>> -> memref<1x64xf32, #tpu.memory_space<hbm>>
      tpu.enqueue_dma source(%dma_start3A_678 : memref<1x64xf32, #tpu.memory_space<hbm>>) target(%dma_start3A_676 : memref<1x64xf32, #tpu.memory_space<vmem>>) target_semaphore(%dma_start3A_673 : memref<!tpu.dma_semaphore, #tpu.memory_space<semaphore_mem>>)
      %mul3A_679 = arith.constant 16 : i32
      %mul3A_680 = arith.muli %scan3A_429, %mul3A_679 : i32
      %add3A_681 = arith.constant 12 : i32
      %add3A_682 = arith.addi %mul3A_680, %add3A_681 : i32
      %slice3A_683 = vector.extract_strided_slice %get3A_438 {offsets = [12], sizes = [1], strides = [1]} : vector<16xi32> to vector<1xi32>
      %squeeze3A_684 = vector.extract %slice3A_683[0] : i32 from vector<1xi32>
      %dma_start3A_685 = arith.constant 1 : i32
      %dma_start3A_686 = arith.constant 1 : i32
      %dma_start3A_687 = arith.constant 0 : i32
      %dma_start3A_688 = tpu.memref_slice %arg8[%dma_start3A_685, %add3A_682, %dma_start3A_687] : memref<2x200x64xf32, #tpu.memory_space<vmem>> -> memref<1x1x64xf32, #tpu.memory_space<vmem>>
      %dma_start3A_689 = tpu.memref_squeeze %dma_start3A_688 : memref<1x1x64xf32, #tpu.memory_space<vmem>> -> memref<1x64xf32, #tpu.memory_space<vmem>>
      %dma_start3A_690 = arith.constant 0 : i32
      %dma_start3A_691 = tpu.memref_slice %arg2[%squeeze3A_684, %dma_start3A_690] : memref<1000000x64xf32, #tpu.memory_space<hbm>> -> memref<1x64xf32, #tpu.memory_space<hbm>>
      %dma_start3A_692 = tpu.memref_slice %arg11[%dma_start3A_686] : memref<2x!tpu.dma_semaphore, #tpu.memory_space<semaphore_mem>> -> memref<1x!tpu.dma_semaphore, #tpu.memory_space<semaphore_mem>>
      %dma_start3A_693 = tpu.memref_squeeze %dma_start3A_692 : memref<1x!tpu.dma_semaphore, #tpu.memory_space<semaphore_mem>> -> memref<!tpu.dma_semaphore, #tpu.memory_space<semaphore_mem>>
      %dma_start3A_694 = arith.constant 0 : i32
      %dma_start3A_695 = tpu.memref_slice %arg8[%dma_start3A_685, %add3A_682, %dma_start3A_694] : memref<2x200x64xf32, #tpu.memory_space<vmem>> -> memref<1x1x64xf32, #tpu.memory_space<vmem>>
      %dma_start3A_696 = tpu.memref_squeeze %dma_start3A_695 : memref<1x1x64xf32, #tpu.memory_space<vmem>> -> memref<1x64xf32, #tpu.memory_space<vmem>>
      %dma_start3A_697 = arith.constant 0 : i32
      %dma_start3A_698 = tpu.memref_slice %arg2[%squeeze3A_684, %dma_start3A_697] : memref<1000000x64xf32, #tpu.memory_space<hbm>> -> memref<1x64xf32, #tpu.memory_space<hbm>>
      tpu.enqueue_dma source(%dma_start3A_698 : memref<1x64xf32, #tpu.memory_space<hbm>>) target(%dma_start3A_696 : memref<1x64xf32, #tpu.memory_space<vmem>>) target_semaphore(%dma_start3A_693 : memref<!tpu.dma_semaphore, #tpu.memory_space<semaphore_mem>>)
      %mul3A_699 = arith.constant 16 : i32
      %mul3A_700 = arith.muli %scan3A_429, %mul3A_699 : i32
      %add3A_701 = arith.constant 13 : i32
      %add3A_702 = arith.addi %mul3A_700, %add3A_701 : i32
      %slice3A_703 = vector.extract_strided_slice %get3A_438 {offsets = [13], sizes = [1], strides = [1]} : vector<16xi32> to vector<1xi32>
      %squeeze3A_704 = vector.extract %slice3A_703[0] : i32 from vector<1xi32>
      %dma_start3A_705 = arith.constant 1 : i32
      %dma_start3A_706 = arith.constant 1 : i32
      %dma_start3A_707 = arith.constant 0 : i32
      %dma_start3A_708 = tpu.memref_slice %arg8[%dma_start3A_705, %add3A_702, %dma_start3A_707] : memref<2x200x64xf32, #tpu.memory_space<vmem>> -> memref<1x1x64xf32, #tpu.memory_space<vmem>>
      %dma_start3A_709 = tpu.memref_squeeze %dma_start3A_708 : memref<1x1x64xf32, #tpu.memory_space<vmem>> -> memref<1x64xf32, #tpu.memory_space<vmem>>
      %dma_start3A_710 = arith.constant 0 : i32
      %dma_start3A_711 = tpu.memref_slice %arg2[%squeeze3A_704, %dma_start3A_710] : memref<1000000x64xf32, #tpu.memory_space<hbm>> -> memref<1x64xf32, #tpu.memory_space<hbm>>
      %dma_start3A_712 = tpu.memref_slice %arg11[%dma_start3A_706] : memref<2x!tpu.dma_semaphore, #tpu.memory_space<semaphore_mem>> -> memref<1x!tpu.dma_semaphore, #tpu.memory_space<semaphore_mem>>
      %dma_start3A_713 = tpu.memref_squeeze %dma_start3A_712 : memref<1x!tpu.dma_semaphore, #tpu.memory_space<semaphore_mem>> -> memref<!tpu.dma_semaphore, #tpu.memory_space<semaphore_mem>>
      %dma_start3A_714 = arith.constant 0 : i32
      %dma_start3A_715 = tpu.memref_slice %arg8[%dma_start3A_705, %add3A_702, %dma_start3A_714] : memref<2x200x64xf32, #tpu.memory_space<vmem>> -> memref<1x1x64xf32, #tpu.memory_space<vmem>>
      %dma_start3A_716 = tpu.memref_squeeze %dma_start3A_715 : memref<1x1x64xf32, #tpu.memory_space<vmem>> -> memref<1x64xf32, #tpu.memory_space<vmem>>
      %dma_start3A_717 = arith.constant 0 : i32
      %dma_start3A_718 = tpu.memref_slice %arg2[%squeeze3A_704, %dma_start3A_717] : memref<1000000x64xf32, #tpu.memory_space<hbm>> -> memref<1x64xf32, #tpu.memory_space<hbm>>
      tpu.enqueue_dma source(%dma_start3A_718 : memref<1x64xf32, #tpu.memory_space<hbm>>) target(%dma_start3A_716 : memref<1x64xf32, #tpu.memory_space<vmem>>) target_semaphore(%dma_start3A_713 : memref<!tpu.dma_semaphore, #tpu.memory_space<semaphore_mem>>)
      %mul3A_719 = arith.constant 16 : i32
      %mul3A_720 = arith.muli %scan3A_429, %mul3A_719 : i32
      %add3A_721 = arith.constant 14 : i32
      %add3A_722 = arith.addi %mul3A_720, %add3A_721 : i32
      %slice3A_723 = vector.extract_strided_slice %get3A_438 {offsets = [14], sizes = [1], strides = [1]} : vector<16xi32> to vector<1xi32>
      %squeeze3A_724 = vector.extract %slice3A_723[0] : i32 from vector<1xi32>
      %dma_start3A_725 = arith.constant 1 : i32
      %dma_start3A_726 = arith.constant 1 : i32
      %dma_start3A_727 = arith.constant 0 : i32
      %dma_start3A_728 = tpu.memref_slice %arg8[%dma_start3A_725, %add3A_722, %dma_start3A_727] : memref<2x200x64xf32, #tpu.memory_space<vmem>> -> memref<1x1x64xf32, #tpu.memory_space<vmem>>
      %dma_start3A_729 = tpu.memref_squeeze %dma_start3A_728 : memref<1x1x64xf32, #tpu.memory_space<vmem>> -> memref<1x64xf32, #tpu.memory_space<vmem>>
      %dma_start3A_730 = arith.constant 0 : i32
      %dma_start3A_731 = tpu.memref_slice %arg2[%squeeze3A_724, %dma_start3A_730] : memref<1000000x64xf32, #tpu.memory_space<hbm>> -> memref<1x64xf32, #tpu.memory_space<hbm>>
      %dma_start3A_732 = tpu.memref_slice %arg11[%dma_start3A_726] : memref<2x!tpu.dma_semaphore, #tpu.memory_space<semaphore_mem>> -> memref<1x!tpu.dma_semaphore, #tpu.memory_space<semaphore_mem>>
      %dma_start3A_733 = tpu.memref_squeeze %dma_start3A_732 : memref<1x!tpu.dma_semaphore, #tpu.memory_space<semaphore_mem>> -> memref<!tpu.dma_semaphore, #tpu.memory_space<semaphore_mem>>
      %dma_start3A_734 = arith.constant 0 : i32
      %dma_start3A_735 = tpu.memref_slice %arg8[%dma_start3A_725, %add3A_722, %dma_start3A_734] : memref<2x200x64xf32, #tpu.memory_space<vmem>> -> memref<1x1x64xf32, #tpu.memory_space<vmem>>
      %dma_start3A_736 = tpu.memref_squeeze %dma_start3A_735 : memref<1x1x64xf32, #tpu.memory_space<vmem>> -> memref<1x64xf32, #tpu.memory_space<vmem>>
      %dma_start3A_737 = arith.constant 0 : i32
      %dma_start3A_738 = tpu.memref_slice %arg2[%squeeze3A_724, %dma_start3A_737] : memref<1000000x64xf32, #tpu.memory_space<hbm>> -> memref<1x64xf32, #tpu.memory_space<hbm>>
      tpu.enqueue_dma source(%dma_start3A_738 : memref<1x64xf32, #tpu.memory_space<hbm>>) target(%dma_start3A_736 : memref<1x64xf32, #tpu.memory_space<vmem>>) target_semaphore(%dma_start3A_733 : memref<!tpu.dma_semaphore, #tpu.memory_space<semaphore_mem>>)
      %mul3A_739 = arith.constant 16 : i32
      %mul3A_740 = arith.muli %scan3A_429, %mul3A_739 : i32
      %add3A_741 = arith.constant 15 : i32
      %add3A_742 = arith.addi %mul3A_740, %add3A_741 : i32
      %slice3A_743 = vector.extract_strided_slice %get3A_438 {offsets = [15], sizes = [1], strides = [1]} : vector<16xi32> to vector<1xi32>
      %squeeze3A_744 = vector.extract %slice3A_743[0] : i32 from vector<1xi32>
      %dma_start3A_745 = arith.constant 1 : i32
      %dma_start3A_746 = arith.constant 1 : i32
      %dma_start3A_747 = arith.constant 0 : i32
      %dma_start3A_748 = tpu.memref_slice %arg8[%dma_start3A_745, %add3A_742, %dma_start3A_747] : memref<2x200x64xf32, #tpu.memory_space<vmem>> -> memref<1x1x64xf32, #tpu.memory_space<vmem>>
      %dma_start3A_749 = tpu.memref_squeeze %dma_start3A_748 : memref<1x1x64xf32, #tpu.memory_space<vmem>> -> memref<1x64xf32, #tpu.memory_space<vmem>>
      %dma_start3A_750 = arith.constant 0 : i32
      %dma_start3A_751 = tpu.memref_slice %arg2[%squeeze3A_744, %dma_start3A_750] : memref<1000000x64xf32, #tpu.memory_space<hbm>> -> memref<1x64xf32, #tpu.memory_space<hbm>>
      %dma_start3A_752 = tpu.memref_slice %arg11[%dma_start3A_746] : memref<2x!tpu.dma_semaphore, #tpu.memory_space<semaphore_mem>> -> memref<1x!tpu.dma_semaphore, #tpu.memory_space<semaphore_mem>>
      %dma_start3A_753 = tpu.memref_squeeze %dma_start3A_752 : memref<1x!tpu.dma_semaphore, #tpu.memory_space<semaphore_mem>> -> memref<!tpu.dma_semaphore, #tpu.memory_space<semaphore_mem>>
      %dma_start3A_754 = arith.constant 0 : i32
      %dma_start3A_755 = tpu.memref_slice %arg8[%dma_start3A_745, %add3A_742, %dma_start3A_754] : memref<2x200x64xf32, #tpu.memory_space<vmem>> -> memref<1x1x64xf32, #tpu.memory_space<vmem>>
      %dma_start3A_756 = tpu.memref_squeeze %dma_start3A_755 : memref<1x1x64xf32, #tpu.memory_space<vmem>> -> memref<1x64xf32, #tpu.memory_space<vmem>>
      %dma_start3A_757 = arith.constant 0 : i32
      %dma_start3A_758 = tpu.memref_slice %arg2[%squeeze3A_744, %dma_start3A_757] : memref<1000000x64xf32, #tpu.memory_space<hbm>> -> memref<1x64xf32, #tpu.memory_space<hbm>>
      tpu.enqueue_dma source(%dma_start3A_758 : memref<1x64xf32, #tpu.memory_space<hbm>>) target(%dma_start3A_756 : memref<1x64xf32, #tpu.memory_space<vmem>>) target_semaphore(%dma_start3A_753 : memref<!tpu.dma_semaphore, #tpu.memory_space<semaphore_mem>>)
    }
    %scan3A_231 = arith.constant 12 : i32
    %get3A_232 = arith.constant 1 : i32
    %get3A_233 = arith.constant 0 : i32
    %get3A_234 = arith.index_cast %get3A_232 : i32 to index
    %get3A_235 = arith.index_cast %get3A_233 : i32 to index
    %get3A_236 = arith.constant 184 : index
    %get3A_237 = tpu.vector_load %arg6[%get3A_234, %get3A_235, %get3A_236] {strides = array<i32>} : memref<2x1x200xi32, #tpu.memory_space<vmem>>, vector<1x1x16xi32>,
    %get3A_238 = vector.shape_cast %get3A_237 : vector<1x1x16xi32> to vector<16xi32>
    %slice3A_239 = vector.extract_strided_slice %get3A_238 {offsets = [8], sizes = [1], strides = [1]} : vector<16xi32> to vector<1xi32>
    %squeeze3A_240 = vector.extract %slice3A_239[0] : i32 from vector<1xi32>
    %dma_start3A_241 = arith.constant 1 : i32
    %dma_start3A_242 = arith.constant 1 : i32
    %dma_start3A_243 = arith.constant 192 : i32
    %dma_start3A_244 = arith.constant 0 : i32
    %dma_start3A_245 = tpu.memref_slice %arg8[%dma_start3A_241, %dma_start3A_243, %dma_start3A_244] : memref<2x200x64xf32, #tpu.memory_space<vmem>> -> memref<1x1x64xf32, #tpu.memory_space<vmem>>
    %dma_start3A_246 = tpu.memref_squeeze %dma_start3A_245 : memref<1x1x64xf32, #tpu.memory_space<vmem>> -> memref<1x64xf32, #tpu.memory_space<vmem>>
    %dma_start3A_247 = arith.constant 0 : i32
    %dma_start3A_248 = tpu.memref_slice %arg2[%squeeze3A_240, %dma_start3A_247] : memref<1000000x64xf32, #tpu.memory_space<hbm>> -> memref<1x64xf32, #tpu.memory_space<hbm>>
    %dma_start3A_249 = tpu.memref_slice %arg11[%dma_start3A_242] : memref<2x!tpu.dma_semaphore, #tpu.memory_space<semaphore_mem>> -> memref<1x!tpu.dma_semaphore, #tpu.memory_space<semaphore_mem>>
    %dma_start3A_250 = tpu.memref_squeeze %dma_start3A_249 : memref<1x!tpu.dma_semaphore, #tpu.memory_space<semaphore_mem>> -> memref<!tpu.dma_semaphore, #tpu.memory_space<semaphore_mem>>
    %dma_start3A_251 = arith.constant 192 : i32
    %dma_start3A_252 = arith.constant 0 : i32
    %dma_start3A_253 = tpu.memref_slice %arg8[%dma_start3A_241, %dma_start3A_251, %dma_start3A_252] : memref<2x200x64xf32, #tpu.memory_space<vmem>> -> memref<1x1x64xf32, #tpu.memory_space<vmem>>
    %dma_start3A_254 = tpu.memref_squeeze %dma_start3A_253 : memref<1x1x64xf32, #tpu.memory_space<vmem>> -> memref<1x64xf32, #tpu.memory_space<vmem>>
    %dma_start3A_255 = arith.constant 0 : i32
    %dma_start3A_256 = tpu.memref_slice %arg2[%squeeze3A_240, %dma_start3A_255] : memref<1000000x64xf32, #tpu.memory_space<hbm>> -> memref<1x64xf32, #tpu.memory_space<hbm>>
    tpu.enqueue_dma source(%dma_start3A_256 : memref<1x64xf32, #tpu.memory_space<hbm>>) target(%dma_start3A_254 : memref<1x64xf32, #tpu.memory_space<vmem>>) target_semaphore(%dma_start3A_250 : memref<!tpu.dma_semaphore, #tpu.memory_space<semaphore_mem>>)
    %slice3A_257 = vector.extract_strided_slice %get3A_238 {offsets = [9], sizes = [1], strides = [1]} : vector<16xi32> to vector<1xi32>
    %squeeze3A_258 = vector.extract %slice3A_257[0] : i32 from vector<1xi32>
    %dma_start3A_259 = arith.constant 1 : i32
    %dma_start3A_260 = arith.constant 1 : i32
    %dma_start3A_261 = arith.constant 193 : i32
    %dma_start3A_262 = arith.constant 0 : i32
    %dma_start3A_263 = tpu.memref_slice %arg8[%dma_start3A_259, %dma_start3A_261, %dma_start3A_262] : memref<2x200x64xf32, #tpu.memory_space<vmem>> -> memref<1x1x64xf32, #tpu.memory_space<vmem>>
    %dma_start3A_264 = tpu.memref_squeeze %dma_start3A_263 : memref<1x1x64xf32, #tpu.memory_space<vmem>> -> memref<1x64xf32, #tpu.memory_space<vmem>>
    %dma_start3A_265 = arith.constant 0 : i32
    %dma_start3A_266 = tpu.memref_slice %arg2[%squeeze3A_258, %dma_start3A_265] : memref<1000000x64xf32, #tpu.memory_space<hbm>> -> memref<1x64xf32, #tpu.memory_space<hbm>>
    %dma_start3A_267 = tpu.memref_slice %arg11[%dma_start3A_260] : memref<2x!tpu.dma_semaphore, #tpu.memory_space<semaphore_mem>> -> memref<1x!tpu.dma_semaphore, #tpu.memory_space<semaphore_mem>>
    %dma_start3A_268 = tpu.memref_squeeze %dma_start3A_267 : memref<1x!tpu.dma_semaphore, #tpu.memory_space<semaphore_mem>> -> memref<!tpu.dma_semaphore, #tpu.memory_space<semaphore_mem>>
    %dma_start3A_269 = arith.constant 193 : i32
    %dma_start3A_270 = arith.constant 0 : i32
    %dma_start3A_271 = tpu.memref_slice %arg8[%dma_start3A_259, %dma_start3A_269, %dma_start3A_270] : memref<2x200x64xf32, #tpu.memory_space<vmem>> -> memref<1x1x64xf32, #tpu.memory_space<vmem>>
    %dma_start3A_272 = tpu.memref_squeeze %dma_start3A_271 : memref<1x1x64xf32, #tpu.memory_space<vmem>> -> memref<1x64xf32, #tpu.memory_space<vmem>>
    %dma_start3A_273 = arith.constant 0 : i32
    %dma_start3A_274 = tpu.memref_slice %arg2[%squeeze3A_258, %dma_start3A_273] : memref<1000000x64xf32, #tpu.memory_space<hbm>> -> memref<1x64xf32, #tpu.memory_space<hbm>>
    tpu.enqueue_dma source(%dma_start3A_274 : memref<1x64xf32, #tpu.memory_space<hbm>>) target(%dma_start3A_272 : memref<1x64xf32, #tpu.memory_space<vmem>>) target_semaphore(%dma_start3A_268 : memref<!tpu.dma_semaphore, #tpu.memory_space<semaphore_mem>>)
    %slice3A_275 = vector.extract_strided_slice %get3A_238 {offsets = [10], sizes = [1], strides = [1]} : vector<16xi32> to vector<1xi32>
    %squeeze3A_276 = vector.extract %slice3A_275[0] : i32 from vector<1xi32>
    %dma_start3A_277 = arith.constant 1 : i32
    %dma_start3A_278 = arith.constant 1 : i32
    %dma_start3A_279 = arith.constant 194 : i32
    %dma_start3A_280 = arith.constant 0 : i32
    %dma_start3A_281 = tpu.memref_slice %arg8[%dma_start3A_277, %dma_start3A_279, %dma_start3A_280] : memref<2x200x64xf32, #tpu.memory_space<vmem>> -> memref<1x1x64xf32, #tpu.memory_space<vmem>>
    %dma_start3A_282 = tpu.memref_squeeze %dma_start3A_281 : memref<1x1x64xf32, #tpu.memory_space<vmem>> -> memref<1x64xf32, #tpu.memory_space<vmem>>
    %dma_start3A_283 = arith.constant 0 : i32
    %dma_start3A_284 = tpu.memref_slice %arg2[%squeeze3A_276, %dma_start3A_283] : memref<1000000x64xf32, #tpu.memory_space<hbm>> -> memref<1x64xf32, #tpu.memory_space<hbm>>
    %dma_start3A_285 = tpu.memref_slice %arg11[%dma_start3A_278] : memref<2x!tpu.dma_semaphore, #tpu.memory_space<semaphore_mem>> -> memref<1x!tpu.dma_semaphore, #tpu.memory_space<semaphore_mem>>
    %dma_start3A_286 = tpu.memref_squeeze %dma_start3A_285 : memref<1x!tpu.dma_semaphore, #tpu.memory_space<semaphore_mem>> -> memref<!tpu.dma_semaphore, #tpu.memory_space<semaphore_mem>>
    %dma_start3A_287 = arith.constant 194 : i32
    %dma_start3A_288 = arith.constant 0 : i32
    %dma_start3A_289 = tpu.memref_slice %arg8[%dma_start3A_277, %dma_start3A_287, %dma_start3A_288] : memref<2x200x64xf32, #tpu.memory_space<vmem>> -> memref<1x1x64xf32, #tpu.memory_space<vmem>>
    %dma_start3A_290 = tpu.memref_squeeze %dma_start3A_289 : memref<1x1x64xf32, #tpu.memory_space<vmem>> -> memref<1x64xf32, #tpu.memory_space<vmem>>
    %dma_start3A_291 = arith.constant 0 : i32
    %dma_start3A_292 = tpu.memref_slice %arg2[%squeeze3A_276, %dma_start3A_291] : memref<1000000x64xf32, #tpu.memory_space<hbm>> -> memref<1x64xf32, #tpu.memory_space<hbm>>
    tpu.enqueue_dma source(%dma_start3A_292 : memref<1x64xf32, #tpu.memory_space<hbm>>) target(%dma_start3A_290 : memref<1x64xf32, #tpu.memory_space<vmem>>) target_semaphore(%dma_start3A_286 : memref<!tpu.dma_semaphore, #tpu.memory_space<semaphore_mem>>)
    %slice3A_293 = vector.extract_strided_slice %get3A_238 {offsets = [11], sizes = [1], strides = [1]} : vector<16xi32> to vector<1xi32>
    %squeeze3A_294 = vector.extract %slice3A_293[0] : i32 from vector<1xi32>
    %dma_start3A_295 = arith.constant 1 : i32
    %dma_start3A_296 = arith.constant 1 : i32
    %dma_start3A_297 = arith.constant 195 : i32
    %dma_start3A_298 = arith.constant 0 : i32
    %dma_start3A_299 = tpu.memref_slice %arg8[%dma_start3A_295, %dma_start3A_297, %dma_start3A_298] : memref<2x200x64xf32, #tpu.memory_space<vmem>> -> memref<1x1x64xf32, #tpu.memory_space<vmem>>
    %dma_start3A_300 = tpu.memref_squeeze %dma_start3A_299 : memref<1x1x64xf32, #tpu.memory_space<vmem>> -> memref<1x64xf32, #tpu.memory_space<vmem>>
    %dma_start3A_301 = arith.constant 0 : i32
    %dma_start3A_302 = tpu.memref_slice %arg2[%squeeze3A_294, %dma_start3A_301] : memref<1000000x64xf32, #tpu.memory_space<hbm>> -> memref<1x64xf32, #tpu.memory_space<hbm>>
    %dma_start3A_303 = tpu.memref_slice %arg11[%dma_start3A_296] : memref<2x!tpu.dma_semaphore, #tpu.memory_space<semaphore_mem>> -> memref<1x!tpu.dma_semaphore, #tpu.memory_space<semaphore_mem>>
    %dma_start3A_304 = tpu.memref_squeeze %dma_start3A_303 : memref<1x!tpu.dma_semaphore, #tpu.memory_space<semaphore_mem>> -> memref<!tpu.dma_semaphore, #tpu.memory_space<semaphore_mem>>
    %dma_start3A_305 = arith.constant 195 : i32
    %dma_start3A_306 = arith.constant 0 : i32
    %dma_start3A_307 = tpu.memref_slice %arg8[%dma_start3A_295, %dma_start3A_305, %dma_start3A_306] : memref<2x200x64xf32, #tpu.memory_space<vmem>> -> memref<1x1x64xf32, #tpu.memory_space<vmem>>
    %dma_start3A_308 = tpu.memref_squeeze %dma_start3A_307 : memref<1x1x64xf32, #tpu.memory_space<vmem>> -> memref<1x64xf32, #tpu.memory_space<vmem>>
    %dma_start3A_309 = arith.constant 0 : i32
    %dma_start3A_310 = tpu.memref_slice %arg2[%squeeze3A_294, %dma_start3A_309] : memref<1000000x64xf32, #tpu.memory_space<hbm>> -> memref<1x64xf32, #tpu.memory_space<hbm>>
    tpu.enqueue_dma source(%dma_start3A_310 : memref<1x64xf32, #tpu.memory_space<hbm>>) target(%dma_start3A_308 : memref<1x64xf32, #tpu.memory_space<vmem>>) target_semaphore(%dma_start3A_304 : memref<!tpu.dma_semaphore, #tpu.memory_space<semaphore_mem>>)
    %slice3A_311 = vector.extract_strided_slice %get3A_238 {offsets = [12], sizes = [1], strides = [1]} : vector<16xi32> to vector<1xi32>
    %squeeze3A_312 = vector.extract %slice3A_311[0] : i32 from vector<1xi32>
    %dma_start3A_313 = arith.constant 1 : i32
    %dma_start3A_314 = arith.constant 1 : i32
    %dma_start3A_315 = arith.constant 196 : i32
    %dma_start3A_316 = arith.constant 0 : i32
    %dma_start3A_317 = tpu.memref_slice %arg8[%dma_start3A_313, %dma_start3A_315, %dma_start3A_316] : memref<2x200x64xf32, #tpu.memory_space<vmem>> -> memref<1x1x64xf32, #tpu.memory_space<vmem>>
    %dma_start3A_318 = tpu.memref_squeeze %dma_start3A_317 : memref<1x1x64xf32, #tpu.memory_space<vmem>> -> memref<1x64xf32, #tpu.memory_space<vmem>>
    %dma_start3A_319 = arith.constant 0 : i32
    %dma_start3A_320 = tpu.memref_slice %arg2[%squeeze3A_312, %dma_start3A_319] : memref<1000000x64xf32, #tpu.memory_space<hbm>> -> memref<1x64xf32, #tpu.memory_space<hbm>>
    %dma_start3A_321 = tpu.memref_slice %arg11[%dma_start3A_314] : memref<2x!tpu.dma_semaphore, #tpu.memory_space<semaphore_mem>> -> memref<1x!tpu.dma_semaphore, #tpu.memory_space<semaphore_mem>>
    %dma_start3A_322 = tpu.memref_squeeze %dma_start3A_321 : memref<1x!tpu.dma_semaphore, #tpu.memory_space<semaphore_mem>> -> memref<!tpu.dma_semaphore, #tpu.memory_space<semaphore_mem>>
    %dma_start3A_323 = arith.constant 196 : i32
    %dma_start3A_324 = arith.constant 0 : i32
    %dma_start3A_325 = tpu.memref_slice %arg8[%dma_start3A_313, %dma_start3A_323, %dma_start3A_324] : memref<2x200x64xf32, #tpu.memory_space<vmem>> -> memref<1x1x64xf32, #tpu.memory_space<vmem>>
    %dma_start3A_326 = tpu.memref_squeeze %dma_start3A_325 : memref<1x1x64xf32, #tpu.memory_space<vmem>> -> memref<1x64xf32, #tpu.memory_space<vmem>>
    %dma_start3A_327 = arith.constant 0 : i32
    %dma_start3A_328 = tpu.memref_slice %arg2[%squeeze3A_312, %dma_start3A_327] : memref<1000000x64xf32, #tpu.memory_space<hbm>> -> memref<1x64xf32, #tpu.memory_space<hbm>>
    tpu.enqueue_dma source(%dma_start3A_328 : memref<1x64xf32, #tpu.memory_space<hbm>>) target(%dma_start3A_326 : memref<1x64xf32, #tpu.memory_space<vmem>>) target_semaphore(%dma_start3A_322 : memref<!tpu.dma_semaphore, #tpu.memory_space<semaphore_mem>>)
    %slice3A_329 = vector.extract_strided_slice %get3A_238 {offsets = [13], sizes = [1], strides = [1]} : vector<16xi32> to vector<1xi32>
    %squeeze3A_330 = vector.extract %slice3A_329[0] : i32 from vector<1xi32>
    %dma_start3A_331 = arith.constant 1 : i32
    %dma_start3A_332 = arith.constant 1 : i32
    %dma_start3A_333 = arith.constant 197 : i32
    %dma_start3A_334 = arith.constant 0 : i32
    %dma_start3A_335 = tpu.memref_slice %arg8[%dma_start3A_331, %dma_start3A_333, %dma_start3A_334] : memref<2x200x64xf32, #tpu.memory_space<vmem>> -> memref<1x1x64xf32, #tpu.memory_space<vmem>>
    %dma_start3A_336 = tpu.memref_squeeze %dma_start3A_335 : memref<1x1x64xf32, #tpu.memory_space<vmem>> -> memref<1x64xf32, #tpu.memory_space<vmem>>
    %dma_start3A_337 = arith.constant 0 : i32
    %dma_start3A_338 = tpu.memref_slice %arg2[%squeeze3A_330, %dma_start3A_337] : memref<1000000x64xf32, #tpu.memory_space<hbm>> -> memref<1x64xf32, #tpu.memory_space<hbm>>
    %dma_start3A_339 = tpu.memref_slice %arg11[%dma_start3A_332] : memref<2x!tpu.dma_semaphore, #tpu.memory_space<semaphore_mem>> -> memref<1x!tpu.dma_semaphore, #tpu.memory_space<semaphore_mem>>
    %dma_start3A_340 = tpu.memref_squeeze %dma_start3A_339 : memref<1x!tpu.dma_semaphore, #tpu.memory_space<semaphore_mem>> -> memref<!tpu.dma_semaphore, #tpu.memory_space<semaphore_mem>>
    %dma_start3A_341 = arith.constant 197 : i32
    %dma_start3A_342 = arith.constant 0 : i32
    %dma_start3A_343 = tpu.memref_slice %arg8[%dma_start3A_331, %dma_start3A_341, %dma_start3A_342] : memref<2x200x64xf32, #tpu.memory_space<vmem>> -> memref<1x1x64xf32, #tpu.memory_space<vmem>>
    %dma_start3A_344 = tpu.memref_squeeze %dma_start3A_343 : memref<1x1x64xf32, #tpu.memory_space<vmem>> -> memref<1x64xf32, #tpu.memory_space<vmem>>
    %dma_start3A_345 = arith.constant 0 : i32
    %dma_start3A_346 = tpu.memref_slice %arg2[%squeeze3A_330, %dma_start3A_345] : memref<1000000x64xf32, #tpu.memory_space<hbm>> -> memref<1x64xf32, #tpu.memory_space<hbm>>
    tpu.enqueue_dma source(%dma_start3A_346 : memref<1x64xf32, #tpu.memory_space<hbm>>) target(%dma_start3A_344 : memref<1x64xf32, #tpu.memory_space<vmem>>) target_semaphore(%dma_start3A_340 : memref<!tpu.dma_semaphore, #tpu.memory_space<semaphore_mem>>)
    %slice3A_347 = vector.extract_strided_slice %get3A_238 {offsets = [14], sizes = [1], strides = [1]} : vector<16xi32> to vector<1xi32>
    %squeeze3A_348 = vector.extract %slice3A_347[0] : i32 from vector<1xi32>
    %dma_start3A_349 = arith.constant 1 : i32
    %dma_start3A_350 = arith.constant 1 : i32
    %dma_start3A_351 = arith.constant 198 : i32
    %dma_start3A_352 = arith.constant 0 : i32
    %dma_start3A_353 = tpu.memref_slice %arg8[%dma_start3A_349, %dma_start3A_351, %dma_start3A_352] : memref<2x200x64xf32, #tpu.memory_space<vmem>> -> memref<1x1x64xf32, #tpu.memory_space<vmem>>
    %dma_start3A_354 = tpu.memref_squeeze %dma_start3A_353 : memref<1x1x64xf32, #tpu.memory_space<vmem>> -> memref<1x64xf32, #tpu.memory_space<vmem>>
    %dma_start3A_355 = arith.constant 0 : i32
    %dma_start3A_356 = tpu.memref_slice %arg2[%squeeze3A_348, %dma_start3A_355] : memref<1000000x64xf32, #tpu.memory_space<hbm>> -> memref<1x64xf32, #tpu.memory_space<hbm>>
    %dma_start3A_357 = tpu.memref_slice %arg11[%dma_start3A_350] : memref<2x!tpu.dma_semaphore, #tpu.memory_space<semaphore_mem>> -> memref<1x!tpu.dma_semaphore, #tpu.memory_space<semaphore_mem>>
    %dma_start3A_358 = tpu.memref_squeeze %dma_start3A_357 : memref<1x!tpu.dma_semaphore, #tpu.memory_space<semaphore_mem>> -> memref<!tpu.dma_semaphore, #tpu.memory_space<semaphore_mem>>
    %dma_start3A_359 = arith.constant 198 : i32
    %dma_start3A_360 = arith.constant 0 : i32
    %dma_start3A_361 = tpu.memref_slice %arg8[%dma_start3A_349, %dma_start3A_359, %dma_start3A_360] : memref<2x200x64xf32, #tpu.memory_space<vmem>> -> memref<1x1x64xf32, #tpu.memory_space<vmem>>
    %dma_start3A_362 = tpu.memref_squeeze %dma_start3A_361 : memref<1x1x64xf32, #tpu.memory_space<vmem>> -> memref<1x64xf32, #tpu.memory_space<vmem>>
    %dma_start3A_363 = arith.constant 0 : i32
    %dma_start3A_364 = tpu.memref_slice %arg2[%squeeze3A_348, %dma_start3A_363] : memref<1000000x64xf32, #tpu.memory_space<hbm>> -> memref<1x64xf32, #tpu.memory_space<hbm>>
    tpu.enqueue_dma source(%dma_start3A_364 : memref<1x64xf32, #tpu.memory_space<hbm>>) target(%dma_start3A_362 : memref<1x64xf32, #tpu.memory_space<vmem>>) target_semaphore(%dma_start3A_358 : memref<!tpu.dma_semaphore, #tpu.memory_space<semaphore_mem>>)
    %slice3A_365 = vector.extract_strided_slice %get3A_238 {offsets = [15], sizes = [1], strides = [1]} : vector<16xi32> to vector<1xi32>
    %squeeze3A_366 = vector.extract %slice3A_365[0] : i32 from vector<1xi32>
    %dma_start3A_367 = arith.constant 1 : i32
    %dma_start3A_368 = arith.constant 1 : i32
    %dma_start3A_369 = arith.constant 199 : i32
    %dma_start3A_370 = arith.constant 0 : i32
    %dma_start3A_371 = tpu.memref_slice %arg8[%dma_start3A_367, %dma_start3A_369, %dma_start3A_370] : memref<2x200x64xf32, #tpu.memory_space<vmem>> -> memref<1x1x64xf32, #tpu.memory_space<vmem>>
    %dma_start3A_372 = tpu.memref_squeeze %dma_start3A_371 : memref<1x1x64xf32, #tpu.memory_space<vmem>> -> memref<1x64xf32, #tpu.memory_space<vmem>>
    %dma_start3A_373 = arith.constant 0 : i32
    %dma_start3A_374 = tpu.memref_slice %arg2[%squeeze3A_366, %dma_start3A_373] : memref<1000000x64xf32, #tpu.memory_space<hbm>> -> memref<1x64xf32, #tpu.memory_space<hbm>>
    %dma_start3A_375 = tpu.memref_slice %arg11[%dma_start3A_368] : memref<2x!tpu.dma_semaphore, #tpu.memory_space<semaphore_mem>> -> memref<1x!tpu.dma_semaphore, #tpu.memory_space<semaphore_mem>>
    %dma_start3A_376 = tpu.memref_squeeze %dma_start3A_375 : memref<1x!tpu.dma_semaphore, #tpu.memory_space<semaphore_mem>> -> memref<!tpu.dma_semaphore, #tpu.memory_space<semaphore_mem>>
    %dma_start3A_377 = arith.constant 199 : i32
    %dma_start3A_378 = arith.constant 0 : i32
    %dma_start3A_379 = tpu.memref_slice %arg8[%dma_start3A_367, %dma_start3A_377, %dma_start3A_378] : memref<2x200x64xf32, #tpu.memory_space<vmem>> -> memref<1x1x64xf32, #tpu.memory_space<vmem>>
    %dma_start3A_380 = tpu.memref_squeeze %dma_start3A_379 : memref<1x1x64xf32, #tpu.memory_space<vmem>> -> memref<1x64xf32, #tpu.memory_space<vmem>>
    %dma_start3A_381 = arith.constant 0 : i32
    %dma_start3A_382 = tpu.memref_slice %arg2[%squeeze3A_366, %dma_start3A_381] : memref<1000000x64xf32, #tpu.memory_space<hbm>> -> memref<1x64xf32, #tpu.memory_space<hbm>>
    tpu.enqueue_dma source(%dma_start3A_382 : memref<1x64xf32, #tpu.memory_space<hbm>>) target(%dma_start3A_380 : memref<1x64xf32, #tpu.memory_space<vmem>>) target_semaphore(%dma_start3A_376 : memref<!tpu.dma_semaphore, #tpu.memory_space<semaphore_mem>>)
    %scan3A_383 = arith.constant 0 : i32
    %scan3A_384 = arith.constant 0 : i32
    %scan3A_385 = arith.constant 64 : i32
    %scan3A_386 = arith.addi %scan3A_384, %scan3A_385 : i32
    %scan3A_387 = arith.constant 1 : i32
    scf.for %scan3A_429 = %scan3A_384 to %scan3A_386 step %scan3A_387  : i32 {
      %mul3A_430 = arith.constant 2 : i32
      %mul3A_431 = arith.muli %scan3A_429, %mul3A_430 : i32
      %add3A_432 = arith.constant 0 : i32
      %add3A_433 = arith.addi %mul3A_431, %add3A_432 : i32
      %dma_wait3A_434 = arith.constant 0 : i32
      %dma_wait3A_435 = arith.constant 0 : i32
      %dma_wait3A_436 = arith.constant 0 : i32
      %dma_wait3A_437 = arith.constant 0 : i32
      %dma_wait3A_438 = tpu.memref_slice %arg8[%dma_wait3A_434, %dma_wait3A_436, %dma_wait3A_437] : memref<2x200x64xf32, #tpu.memory_space<vmem>> -> memref<1x200x64xf32, #tpu.memory_space<vmem>>
      %dma_wait3A_439 = tpu.memref_squeeze %dma_wait3A_438 : memref<1x200x64xf32, #tpu.memory_space<vmem>> -> memref<200x64xf32, #tpu.memory_space<vmem>>
      %dma_wait3A_440 = arith.constant 0 : i32
      %dma_wait3A_441 = arith.constant 0 : i32
      %dma_wait3A_442 = tpu.memref_slice %arg2[%dma_wait3A_440, %dma_wait3A_441] : memref<1000000x64xf32, #tpu.memory_space<hbm>> -> memref<200x64xf32, #tpu.memory_space<hbm>>
      %dma_wait3A_443 = tpu.memref_slice %arg11[%dma_wait3A_435] : memref<2x!tpu.dma_semaphore, #tpu.memory_space<semaphore_mem>> -> memref<1x!tpu.dma_semaphore, #tpu.memory_space<semaphore_mem>>
      %dma_wait3A_444 = tpu.memref_squeeze %dma_wait3A_443 : memref<1x!tpu.dma_semaphore, #tpu.memory_space<semaphore_mem>> -> memref<!tpu.dma_semaphore, #tpu.memory_space<semaphore_mem>>
      %dma_wait3A_445 = arith.constant 0 : i32
      %dma_wait3A_446 = arith.constant 0 : i32
      %dma_wait3A_447 = tpu.memref_slice %arg8[%dma_wait3A_434, %dma_wait3A_445, %dma_wait3A_446] : memref<2x200x64xf32, #tpu.memory_space<vmem>> -> memref<1x200x64xf32, #tpu.memory_space<vmem>>
      %dma_wait3A_448 = tpu.memref_squeeze %dma_wait3A_447 : memref<1x200x64xf32, #tpu.memory_space<vmem>> -> memref<200x64xf32, #tpu.memory_space<vmem>>
      %dma_wait3A_449 = arith.constant 0 : i32
      %dma_wait3A_450 = arith.constant 0 : i32
      %dma_wait3A_451 = tpu.memref_slice %arg2[%dma_wait3A_449, %dma_wait3A_450] : memref<1000000x64xf32, #tpu.memory_space<hbm>> -> memref<200x64xf32, #tpu.memory_space<hbm>>
      tpu.wait_dma2 semaphore(%dma_wait3A_444 : memref<!tpu.dma_semaphore, #tpu.memory_space<semaphore_mem>>) src(%dma_wait3A_451 : memref<200x64xf32, #tpu.memory_space<hbm>>) dst(%dma_wait3A_448 : memref<200x64xf32, #tpu.memory_space<vmem>>)
      %lt3A = arith.constant 63 : i32
      %lt3A_452 = arith.cmpi slt, %scan3A_429, %lt3A : i32
      %convert_element_type3A = arith.extui %lt3A_452 : i1 to i32
      %cond3A = arith.constant 0 : i32
      %cond3A_453 = arith.cmpi ne, %convert_element_type3A, %cond3A : i32
      scf.if %cond3A_453 {
        %add3A_550 = arith.constant 2 : i32
        %add3A_551 = arith.addi %add3A_433, %add3A_550 : i32
        %add3A_552 = arith.addi %mul3A_2, %add3A_551 : i32
        %dma_start3A_553 = arith.constant 0 : i32
        %dma_start3A_554 = arith.constant 0 : i32
        %dma_start3A_555 = arith.constant 0 : i32
        %dma_start3A_556 = arith.constant 0 : i32
        %dma_start3A_557 = tpu.memref_slice %arg6[%dma_start3A_553, %dma_start3A_555, %dma_start3A_556] : memref<2x1x200xi32, #tpu.memory_space<vmem>> -> memref<1x1x200xi32, #tpu.memory_space<vmem>>
        %dma_start3A_558 = tpu.memref_squeeze %dma_start3A_557 : memref<1x1x200xi32, #tpu.memory_space<vmem>> -> memref<1x200xi32, #tpu.memory_space<vmem>>
        %dma_start3A_559 = arith.constant 0 : i32
        %dma_start3A_560 = tpu.memref_slice %arg3[%add3A_552, %dma_start3A_559] : memref<4096x200xi32, #tpu.memory_space<hbm>> -> memref<1x200xi32, #tpu.memory_space<hbm>>
        %dma_start3A_561 = tpu.memref_slice %arg10[%dma_start3A_554] : memref<2x!tpu.dma_semaphore, #tpu.memory_space<semaphore_mem>> -> memref<1x!tpu.dma_semaphore, #tpu.memory_space<semaphore_mem>>
        %dma_start3A_562 = tpu.memref_squeeze %dma_start3A_561 : memref<1x!tpu.dma_semaphore, #tpu.memory_space<semaphore_mem>> -> memref<!tpu.dma_semaphore, #tpu.memory_space<semaphore_mem>>
        %dma_start3A_563 = arith.constant 0 : i32
        %dma_start3A_564 = arith.constant 0 : i32
        %dma_start3A_565 = tpu.memref_slice %arg6[%dma_start3A_553, %dma_start3A_563, %dma_start3A_564] : memref<2x1x200xi32, #tpu.memory_space<vmem>> -> memref<1x1x200xi32, #tpu.memory_space<vmem>>
        %dma_start3A_566 = tpu.memref_squeeze %dma_start3A_565 : memref<1x1x200xi32, #tpu.memory_space<vmem>> -> memref<1x200xi32, #tpu.memory_space<vmem>>
        %dma_start3A_567 = arith.constant 0 : i32
        %dma_start3A_568 = tpu.memref_slice %arg3[%add3A_552, %dma_start3A_567] : memref<4096x200xi32, #tpu.memory_space<hbm>> -> memref<1x200xi32, #tpu.memory_space<hbm>>
        tpu.enqueue_dma source(%dma_start3A_568 : memref<1x200xi32, #tpu.memory_space<hbm>>) target(%dma_start3A_566 : memref<1x200xi32, #tpu.memory_space<vmem>>) target_semaphore(%dma_start3A_562 : memref<!tpu.dma_semaphore, #tpu.memory_space<semaphore_mem>>)
      } else {
      }
      %gt3A = arith.constant 0 : i32
      %gt3A_454 = arith.cmpi sgt, %scan3A_429, %gt3A : i32
      %convert_element_type3A_455 = arith.extui %gt3A_454 : i1 to i32
      %cond3A_456 = arith.constant 0 : i32
      %cond3A_457 = arith.cmpi ne, %convert_element_type3A_455, %cond3A_456 : i32
      scf.if %cond3A_457 {
        %sub3A = arith.constant 2 : i32
        %sub3A_550 = arith.subi %add3A_433, %sub3A : i32
        %add3A_551 = arith.addi %mul3A_2, %sub3A_550 : i32
        %mul3A_552 = arith.constant 200 : i32
        %mul3A_553 = arith.muli %add3A_551, %mul3A_552 : i32
        %dma_wait3A_554 = arith.constant 0 : i32
        %dma_wait3A_555 = arith.constant 0 : i32
        %dma_wait3A_556 = arith.constant 0 : i32
        %dma_wait3A_557 = arith.constant 0 : i32
        %dma_wait3A_558 = tpu.memref_slice %arg9[%dma_wait3A_554, %dma_wait3A_556, %dma_wait3A_557] : memref<2x200x64xf32, #tpu.memory_space<vmem>> -> memref<1x200x64xf32, #tpu.memory_space<vmem>>
        %dma_wait3A_559 = tpu.memref_squeeze %dma_wait3A_558 : memref<1x200x64xf32, #tpu.memory_space<vmem>> -> memref<200x64xf32, #tpu.memory_space<vmem>>
        %dma_wait3A_560 = arith.constant 0 : i32
        %dma_wait3A_561 = tpu.memref_slice %arg5[%mul3A_553, %dma_wait3A_560] : memref<819200x64xf32, #tpu.memory_space<hbm>> -> memref<200x64xf32, #tpu.memory_space<hbm>>
        %dma_wait3A_562 = tpu.memref_slice %arg12[%dma_wait3A_555] : memref<2x!tpu.dma_semaphore, #tpu.memory_space<semaphore_mem>> -> memref<1x!tpu.dma_semaphore, #tpu.memory_space<semaphore_mem>>
        %dma_wait3A_563 = tpu.memref_squeeze %dma_wait3A_562 : memref<1x!tpu.dma_semaphore, #tpu.memory_space<semaphore_mem>> -> memref<!tpu.dma_semaphore, #tpu.memory_space<semaphore_mem>>
        %dma_wait3A_564 = arith.constant 0 : i32
        %dma_wait3A_565 = tpu.memref_slice %arg5[%mul3A_553, %dma_wait3A_564] : memref<819200x64xf32, #tpu.memory_space<hbm>> -> memref<200x64xf32, #tpu.memory_space<hbm>>
        %dma_wait3A_566 = arith.constant 0 : i32
        %dma_wait3A_567 = arith.constant 0 : i32
        %dma_wait3A_568 = tpu.memref_slice %arg9[%dma_wait3A_554, %dma_wait3A_566, %dma_wait3A_567] : memref<2x200x64xf32, #tpu.memory_space<vmem>> -> memref<1x200x64xf32, #tpu.memory_space<vmem>>
        %dma_wait3A_569 = tpu.memref_squeeze %dma_wait3A_568 : memref<1x200x64xf32, #tpu.memory_space<vmem>> -> memref<200x64xf32, #tpu.memory_space<vmem>>
        tpu.wait_dma2 semaphore(%dma_wait3A_563 : memref<!tpu.dma_semaphore, #tpu.memory_space<semaphore_mem>>) src(%dma_wait3A_569 : memref<200x64xf32, #tpu.memory_space<vmem>>) dst(%dma_wait3A_565 : memref<200x64xf32, #tpu.memory_space<hbm>>)
      } else {
      }
      %scan3A_458 = arith.constant 0 : i32
      %scan3A_459 = arith.constant 0 : i32
      %scan3A_460 = arith.constant 200 : i32
      %scan3A_461 = arith.addi %scan3A_459, %scan3A_460 : i32
      %scan3A_462 = arith.constant 4 : i32
      scf.for %scan3A_550 = %scan3A_459 to %scan3A_461 step %scan3A_462  : i32 {
        %get3A_551 = arith.constant 0 : i32
        %get3A_552 = arith.index_cast %get3A_551 : i32 to index
        %get3A_553 = arith.index_cast %scan3A_550 : i32 to index
        %get3A_554 = arith.constant 0 : index
        %get3A_555 = tpu.vector_load %arg8[%get3A_552, %get3A_553, %get3A_554] {strides = array<i32>} : memref<2x200x64xf32, #tpu.memory_space<vmem>>, vector<1x1x16xf32>,
        %get3A_556 = vector.shape_cast %get3A_555 : vector<1x1x16xf32> to vector<16xf32>
        %mul3A_557 = arith.constant 8.000000e+00 : f32
        %mul3A_558 = vector.broadcast %mul3A_557 : f32 to vector<16xf32>
        %mul3A_559 = arith.mulf %get3A_556, %mul3A_558 : vector<16xf32>
        %get3A_560 = arith.index_cast %scan3A_550 : i32 to index
        %get3A_561 = arith.constant 0 : index
        %get3A_562 = tpu.vector_load %arg7[%get3A_560, %get3A_561] {strides = array<i32>} : memref<200x64xf32, #tpu.memory_space<vmem>>, vector<1x16xf32>,
        %get3A_563 = vector.shape_cast %get3A_562 : vector<1x16xf32> to vector<16xf32>
        %add3A_564 = arith.addf %mul3A_559, %get3A_563 : vector<16xf32>
        %swap3A = arith.constant 0 : i32
        %swap3A_565 = arith.index_cast %swap3A : i32 to index
        %swap3A_566 = arith.index_cast %scan3A_550 : i32 to index
        %swap3A_567 = arith.constant 0 : index
        %swap3A_568 = tpu.vector_load %arg9[%swap3A_565, %swap3A_566, %swap3A_567] {strides = array<i32>} : memref<2x200x64xf32, #tpu.memory_space<vmem>>, vector<1x1x16xf32>,
        %swap3A_569 = vector.shape_cast %swap3A_568 : vector<1x1x16xf32> to vector<16xf32>
        %swap3A_570 = vector.shape_cast %add3A_564 : vector<16xf32> to vector<1x1x16xf32>
        tpu.vector_store %arg9[%swap3A_565, %swap3A_566, %swap3A_567], %swap3A_570 {strides = array<i32>} : memref<2x200x64xf32, #tpu.memory_space<vmem>>, vector<1x1x16xf32>,
        %get3A_571 = arith.constant 0 : i32
        %get3A_572 = arith.index_cast %get3A_571 : i32 to index
        %get3A_573 = arith.index_cast %scan3A_550 : i32 to index
        %get3A_574 = arith.constant 16 : index
        %get3A_575 = tpu.vector_load %arg8[%get3A_572, %get3A_573, %get3A_574] {strides = array<i32>} : memref<2x200x64xf32, #tpu.memory_space<vmem>>, vector<1x1x16xf32>,
        %get3A_576 = vector.shape_cast %get3A_575 : vector<1x1x16xf32> to vector<16xf32>
        %mul3A_577 = arith.constant 8.000000e+00 : f32
        %mul3A_578 = vector.broadcast %mul3A_577 : f32 to vector<16xf32>
        %mul3A_579 = arith.mulf %get3A_576, %mul3A_578 : vector<16xf32>
        %get3A_580 = arith.index_cast %scan3A_550 : i32 to index
        %get3A_581 = arith.constant 16 : index
        %get3A_582 = tpu.vector_load %arg7[%get3A_580, %get3A_581] {strides = array<i32>} : memref<200x64xf32, #tpu.memory_space<vmem>>, vector<1x16xf32>,
        %get3A_583 = vector.shape_cast %get3A_582 : vector<1x16xf32> to vector<16xf32>
        %add3A_584 = arith.addf %mul3A_579, %get3A_583 : vector<16xf32>
        %swap3A_585 = arith.constant 0 : i32
        %swap3A_586 = arith.index_cast %swap3A_585 : i32 to index
        %swap3A_587 = arith.index_cast %scan3A_550 : i32 to index
        %swap3A_588 = arith.constant 16 : index
        %swap3A_589 = tpu.vector_load %arg9[%swap3A_586, %swap3A_587, %swap3A_588] {strides = array<i32>} : memref<2x200x64xf32, #tpu.memory_space<vmem>>, vector<1x1x16xf32>,
        %swap3A_590 = vector.shape_cast %swap3A_589 : vector<1x1x16xf32> to vector<16xf32>
        %swap3A_591 = vector.shape_cast %add3A_584 : vector<16xf32> to vector<1x1x16xf32>
        tpu.vector_store %arg9[%swap3A_586, %swap3A_587, %swap3A_588], %swap3A_591 {strides = array<i32>} : memref<2x200x64xf32, #tpu.memory_space<vmem>>, vector<1x1x16xf32>,
        %get3A_592 = arith.constant 0 : i32
        %get3A_593 = arith.index_cast %get3A_592 : i32 to index
        %get3A_594 = arith.index_cast %scan3A_550 : i32 to index
        %get3A_595 = arith.constant 32 : index
        %get3A_596 = tpu.vector_load %arg8[%get3A_593, %get3A_594, %get3A_595] {strides = array<i32>} : memref<2x200x64xf32, #tpu.memory_space<vmem>>, vector<1x1x16xf32>,
        %get3A_597 = vector.shape_cast %get3A_596 : vector<1x1x16xf32> to vector<16xf32>
        %mul3A_598 = arith.constant 8.000000e+00 : f32
        %mul3A_599 = vector.broadcast %mul3A_598 : f32 to vector<16xf32>
        %mul3A_600 = arith.mulf %get3A_597, %mul3A_599 : vector<16xf32>
        %get3A_601 = arith.index_cast %scan3A_550 : i32 to index
        %get3A_602 = arith.constant 32 : index
        %get3A_603 = tpu.vector_load %arg7[%get3A_601, %get3A_602] {strides = array<i32>} : memref<200x64xf32, #tpu.memory_space<vmem>>, vector<1x16xf32>,
        %get3A_604 = vector.shape_cast %get3A_603 : vector<1x16xf32> to vector<16xf32>
        %add3A_605 = arith.addf %mul3A_600, %get3A_604 : vector<16xf32>
        %swap3A_606 = arith.constant 0 : i32
        %swap3A_607 = arith.index_cast %swap3A_606 : i32 to index
        %swap3A_608 = arith.index_cast %scan3A_550 : i32 to index
        %swap3A_609 = arith.constant 32 : index
        %swap3A_610 = tpu.vector_load %arg9[%swap3A_607, %swap3A_608, %swap3A_609] {strides = array<i32>} : memref<2x200x64xf32, #tpu.memory_space<vmem>>, vector<1x1x16xf32>,
        %swap3A_611 = vector.shape_cast %swap3A_610 : vector<1x1x16xf32> to vector<16xf32>
        %swap3A_612 = vector.shape_cast %add3A_605 : vector<16xf32> to vector<1x1x16xf32>
        tpu.vector_store %arg9[%swap3A_607, %swap3A_608, %swap3A_609], %swap3A_612 {strides = array<i32>} : memref<2x200x64xf32, #tpu.memory_space<vmem>>, vector<1x1x16xf32>,
        %get3A_613 = arith.constant 0 : i32
        %get3A_614 = arith.index_cast %get3A_613 : i32 to index
        %get3A_615 = arith.index_cast %scan3A_550 : i32 to index
        %get3A_616 = arith.constant 48 : index
        %get3A_617 = tpu.vector_load %arg8[%get3A_614, %get3A_615, %get3A_616] {strides = array<i32>} : memref<2x200x64xf32, #tpu.memory_space<vmem>>, vector<1x1x16xf32>,
        %get3A_618 = vector.shape_cast %get3A_617 : vector<1x1x16xf32> to vector<16xf32>
        %mul3A_619 = arith.constant 8.000000e+00 : f32
        %mul3A_620 = vector.broadcast %mul3A_619 : f32 to vector<16xf32>
        %mul3A_621 = arith.mulf %get3A_618, %mul3A_620 : vector<16xf32>
        %get3A_622 = arith.index_cast %scan3A_550 : i32 to index
        %get3A_623 = arith.constant 48 : index
        %get3A_624 = tpu.vector_load %arg7[%get3A_622, %get3A_623] {strides = array<i32>} : memref<200x64xf32, #tpu.memory_space<vmem>>, vector<1x16xf32>,
        %get3A_625 = vector.shape_cast %get3A_624 : vector<1x16xf32> to vector<16xf32>
        %add3A_626 = arith.addf %mul3A_621, %get3A_625 : vector<16xf32>
        %swap3A_627 = arith.constant 0 : i32
        %swap3A_628 = arith.index_cast %swap3A_627 : i32 to index
        %swap3A_629 = arith.index_cast %scan3A_550 : i32 to index
        %swap3A_630 = arith.constant 48 : index
        %swap3A_631 = tpu.vector_load %arg9[%swap3A_628, %swap3A_629, %swap3A_630] {strides = array<i32>} : memref<2x200x64xf32, #tpu.memory_space<vmem>>, vector<1x1x16xf32>,
        %swap3A_632 = vector.shape_cast %swap3A_631 : vector<1x1x16xf32> to vector<16xf32>
        %swap3A_633 = vector.shape_cast %add3A_626 : vector<16xf32> to vector<1x1x16xf32>
        tpu.vector_store %arg9[%swap3A_628, %swap3A_629, %swap3A_630], %swap3A_633 {strides = array<i32>} : memref<2x200x64xf32, #tpu.memory_space<vmem>>, vector<1x1x16xf32>,
        %scan3A_634 = arith.constant 1 : i32
        %scan3A_635 = arith.addi %scan3A_550, %scan3A_634 : i32
        %get3A_636 = arith.constant 0 : i32
        %get3A_637 = arith.index_cast %get3A_636 : i32 to index
        %get3A_638 = arith.index_cast %scan3A_635 : i32 to index
        %get3A_639 = arith.constant 0 : index
        %get3A_640 = tpu.vector_load %arg8[%get3A_637, %get3A_638, %get3A_639] {strides = array<i32>} : memref<2x200x64xf32, #tpu.memory_space<vmem>>, vector<1x1x16xf32>,
        %get3A_641 = vector.shape_cast %get3A_640 : vector<1x1x16xf32> to vector<16xf32>
        %mul3A_642 = arith.constant 8.000000e+00 : f32
        %mul3A_643 = vector.broadcast %mul3A_642 : f32 to vector<16xf32>
        %mul3A_644 = arith.mulf %get3A_641, %mul3A_643 : vector<16xf32>
        %get3A_645 = arith.index_cast %scan3A_635 : i32 to index
        %get3A_646 = arith.constant 0 : index
        %get3A_647 = tpu.vector_load %arg7[%get3A_645, %get3A_646] {strides = array<i32>} : memref<200x64xf32, #tpu.memory_space<vmem>>, vector<1x16xf32>,
        %get3A_648 = vector.shape_cast %get3A_647 : vector<1x16xf32> to vector<16xf32>
        %add3A_649 = arith.addf %mul3A_644, %get3A_648 : vector<16xf32>
        %swap3A_650 = arith.constant 0 : i32
        %swap3A_651 = arith.index_cast %swap3A_650 : i32 to index
        %swap3A_652 = arith.index_cast %scan3A_635 : i32 to index
        %swap3A_653 = arith.constant 0 : index
        %swap3A_654 = tpu.vector_load %arg9[%swap3A_651, %swap3A_652, %swap3A_653] {strides = array<i32>} : memref<2x200x64xf32, #tpu.memory_space<vmem>>, vector<1x1x16xf32>,
        %swap3A_655 = vector.shape_cast %swap3A_654 : vector<1x1x16xf32> to vector<16xf32>
        %swap3A_656 = vector.shape_cast %add3A_649 : vector<16xf32> to vector<1x1x16xf32>
        tpu.vector_store %arg9[%swap3A_651, %swap3A_652, %swap3A_653], %swap3A_656 {strides = array<i32>} : memref<2x200x64xf32, #tpu.memory_space<vmem>>, vector<1x1x16xf32>,
        %get3A_657 = arith.constant 0 : i32
        %get3A_658 = arith.index_cast %get3A_657 : i32 to index
        %get3A_659 = arith.index_cast %scan3A_635 : i32 to index
        %get3A_660 = arith.constant 16 : index
        %get3A_661 = tpu.vector_load %arg8[%get3A_658, %get3A_659, %get3A_660] {strides = array<i32>} : memref<2x200x64xf32, #tpu.memory_space<vmem>>, vector<1x1x16xf32>,
        %get3A_662 = vector.shape_cast %get3A_661 : vector<1x1x16xf32> to vector<16xf32>
        %mul3A_663 = arith.constant 8.000000e+00 : f32
        %mul3A_664 = vector.broadcast %mul3A_663 : f32 to vector<16xf32>
        %mul3A_665 = arith.mulf %get3A_662, %mul3A_664 : vector<16xf32>
        %get3A_666 = arith.index_cast %scan3A_635 : i32 to index
        %get3A_667 = arith.constant 16 : index
        %get3A_668 = tpu.vector_load %arg7[%get3A_666, %get3A_667] {strides = array<i32>} : memref<200x64xf32, #tpu.memory_space<vmem>>, vector<1x16xf32>,
        %get3A_669 = vector.shape_cast %get3A_668 : vector<1x16xf32> to vector<16xf32>
        %add3A_670 = arith.addf %mul3A_665, %get3A_669 : vector<16xf32>
        %swap3A_671 = arith.constant 0 : i32
        %swap3A_672 = arith.index_cast %swap3A_671 : i32 to index
        %swap3A_673 = arith.index_cast %scan3A_635 : i32 to index
        %swap3A_674 = arith.constant 16 : index
        %swap3A_675 = tpu.vector_load %arg9[%swap3A_672, %swap3A_673, %swap3A_674] {strides = array<i32>} : memref<2x200x64xf32, #tpu.memory_space<vmem>>, vector<1x1x16xf32>,
        %swap3A_676 = vector.shape_cast %swap3A_675 : vector<1x1x16xf32> to vector<16xf32>
        %swap3A_677 = vector.shape_cast %add3A_670 : vector<16xf32> to vector<1x1x16xf32>
        tpu.vector_store %arg9[%swap3A_672, %swap3A_673, %swap3A_674], %swap3A_677 {strides = array<i32>} : memref<2x200x64xf32, #tpu.memory_space<vmem>>, vector<1x1x16xf32>,
        %get3A_678 = arith.constant 0 : i32
        %get3A_679 = arith.index_cast %get3A_678 : i32 to index
        %get3A_680 = arith.index_cast %scan3A_635 : i32 to index
        %get3A_681 = arith.constant 32 : index
        %get3A_682 = tpu.vector_load %arg8[%get3A_679, %get3A_680, %get3A_681] {strides = array<i32>} : memref<2x200x64xf32, #tpu.memory_space<vmem>>, vector<1x1x16xf32>,
        %get3A_683 = vector.shape_cast %get3A_682 : vector<1x1x16xf32> to vector<16xf32>
        %mul3A_684 = arith.constant 8.000000e+00 : f32
        %mul3A_685 = vector.broadcast %mul3A_684 : f32 to vector<16xf32>
        %mul3A_686 = arith.mulf %get3A_683, %mul3A_685 : vector<16xf32>
        %get3A_687 = arith.index_cast %scan3A_635 : i32 to index
        %get3A_688 = arith.constant 32 : index
        %get3A_689 = tpu.vector_load %arg7[%get3A_687, %get3A_688] {strides = array<i32>} : memref<200x64xf32, #tpu.memory_space<vmem>>, vector<1x16xf32>,
        %get3A_690 = vector.shape_cast %get3A_689 : vector<1x16xf32> to vector<16xf32>
        %add3A_691 = arith.addf %mul3A_686, %get3A_690 : vector<16xf32>
        %swap3A_692 = arith.constant 0 : i32
        %swap3A_693 = arith.index_cast %swap3A_692 : i32 to index
        %swap3A_694 = arith.index_cast %scan3A_635 : i32 to index
        %swap3A_695 = arith.constant 32 : index
        %swap3A_696 = tpu.vector_load %arg9[%swap3A_693, %swap3A_694, %swap3A_695] {strides = array<i32>} : memref<2x200x64xf32, #tpu.memory_space<vmem>>, vector<1x1x16xf32>,
        %swap3A_697 = vector.shape_cast %swap3A_696 : vector<1x1x16xf32> to vector<16xf32>
        %swap3A_698 = vector.shape_cast %add3A_691 : vector<16xf32> to vector<1x1x16xf32>
        tpu.vector_store %arg9[%swap3A_693, %swap3A_694, %swap3A_695], %swap3A_698 {strides = array<i32>} : memref<2x200x64xf32, #tpu.memory_space<vmem>>, vector<1x1x16xf32>,
        %get3A_699 = arith.constant 0 : i32
        %get3A_700 = arith.index_cast %get3A_699 : i32 to index
        %get3A_701 = arith.index_cast %scan3A_635 : i32 to index
        %get3A_702 = arith.constant 48 : index
        %get3A_703 = tpu.vector_load %arg8[%get3A_700, %get3A_701, %get3A_702] {strides = array<i32>} : memref<2x200x64xf32, #tpu.memory_space<vmem>>, vector<1x1x16xf32>,
        %get3A_704 = vector.shape_cast %get3A_703 : vector<1x1x16xf32> to vector<16xf32>
        %mul3A_705 = arith.constant 8.000000e+00 : f32
        %mul3A_706 = vector.broadcast %mul3A_705 : f32 to vector<16xf32>
        %mul3A_707 = arith.mulf %get3A_704, %mul3A_706 : vector<16xf32>
        %get3A_708 = arith.index_cast %scan3A_635 : i32 to index
        %get3A_709 = arith.constant 48 : index
        %get3A_710 = tpu.vector_load %arg7[%get3A_708, %get3A_709] {strides = array<i32>} : memref<200x64xf32, #tpu.memory_space<vmem>>, vector<1x16xf32>,
        %get3A_711 = vector.shape_cast %get3A_710 : vector<1x16xf32> to vector<16xf32>
        %add3A_712 = arith.addf %mul3A_707, %get3A_711 : vector<16xf32>
        %swap3A_713 = arith.constant 0 : i32
        %swap3A_714 = arith.index_cast %swap3A_713 : i32 to index
        %swap3A_715 = arith.index_cast %scan3A_635 : i32 to index
        %swap3A_716 = arith.constant 48 : index
        %swap3A_717 = tpu.vector_load %arg9[%swap3A_714, %swap3A_715, %swap3A_716] {strides = array<i32>} : memref<2x200x64xf32, #tpu.memory_space<vmem>>, vector<1x1x16xf32>,
        %swap3A_718 = vector.shape_cast %swap3A_717 : vector<1x1x16xf32> to vector<16xf32>
        %swap3A_719 = vector.shape_cast %add3A_712 : vector<16xf32> to vector<1x1x16xf32>
        tpu.vector_store %arg9[%swap3A_714, %swap3A_715, %swap3A_716], %swap3A_719 {strides = array<i32>} : memref<2x200x64xf32, #tpu.memory_space<vmem>>, vector<1x1x16xf32>,
        %scan3A_720 = arith.constant 2 : i32
        %scan3A_721 = arith.addi %scan3A_550, %scan3A_720 : i32
        %get3A_722 = arith.constant 0 : i32
        %get3A_723 = arith.index_cast %get3A_722 : i32 to index
        %get3A_724 = arith.index_cast %scan3A_721 : i32 to index
        %get3A_725 = arith.constant 0 : index
        %get3A_726 = tpu.vector_load %arg8[%get3A_723, %get3A_724, %get3A_725] {strides = array<i32>} : memref<2x200x64xf32, #tpu.memory_space<vmem>>, vector<1x1x16xf32>,
        %get3A_727 = vector.shape_cast %get3A_726 : vector<1x1x16xf32> to vector<16xf32>
        %mul3A_728 = arith.constant 8.000000e+00 : f32
        %mul3A_729 = vector.broadcast %mul3A_728 : f32 to vector<16xf32>
        %mul3A_730 = arith.mulf %get3A_727, %mul3A_729 : vector<16xf32>
        %get3A_731 = arith.index_cast %scan3A_721 : i32 to index
        %get3A_732 = arith.constant 0 : index
        %get3A_733 = tpu.vector_load %arg7[%get3A_731, %get3A_732] {strides = array<i32>} : memref<200x64xf32, #tpu.memory_space<vmem>>, vector<1x16xf32>,
        %get3A_734 = vector.shape_cast %get3A_733 : vector<1x16xf32> to vector<16xf32>
        %add3A_735 = arith.addf %mul3A_730, %get3A_734 : vector<16xf32>
        %swap3A_736 = arith.constant 0 : i32
        %swap3A_737 = arith.index_cast %swap3A_736 : i32 to index
        %swap3A_738 = arith.index_cast %scan3A_721 : i32 to index
        %swap3A_739 = arith.constant 0 : index
        %swap3A_740 = tpu.vector_load %arg9[%swap3A_737, %swap3A_738, %swap3A_739] {strides = array<i32>} : memref<2x200x64xf32, #tpu.memory_space<vmem>>, vector<1x1x16xf32>,
        %swap3A_741 = vector.shape_cast %swap3A_740 : vector<1x1x16xf32> to vector<16xf32>
        %swap3A_742 = vector.shape_cast %add3A_735 : vector<16xf32> to vector<1x1x16xf32>
        tpu.vector_store %arg9[%swap3A_737, %swap3A_738, %swap3A_739], %swap3A_742 {strides = array<i32>} : memref<2x200x64xf32, #tpu.memory_space<vmem>>, vector<1x1x16xf32>,
        %get3A_743 = arith.constant 0 : i32
        %get3A_744 = arith.index_cast %get3A_743 : i32 to index
        %get3A_745 = arith.index_cast %scan3A_721 : i32 to index
        %get3A_746 = arith.constant 16 : index
        %get3A_747 = tpu.vector_load %arg8[%get3A_744, %get3A_745, %get3A_746] {strides = array<i32>} : memref<2x200x64xf32, #tpu.memory_space<vmem>>, vector<1x1x16xf32>,
        %get3A_748 = vector.shape_cast %get3A_747 : vector<1x1x16xf32> to vector<16xf32>
        %mul3A_749 = arith.constant 8.000000e+00 : f32
        %mul3A_750 = vector.broadcast %mul3A_749 : f32 to vector<16xf32>
        %mul3A_751 = arith.mulf %get3A_748, %mul3A_750 : vector<16xf32>
        %get3A_752 = arith.index_cast %scan3A_721 : i32 to index
        %get3A_753 = arith.constant 16 : index
        %get3A_754 = tpu.vector_load %arg7[%get3A_752, %get3A_753] {strides = array<i32>} : memref<200x64xf32, #tpu.memory_space<vmem>>, vector<1x16xf32>,
        %get3A_755 = vector.shape_cast %get3A_754 : vector<1x16xf32> to vector<16xf32>
        %add3A_756 = arith.addf %mul3A_751, %get3A_755 : vector<16xf32>
        %swap3A_757 = arith.constant 0 : i32
        %swap3A_758 = arith.index_cast %swap3A_757 : i32 to index
        %swap3A_759 = arith.index_cast %scan3A_721 : i32 to index
        %swap3A_760 = arith.constant 16 : index
        %swap3A_761 = tpu.vector_load %arg9[%swap3A_758, %swap3A_759, %swap3A_760] {strides = array<i32>} : memref<2x200x64xf32, #tpu.memory_space<vmem>>, vector<1x1x16xf32>,
        %swap3A_762 = vector.shape_cast %swap3A_761 : vector<1x1x16xf32> to vector<16xf32>
        %swap3A_763 = vector.shape_cast %add3A_756 : vector<16xf32> to vector<1x1x16xf32>
        tpu.vector_store %arg9[%swap3A_758, %swap3A_759, %swap3A_760], %swap3A_763 {strides = array<i32>} : memref<2x200x64xf32, #tpu.memory_space<vmem>>, vector<1x1x16xf32>,
        %get3A_764 = arith.constant 0 : i32
        %get3A_765 = arith.index_cast %get3A_764 : i32 to index
        %get3A_766 = arith.index_cast %scan3A_721 : i32 to index
        %get3A_767 = arith.constant 32 : index
        %get3A_768 = tpu.vector_load %arg8[%get3A_765, %get3A_766, %get3A_767] {strides = array<i32>} : memref<2x200x64xf32, #tpu.memory_space<vmem>>, vector<1x1x16xf32>,
        %get3A_769 = vector.shape_cast %get3A_768 : vector<1x1x16xf32> to vector<16xf32>
        %mul3A_770 = arith.constant 8.000000e+00 : f32
        %mul3A_771 = vector.broadcast %mul3A_770 : f32 to vector<16xf32>
        %mul3A_772 = arith.mulf %get3A_769, %mul3A_771 : vector<16xf32>
        %get3A_773 = arith.index_cast %scan3A_721 : i32 to index
        %get3A_774 = arith.constant 32 : index
        %get3A_775 = tpu.vector_load %arg7[%get3A_773, %get3A_774] {strides = array<i32>} : memref<200x64xf32, #tpu.memory_space<vmem>>, vector<1x16xf32>,
        %get3A_776 = vector.shape_cast %get3A_775 : vector<1x16xf32> to vector<16xf32>
        %add3A_777 = arith.addf %mul3A_772, %get3A_776 : vector<16xf32>
        %swap3A_778 = arith.constant 0 : i32
        %swap3A_779 = arith.index_cast %swap3A_778 : i32 to index
        %swap3A_780 = arith.index_cast %scan3A_721 : i32 to index
        %swap3A_781 = arith.constant 32 : index
        %swap3A_782 = tpu.vector_load %arg9[%swap3A_779, %swap3A_780, %swap3A_781] {strides = array<i32>} : memref<2x200x64xf32, #tpu.memory_space<vmem>>, vector<1x1x16xf32>,
        %swap3A_783 = vector.shape_cast %swap3A_782 : vector<1x1x16xf32> to vector<16xf32>
        %swap3A_784 = vector.shape_cast %add3A_777 : vector<16xf32> to vector<1x1x16xf32>
        tpu.vector_store %arg9[%swap3A_779, %swap3A_780, %swap3A_781], %swap3A_784 {strides = array<i32>} : memref<2x200x64xf32, #tpu.memory_space<vmem>>, vector<1x1x16xf32>,
        %get3A_785 = arith.constant 0 : i32
        %get3A_786 = arith.index_cast %get3A_785 : i32 to index
        %get3A_787 = arith.index_cast %scan3A_721 : i32 to index
        %get3A_788 = arith.constant 48 : index
        %get3A_789 = tpu.vector_load %arg8[%get3A_786, %get3A_787, %get3A_788] {strides = array<i32>} : memref<2x200x64xf32, #tpu.memory_space<vmem>>, vector<1x1x16xf32>,
        %get3A_790 = vector.shape_cast %get3A_789 : vector<1x1x16xf32> to vector<16xf32>
        %mul3A_791 = arith.constant 8.000000e+00 : f32
        %mul3A_792 = vector.broadcast %mul3A_791 : f32 to vector<16xf32>
        %mul3A_793 = arith.mulf %get3A_790, %mul3A_792 : vector<16xf32>
        %get3A_794 = arith.index_cast %scan3A_721 : i32 to index
        %get3A_795 = arith.constant 48 : index
        %get3A_796 = tpu.vector_load %arg7[%get3A_794, %get3A_795] {strides = array<i32>} : memref<200x64xf32, #tpu.memory_space<vmem>>, vector<1x16xf32>,
        %get3A_797 = vector.shape_cast %get3A_796 : vector<1x16xf32> to vector<16xf32>
        %add3A_798 = arith.addf %mul3A_793, %get3A_797 : vector<16xf32>
        %swap3A_799 = arith.constant 0 : i32
        %swap3A_800 = arith.index_cast %swap3A_799 : i32 to index
        %swap3A_801 = arith.index_cast %scan3A_721 : i32 to index
        %swap3A_802 = arith.constant 48 : index
        %swap3A_803 = tpu.vector_load %arg9[%swap3A_800, %swap3A_801, %swap3A_802] {strides = array<i32>} : memref<2x200x64xf32, #tpu.memory_space<vmem>>, vector<1x1x16xf32>,
        %swap3A_804 = vector.shape_cast %swap3A_803 : vector<1x1x16xf32> to vector<16xf32>
        %swap3A_805 = vector.shape_cast %add3A_798 : vector<16xf32> to vector<1x1x16xf32>
        tpu.vector_store %arg9[%swap3A_800, %swap3A_801, %swap3A_802], %swap3A_805 {strides = array<i32>} : memref<2x200x64xf32, #tpu.memory_space<vmem>>, vector<1x1x16xf32>,
        %scan3A_806 = arith.constant 3 : i32
        %scan3A_807 = arith.addi %scan3A_550, %scan3A_806 : i32
        %get3A_808 = arith.constant 0 : i32
        %get3A_809 = arith.index_cast %get3A_808 : i32 to index
        %get3A_810 = arith.index_cast %scan3A_807 : i32 to index
        %get3A_811 = arith.constant 0 : index
        %get3A_812 = tpu.vector_load %arg8[%get3A_809, %get3A_810, %get3A_811] {strides = array<i32>} : memref<2x200x64xf32, #tpu.memory_space<vmem>>, vector<1x1x16xf32>,
        %get3A_813 = vector.shape_cast %get3A_812 : vector<1x1x16xf32> to vector<16xf32>
        %mul3A_814 = arith.constant 8.000000e+00 : f32
        %mul3A_815 = vector.broadcast %mul3A_814 : f32 to vector<16xf32>
        %mul3A_816 = arith.mulf %get3A_813, %mul3A_815 : vector<16xf32>
        %get3A_817 = arith.index_cast %scan3A_807 : i32 to index
        %get3A_818 = arith.constant 0 : index
        %get3A_819 = tpu.vector_load %arg7[%get3A_817, %get3A_818] {strides = array<i32>} : memref<200x64xf32, #tpu.memory_space<vmem>>, vector<1x16xf32>,
        %get3A_820 = vector.shape_cast %get3A_819 : vector<1x16xf32> to vector<16xf32>
        %add3A_821 = arith.addf %mul3A_816, %get3A_820 : vector<16xf32>
        %swap3A_822 = arith.constant 0 : i32
        %swap3A_823 = arith.index_cast %swap3A_822 : i32 to index
        %swap3A_824 = arith.index_cast %scan3A_807 : i32 to index
        %swap3A_825 = arith.constant 0 : index
        %swap3A_826 = tpu.vector_load %arg9[%swap3A_823, %swap3A_824, %swap3A_825] {strides = array<i32>} : memref<2x200x64xf32, #tpu.memory_space<vmem>>, vector<1x1x16xf32>,
        %swap3A_827 = vector.shape_cast %swap3A_826 : vector<1x1x16xf32> to vector<16xf32>
        %swap3A_828 = vector.shape_cast %add3A_821 : vector<16xf32> to vector<1x1x16xf32>
        tpu.vector_store %arg9[%swap3A_823, %swap3A_824, %swap3A_825], %swap3A_828 {strides = array<i32>} : memref<2x200x64xf32, #tpu.memory_space<vmem>>, vector<1x1x16xf32>,
        %get3A_829 = arith.constant 0 : i32
        %get3A_830 = arith.index_cast %get3A_829 : i32 to index
        %get3A_831 = arith.index_cast %scan3A_807 : i32 to index
        %get3A_832 = arith.constant 16 : index
        %get3A_833 = tpu.vector_load %arg8[%get3A_830, %get3A_831, %get3A_832] {strides = array<i32>} : memref<2x200x64xf32, #tpu.memory_space<vmem>>, vector<1x1x16xf32>,
        %get3A_834 = vector.shape_cast %get3A_833 : vector<1x1x16xf32> to vector<16xf32>
        %mul3A_835 = arith.constant 8.000000e+00 : f32
        %mul3A_836 = vector.broadcast %mul3A_835 : f32 to vector<16xf32>
        %mul3A_837 = arith.mulf %get3A_834, %mul3A_836 : vector<16xf32>
        %get3A_838 = arith.index_cast %scan3A_807 : i32 to index
        %get3A_839 = arith.constant 16 : index
        %get3A_840 = tpu.vector_load %arg7[%get3A_838, %get3A_839] {strides = array<i32>} : memref<200x64xf32, #tpu.memory_space<vmem>>, vector<1x16xf32>,
        %get3A_841 = vector.shape_cast %get3A_840 : vector<1x16xf32> to vector<16xf32>
        %add3A_842 = arith.addf %mul3A_837, %get3A_841 : vector<16xf32>
        %swap3A_843 = arith.constant 0 : i32
        %swap3A_844 = arith.index_cast %swap3A_843 : i32 to index
        %swap3A_845 = arith.index_cast %scan3A_807 : i32 to index
        %swap3A_846 = arith.constant 16 : index
        %swap3A_847 = tpu.vector_load %arg9[%swap3A_844, %swap3A_845, %swap3A_846] {strides = array<i32>} : memref<2x200x64xf32, #tpu.memory_space<vmem>>, vector<1x1x16xf32>,
        %swap3A_848 = vector.shape_cast %swap3A_847 : vector<1x1x16xf32> to vector<16xf32>
        %swap3A_849 = vector.shape_cast %add3A_842 : vector<16xf32> to vector<1x1x16xf32>
        tpu.vector_store %arg9[%swap3A_844, %swap3A_845, %swap3A_846], %swap3A_849 {strides = array<i32>} : memref<2x200x64xf32, #tpu.memory_space<vmem>>, vector<1x1x16xf32>,
        %get3A_850 = arith.constant 0 : i32
        %get3A_851 = arith.index_cast %get3A_850 : i32 to index
        %get3A_852 = arith.index_cast %scan3A_807 : i32 to index
        %get3A_853 = arith.constant 32 : index
        %get3A_854 = tpu.vector_load %arg8[%get3A_851, %get3A_852, %get3A_853] {strides = array<i32>} : memref<2x200x64xf32, #tpu.memory_space<vmem>>, vector<1x1x16xf32>,
        %get3A_855 = vector.shape_cast %get3A_854 : vector<1x1x16xf32> to vector<16xf32>
        %mul3A_856 = arith.constant 8.000000e+00 : f32
        %mul3A_857 = vector.broadcast %mul3A_856 : f32 to vector<16xf32>
        %mul3A_858 = arith.mulf %get3A_855, %mul3A_857 : vector<16xf32>
        %get3A_859 = arith.index_cast %scan3A_807 : i32 to index
        %get3A_860 = arith.constant 32 : index
        %get3A_861 = tpu.vector_load %arg7[%get3A_859, %get3A_860] {strides = array<i32>} : memref<200x64xf32, #tpu.memory_space<vmem>>, vector<1x16xf32>,
        %get3A_862 = vector.shape_cast %get3A_861 : vector<1x16xf32> to vector<16xf32>
        %add3A_863 = arith.addf %mul3A_858, %get3A_862 : vector<16xf32>
        %swap3A_864 = arith.constant 0 : i32
        %swap3A_865 = arith.index_cast %swap3A_864 : i32 to index
        %swap3A_866 = arith.index_cast %scan3A_807 : i32 to index
        %swap3A_867 = arith.constant 32 : index
        %swap3A_868 = tpu.vector_load %arg9[%swap3A_865, %swap3A_866, %swap3A_867] {strides = array<i32>} : memref<2x200x64xf32, #tpu.memory_space<vmem>>, vector<1x1x16xf32>,
        %swap3A_869 = vector.shape_cast %swap3A_868 : vector<1x1x16xf32> to vector<16xf32>
        %swap3A_870 = vector.shape_cast %add3A_863 : vector<16xf32> to vector<1x1x16xf32>
        tpu.vector_store %arg9[%swap3A_865, %swap3A_866, %swap3A_867], %swap3A_870 {strides = array<i32>} : memref<2x200x64xf32, #tpu.memory_space<vmem>>, vector<1x1x16xf32>,
        %get3A_871 = arith.constant 0 : i32
        %get3A_872 = arith.index_cast %get3A_871 : i32 to index
        %get3A_873 = arith.index_cast %scan3A_807 : i32 to index
        %get3A_874 = arith.constant 48 : index
        %get3A_875 = tpu.vector_load %arg8[%get3A_872, %get3A_873, %get3A_874] {strides = array<i32>} : memref<2x200x64xf32, #tpu.memory_space<vmem>>, vector<1x1x16xf32>,
        %get3A_876 = vector.shape_cast %get3A_875 : vector<1x1x16xf32> to vector<16xf32>
        %mul3A_877 = arith.constant 8.000000e+00 : f32
        %mul3A_878 = vector.broadcast %mul3A_877 : f32 to vector<16xf32>
        %mul3A_879 = arith.mulf %get3A_876, %mul3A_878 : vector<16xf32>
        %get3A_880 = arith.index_cast %scan3A_807 : i32 to index
        %get3A_881 = arith.constant 48 : index
        %get3A_882 = tpu.vector_load %arg7[%get3A_880, %get3A_881] {strides = array<i32>} : memref<200x64xf32, #tpu.memory_space<vmem>>, vector<1x16xf32>,
        %get3A_883 = vector.shape_cast %get3A_882 : vector<1x16xf32> to vector<16xf32>
        %add3A_884 = arith.addf %mul3A_879, %get3A_883 : vector<16xf32>
        %swap3A_885 = arith.constant 0 : i32
        %swap3A_886 = arith.index_cast %swap3A_885 : i32 to index
        %swap3A_887 = arith.index_cast %scan3A_807 : i32 to index
        %swap3A_888 = arith.constant 48 : index
        %swap3A_889 = tpu.vector_load %arg9[%swap3A_886, %swap3A_887, %swap3A_888] {strides = array<i32>} : memref<2x200x64xf32, #tpu.memory_space<vmem>>, vector<1x1x16xf32>,
        %swap3A_890 = vector.shape_cast %swap3A_889 : vector<1x1x16xf32> to vector<16xf32>
        %swap3A_891 = vector.shape_cast %add3A_884 : vector<16xf32> to vector<1x1x16xf32>
        tpu.vector_store %arg9[%swap3A_886, %swap3A_887, %swap3A_888], %swap3A_891 {strides = array<i32>} : memref<2x200x64xf32, #tpu.memory_space<vmem>>, vector<1x1x16xf32>,
      }
      %scan3A_463 = arith.constant 200 : i32
      %add3A_464 = arith.addi %mul3A_2, %add3A_433 : i32
      %mul3A_465 = arith.constant 200 : i32
      %mul3A_466 = arith.muli %add3A_464, %mul3A_465 : i32
      %dma_start3A_467 = arith.constant 0 : i32
      %dma_start3A_468 = arith.constant 0 : i32
      %dma_start3A_469 = arith.constant 0 : i32
      %dma_start3A_470 = arith.constant 0 : i32
      %dma_start3A_471 = tpu.memref_slice %arg9[%dma_start3A_467, %dma_start3A_469, %dma_start3A_470] : memref<2x200x64xf32, #tpu.memory_space<vmem>> -> memref<1x200x64xf32, #tpu.memory_space<vmem>>
      %dma_start3A_472 = tpu.memref_squeeze %dma_start3A_471 : memref<1x200x64xf32, #tpu.memory_space<vmem>> -> memref<200x64xf32, #tpu.memory_space<vmem>>
      %dma_start3A_473 = arith.constant 0 : i32
      %dma_start3A_474 = tpu.memref_slice %arg5[%mul3A_466, %dma_start3A_473] : memref<819200x64xf32, #tpu.memory_space<hbm>> -> memref<200x64xf32, #tpu.memory_space<hbm>>
      %dma_start3A_475 = tpu.memref_slice %arg12[%dma_start3A_468] : memref<2x!tpu.dma_semaphore, #tpu.memory_space<semaphore_mem>> -> memref<1x!tpu.dma_semaphore, #tpu.memory_space<semaphore_mem>>
      %dma_start3A_476 = tpu.memref_squeeze %dma_start3A_475 : memref<1x!tpu.dma_semaphore, #tpu.memory_space<semaphore_mem>> -> memref<!tpu.dma_semaphore, #tpu.memory_space<semaphore_mem>>
      %dma_start3A_477 = arith.constant 0 : i32
      %dma_start3A_478 = tpu.memref_slice %arg5[%mul3A_466, %dma_start3A_477] : memref<819200x64xf32, #tpu.memory_space<hbm>> -> memref<200x64xf32, #tpu.memory_space<hbm>>
      %dma_start3A_479 = arith.constant 0 : i32
      %dma_start3A_480 = arith.constant 0 : i32
      %dma_start3A_481 = tpu.memref_slice %arg9[%dma_start3A_467, %dma_start3A_479, %dma_start3A_480] : memref<2x200x64xf32, #tpu.memory_space<vmem>> -> memref<1x200x64xf32, #tpu.memory_space<vmem>>
      %dma_start3A_482 = tpu.memref_squeeze %dma_start3A_481 : memref<1x200x64xf32, #tpu.memory_space<vmem>> -> memref<200x64xf32, #tpu.memory_space<vmem>>
      tpu.enqueue_dma source(%dma_start3A_482 : memref<200x64xf32, #tpu.memory_space<vmem>>) target(%dma_start3A_478 : memref<200x64xf32, #tpu.memory_space<hbm>>) target_semaphore(%dma_start3A_476 : memref<!tpu.dma_semaphore, #tpu.memory_space<semaphore_mem>>)
      %lt3A_483 = arith.constant 63 : i32
      %lt3A_484 = arith.cmpi slt, %scan3A_429, %lt3A_483 : i32
      %convert_element_type3A_485 = arith.extui %lt3A_484 : i1 to i32
      %cond3A_486 = arith.constant 0 : i32
      %cond3A_487 = arith.cmpi ne, %convert_element_type3A_485, %cond3A_486 : i32
      scf.if %cond3A_487 {
        %add3A_550 = arith.constant 2 : i32
        %add3A_551 = arith.addi %add3A_433, %add3A_550 : i32
        %add3A_552 = arith.addi %mul3A_2, %add3A_551 : i32
        %dma_wait3A_553 = arith.constant 0 : i32
        %dma_wait3A_554 = arith.constant 0 : i32
        %dma_wait3A_555 = arith.constant 0 : i32
        %dma_wait3A_556 = arith.constant 0 : i32
        %dma_wait3A_557 = tpu.memref_slice %arg6[%dma_wait3A_553, %dma_wait3A_555, %dma_wait3A_556] : memref<2x1x200xi32, #tpu.memory_space<vmem>> -> memref<1x1x200xi32, #tpu.memory_space<vmem>>
        %dma_wait3A_558 = tpu.memref_squeeze %dma_wait3A_557 : memref<1x1x200xi32, #tpu.memory_space<vmem>> -> memref<1x200xi32, #tpu.memory_space<vmem>>
        %dma_wait3A_559 = arith.constant 0 : i32
        %dma_wait3A_560 = tpu.memref_slice %arg3[%add3A_552, %dma_wait3A_559] : memref<4096x200xi32, #tpu.memory_space<hbm>> -> memref<1x200xi32, #tpu.memory_space<hbm>>
        %dma_wait3A_561 = tpu.memref_slice %arg10[%dma_wait3A_554] : memref<2x!tpu.dma_semaphore, #tpu.memory_space<semaphore_mem>> -> memref<1x!tpu.dma_semaphore, #tpu.memory_space<semaphore_mem>>
        %dma_wait3A_562 = tpu.memref_squeeze %dma_wait3A_561 : memref<1x!tpu.dma_semaphore, #tpu.memory_space<semaphore_mem>> -> memref<!tpu.dma_semaphore, #tpu.memory_space<semaphore_mem>>
        %dma_wait3A_563 = arith.constant 0 : i32
        %dma_wait3A_564 = arith.constant 0 : i32
        %dma_wait3A_565 = tpu.memref_slice %arg6[%dma_wait3A_553, %dma_wait3A_563, %dma_wait3A_564] : memref<2x1x200xi32, #tpu.memory_space<vmem>> -> memref<1x1x200xi32, #tpu.memory_space<vmem>>
        %dma_wait3A_566 = tpu.memref_squeeze %dma_wait3A_565 : memref<1x1x200xi32, #tpu.memory_space<vmem>> -> memref<1x200xi32, #tpu.memory_space<vmem>>
        %dma_wait3A_567 = arith.constant 0 : i32
        %dma_wait3A_568 = tpu.memref_slice %arg3[%add3A_552, %dma_wait3A_567] : memref<4096x200xi32, #tpu.memory_space<hbm>> -> memref<1x200xi32, #tpu.memory_space<hbm>>
        tpu.wait_dma2 semaphore(%dma_wait3A_562 : memref<!tpu.dma_semaphore, #tpu.memory_space<semaphore_mem>>) src(%dma_wait3A_568 : memref<1x200xi32, #tpu.memory_space<hbm>>) dst(%dma_wait3A_566 : memref<1x200xi32, #tpu.memory_space<vmem>>)
        %scan3A_569 = arith.constant 0 : i32
        %scan3A_570 = arith.constant 0 : i32
        %scan3A_571 = arith.constant 12 : i32
        %scan3A_572 = arith.addi %scan3A_570, %scan3A_571 : i32
        %scan3A_573 = arith.constant 1 : i32
        scf.for %scan3A_726 = %scan3A_570 to %scan3A_572 step %scan3A_573  : i32 {
          %mul3A_727 = arith.constant 16 : i32
          %mul3A_728 = arith.muli %scan3A_726, %mul3A_727 : i32
          %get3A_729 = arith.constant 0 : i32
          %get3A_730 = arith.constant 0 : i32
          %get3A_731 = arith.index_cast %get3A_729 : i32 to index
          %get3A_732 = arith.index_cast %get3A_730 : i32 to index
          %get3A_733 = arith.index_cast %mul3A_728 : i32 to index
          %get3A_734 = tpu.vector_load %arg6[%get3A_731, %get3A_732, %get3A_733] {strides = array<i32>} : memref<2x1x200xi32, #tpu.memory_space<vmem>>, vector<1x1x16xi32>,
          %get3A_735 = vector.shape_cast %get3A_734 : vector<1x1x16xi32> to vector<16xi32>
          %mul3A_736 = arith.constant 16 : i32
          %mul3A_737 = arith.muli %scan3A_726, %mul3A_736 : i32
          %add3A_738 = arith.constant 0 : i32
          %add3A_739 = arith.addi %mul3A_737, %add3A_738 : i32
          %slice3A_740 = vector.extract_strided_slice %get3A_735 {offsets = [0], sizes = [1], strides = [1]} : vector<16xi32> to vector<1xi32>
          %squeeze3A_741 = vector.extract %slice3A_740[0] : i32 from vector<1xi32>
          %dma_start3A_742 = arith.constant 0 : i32
          %dma_start3A_743 = arith.constant 0 : i32
          %dma_start3A_744 = arith.constant 0 : i32
          %dma_start3A_745 = tpu.memref_slice %arg8[%dma_start3A_742, %add3A_739, %dma_start3A_744] : memref<2x200x64xf32, #tpu.memory_space<vmem>> -> memref<1x1x64xf32, #tpu.memory_space<vmem>>
          %dma_start3A_746 = tpu.memref_squeeze %dma_start3A_745 : memref<1x1x64xf32, #tpu.memory_space<vmem>> -> memref<1x64xf32, #tpu.memory_space<vmem>>
          %dma_start3A_747 = arith.constant 0 : i32
          %dma_start3A_748 = tpu.memref_slice %arg2[%squeeze3A_741, %dma_start3A_747] : memref<1000000x64xf32, #tpu.memory_space<hbm>> -> memref<1x64xf32, #tpu.memory_space<hbm>>
          %dma_start3A_749 = tpu.memref_slice %arg11[%dma_start3A_743] : memref<2x!tpu.dma_semaphore, #tpu.memory_space<semaphore_mem>> -> memref<1x!tpu.dma_semaphore, #tpu.memory_space<semaphore_mem>>
          %dma_start3A_750 = tpu.memref_squeeze %dma_start3A_749 : memref<1x!tpu.dma_semaphore, #tpu.memory_space<semaphore_mem>> -> memref<!tpu.dma_semaphore, #tpu.memory_space<semaphore_mem>>
          %dma_start3A_751 = arith.constant 0 : i32
          %dma_start3A_752 = tpu.memref_slice %arg8[%dma_start3A_742, %add3A_739, %dma_start3A_751] : memref<2x200x64xf32, #tpu.memory_space<vmem>> -> memref<1x1x64xf32, #tpu.memory_space<vmem>>
          %dma_start3A_753 = tpu.memref_squeeze %dma_start3A_752 : memref<1x1x64xf32, #tpu.memory_space<vmem>> -> memref<1x64xf32, #tpu.memory_space<vmem>>
          %dma_start3A_754 = arith.constant 0 : i32
          %dma_start3A_755 = tpu.memref_slice %arg2[%squeeze3A_741, %dma_start3A_754] : memref<1000000x64xf32, #tpu.memory_space<hbm>> -> memref<1x64xf32, #tpu.memory_space<hbm>>
          tpu.enqueue_dma source(%dma_start3A_755 : memref<1x64xf32, #tpu.memory_space<hbm>>) target(%dma_start3A_753 : memref<1x64xf32, #tpu.memory_space<vmem>>) target_semaphore(%dma_start3A_750 : memref<!tpu.dma_semaphore, #tpu.memory_space<semaphore_mem>>)
          %mul3A_756 = arith.constant 16 : i32
          %mul3A_757 = arith.muli %scan3A_726, %mul3A_756 : i32
          %add3A_758 = arith.constant 1 : i32
          %add3A_759 = arith.addi %mul3A_757, %add3A_758 : i32
          %slice3A_760 = vector.extract_strided_slice %get3A_735 {offsets = [1], sizes = [1], strides = [1]} : vector<16xi32> to vector<1xi32>
          %squeeze3A_761 = vector.extract %slice3A_760[0] : i32 from vector<1xi32>
          %dma_start3A_762 = arith.constant 0 : i32
          %dma_start3A_763 = arith.constant 0 : i32
          %dma_start3A_764 = arith.constant 0 : i32
          %dma_start3A_765 = tpu.memref_slice %arg8[%dma_start3A_762, %add3A_759, %dma_start3A_764] : memref<2x200x64xf32, #tpu.memory_space<vmem>> -> memref<1x1x64xf32, #tpu.memory_space<vmem>>
          %dma_start3A_766 = tpu.memref_squeeze %dma_start3A_765 : memref<1x1x64xf32, #tpu.memory_space<vmem>> -> memref<1x64xf32, #tpu.memory_space<vmem>>
          %dma_start3A_767 = arith.constant 0 : i32
          %dma_start3A_768 = tpu.memref_slice %arg2[%squeeze3A_761, %dma_start3A_767] : memref<1000000x64xf32, #tpu.memory_space<hbm>> -> memref<1x64xf32, #tpu.memory_space<hbm>>
          %dma_start3A_769 = tpu.memref_slice %arg11[%dma_start3A_763] : memref<2x!tpu.dma_semaphore, #tpu.memory_space<semaphore_mem>> -> memref<1x!tpu.dma_semaphore, #tpu.memory_space<semaphore_mem>>
          %dma_start3A_770 = tpu.memref_squeeze %dma_start3A_769 : memref<1x!tpu.dma_semaphore, #tpu.memory_space<semaphore_mem>> -> memref<!tpu.dma_semaphore, #tpu.memory_space<semaphore_mem>>
          %dma_start3A_771 = arith.constant 0 : i32
          %dma_start3A_772 = tpu.memref_slice %arg8[%dma_start3A_762, %add3A_759, %dma_start3A_771] : memref<2x200x64xf32, #tpu.memory_space<vmem>> -> memref<1x1x64xf32, #tpu.memory_space<vmem>>
          %dma_start3A_773 = tpu.memref_squeeze %dma_start3A_772 : memref<1x1x64xf32, #tpu.memory_space<vmem>> -> memref<1x64xf32, #tpu.memory_space<vmem>>
          %dma_start3A_774 = arith.constant 0 : i32
          %dma_start3A_775 = tpu.memref_slice %arg2[%squeeze3A_761, %dma_start3A_774] : memref<1000000x64xf32, #tpu.memory_space<hbm>> -> memref<1x64xf32, #tpu.memory_space<hbm>>
          tpu.enqueue_dma source(%dma_start3A_775 : memref<1x64xf32, #tpu.memory_space<hbm>>) target(%dma_start3A_773 : memref<1x64xf32, #tpu.memory_space<vmem>>) target_semaphore(%dma_start3A_770 : memref<!tpu.dma_semaphore, #tpu.memory_space<semaphore_mem>>)
          %mul3A_776 = arith.constant 16 : i32
          %mul3A_777 = arith.muli %scan3A_726, %mul3A_776 : i32
          %add3A_778 = arith.constant 2 : i32
          %add3A_779 = arith.addi %mul3A_777, %add3A_778 : i32
          %slice3A_780 = vector.extract_strided_slice %get3A_735 {offsets = [2], sizes = [1], strides = [1]} : vector<16xi32> to vector<1xi32>
          %squeeze3A_781 = vector.extract %slice3A_780[0] : i32 from vector<1xi32>
          %dma_start3A_782 = arith.constant 0 : i32
          %dma_start3A_783 = arith.constant 0 : i32
          %dma_start3A_784 = arith.constant 0 : i32
          %dma_start3A_785 = tpu.memref_slice %arg8[%dma_start3A_782, %add3A_779, %dma_start3A_784] : memref<2x200x64xf32, #tpu.memory_space<vmem>> -> memref<1x1x64xf32, #tpu.memory_space<vmem>>
          %dma_start3A_786 = tpu.memref_squeeze %dma_start3A_785 : memref<1x1x64xf32, #tpu.memory_space<vmem>> -> memref<1x64xf32, #tpu.memory_space<vmem>>
          %dma_start3A_787 = arith.constant 0 : i32
          %dma_start3A_788 = tpu.memref_slice %arg2[%squeeze3A_781, %dma_start3A_787] : memref<1000000x64xf32, #tpu.memory_space<hbm>> -> memref<1x64xf32, #tpu.memory_space<hbm>>
          %dma_start3A_789 = tpu.memref_slice %arg11[%dma_start3A_783] : memref<2x!tpu.dma_semaphore, #tpu.memory_space<semaphore_mem>> -> memref<1x!tpu.dma_semaphore, #tpu.memory_space<semaphore_mem>>
          %dma_start3A_790 = tpu.memref_squeeze %dma_start3A_789 : memref<1x!tpu.dma_semaphore, #tpu.memory_space<semaphore_mem>> -> memref<!tpu.dma_semaphore, #tpu.memory_space<semaphore_mem>>
          %dma_start3A_791 = arith.constant 0 : i32
          %dma_start3A_792 = tpu.memref_slice %arg8[%dma_start3A_782, %add3A_779, %dma_start3A_791] : memref<2x200x64xf32, #tpu.memory_space<vmem>> -> memref<1x1x64xf32, #tpu.memory_space<vmem>>
          %dma_start3A_793 = tpu.memref_squeeze %dma_start3A_792 : memref<1x1x64xf32, #tpu.memory_space<vmem>> -> memref<1x64xf32, #tpu.memory_space<vmem>>
          %dma_start3A_794 = arith.constant 0 : i32
          %dma_start3A_795 = tpu.memref_slice %arg2[%squeeze3A_781, %dma_start3A_794] : memref<1000000x64xf32, #tpu.memory_space<hbm>> -> memref<1x64xf32, #tpu.memory_space<hbm>>
          tpu.enqueue_dma source(%dma_start3A_795 : memref<1x64xf32, #tpu.memory_space<hbm>>) target(%dma_start3A_793 : memref<1x64xf32, #tpu.memory_space<vmem>>) target_semaphore(%dma_start3A_790 : memref<!tpu.dma_semaphore, #tpu.memory_space<semaphore_mem>>)
          %mul3A_796 = arith.constant 16 : i32
          %mul3A_797 = arith.muli %scan3A_726, %mul3A_796 : i32
          %add3A_798 = arith.constant 3 : i32
          %add3A_799 = arith.addi %mul3A_797, %add3A_798 : i32
          %slice3A_800 = vector.extract_strided_slice %get3A_735 {offsets = [3], sizes = [1], strides = [1]} : vector<16xi32> to vector<1xi32>
          %squeeze3A_801 = vector.extract %slice3A_800[0] : i32 from vector<1xi32>
          %dma_start3A_802 = arith.constant 0 : i32
          %dma_start3A_803 = arith.constant 0 : i32
          %dma_start3A_804 = arith.constant 0 : i32
          %dma_start3A_805 = tpu.memref_slice %arg8[%dma_start3A_802, %add3A_799, %dma_start3A_804] : memref<2x200x64xf32, #tpu.memory_space<vmem>> -> memref<1x1x64xf32, #tpu.memory_space<vmem>>
          %dma_start3A_806 = tpu.memref_squeeze %dma_start3A_805 : memref<1x1x64xf32, #tpu.memory_space<vmem>> -> memref<1x64xf32, #tpu.memory_space<vmem>>
          %dma_start3A_807 = arith.constant 0 : i32
          %dma_start3A_808 = tpu.memref_slice %arg2[%squeeze3A_801, %dma_start3A_807] : memref<1000000x64xf32, #tpu.memory_space<hbm>> -> memref<1x64xf32, #tpu.memory_space<hbm>>
          %dma_start3A_809 = tpu.memref_slice %arg11[%dma_start3A_803] : memref<2x!tpu.dma_semaphore, #tpu.memory_space<semaphore_mem>> -> memref<1x!tpu.dma_semaphore, #tpu.memory_space<semaphore_mem>>
          %dma_start3A_810 = tpu.memref_squeeze %dma_start3A_809 : memref<1x!tpu.dma_semaphore, #tpu.memory_space<semaphore_mem>> -> memref<!tpu.dma_semaphore, #tpu.memory_space<semaphore_mem>>
          %dma_start3A_811 = arith.constant 0 : i32
          %dma_start3A_812 = tpu.memref_slice %arg8[%dma_start3A_802, %add3A_799, %dma_start3A_811] : memref<2x200x64xf32, #tpu.memory_space<vmem>> -> memref<1x1x64xf32, #tpu.memory_space<vmem>>
          %dma_start3A_813 = tpu.memref_squeeze %dma_start3A_812 : memref<1x1x64xf32, #tpu.memory_space<vmem>> -> memref<1x64xf32, #tpu.memory_space<vmem>>
          %dma_start3A_814 = arith.constant 0 : i32
          %dma_start3A_815 = tpu.memref_slice %arg2[%squeeze3A_801, %dma_start3A_814] : memref<1000000x64xf32, #tpu.memory_space<hbm>> -> memref<1x64xf32, #tpu.memory_space<hbm>>
          tpu.enqueue_dma source(%dma_start3A_815 : memref<1x64xf32, #tpu.memory_space<hbm>>) target(%dma_start3A_813 : memref<1x64xf32, #tpu.memory_space<vmem>>) target_semaphore(%dma_start3A_810 : memref<!tpu.dma_semaphore, #tpu.memory_space<semaphore_mem>>)
          %mul3A_816 = arith.constant 16 : i32
          %mul3A_817 = arith.muli %scan3A_726, %mul3A_816 : i32
          %add3A_818 = arith.constant 4 : i32
          %add3A_819 = arith.addi %mul3A_817, %add3A_818 : i32
          %slice3A_820 = vector.extract_strided_slice %get3A_735 {offsets = [4], sizes = [1], strides = [1]} : vector<16xi32> to vector<1xi32>
          %squeeze3A_821 = vector.extract %slice3A_820[0] : i32 from vector<1xi32>
          %dma_start3A_822 = arith.constant 0 : i32
          %dma_start3A_823 = arith.constant 0 : i32
          %dma_start3A_824 = arith.constant 0 : i32
          %dma_start3A_825 = tpu.memref_slice %arg8[%dma_start3A_822, %add3A_819, %dma_start3A_824] : memref<2x200x64xf32, #tpu.memory_space<vmem>> -> memref<1x1x64xf32, #tpu.memory_space<vmem>>
          %dma_start3A_826 = tpu.memref_squeeze %dma_start3A_825 : memref<1x1x64xf32, #tpu.memory_space<vmem>> -> memref<1x64xf32, #tpu.memory_space<vmem>>
          %dma_start3A_827 = arith.constant 0 : i32
          %dma_start3A_828 = tpu.memref_slice %arg2[%squeeze3A_821, %dma_start3A_827] : memref<1000000x64xf32, #tpu.memory_space<hbm>> -> memref<1x64xf32, #tpu.memory_space<hbm>>
          %dma_start3A_829 = tpu.memref_slice %arg11[%dma_start3A_823] : memref<2x!tpu.dma_semaphore, #tpu.memory_space<semaphore_mem>> -> memref<1x!tpu.dma_semaphore, #tpu.memory_space<semaphore_mem>>
          %dma_start3A_830 = tpu.memref_squeeze %dma_start3A_829 : memref<1x!tpu.dma_semaphore, #tpu.memory_space<semaphore_mem>> -> memref<!tpu.dma_semaphore, #tpu.memory_space<semaphore_mem>>
          %dma_start3A_831 = arith.constant 0 : i32
          %dma_start3A_832 = tpu.memref_slice %arg8[%dma_start3A_822, %add3A_819, %dma_start3A_831] : memref<2x200x64xf32, #tpu.memory_space<vmem>> -> memref<1x1x64xf32, #tpu.memory_space<vmem>>
          %dma_start3A_833 = tpu.memref_squeeze %dma_start3A_832 : memref<1x1x64xf32, #tpu.memory_space<vmem>> -> memref<1x64xf32, #tpu.memory_space<vmem>>
          %dma_start3A_834 = arith.constant 0 : i32
          %dma_start3A_835 = tpu.memref_slice %arg2[%squeeze3A_821, %dma_start3A_834] : memref<1000000x64xf32, #tpu.memory_space<hbm>> -> memref<1x64xf32, #tpu.memory_space<hbm>>
          tpu.enqueue_dma source(%dma_start3A_835 : memref<1x64xf32, #tpu.memory_space<hbm>>) target(%dma_start3A_833 : memref<1x64xf32, #tpu.memory_space<vmem>>) target_semaphore(%dma_start3A_830 : memref<!tpu.dma_semaphore, #tpu.memory_space<semaphore_mem>>)
          %mul3A_836 = arith.constant 16 : i32
          %mul3A_837 = arith.muli %scan3A_726, %mul3A_836 : i32
          %add3A_838 = arith.constant 5 : i32
          %add3A_839 = arith.addi %mul3A_837, %add3A_838 : i32
          %slice3A_840 = vector.extract_strided_slice %get3A_735 {offsets = [5], sizes = [1], strides = [1]} : vector<16xi32> to vector<1xi32>
          %squeeze3A_841 = vector.extract %slice3A_840[0] : i32 from vector<1xi32>
          %dma_start3A_842 = arith.constant 0 : i32
          %dma_start3A_843 = arith.constant 0 : i32
          %dma_start3A_844 = arith.constant 0 : i32
          %dma_start3A_845 = tpu.memref_slice %arg8[%dma_start3A_842, %add3A_839, %dma_start3A_844] : memref<2x200x64xf32, #tpu.memory_space<vmem>> -> memref<1x1x64xf32, #tpu.memory_space<vmem>>
          %dma_start3A_846 = tpu.memref_squeeze %dma_start3A_845 : memref<1x1x64xf32, #tpu.memory_space<vmem>> -> memref<1x64xf32, #tpu.memory_space<vmem>>
          %dma_start3A_847 = arith.constant 0 : i32
          %dma_start3A_848 = tpu.memref_slice %arg2[%squeeze3A_841, %dma_start3A_847] : memref<1000000x64xf32, #tpu.memory_space<hbm>> -> memref<1x64xf32, #tpu.memory_space<hbm>>
          %dma_start3A_849 = tpu.memref_slice %arg11[%dma_start3A_843] : memref<2x!tpu.dma_semaphore, #tpu.memory_space<semaphore_mem>> -> memref<1x!tpu.dma_semaphore, #tpu.memory_space<semaphore_mem>>
          %dma_start3A_850 = tpu.memref_squeeze %dma_start3A_849 : memref<1x!tpu.dma_semaphore, #tpu.memory_space<semaphore_mem>> -> memref<!tpu.dma_semaphore, #tpu.memory_space<semaphore_mem>>
          %dma_start3A_851 = arith.constant 0 : i32
          %dma_start3A_852 = tpu.memref_slice %arg8[%dma_start3A_842, %add3A_839, %dma_start3A_851] : memref<2x200x64xf32, #tpu.memory_space<vmem>> -> memref<1x1x64xf32, #tpu.memory_space<vmem>>
          %dma_start3A_853 = tpu.memref_squeeze %dma_start3A_852 : memref<1x1x64xf32, #tpu.memory_space<vmem>> -> memref<1x64xf32, #tpu.memory_space<vmem>>
          %dma_start3A_854 = arith.constant 0 : i32
          %dma_start3A_855 = tpu.memref_slice %arg2[%squeeze3A_841, %dma_start3A_854] : memref<1000000x64xf32, #tpu.memory_space<hbm>> -> memref<1x64xf32, #tpu.memory_space<hbm>>
          tpu.enqueue_dma source(%dma_start3A_855 : memref<1x64xf32, #tpu.memory_space<hbm>>) target(%dma_start3A_853 : memref<1x64xf32, #tpu.memory_space<vmem>>) target_semaphore(%dma_start3A_850 : memref<!tpu.dma_semaphore, #tpu.memory_space<semaphore_mem>>)
          %mul3A_856 = arith.constant 16 : i32
          %mul3A_857 = arith.muli %scan3A_726, %mul3A_856 : i32
          %add3A_858 = arith.constant 6 : i32
          %add3A_859 = arith.addi %mul3A_857, %add3A_858 : i32
          %slice3A_860 = vector.extract_strided_slice %get3A_735 {offsets = [6], sizes = [1], strides = [1]} : vector<16xi32> to vector<1xi32>
          %squeeze3A_861 = vector.extract %slice3A_860[0] : i32 from vector<1xi32>
          %dma_start3A_862 = arith.constant 0 : i32
          %dma_start3A_863 = arith.constant 0 : i32
          %dma_start3A_864 = arith.constant 0 : i32
          %dma_start3A_865 = tpu.memref_slice %arg8[%dma_start3A_862, %add3A_859, %dma_start3A_864] : memref<2x200x64xf32, #tpu.memory_space<vmem>> -> memref<1x1x64xf32, #tpu.memory_space<vmem>>
          %dma_start3A_866 = tpu.memref_squeeze %dma_start3A_865 : memref<1x1x64xf32, #tpu.memory_space<vmem>> -> memref<1x64xf32, #tpu.memory_space<vmem>>
          %dma_start3A_867 = arith.constant 0 : i32
          %dma_start3A_868 = tpu.memref_slice %arg2[%squeeze3A_861, %dma_start3A_867] : memref<1000000x64xf32, #tpu.memory_space<hbm>> -> memref<1x64xf32, #tpu.memory_space<hbm>>
          %dma_start3A_869 = tpu.memref_slice %arg11[%dma_start3A_863] : memref<2x!tpu.dma_semaphore, #tpu.memory_space<semaphore_mem>> -> memref<1x!tpu.dma_semaphore, #tpu.memory_space<semaphore_mem>>
          %dma_start3A_870 = tpu.memref_squeeze %dma_start3A_869 : memref<1x!tpu.dma_semaphore, #tpu.memory_space<semaphore_mem>> -> memref<!tpu.dma_semaphore, #tpu.memory_space<semaphore_mem>>
          %dma_start3A_871 = arith.constant 0 : i32
          %dma_start3A_872 = tpu.memref_slice %arg8[%dma_start3A_862, %add3A_859, %dma_start3A_871] : memref<2x200x64xf32, #tpu.memory_space<vmem>> -> memref<1x1x64xf32, #tpu.memory_space<vmem>>
          %dma_start3A_873 = tpu.memref_squeeze %dma_start3A_872 : memref<1x1x64xf32, #tpu.memory_space<vmem>> -> memref<1x64xf32, #tpu.memory_space<vmem>>
          %dma_start3A_874 = arith.constant 0 : i32
          %dma_start3A_875 = tpu.memref_slice %arg2[%squeeze3A_861, %dma_start3A_874] : memref<1000000x64xf32, #tpu.memory_space<hbm>> -> memref<1x64xf32, #tpu.memory_space<hbm>>
          tpu.enqueue_dma source(%dma_start3A_875 : memref<1x64xf32, #tpu.memory_space<hbm>>) target(%dma_start3A_873 : memref<1x64xf32, #tpu.memory_space<vmem>>) target_semaphore(%dma_start3A_870 : memref<!tpu.dma_semaphore, #tpu.memory_space<semaphore_mem>>)
          %mul3A_876 = arith.constant 16 : i32
          %mul3A_877 = arith.muli %scan3A_726, %mul3A_876 : i32
          %add3A_878 = arith.constant 7 : i32
          %add3A_879 = arith.addi %mul3A_877, %add3A_878 : i32
          %slice3A_880 = vector.extract_strided_slice %get3A_735 {offsets = [7], sizes = [1], strides = [1]} : vector<16xi32> to vector<1xi32>
          %squeeze3A_881 = vector.extract %slice3A_880[0] : i32 from vector<1xi32>
          %dma_start3A_882 = arith.constant 0 : i32
          %dma_start3A_883 = arith.constant 0 : i32
          %dma_start3A_884 = arith.constant 0 : i32
          %dma_start3A_885 = tpu.memref_slice %arg8[%dma_start3A_882, %add3A_879, %dma_start3A_884] : memref<2x200x64xf32, #tpu.memory_space<vmem>> -> memref<1x1x64xf32, #tpu.memory_space<vmem>>
          %dma_start3A_886 = tpu.memref_squeeze %dma_start3A_885 : memref<1x1x64xf32, #tpu.memory_space<vmem>> -> memref<1x64xf32, #tpu.memory_space<vmem>>
          %dma_start3A_887 = arith.constant 0 : i32
          %dma_start3A_888 = tpu.memref_slice %arg2[%squeeze3A_881, %dma_start3A_887] : memref<1000000x64xf32, #tpu.memory_space<hbm>> -> memref<1x64xf32, #tpu.memory_space<hbm>>
          %dma_start3A_889 = tpu.memref_slice %arg11[%dma_start3A_883] : memref<2x!tpu.dma_semaphore, #tpu.memory_space<semaphore_mem>> -> memref<1x!tpu.dma_semaphore, #tpu.memory_space<semaphore_mem>>
          %dma_start3A_890 = tpu.memref_squeeze %dma_start3A_889 : memref<1x!tpu.dma_semaphore, #tpu.memory_space<semaphore_mem>> -> memref<!tpu.dma_semaphore, #tpu.memory_space<semaphore_mem>>
          %dma_start3A_891 = arith.constant 0 : i32
          %dma_start3A_892 = tpu.memref_slice %arg8[%dma_start3A_882, %add3A_879, %dma_start3A_891] : memref<2x200x64xf32, #tpu.memory_space<vmem>> -> memref<1x1x64xf32, #tpu.memory_space<vmem>>
          %dma_start3A_893 = tpu.memref_squeeze %dma_start3A_892 : memref<1x1x64xf32, #tpu.memory_space<vmem>> -> memref<1x64xf32, #tpu.memory_space<vmem>>
          %dma_start3A_894 = arith.constant 0 : i32
          %dma_start3A_895 = tpu.memref_slice %arg2[%squeeze3A_881, %dma_start3A_894] : memref<1000000x64xf32, #tpu.memory_space<hbm>> -> memref<1x64xf32, #tpu.memory_space<hbm>>
          tpu.enqueue_dma source(%dma_start3A_895 : memref<1x64xf32, #tpu.memory_space<hbm>>) target(%dma_start3A_893 : memref<1x64xf32, #tpu.memory_space<vmem>>) target_semaphore(%dma_start3A_890 : memref<!tpu.dma_semaphore, #tpu.memory_space<semaphore_mem>>)
          %mul3A_896 = arith.constant 16 : i32
          %mul3A_897 = arith.muli %scan3A_726, %mul3A_896 : i32
          %add3A_898 = arith.constant 8 : i32
          %add3A_899 = arith.addi %mul3A_897, %add3A_898 : i32
          %slice3A_900 = vector.extract_strided_slice %get3A_735 {offsets = [8], sizes = [1], strides = [1]} : vector<16xi32> to vector<1xi32>
          %squeeze3A_901 = vector.extract %slice3A_900[0] : i32 from vector<1xi32>
          %dma_start3A_902 = arith.constant 0 : i32
          %dma_start3A_903 = arith.constant 0 : i32
          %dma_start3A_904 = arith.constant 0 : i32
          %dma_start3A_905 = tpu.memref_slice %arg8[%dma_start3A_902, %add3A_899, %dma_start3A_904] : memref<2x200x64xf32, #tpu.memory_space<vmem>> -> memref<1x1x64xf32, #tpu.memory_space<vmem>>
          %dma_start3A_906 = tpu.memref_squeeze %dma_start3A_905 : memref<1x1x64xf32, #tpu.memory_space<vmem>> -> memref<1x64xf32, #tpu.memory_space<vmem>>
          %dma_start3A_907 = arith.constant 0 : i32
          %dma_start3A_908 = tpu.memref_slice %arg2[%squeeze3A_901, %dma_start3A_907] : memref<1000000x64xf32, #tpu.memory_space<hbm>> -> memref<1x64xf32, #tpu.memory_space<hbm>>
          %dma_start3A_909 = tpu.memref_slice %arg11[%dma_start3A_903] : memref<2x!tpu.dma_semaphore, #tpu.memory_space<semaphore_mem>> -> memref<1x!tpu.dma_semaphore, #tpu.memory_space<semaphore_mem>>
          %dma_start3A_910 = tpu.memref_squeeze %dma_start3A_909 : memref<1x!tpu.dma_semaphore, #tpu.memory_space<semaphore_mem>> -> memref<!tpu.dma_semaphore, #tpu.memory_space<semaphore_mem>>
          %dma_start3A_911 = arith.constant 0 : i32
          %dma_start3A_912 = tpu.memref_slice %arg8[%dma_start3A_902, %add3A_899, %dma_start3A_911] : memref<2x200x64xf32, #tpu.memory_space<vmem>> -> memref<1x1x64xf32, #tpu.memory_space<vmem>>
          %dma_start3A_913 = tpu.memref_squeeze %dma_start3A_912 : memref<1x1x64xf32, #tpu.memory_space<vmem>> -> memref<1x64xf32, #tpu.memory_space<vmem>>
          %dma_start3A_914 = arith.constant 0 : i32
          %dma_start3A_915 = tpu.memref_slice %arg2[%squeeze3A_901, %dma_start3A_914] : memref<1000000x64xf32, #tpu.memory_space<hbm>> -> memref<1x64xf32, #tpu.memory_space<hbm>>
          tpu.enqueue_dma source(%dma_start3A_915 : memref<1x64xf32, #tpu.memory_space<hbm>>) target(%dma_start3A_913 : memref<1x64xf32, #tpu.memory_space<vmem>>) target_semaphore(%dma_start3A_910 : memref<!tpu.dma_semaphore, #tpu.memory_space<semaphore_mem>>)
          %mul3A_916 = arith.constant 16 : i32
          %mul3A_917 = arith.muli %scan3A_726, %mul3A_916 : i32
          %add3A_918 = arith.constant 9 : i32
          %add3A_919 = arith.addi %mul3A_917, %add3A_918 : i32
          %slice3A_920 = vector.extract_strided_slice %get3A_735 {offsets = [9], sizes = [1], strides = [1]} : vector<16xi32> to vector<1xi32>
          %squeeze3A_921 = vector.extract %slice3A_920[0] : i32 from vector<1xi32>
          %dma_start3A_922 = arith.constant 0 : i32
          %dma_start3A_923 = arith.constant 0 : i32
          %dma_start3A_924 = arith.constant 0 : i32
          %dma_start3A_925 = tpu.memref_slice %arg8[%dma_start3A_922, %add3A_919, %dma_start3A_924] : memref<2x200x64xf32, #tpu.memory_space<vmem>> -> memref<1x1x64xf32, #tpu.memory_space<vmem>>
          %dma_start3A_926 = tpu.memref_squeeze %dma_start3A_925 : memref<1x1x64xf32, #tpu.memory_space<vmem>> -> memref<1x64xf32, #tpu.memory_space<vmem>>
          %dma_start3A_927 = arith.constant 0 : i32
          %dma_start3A_928 = tpu.memref_slice %arg2[%squeeze3A_921, %dma_start3A_927] : memref<1000000x64xf32, #tpu.memory_space<hbm>> -> memref<1x64xf32, #tpu.memory_space<hbm>>
          %dma_start3A_929 = tpu.memref_slice %arg11[%dma_start3A_923] : memref<2x!tpu.dma_semaphore, #tpu.memory_space<semaphore_mem>> -> memref<1x!tpu.dma_semaphore, #tpu.memory_space<semaphore_mem>>
          %dma_start3A_930 = tpu.memref_squeeze %dma_start3A_929 : memref<1x!tpu.dma_semaphore, #tpu.memory_space<semaphore_mem>> -> memref<!tpu.dma_semaphore, #tpu.memory_space<semaphore_mem>>
          %dma_start3A_931 = arith.constant 0 : i32
          %dma_start3A_932 = tpu.memref_slice %arg8[%dma_start3A_922, %add3A_919, %dma_start3A_931] : memref<2x200x64xf32, #tpu.memory_space<vmem>> -> memref<1x1x64xf32, #tpu.memory_space<vmem>>
          %dma_start3A_933 = tpu.memref_squeeze %dma_start3A_932 : memref<1x1x64xf32, #tpu.memory_space<vmem>> -> memref<1x64xf32, #tpu.memory_space<vmem>>
          %dma_start3A_934 = arith.constant 0 : i32
          %dma_start3A_935 = tpu.memref_slice %arg2[%squeeze3A_921, %dma_start3A_934] : memref<1000000x64xf32, #tpu.memory_space<hbm>> -> memref<1x64xf32, #tpu.memory_space<hbm>>
          tpu.enqueue_dma source(%dma_start3A_935 : memref<1x64xf32, #tpu.memory_space<hbm>>) target(%dma_start3A_933 : memref<1x64xf32, #tpu.memory_space<vmem>>) target_semaphore(%dma_start3A_930 : memref<!tpu.dma_semaphore, #tpu.memory_space<semaphore_mem>>)
          %mul3A_936 = arith.constant 16 : i32
          %mul3A_937 = arith.muli %scan3A_726, %mul3A_936 : i32
          %add3A_938 = arith.constant 10 : i32
          %add3A_939 = arith.addi %mul3A_937, %add3A_938 : i32
          %slice3A_940 = vector.extract_strided_slice %get3A_735 {offsets = [10], sizes = [1], strides = [1]} : vector<16xi32> to vector<1xi32>
          %squeeze3A_941 = vector.extract %slice3A_940[0] : i32 from vector<1xi32>
          %dma_start3A_942 = arith.constant 0 : i32
          %dma_start3A_943 = arith.constant 0 : i32
          %dma_start3A_944 = arith.constant 0 : i32
          %dma_start3A_945 = tpu.memref_slice %arg8[%dma_start3A_942, %add3A_939, %dma_start3A_944] : memref<2x200x64xf32, #tpu.memory_space<vmem>> -> memref<1x1x64xf32, #tpu.memory_space<vmem>>
          %dma_start3A_946 = tpu.memref_squeeze %dma_start3A_945 : memref<1x1x64xf32, #tpu.memory_space<vmem>> -> memref<1x64xf32, #tpu.memory_space<vmem>>
          %dma_start3A_947 = arith.constant 0 : i32
          %dma_start3A_948 = tpu.memref_slice %arg2[%squeeze3A_941, %dma_start3A_947] : memref<1000000x64xf32, #tpu.memory_space<hbm>> -> memref<1x64xf32, #tpu.memory_space<hbm>>
          %dma_start3A_949 = tpu.memref_slice %arg11[%dma_start3A_943] : memref<2x!tpu.dma_semaphore, #tpu.memory_space<semaphore_mem>> -> memref<1x!tpu.dma_semaphore, #tpu.memory_space<semaphore_mem>>
          %dma_start3A_950 = tpu.memref_squeeze %dma_start3A_949 : memref<1x!tpu.dma_semaphore, #tpu.memory_space<semaphore_mem>> -> memref<!tpu.dma_semaphore, #tpu.memory_space<semaphore_mem>>
          %dma_start3A_951 = arith.constant 0 : i32
          %dma_start3A_952 = tpu.memref_slice %arg8[%dma_start3A_942, %add3A_939, %dma_start3A_951] : memref<2x200x64xf32, #tpu.memory_space<vmem>> -> memref<1x1x64xf32, #tpu.memory_space<vmem>>
          %dma_start3A_953 = tpu.memref_squeeze %dma_start3A_952 : memref<1x1x64xf32, #tpu.memory_space<vmem>> -> memref<1x64xf32, #tpu.memory_space<vmem>>
          %dma_start3A_954 = arith.constant 0 : i32
          %dma_start3A_955 = tpu.memref_slice %arg2[%squeeze3A_941, %dma_start3A_954] : memref<1000000x64xf32, #tpu.memory_space<hbm>> -> memref<1x64xf32, #tpu.memory_space<hbm>>
          tpu.enqueue_dma source(%dma_start3A_955 : memref<1x64xf32, #tpu.memory_space<hbm>>) target(%dma_start3A_953 : memref<1x64xf32, #tpu.memory_space<vmem>>) target_semaphore(%dma_start3A_950 : memref<!tpu.dma_semaphore, #tpu.memory_space<semaphore_mem>>)
          %mul3A_956 = arith.constant 16 : i32
          %mul3A_957 = arith.muli %scan3A_726, %mul3A_956 : i32
          %add3A_958 = arith.constant 11 : i32
          %add3A_959 = arith.addi %mul3A_957, %add3A_958 : i32
          %slice3A_960 = vector.extract_strided_slice %get3A_735 {offsets = [11], sizes = [1], strides = [1]} : vector<16xi32> to vector<1xi32>
          %squeeze3A_961 = vector.extract %slice3A_960[0] : i32 from vector<1xi32>
          %dma_start3A_962 = arith.constant 0 : i32
          %dma_start3A_963 = arith.constant 0 : i32
          %dma_start3A_964 = arith.constant 0 : i32
          %dma_start3A_965 = tpu.memref_slice %arg8[%dma_start3A_962, %add3A_959, %dma_start3A_964] : memref<2x200x64xf32, #tpu.memory_space<vmem>> -> memref<1x1x64xf32, #tpu.memory_space<vmem>>
          %dma_start3A_966 = tpu.memref_squeeze %dma_start3A_965 : memref<1x1x64xf32, #tpu.memory_space<vmem>> -> memref<1x64xf32, #tpu.memory_space<vmem>>
          %dma_start3A_967 = arith.constant 0 : i32
          %dma_start3A_968 = tpu.memref_slice %arg2[%squeeze3A_961, %dma_start3A_967] : memref<1000000x64xf32, #tpu.memory_space<hbm>> -> memref<1x64xf32, #tpu.memory_space<hbm>>
          %dma_start3A_969 = tpu.memref_slice %arg11[%dma_start3A_963] : memref<2x!tpu.dma_semaphore, #tpu.memory_space<semaphore_mem>> -> memref<1x!tpu.dma_semaphore, #tpu.memory_space<semaphore_mem>>
          %dma_start3A_970 = tpu.memref_squeeze %dma_start3A_969 : memref<1x!tpu.dma_semaphore, #tpu.memory_space<semaphore_mem>> -> memref<!tpu.dma_semaphore, #tpu.memory_space<semaphore_mem>>
          %dma_start3A_971 = arith.constant 0 : i32
          %dma_start3A_972 = tpu.memref_slice %arg8[%dma_start3A_962, %add3A_959, %dma_start3A_971] : memref<2x200x64xf32, #tpu.memory_space<vmem>> -> memref<1x1x64xf32, #tpu.memory_space<vmem>>
          %dma_start3A_973 = tpu.memref_squeeze %dma_start3A_972 : memref<1x1x64xf32, #tpu.memory_space<vmem>> -> memref<1x64xf32, #tpu.memory_space<vmem>>
          %dma_start3A_974 = arith.constant 0 : i32
          %dma_start3A_975 = tpu.memref_slice %arg2[%squeeze3A_961, %dma_start3A_974] : memref<1000000x64xf32, #tpu.memory_space<hbm>> -> memref<1x64xf32, #tpu.memory_space<hbm>>
          tpu.enqueue_dma source(%dma_start3A_975 : memref<1x64xf32, #tpu.memory_space<hbm>>) target(%dma_start3A_973 : memref<1x64xf32, #tpu.memory_space<vmem>>) target_semaphore(%dma_start3A_970 : memref<!tpu.dma_semaphore, #tpu.memory_space<semaphore_mem>>)
          %mul3A_976 = arith.constant 16 : i32
          %mul3A_977 = arith.muli %scan3A_726, %mul3A_976 : i32
          %add3A_978 = arith.constant 12 : i32
          %add3A_979 = arith.addi %mul3A_977, %add3A_978 : i32
          %slice3A_980 = vector.extract_strided_slice %get3A_735 {offsets = [12], sizes = [1], strides = [1]} : vector<16xi32> to vector<1xi32>
          %squeeze3A_981 = vector.extract %slice3A_980[0] : i32 from vector<1xi32>
          %dma_start3A_982 = arith.constant 0 : i32
          %dma_start3A_983 = arith.constant 0 : i32
          %dma_start3A_984 = arith.constant 0 : i32
          %dma_start3A_985 = tpu.memref_slice %arg8[%dma_start3A_982, %add3A_979, %dma_start3A_984] : memref<2x200x64xf32, #tpu.memory_space<vmem>> -> memref<1x1x64xf32, #tpu.memory_space<vmem>>
          %dma_start3A_986 = tpu.memref_squeeze %dma_start3A_985 : memref<1x1x64xf32, #tpu.memory_space<vmem>> -> memref<1x64xf32, #tpu.memory_space<vmem>>
          %dma_start3A_987 = arith.constant 0 : i32
          %dma_start3A_988 = tpu.memref_slice %arg2[%squeeze3A_981, %dma_start3A_987] : memref<1000000x64xf32, #tpu.memory_space<hbm>> -> memref<1x64xf32, #tpu.memory_space<hbm>>
          %dma_start3A_989 = tpu.memref_slice %arg11[%dma_start3A_983] : memref<2x!tpu.dma_semaphore, #tpu.memory_space<semaphore_mem>> -> memref<1x!tpu.dma_semaphore, #tpu.memory_space<semaphore_mem>>
          %dma_start3A_990 = tpu.memref_squeeze %dma_start3A_989 : memref<1x!tpu.dma_semaphore, #tpu.memory_space<semaphore_mem>> -> memref<!tpu.dma_semaphore, #tpu.memory_space<semaphore_mem>>
          %dma_start3A_991 = arith.constant 0 : i32
          %dma_start3A_992 = tpu.memref_slice %arg8[%dma_start3A_982, %add3A_979, %dma_start3A_991] : memref<2x200x64xf32, #tpu.memory_space<vmem>> -> memref<1x1x64xf32, #tpu.memory_space<vmem>>
          %dma_start3A_993 = tpu.memref_squeeze %dma_start3A_992 : memref<1x1x64xf32, #tpu.memory_space<vmem>> -> memref<1x64xf32, #tpu.memory_space<vmem>>
          %dma_start3A_994 = arith.constant 0 : i32
          %dma_start3A_995 = tpu.memref_slice %arg2[%squeeze3A_981, %dma_start3A_994] : memref<1000000x64xf32, #tpu.memory_space<hbm>> -> memref<1x64xf32, #tpu.memory_space<hbm>>
          tpu.enqueue_dma source(%dma_start3A_995 : memref<1x64xf32, #tpu.memory_space<hbm>>) target(%dma_start3A_993 : memref<1x64xf32, #tpu.memory_space<vmem>>) target_semaphore(%dma_start3A_990 : memref<!tpu.dma_semaphore, #tpu.memory_space<semaphore_mem>>)
          %mul3A_996 = arith.constant 16 : i32
          %mul3A_997 = arith.muli %scan3A_726, %mul3A_996 : i32
          %add3A_998 = arith.constant 13 : i32
          %add3A_999 = arith.addi %mul3A_997, %add3A_998 : i32
          %slice3A_1000 = vector.extract_strided_slice %get3A_735 {offsets = [13], sizes = [1], strides = [1]} : vector<16xi32> to vector<1xi32>
          %squeeze3A_1001 = vector.extract %slice3A_1000[0] : i32 from vector<1xi32>
          %dma_start3A_1002 = arith.constant 0 : i32
          %dma_start3A_1003 = arith.constant 0 : i32
          %dma_start3A_1004 = arith.constant 0 : i32
          %dma_start3A_1005 = tpu.memref_slice %arg8[%dma_start3A_1002, %add3A_999, %dma_start3A_1004] : memref<2x200x64xf32, #tpu.memory_space<vmem>> -> memref<1x1x64xf32, #tpu.memory_space<vmem>>
          %dma_start3A_1006 = tpu.memref_squeeze %dma_start3A_1005 : memref<1x1x64xf32, #tpu.memory_space<vmem>> -> memref<1x64xf32, #tpu.memory_space<vmem>>
          %dma_start3A_1007 = arith.constant 0 : i32
          %dma_start3A_1008 = tpu.memref_slice %arg2[%squeeze3A_1001, %dma_start3A_1007] : memref<1000000x64xf32, #tpu.memory_space<hbm>> -> memref<1x64xf32, #tpu.memory_space<hbm>>
          %dma_start3A_1009 = tpu.memref_slice %arg11[%dma_start3A_1003] : memref<2x!tpu.dma_semaphore, #tpu.memory_space<semaphore_mem>> -> memref<1x!tpu.dma_semaphore, #tpu.memory_space<semaphore_mem>>
          %dma_start3A_1010 = tpu.memref_squeeze %dma_start3A_1009 : memref<1x!tpu.dma_semaphore, #tpu.memory_space<semaphore_mem>> -> memref<!tpu.dma_semaphore, #tpu.memory_space<semaphore_mem>>
          %dma_start3A_1011 = arith.constant 0 : i32
          %dma_start3A_1012 = tpu.memref_slice %arg8[%dma_start3A_1002, %add3A_999, %dma_start3A_1011] : memref<2x200x64xf32, #tpu.memory_space<vmem>> -> memref<1x1x64xf32, #tpu.memory_space<vmem>>
          %dma_start3A_1013 = tpu.memref_squeeze %dma_start3A_1012 : memref<1x1x64xf32, #tpu.memory_space<vmem>> -> memref<1x64xf32, #tpu.memory_space<vmem>>
          %dma_start3A_1014 = arith.constant 0 : i32
          %dma_start3A_1015 = tpu.memref_slice %arg2[%squeeze3A_1001, %dma_start3A_1014] : memref<1000000x64xf32, #tpu.memory_space<hbm>> -> memref<1x64xf32, #tpu.memory_space<hbm>>
          tpu.enqueue_dma source(%dma_start3A_1015 : memref<1x64xf32, #tpu.memory_space<hbm>>) target(%dma_start3A_1013 : memref<1x64xf32, #tpu.memory_space<vmem>>) target_semaphore(%dma_start3A_1010 : memref<!tpu.dma_semaphore, #tpu.memory_space<semaphore_mem>>)
          %mul3A_1016 = arith.constant 16 : i32
          %mul3A_1017 = arith.muli %scan3A_726, %mul3A_1016 : i32
          %add3A_1018 = arith.constant 14 : i32
          %add3A_1019 = arith.addi %mul3A_1017, %add3A_1018 : i32
          %slice3A_1020 = vector.extract_strided_slice %get3A_735 {offsets = [14], sizes = [1], strides = [1]} : vector<16xi32> to vector<1xi32>
          %squeeze3A_1021 = vector.extract %slice3A_1020[0] : i32 from vector<1xi32>
          %dma_start3A_1022 = arith.constant 0 : i32
          %dma_start3A_1023 = arith.constant 0 : i32
          %dma_start3A_1024 = arith.constant 0 : i32
          %dma_start3A_1025 = tpu.memref_slice %arg8[%dma_start3A_1022, %add3A_1019, %dma_start3A_1024] : memref<2x200x64xf32, #tpu.memory_space<vmem>> -> memref<1x1x64xf32, #tpu.memory_space<vmem>>
          %dma_start3A_1026 = tpu.memref_squeeze %dma_start3A_1025 : memref<1x1x64xf32, #tpu.memory_space<vmem>> -> memref<1x64xf32, #tpu.memory_space<vmem>>
          %dma_start3A_1027 = arith.constant 0 : i32
          %dma_start3A_1028 = tpu.memref_slice %arg2[%squeeze3A_1021, %dma_start3A_1027] : memref<1000000x64xf32, #tpu.memory_space<hbm>> -> memref<1x64xf32, #tpu.memory_space<hbm>>
          %dma_start3A_1029 = tpu.memref_slice %arg11[%dma_start3A_1023] : memref<2x!tpu.dma_semaphore, #tpu.memory_space<semaphore_mem>> -> memref<1x!tpu.dma_semaphore, #tpu.memory_space<semaphore_mem>>
          %dma_start3A_1030 = tpu.memref_squeeze %dma_start3A_1029 : memref<1x!tpu.dma_semaphore, #tpu.memory_space<semaphore_mem>> -> memref<!tpu.dma_semaphore, #tpu.memory_space<semaphore_mem>>
          %dma_start3A_1031 = arith.constant 0 : i32
          %dma_start3A_1032 = tpu.memref_slice %arg8[%dma_start3A_1022, %add3A_1019, %dma_start3A_1031] : memref<2x200x64xf32, #tpu.memory_space<vmem>> -> memref<1x1x64xf32, #tpu.memory_space<vmem>>
          %dma_start3A_1033 = tpu.memref_squeeze %dma_start3A_1032 : memref<1x1x64xf32, #tpu.memory_space<vmem>> -> memref<1x64xf32, #tpu.memory_space<vmem>>
          %dma_start3A_1034 = arith.constant 0 : i32
          %dma_start3A_1035 = tpu.memref_slice %arg2[%squeeze3A_1021, %dma_start3A_1034] : memref<1000000x64xf32, #tpu.memory_space<hbm>> -> memref<1x64xf32, #tpu.memory_space<hbm>>
          tpu.enqueue_dma source(%dma_start3A_1035 : memref<1x64xf32, #tpu.memory_space<hbm>>) target(%dma_start3A_1033 : memref<1x64xf32, #tpu.memory_space<vmem>>) target_semaphore(%dma_start3A_1030 : memref<!tpu.dma_semaphore, #tpu.memory_space<semaphore_mem>>)
          %mul3A_1036 = arith.constant 16 : i32
          %mul3A_1037 = arith.muli %scan3A_726, %mul3A_1036 : i32
          %add3A_1038 = arith.constant 15 : i32
          %add3A_1039 = arith.addi %mul3A_1037, %add3A_1038 : i32
          %slice3A_1040 = vector.extract_strided_slice %get3A_735 {offsets = [15], sizes = [1], strides = [1]} : vector<16xi32> to vector<1xi32>
          %squeeze3A_1041 = vector.extract %slice3A_1040[0] : i32 from vector<1xi32>
          %dma_start3A_1042 = arith.constant 0 : i32
          %dma_start3A_1043 = arith.constant 0 : i32
          %dma_start3A_1044 = arith.constant 0 : i32
          %dma_start3A_1045 = tpu.memref_slice %arg8[%dma_start3A_1042, %add3A_1039, %dma_start3A_1044] : memref<2x200x64xf32, #tpu.memory_space<vmem>> -> memref<1x1x64xf32, #tpu.memory_space<vmem>>
          %dma_start3A_1046 = tpu.memref_squeeze %dma_start3A_1045 : memref<1x1x64xf32, #tpu.memory_space<vmem>> -> memref<1x64xf32, #tpu.memory_space<vmem>>
          %dma_start3A_1047 = arith.constant 0 : i32
          %dma_start3A_1048 = tpu.memref_slice %arg2[%squeeze3A_1041, %dma_start3A_1047] : memref<1000000x64xf32, #tpu.memory_space<hbm>> -> memref<1x64xf32, #tpu.memory_space<hbm>>
          %dma_start3A_1049 = tpu.memref_slice %arg11[%dma_start3A_1043] : memref<2x!tpu.dma_semaphore, #tpu.memory_space<semaphore_mem>> -> memref<1x!tpu.dma_semaphore, #tpu.memory_space<semaphore_mem>>
          %dma_start3A_1050 = tpu.memref_squeeze %dma_start3A_1049 : memref<1x!tpu.dma_semaphore, #tpu.memory_space<semaphore_mem>> -> memref<!tpu.dma_semaphore, #tpu.memory_space<semaphore_mem>>
          %dma_start3A_1051 = arith.constant 0 : i32
          %dma_start3A_1052 = tpu.memref_slice %arg8[%dma_start3A_1042, %add3A_1039, %dma_start3A_1051] : memref<2x200x64xf32, #tpu.memory_space<vmem>> -> memref<1x1x64xf32, #tpu.memory_space<vmem>>
          %dma_start3A_1053 = tpu.memref_squeeze %dma_start3A_1052 : memref<1x1x64xf32, #tpu.memory_space<vmem>> -> memref<1x64xf32, #tpu.memory_space<vmem>>
          %dma_start3A_1054 = arith.constant 0 : i32
          %dma_start3A_1055 = tpu.memref_slice %arg2[%squeeze3A_1041, %dma_start3A_1054] : memref<1000000x64xf32, #tpu.memory_space<hbm>> -> memref<1x64xf32, #tpu.memory_space<hbm>>
          tpu.enqueue_dma source(%dma_start3A_1055 : memref<1x64xf32, #tpu.memory_space<hbm>>) target(%dma_start3A_1053 : memref<1x64xf32, #tpu.memory_space<vmem>>) target_semaphore(%dma_start3A_1050 : memref<!tpu.dma_semaphore, #tpu.memory_space<semaphore_mem>>)
        }
        %scan3A_574 = arith.constant 12 : i32
        %get3A_575 = arith.constant 0 : i32
        %get3A_576 = arith.constant 0 : i32
        %get3A_577 = arith.index_cast %get3A_575 : i32 to index
        %get3A_578 = arith.index_cast %get3A_576 : i32 to index
        %get3A_579 = arith.constant 184 : index
        %get3A_580 = tpu.vector_load %arg6[%get3A_577, %get3A_578, %get3A_579] {strides = array<i32>} : memref<2x1x200xi32, #tpu.memory_space<vmem>>, vector<1x1x16xi32>,
        %get3A_581 = vector.shape_cast %get3A_580 : vector<1x1x16xi32> to vector<16xi32>
        %slice3A_582 = vector.extract_strided_slice %get3A_581 {offsets = [8], sizes = [1], strides = [1]} : vector<16xi32> to vector<1xi32>
        %squeeze3A_583 = vector.extract %slice3A_582[0] : i32 from vector<1xi32>
        %dma_start3A_584 = arith.constant 0 : i32
        %dma_start3A_585 = arith.constant 0 : i32
        %dma_start3A_586 = arith.constant 192 : i32
        %dma_start3A_587 = arith.constant 0 : i32
        %dma_start3A_588 = tpu.memref_slice %arg8[%dma_start3A_584, %dma_start3A_586, %dma_start3A_587] : memref<2x200x64xf32, #tpu.memory_space<vmem>> -> memref<1x1x64xf32, #tpu.memory_space<vmem>>
        %dma_start3A_589 = tpu.memref_squeeze %dma_start3A_588 : memref<1x1x64xf32, #tpu.memory_space<vmem>> -> memref<1x64xf32, #tpu.memory_space<vmem>>
        %dma_start3A_590 = arith.constant 0 : i32
        %dma_start3A_591 = tpu.memref_slice %arg2[%squeeze3A_583, %dma_start3A_590] : memref<1000000x64xf32, #tpu.memory_space<hbm>> -> memref<1x64xf32, #tpu.memory_space<hbm>>
        %dma_start3A_592 = tpu.memref_slice %arg11[%dma_start3A_585] : memref<2x!tpu.dma_semaphore, #tpu.memory_space<semaphore_mem>> -> memref<1x!tpu.dma_semaphore, #tpu.memory_space<semaphore_mem>>
        %dma_start3A_593 = tpu.memref_squeeze %dma_start3A_592 : memref<1x!tpu.dma_semaphore, #tpu.memory_space<semaphore_mem>> -> memref<!tpu.dma_semaphore, #tpu.memory_space<semaphore_mem>>
        %dma_start3A_594 = arith.constant 192 : i32
        %dma_start3A_595 = arith.constant 0 : i32
        %dma_start3A_596 = tpu.memref_slice %arg8[%dma_start3A_584, %dma_start3A_594, %dma_start3A_595] : memref<2x200x64xf32, #tpu.memory_space<vmem>> -> memref<1x1x64xf32, #tpu.memory_space<vmem>>
        %dma_start3A_597 = tpu.memref_squeeze %dma_start3A_596 : memref<1x1x64xf32, #tpu.memory_space<vmem>> -> memref<1x64xf32, #tpu.memory_space<vmem>>
        %dma_start3A_598 = arith.constant 0 : i32
        %dma_start3A_599 = tpu.memref_slice %arg2[%squeeze3A_583, %dma_start3A_598] : memref<1000000x64xf32, #tpu.memory_space<hbm>> -> memref<1x64xf32, #tpu.memory_space<hbm>>
        tpu.enqueue_dma source(%dma_start3A_599 : memref<1x64xf32, #tpu.memory_space<hbm>>) target(%dma_start3A_597 : memref<1x64xf32, #tpu.memory_space<vmem>>) target_semaphore(%dma_start3A_593 : memref<!tpu.dma_semaphore, #tpu.memory_space<semaphore_mem>>)
        %slice3A_600 = vector.extract_strided_slice %get3A_581 {offsets = [9], sizes = [1], strides = [1]} : vector<16xi32> to vector<1xi32>
        %squeeze3A_601 = vector.extract %slice3A_600[0] : i32 from vector<1xi32>
        %dma_start3A_602 = arith.constant 0 : i32
        %dma_start3A_603 = arith.constant 0 : i32
        %dma_start3A_604 = arith.constant 193 : i32
        %dma_start3A_605 = arith.constant 0 : i32
        %dma_start3A_606 = tpu.memref_slice %arg8[%dma_start3A_602, %dma_start3A_604, %dma_start3A_605] : memref<2x200x64xf32, #tpu.memory_space<vmem>> -> memref<1x1x64xf32, #tpu.memory_space<vmem>>
        %dma_start3A_607 = tpu.memref_squeeze %dma_start3A_606 : memref<1x1x64xf32, #tpu.memory_space<vmem>> -> memref<1x64xf32, #tpu.memory_space<vmem>>
        %dma_start3A_608 = arith.constant 0 : i32
        %dma_start3A_609 = tpu.memref_slice %arg2[%squeeze3A_601, %dma_start3A_608] : memref<1000000x64xf32, #tpu.memory_space<hbm>> -> memref<1x64xf32, #tpu.memory_space<hbm>>
        %dma_start3A_610 = tpu.memref_slice %arg11[%dma_start3A_603] : memref<2x!tpu.dma_semaphore, #tpu.memory_space<semaphore_mem>> -> memref<1x!tpu.dma_semaphore, #tpu.memory_space<semaphore_mem>>
        %dma_start3A_611 = tpu.memref_squeeze %dma_start3A_610 : memref<1x!tpu.dma_semaphore, #tpu.memory_space<semaphore_mem>> -> memref<!tpu.dma_semaphore, #tpu.memory_space<semaphore_mem>>
        %dma_start3A_612 = arith.constant 193 : i32
        %dma_start3A_613 = arith.constant 0 : i32
        %dma_start3A_614 = tpu.memref_slice %arg8[%dma_start3A_602, %dma_start3A_612, %dma_start3A_613] : memref<2x200x64xf32, #tpu.memory_space<vmem>> -> memref<1x1x64xf32, #tpu.memory_space<vmem>>
        %dma_start3A_615 = tpu.memref_squeeze %dma_start3A_614 : memref<1x1x64xf32, #tpu.memory_space<vmem>> -> memref<1x64xf32, #tpu.memory_space<vmem>>
        %dma_start3A_616 = arith.constant 0 : i32
        %dma_start3A_617 = tpu.memref_slice %arg2[%squeeze3A_601, %dma_start3A_616] : memref<1000000x64xf32, #tpu.memory_space<hbm>> -> memref<1x64xf32, #tpu.memory_space<hbm>>
        tpu.enqueue_dma source(%dma_start3A_617 : memref<1x64xf32, #tpu.memory_space<hbm>>) target(%dma_start3A_615 : memref<1x64xf32, #tpu.memory_space<vmem>>) target_semaphore(%dma_start3A_611 : memref<!tpu.dma_semaphore, #tpu.memory_space<semaphore_mem>>)
        %slice3A_618 = vector.extract_strided_slice %get3A_581 {offsets = [10], sizes = [1], strides = [1]} : vector<16xi32> to vector<1xi32>
        %squeeze3A_619 = vector.extract %slice3A_618[0] : i32 from vector<1xi32>
        %dma_start3A_620 = arith.constant 0 : i32
        %dma_start3A_621 = arith.constant 0 : i32
        %dma_start3A_622 = arith.constant 194 : i32
        %dma_start3A_623 = arith.constant 0 : i32
        %dma_start3A_624 = tpu.memref_slice %arg8[%dma_start3A_620, %dma_start3A_622, %dma_start3A_623] : memref<2x200x64xf32, #tpu.memory_space<vmem>> -> memref<1x1x64xf32, #tpu.memory_space<vmem>>
        %dma_start3A_625 = tpu.memref_squeeze %dma_start3A_624 : memref<1x1x64xf32, #tpu.memory_space<vmem>> -> memref<1x64xf32, #tpu.memory_space<vmem>>
        %dma_start3A_626 = arith.constant 0 : i32
        %dma_start3A_627 = tpu.memref_slice %arg2[%squeeze3A_619, %dma_start3A_626] : memref<1000000x64xf32, #tpu.memory_space<hbm>> -> memref<1x64xf32, #tpu.memory_space<hbm>>
        %dma_start3A_628 = tpu.memref_slice %arg11[%dma_start3A_621] : memref<2x!tpu.dma_semaphore, #tpu.memory_space<semaphore_mem>> -> memref<1x!tpu.dma_semaphore, #tpu.memory_space<semaphore_mem>>
        %dma_start3A_629 = tpu.memref_squeeze %dma_start3A_628 : memref<1x!tpu.dma_semaphore, #tpu.memory_space<semaphore_mem>> -> memref<!tpu.dma_semaphore, #tpu.memory_space<semaphore_mem>>
        %dma_start3A_630 = arith.constant 194 : i32
        %dma_start3A_631 = arith.constant 0 : i32
        %dma_start3A_632 = tpu.memref_slice %arg8[%dma_start3A_620, %dma_start3A_630, %dma_start3A_631] : memref<2x200x64xf32, #tpu.memory_space<vmem>> -> memref<1x1x64xf32, #tpu.memory_space<vmem>>
        %dma_start3A_633 = tpu.memref_squeeze %dma_start3A_632 : memref<1x1x64xf32, #tpu.memory_space<vmem>> -> memref<1x64xf32, #tpu.memory_space<vmem>>
        %dma_start3A_634 = arith.constant 0 : i32
        %dma_start3A_635 = tpu.memref_slice %arg2[%squeeze3A_619, %dma_start3A_634] : memref<1000000x64xf32, #tpu.memory_space<hbm>> -> memref<1x64xf32, #tpu.memory_space<hbm>>
        tpu.enqueue_dma source(%dma_start3A_635 : memref<1x64xf32, #tpu.memory_space<hbm>>) target(%dma_start3A_633 : memref<1x64xf32, #tpu.memory_space<vmem>>) target_semaphore(%dma_start3A_629 : memref<!tpu.dma_semaphore, #tpu.memory_space<semaphore_mem>>)
        %slice3A_636 = vector.extract_strided_slice %get3A_581 {offsets = [11], sizes = [1], strides = [1]} : vector<16xi32> to vector<1xi32>
        %squeeze3A_637 = vector.extract %slice3A_636[0] : i32 from vector<1xi32>
        %dma_start3A_638 = arith.constant 0 : i32
        %dma_start3A_639 = arith.constant 0 : i32
        %dma_start3A_640 = arith.constant 195 : i32
        %dma_start3A_641 = arith.constant 0 : i32
        %dma_start3A_642 = tpu.memref_slice %arg8[%dma_start3A_638, %dma_start3A_640, %dma_start3A_641] : memref<2x200x64xf32, #tpu.memory_space<vmem>> -> memref<1x1x64xf32, #tpu.memory_space<vmem>>
        %dma_start3A_643 = tpu.memref_squeeze %dma_start3A_642 : memref<1x1x64xf32, #tpu.memory_space<vmem>> -> memref<1x64xf32, #tpu.memory_space<vmem>>
        %dma_start3A_644 = arith.constant 0 : i32
        %dma_start3A_645 = tpu.memref_slice %arg2[%squeeze3A_637, %dma_start3A_644] : memref<1000000x64xf32, #tpu.memory_space<hbm>> -> memref<1x64xf32, #tpu.memory_space<hbm>>
        %dma_start3A_646 = tpu.memref_slice %arg11[%dma_start3A_639] : memref<2x!tpu.dma_semaphore, #tpu.memory_space<semaphore_mem>> -> memref<1x!tpu.dma_semaphore, #tpu.memory_space<semaphore_mem>>
        %dma_start3A_647 = tpu.memref_squeeze %dma_start3A_646 : memref<1x!tpu.dma_semaphore, #tpu.memory_space<semaphore_mem>> -> memref<!tpu.dma_semaphore, #tpu.memory_space<semaphore_mem>>
        %dma_start3A_648 = arith.constant 195 : i32
        %dma_start3A_649 = arith.constant 0 : i32
        %dma_start3A_650 = tpu.memref_slice %arg8[%dma_start3A_638, %dma_start3A_648, %dma_start3A_649] : memref<2x200x64xf32, #tpu.memory_space<vmem>> -> memref<1x1x64xf32, #tpu.memory_space<vmem>>
        %dma_start3A_651 = tpu.memref_squeeze %dma_start3A_650 : memref<1x1x64xf32, #tpu.memory_space<vmem>> -> memref<1x64xf32, #tpu.memory_space<vmem>>
        %dma_start3A_652 = arith.constant 0 : i32
        %dma_start3A_653 = tpu.memref_slice %arg2[%squeeze3A_637, %dma_start3A_652] : memref<1000000x64xf32, #tpu.memory_space<hbm>> -> memref<1x64xf32, #tpu.memory_space<hbm>>
        tpu.enqueue_dma source(%dma_start3A_653 : memref<1x64xf32, #tpu.memory_space<hbm>>) target(%dma_start3A_651 : memref<1x64xf32, #tpu.memory_space<vmem>>) target_semaphore(%dma_start3A_647 : memref<!tpu.dma_semaphore, #tpu.memory_space<semaphore_mem>>)
        %slice3A_654 = vector.extract_strided_slice %get3A_581 {offsets = [12], sizes = [1], strides = [1]} : vector<16xi32> to vector<1xi32>
        %squeeze3A_655 = vector.extract %slice3A_654[0] : i32 from vector<1xi32>
        %dma_start3A_656 = arith.constant 0 : i32
        %dma_start3A_657 = arith.constant 0 : i32
        %dma_start3A_658 = arith.constant 196 : i32
        %dma_start3A_659 = arith.constant 0 : i32
        %dma_start3A_660 = tpu.memref_slice %arg8[%dma_start3A_656, %dma_start3A_658, %dma_start3A_659] : memref<2x200x64xf32, #tpu.memory_space<vmem>> -> memref<1x1x64xf32, #tpu.memory_space<vmem>>
        %dma_start3A_661 = tpu.memref_squeeze %dma_start3A_660 : memref<1x1x64xf32, #tpu.memory_space<vmem>> -> memref<1x64xf32, #tpu.memory_space<vmem>>
        %dma_start3A_662 = arith.constant 0 : i32
        %dma_start3A_663 = tpu.memref_slice %arg2[%squeeze3A_655, %dma_start3A_662] : memref<1000000x64xf32, #tpu.memory_space<hbm>> -> memref<1x64xf32, #tpu.memory_space<hbm>>
        %dma_start3A_664 = tpu.memref_slice %arg11[%dma_start3A_657] : memref<2x!tpu.dma_semaphore, #tpu.memory_space<semaphore_mem>> -> memref<1x!tpu.dma_semaphore, #tpu.memory_space<semaphore_mem>>
        %dma_start3A_665 = tpu.memref_squeeze %dma_start3A_664 : memref<1x!tpu.dma_semaphore, #tpu.memory_space<semaphore_mem>> -> memref<!tpu.dma_semaphore, #tpu.memory_space<semaphore_mem>>
        %dma_start3A_666 = arith.constant 196 : i32
        %dma_start3A_667 = arith.constant 0 : i32
        %dma_start3A_668 = tpu.memref_slice %arg8[%dma_start3A_656, %dma_start3A_666, %dma_start3A_667] : memref<2x200x64xf32, #tpu.memory_space<vmem>> -> memref<1x1x64xf32, #tpu.memory_space<vmem>>
        %dma_start3A_669 = tpu.memref_squeeze %dma_start3A_668 : memref<1x1x64xf32, #tpu.memory_space<vmem>> -> memref<1x64xf32, #tpu.memory_space<vmem>>
        %dma_start3A_670 = arith.constant 0 : i32
        %dma_start3A_671 = tpu.memref_slice %arg2[%squeeze3A_655, %dma_start3A_670] : memref<1000000x64xf32, #tpu.memory_space<hbm>> -> memref<1x64xf32, #tpu.memory_space<hbm>>
        tpu.enqueue_dma source(%dma_start3A_671 : memref<1x64xf32, #tpu.memory_space<hbm>>) target(%dma_start3A_669 : memref<1x64xf32, #tpu.memory_space<vmem>>) target_semaphore(%dma_start3A_665 : memref<!tpu.dma_semaphore, #tpu.memory_space<semaphore_mem>>)
        %slice3A_672 = vector.extract_strided_slice %get3A_581 {offsets = [13], sizes = [1], strides = [1]} : vector<16xi32> to vector<1xi32>
        %squeeze3A_673 = vector.extract %slice3A_672[0] : i32 from vector<1xi32>
        %dma_start3A_674 = arith.constant 0 : i32
        %dma_start3A_675 = arith.constant 0 : i32
        %dma_start3A_676 = arith.constant 197 : i32
        %dma_start3A_677 = arith.constant 0 : i32
        %dma_start3A_678 = tpu.memref_slice %arg8[%dma_start3A_674, %dma_start3A_676, %dma_start3A_677] : memref<2x200x64xf32, #tpu.memory_space<vmem>> -> memref<1x1x64xf32, #tpu.memory_space<vmem>>
        %dma_start3A_679 = tpu.memref_squeeze %dma_start3A_678 : memref<1x1x64xf32, #tpu.memory_space<vmem>> -> memref<1x64xf32, #tpu.memory_space<vmem>>
        %dma_start3A_680 = arith.constant 0 : i32
        %dma_start3A_681 = tpu.memref_slice %arg2[%squeeze3A_673, %dma_start3A_680] : memref<1000000x64xf32, #tpu.memory_space<hbm>> -> memref<1x64xf32, #tpu.memory_space<hbm>>
        %dma_start3A_682 = tpu.memref_slice %arg11[%dma_start3A_675] : memref<2x!tpu.dma_semaphore, #tpu.memory_space<semaphore_mem>> -> memref<1x!tpu.dma_semaphore, #tpu.memory_space<semaphore_mem>>
        %dma_start3A_683 = tpu.memref_squeeze %dma_start3A_682 : memref<1x!tpu.dma_semaphore, #tpu.memory_space<semaphore_mem>> -> memref<!tpu.dma_semaphore, #tpu.memory_space<semaphore_mem>>
        %dma_start3A_684 = arith.constant 197 : i32
        %dma_start3A_685 = arith.constant 0 : i32
        %dma_start3A_686 = tpu.memref_slice %arg8[%dma_start3A_674, %dma_start3A_684, %dma_start3A_685] : memref<2x200x64xf32, #tpu.memory_space<vmem>> -> memref<1x1x64xf32, #tpu.memory_space<vmem>>
        %dma_start3A_687 = tpu.memref_squeeze %dma_start3A_686 : memref<1x1x64xf32, #tpu.memory_space<vmem>> -> memref<1x64xf32, #tpu.memory_space<vmem>>
        %dma_start3A_688 = arith.constant 0 : i32
        %dma_start3A_689 = tpu.memref_slice %arg2[%squeeze3A_673, %dma_start3A_688] : memref<1000000x64xf32, #tpu.memory_space<hbm>> -> memref<1x64xf32, #tpu.memory_space<hbm>>
        tpu.enqueue_dma source(%dma_start3A_689 : memref<1x64xf32, #tpu.memory_space<hbm>>) target(%dma_start3A_687 : memref<1x64xf32, #tpu.memory_space<vmem>>) target_semaphore(%dma_start3A_683 : memref<!tpu.dma_semaphore, #tpu.memory_space<semaphore_mem>>)
        %slice3A_690 = vector.extract_strided_slice %get3A_581 {offsets = [14], sizes = [1], strides = [1]} : vector<16xi32> to vector<1xi32>
        %squeeze3A_691 = vector.extract %slice3A_690[0] : i32 from vector<1xi32>
        %dma_start3A_692 = arith.constant 0 : i32
        %dma_start3A_693 = arith.constant 0 : i32
        %dma_start3A_694 = arith.constant 198 : i32
        %dma_start3A_695 = arith.constant 0 : i32
        %dma_start3A_696 = tpu.memref_slice %arg8[%dma_start3A_692, %dma_start3A_694, %dma_start3A_695] : memref<2x200x64xf32, #tpu.memory_space<vmem>> -> memref<1x1x64xf32, #tpu.memory_space<vmem>>
        %dma_start3A_697 = tpu.memref_squeeze %dma_start3A_696 : memref<1x1x64xf32, #tpu.memory_space<vmem>> -> memref<1x64xf32, #tpu.memory_space<vmem>>
        %dma_start3A_698 = arith.constant 0 : i32
        %dma_start3A_699 = tpu.memref_slice %arg2[%squeeze3A_691, %dma_start3A_698] : memref<1000000x64xf32, #tpu.memory_space<hbm>> -> memref<1x64xf32, #tpu.memory_space<hbm>>
        %dma_start3A_700 = tpu.memref_slice %arg11[%dma_start3A_693] : memref<2x!tpu.dma_semaphore, #tpu.memory_space<semaphore_mem>> -> memref<1x!tpu.dma_semaphore, #tpu.memory_space<semaphore_mem>>
        %dma_start3A_701 = tpu.memref_squeeze %dma_start3A_700 : memref<1x!tpu.dma_semaphore, #tpu.memory_space<semaphore_mem>> -> memref<!tpu.dma_semaphore, #tpu.memory_space<semaphore_mem>>
        %dma_start3A_702 = arith.constant 198 : i32
        %dma_start3A_703 = arith.constant 0 : i32
        %dma_start3A_704 = tpu.memref_slice %arg8[%dma_start3A_692, %dma_start3A_702, %dma_start3A_703] : memref<2x200x64xf32, #tpu.memory_space<vmem>> -> memref<1x1x64xf32, #tpu.memory_space<vmem>>
        %dma_start3A_705 = tpu.memref_squeeze %dma_start3A_704 : memref<1x1x64xf32, #tpu.memory_space<vmem>> -> memref<1x64xf32, #tpu.memory_space<vmem>>
        %dma_start3A_706 = arith.constant 0 : i32
        %dma_start3A_707 = tpu.memref_slice %arg2[%squeeze3A_691, %dma_start3A_706] : memref<1000000x64xf32, #tpu.memory_space<hbm>> -> memref<1x64xf32, #tpu.memory_space<hbm>>
        tpu.enqueue_dma source(%dma_start3A_707 : memref<1x64xf32, #tpu.memory_space<hbm>>) target(%dma_start3A_705 : memref<1x64xf32, #tpu.memory_space<vmem>>) target_semaphore(%dma_start3A_701 : memref<!tpu.dma_semaphore, #tpu.memory_space<semaphore_mem>>)
        %slice3A_708 = vector.extract_strided_slice %get3A_581 {offsets = [15], sizes = [1], strides = [1]} : vector<16xi32> to vector<1xi32>
        %squeeze3A_709 = vector.extract %slice3A_708[0] : i32 from vector<1xi32>
        %dma_start3A_710 = arith.constant 0 : i32
        %dma_start3A_711 = arith.constant 0 : i32
        %dma_start3A_712 = arith.constant 199 : i32
        %dma_start3A_713 = arith.constant 0 : i32
        %dma_start3A_714 = tpu.memref_slice %arg8[%dma_start3A_710, %dma_start3A_712, %dma_start3A_713] : memref<2x200x64xf32, #tpu.memory_space<vmem>> -> memref<1x1x64xf32, #tpu.memory_space<vmem>>
        %dma_start3A_715 = tpu.memref_squeeze %dma_start3A_714 : memref<1x1x64xf32, #tpu.memory_space<vmem>> -> memref<1x64xf32, #tpu.memory_space<vmem>>
        %dma_start3A_716 = arith.constant 0 : i32
        %dma_start3A_717 = tpu.memref_slice %arg2[%squeeze3A_709, %dma_start3A_716] : memref<1000000x64xf32, #tpu.memory_space<hbm>> -> memref<1x64xf32, #tpu.memory_space<hbm>>
        %dma_start3A_718 = tpu.memref_slice %arg11[%dma_start3A_711] : memref<2x!tpu.dma_semaphore, #tpu.memory_space<semaphore_mem>> -> memref<1x!tpu.dma_semaphore, #tpu.memory_space<semaphore_mem>>
        %dma_start3A_719 = tpu.memref_squeeze %dma_start3A_718 : memref<1x!tpu.dma_semaphore, #tpu.memory_space<semaphore_mem>> -> memref<!tpu.dma_semaphore, #tpu.memory_space<semaphore_mem>>
        %dma_start3A_720 = arith.constant 199 : i32
        %dma_start3A_721 = arith.constant 0 : i32
        %dma_start3A_722 = tpu.memref_slice %arg8[%dma_start3A_710, %dma_start3A_720, %dma_start3A_721] : memref<2x200x64xf32, #tpu.memory_space<vmem>> -> memref<1x1x64xf32, #tpu.memory_space<vmem>>
        %dma_start3A_723 = tpu.memref_squeeze %dma_start3A_722 : memref<1x1x64xf32, #tpu.memory_space<vmem>> -> memref<1x64xf32, #tpu.memory_space<vmem>>
        %dma_start3A_724 = arith.constant 0 : i32
        %dma_start3A_725 = tpu.memref_slice %arg2[%squeeze3A_709, %dma_start3A_724] : memref<1000000x64xf32, #tpu.memory_space<hbm>> -> memref<1x64xf32, #tpu.memory_space<hbm>>
        tpu.enqueue_dma source(%dma_start3A_725 : memref<1x64xf32, #tpu.memory_space<hbm>>) target(%dma_start3A_723 : memref<1x64xf32, #tpu.memory_space<vmem>>) target_semaphore(%dma_start3A_719 : memref<!tpu.dma_semaphore, #tpu.memory_space<semaphore_mem>>)
      } else {
      }
      %mul3A_488 = arith.constant 2 : i32
      %mul3A_489 = arith.muli %scan3A_429, %mul3A_488 : i32
      %add3A_490 = arith.constant 1 : i32
      %add3A_491 = arith.addi %mul3A_489, %add3A_490 : i32
      %dma_wait3A_492 = arith.constant 1 : i32
      %dma_wait3A_493 = arith.constant 1 : i32
      %dma_wait3A_494 = arith.constant 0 : i32
      %dma_wait3A_495 = arith.constant 0 : i32
      %dma_wait3A_496 = tpu.memref_slice %arg8[%dma_wait3A_492, %dma_wait3A_494, %dma_wait3A_495] : memref<2x200x64xf32, #tpu.memory_space<vmem>> -> memref<1x200x64xf32, #tpu.memory_space<vmem>>
      %dma_wait3A_497 = tpu.memref_squeeze %dma_wait3A_496 : memref<1x200x64xf32, #tpu.memory_space<vmem>> -> memref<200x64xf32, #tpu.memory_space<vmem>>
      %dma_wait3A_498 = arith.constant 0 : i32
      %dma_wait3A_499 = arith.constant 0 : i32
      %dma_wait3A_500 = tpu.memref_slice %arg2[%dma_wait3A_498, %dma_wait3A_499] : memref<1000000x64xf32, #tpu.memory_space<hbm>> -> memref<200x64xf32, #tpu.memory_space<hbm>>
      %dma_wait3A_501 = tpu.memref_slice %arg11[%dma_wait3A_493] : memref<2x!tpu.dma_semaphore, #tpu.memory_space<semaphore_mem>> -> memref<1x!tpu.dma_semaphore, #tpu.memory_space<semaphore_mem>>
      %dma_wait3A_502 = tpu.memref_squeeze %dma_wait3A_501 : memref<1x!tpu.dma_semaphore, #tpu.memory_space<semaphore_mem>> -> memref<!tpu.dma_semaphore, #tpu.memory_space<semaphore_mem>>
      %dma_wait3A_503 = arith.constant 0 : i32
      %dma_wait3A_504 = arith.constant 0 : i32
      %dma_wait3A_505 = tpu.memref_slice %arg8[%dma_wait3A_492, %dma_wait3A_503, %dma_wait3A_504] : memref<2x200x64xf32, #tpu.memory_space<vmem>> -> memref<1x200x64xf32, #tpu.memory_space<vmem>>
      %dma_wait3A_506 = tpu.memref_squeeze %dma_wait3A_505 : memref<1x200x64xf32, #tpu.memory_space<vmem>> -> memref<200x64xf32, #tpu.memory_space<vmem>>
      %dma_wait3A_507 = arith.constant 0 : i32
      %dma_wait3A_508 = arith.constant 0 : i32
      %dma_wait3A_509 = tpu.memref_slice %arg2[%dma_wait3A_507, %dma_wait3A_508] : memref<1000000x64xf32, #tpu.memory_space<hbm>> -> memref<200x64xf32, #tpu.memory_space<hbm>>
      tpu.wait_dma2 semaphore(%dma_wait3A_502 : memref<!tpu.dma_semaphore, #tpu.memory_space<semaphore_mem>>) src(%dma_wait3A_509 : memref<200x64xf32, #tpu.memory_space<hbm>>) dst(%dma_wait3A_506 : memref<200x64xf32, #tpu.memory_space<vmem>>)
      %lt3A_510 = arith.constant 63 : i32
      %lt3A_511 = arith.cmpi slt, %scan3A_429, %lt3A_510 : i32
      %convert_element_type3A_512 = arith.extui %lt3A_511 : i1 to i32
      %cond3A_513 = arith.constant 0 : i32
      %cond3A_514 = arith.cmpi ne, %convert_element_type3A_512, %cond3A_513 : i32
      scf.if %cond3A_514 {
        %add3A_550 = arith.constant 2 : i32
        %add3A_551 = arith.addi %add3A_491, %add3A_550 : i32
        %add3A_552 = arith.addi %mul3A_2, %add3A_551 : i32
        %dma_start3A_553 = arith.constant 1 : i32
        %dma_start3A_554 = arith.constant 1 : i32
        %dma_start3A_555 = arith.constant 0 : i32
        %dma_start3A_556 = arith.constant 0 : i32
        %dma_start3A_557 = tpu.memref_slice %arg6[%dma_start3A_553, %dma_start3A_555, %dma_start3A_556] : memref<2x1x200xi32, #tpu.memory_space<vmem>> -> memref<1x1x200xi32, #tpu.memory_space<vmem>>
        %dma_start3A_558 = tpu.memref_squeeze %dma_start3A_557 : memref<1x1x200xi32, #tpu.memory_space<vmem>> -> memref<1x200xi32, #tpu.memory_space<vmem>>
        %dma_start3A_559 = arith.constant 0 : i32
        %dma_start3A_560 = tpu.memref_slice %arg3[%add3A_552, %dma_start3A_559] : memref<4096x200xi32, #tpu.memory_space<hbm>> -> memref<1x200xi32, #tpu.memory_space<hbm>>
        %dma_start3A_561 = tpu.memref_slice %arg10[%dma_start3A_554] : memref<2x!tpu.dma_semaphore, #tpu.memory_space<semaphore_mem>> -> memref<1x!tpu.dma_semaphore, #tpu.memory_space<semaphore_mem>>
        %dma_start3A_562 = tpu.memref_squeeze %dma_start3A_561 : memref<1x!tpu.dma_semaphore, #tpu.memory_space<semaphore_mem>> -> memref<!tpu.dma_semaphore, #tpu.memory_space<semaphore_mem>>
        %dma_start3A_563 = arith.constant 0 : i32
        %dma_start3A_564 = arith.constant 0 : i32
        %dma_start3A_565 = tpu.memref_slice %arg6[%dma_start3A_553, %dma_start3A_563, %dma_start3A_564] : memref<2x1x200xi32, #tpu.memory_space<vmem>> -> memref<1x1x200xi32, #tpu.memory_space<vmem>>
        %dma_start3A_566 = tpu.memref_squeeze %dma_start3A_565 : memref<1x1x200xi32, #tpu.memory_space<vmem>> -> memref<1x200xi32, #tpu.memory_space<vmem>>
        %dma_start3A_567 = arith.constant 0 : i32
        %dma_start3A_568 = tpu.memref_slice %arg3[%add3A_552, %dma_start3A_567] : memref<4096x200xi32, #tpu.memory_space<hbm>> -> memref<1x200xi32, #tpu.memory_space<hbm>>
        tpu.enqueue_dma source(%dma_start3A_568 : memref<1x200xi32, #tpu.memory_space<hbm>>) target(%dma_start3A_566 : memref<1x200xi32, #tpu.memory_space<vmem>>) target_semaphore(%dma_start3A_562 : memref<!tpu.dma_semaphore, #tpu.memory_space<semaphore_mem>>)
      } else {
      }
      %gt3A_515 = arith.constant 0 : i32
      %gt3A_516 = arith.cmpi sgt, %scan3A_429, %gt3A_515 : i32
      %convert_element_type3A_517 = arith.extui %gt3A_516 : i1 to i32
      %cond3A_518 = arith.constant 0 : i32
      %cond3A_519 = arith.cmpi ne, %convert_element_type3A_517, %cond3A_518 : i32
      scf.if %cond3A_519 {
        %sub3A = arith.constant 2 : i32
        %sub3A_550 = arith.subi %add3A_491, %sub3A : i32
        %add3A_551 = arith.addi %mul3A_2, %sub3A_550 : i32
        %mul3A_552 = arith.constant 200 : i32
        %mul3A_553 = arith.muli %add3A_551, %mul3A_552 : i32
        %dma_wait3A_554 = arith.constant 1 : i32
        %dma_wait3A_555 = arith.constant 1 : i32
        %dma_wait3A_556 = arith.constant 0 : i32
        %dma_wait3A_557 = arith.constant 0 : i32
        %dma_wait3A_558 = tpu.memref_slice %arg9[%dma_wait3A_554, %dma_wait3A_556, %dma_wait3A_557] : memref<2x200x64xf32, #tpu.memory_space<vmem>> -> memref<1x200x64xf32, #tpu.memory_space<vmem>>
        %dma_wait3A_559 = tpu.memref_squeeze %dma_wait3A_558 : memref<1x200x64xf32, #tpu.memory_space<vmem>> -> memref<200x64xf32, #tpu.memory_space<vmem>>
        %dma_wait3A_560 = arith.constant 0 : i32
        %dma_wait3A_561 = tpu.memref_slice %arg5[%mul3A_553, %dma_wait3A_560] : memref<819200x64xf32, #tpu.memory_space<hbm>> -> memref<200x64xf32, #tpu.memory_space<hbm>>
        %dma_wait3A_562 = tpu.memref_slice %arg12[%dma_wait3A_555] : memref<2x!tpu.dma_semaphore, #tpu.memory_space<semaphore_mem>> -> memref<1x!tpu.dma_semaphore, #tpu.memory_space<semaphore_mem>>
        %dma_wait3A_563 = tpu.memref_squeeze %dma_wait3A_562 : memref<1x!tpu.dma_semaphore, #tpu.memory_space<semaphore_mem>> -> memref<!tpu.dma_semaphore, #tpu.memory_space<semaphore_mem>>
        %dma_wait3A_564 = arith.constant 0 : i32
        %dma_wait3A_565 = tpu.memref_slice %arg5[%mul3A_553, %dma_wait3A_564] : memref<819200x64xf32, #tpu.memory_space<hbm>> -> memref<200x64xf32, #tpu.memory_space<hbm>>
        %dma_wait3A_566 = arith.constant 0 : i32
        %dma_wait3A_567 = arith.constant 0 : i32
        %dma_wait3A_568 = tpu.memref_slice %arg9[%dma_wait3A_554, %dma_wait3A_566, %dma_wait3A_567] : memref<2x200x64xf32, #tpu.memory_space<vmem>> -> memref<1x200x64xf32, #tpu.memory_space<vmem>>
        %dma_wait3A_569 = tpu.memref_squeeze %dma_wait3A_568 : memref<1x200x64xf32, #tpu.memory_space<vmem>> -> memref<200x64xf32, #tpu.memory_space<vmem>>
        tpu.wait_dma2 semaphore(%dma_wait3A_563 : memref<!tpu.dma_semaphore, #tpu.memory_space<semaphore_mem>>) src(%dma_wait3A_569 : memref<200x64xf32, #tpu.memory_space<vmem>>) dst(%dma_wait3A_565 : memref<200x64xf32, #tpu.memory_space<hbm>>)
      } else {
      }
      %scan3A_520 = arith.constant 0 : i32
      %scan3A_521 = arith.constant 0 : i32
      %scan3A_522 = arith.constant 200 : i32
      %scan3A_523 = arith.addi %scan3A_521, %scan3A_522 : i32
      %scan3A_524 = arith.constant 4 : i32
      scf.for %scan3A_550 = %scan3A_521 to %scan3A_523 step %scan3A_524  : i32 {
        %get3A_551 = arith.constant 1 : i32
        %get3A_552 = arith.index_cast %get3A_551 : i32 to index
        %get3A_553 = arith.index_cast %scan3A_550 : i32 to index
        %get3A_554 = arith.constant 0 : index
        %get3A_555 = tpu.vector_load %arg8[%get3A_552, %get3A_553, %get3A_554] {strides = array<i32>} : memref<2x200x64xf32, #tpu.memory_space<vmem>>, vector<1x1x16xf32>,
        %get3A_556 = vector.shape_cast %get3A_555 : vector<1x1x16xf32> to vector<16xf32>
        %mul3A_557 = arith.constant 8.000000e+00 : f32
        %mul3A_558 = vector.broadcast %mul3A_557 : f32 to vector<16xf32>
        %mul3A_559 = arith.mulf %get3A_556, %mul3A_558 : vector<16xf32>
        %get3A_560 = arith.index_cast %scan3A_550 : i32 to index
        %get3A_561 = arith.constant 0 : index
        %get3A_562 = tpu.vector_load %arg7[%get3A_560, %get3A_561] {strides = array<i32>} : memref<200x64xf32, #tpu.memory_space<vmem>>, vector<1x16xf32>,
        %get3A_563 = vector.shape_cast %get3A_562 : vector<1x16xf32> to vector<16xf32>
        %add3A_564 = arith.addf %mul3A_559, %get3A_563 : vector<16xf32>
        %swap3A = arith.constant 1 : i32
        %swap3A_565 = arith.index_cast %swap3A : i32 to index
        %swap3A_566 = arith.index_cast %scan3A_550 : i32 to index
        %swap3A_567 = arith.constant 0 : index
        %swap3A_568 = tpu.vector_load %arg9[%swap3A_565, %swap3A_566, %swap3A_567] {strides = array<i32>} : memref<2x200x64xf32, #tpu.memory_space<vmem>>, vector<1x1x16xf32>,
        %swap3A_569 = vector.shape_cast %swap3A_568 : vector<1x1x16xf32> to vector<16xf32>
        %swap3A_570 = vector.shape_cast %add3A_564 : vector<16xf32> to vector<1x1x16xf32>
        tpu.vector_store %arg9[%swap3A_565, %swap3A_566, %swap3A_567], %swap3A_570 {strides = array<i32>} : memref<2x200x64xf32, #tpu.memory_space<vmem>>, vector<1x1x16xf32>,
        %get3A_571 = arith.constant 1 : i32
        %get3A_572 = arith.index_cast %get3A_571 : i32 to index
        %get3A_573 = arith.index_cast %scan3A_550 : i32 to index
        %get3A_574 = arith.constant 16 : index
        %get3A_575 = tpu.vector_load %arg8[%get3A_572, %get3A_573, %get3A_574] {strides = array<i32>} : memref<2x200x64xf32, #tpu.memory_space<vmem>>, vector<1x1x16xf32>,
        %get3A_576 = vector.shape_cast %get3A_575 : vector<1x1x16xf32> to vector<16xf32>
        %mul3A_577 = arith.constant 8.000000e+00 : f32
        %mul3A_578 = vector.broadcast %mul3A_577 : f32 to vector<16xf32>
        %mul3A_579 = arith.mulf %get3A_576, %mul3A_578 : vector<16xf32>
        %get3A_580 = arith.index_cast %scan3A_550 : i32 to index
        %get3A_581 = arith.constant 16 : index
        %get3A_582 = tpu.vector_load %arg7[%get3A_580, %get3A_581] {strides = array<i32>} : memref<200x64xf32, #tpu.memory_space<vmem>>, vector<1x16xf32>,
        %get3A_583 = vector.shape_cast %get3A_582 : vector<1x16xf32> to vector<16xf32>
        %add3A_584 = arith.addf %mul3A_579, %get3A_583 : vector<16xf32>
        %swap3A_585 = arith.constant 1 : i32
        %swap3A_586 = arith.index_cast %swap3A_585 : i32 to index
        %swap3A_587 = arith.index_cast %scan3A_550 : i32 to index
        %swap3A_588 = arith.constant 16 : index
        %swap3A_589 = tpu.vector_load %arg9[%swap3A_586, %swap3A_587, %swap3A_588] {strides = array<i32>} : memref<2x200x64xf32, #tpu.memory_space<vmem>>, vector<1x1x16xf32>,
        %swap3A_590 = vector.shape_cast %swap3A_589 : vector<1x1x16xf32> to vector<16xf32>
        %swap3A_591 = vector.shape_cast %add3A_584 : vector<16xf32> to vector<1x1x16xf32>
        tpu.vector_store %arg9[%swap3A_586, %swap3A_587, %swap3A_588], %swap3A_591 {strides = array<i32>} : memref<2x200x64xf32, #tpu.memory_space<vmem>>, vector<1x1x16xf32>,
        %get3A_592 = arith.constant 1 : i32
        %get3A_593 = arith.index_cast %get3A_592 : i32 to index
        %get3A_594 = arith.index_cast %scan3A_550 : i32 to index
        %get3A_595 = arith.constant 32 : index
        %get3A_596 = tpu.vector_load %arg8[%get3A_593, %get3A_594, %get3A_595] {strides = array<i32>} : memref<2x200x64xf32, #tpu.memory_space<vmem>>, vector<1x1x16xf32>,
        %get3A_597 = vector.shape_cast %get3A_596 : vector<1x1x16xf32> to vector<16xf32>
        %mul3A_598 = arith.constant 8.000000e+00 : f32
        %mul3A_599 = vector.broadcast %mul3A_598 : f32 to vector<16xf32>
        %mul3A_600 = arith.mulf %get3A_597, %mul3A_599 : vector<16xf32>
        %get3A_601 = arith.index_cast %scan3A_550 : i32 to index
        %get3A_602 = arith.constant 32 : index
        %get3A_603 = tpu.vector_load %arg7[%get3A_601, %get3A_602] {strides = array<i32>} : memref<200x64xf32, #tpu.memory_space<vmem>>, vector<1x16xf32>,
        %get3A_604 = vector.shape_cast %get3A_603 : vector<1x16xf32> to vector<16xf32>
        %add3A_605 = arith.addf %mul3A_600, %get3A_604 : vector<16xf32>
        %swap3A_606 = arith.constant 1 : i32
        %swap3A_607 = arith.index_cast %swap3A_606 : i32 to index
        %swap3A_608 = arith.index_cast %scan3A_550 : i32 to index
        %swap3A_609 = arith.constant 32 : index
        %swap3A_610 = tpu.vector_load %arg9[%swap3A_607, %swap3A_608, %swap3A_609] {strides = array<i32>} : memref<2x200x64xf32, #tpu.memory_space<vmem>>, vector<1x1x16xf32>,
        %swap3A_611 = vector.shape_cast %swap3A_610 : vector<1x1x16xf32> to vector<16xf32>
        %swap3A_612 = vector.shape_cast %add3A_605 : vector<16xf32> to vector<1x1x16xf32>
        tpu.vector_store %arg9[%swap3A_607, %swap3A_608, %swap3A_609], %swap3A_612 {strides = array<i32>} : memref<2x200x64xf32, #tpu.memory_space<vmem>>, vector<1x1x16xf32>,
        %get3A_613 = arith.constant 1 : i32
        %get3A_614 = arith.index_cast %get3A_613 : i32 to index
        %get3A_615 = arith.index_cast %scan3A_550 : i32 to index
        %get3A_616 = arith.constant 48 : index
        %get3A_617 = tpu.vector_load %arg8[%get3A_614, %get3A_615, %get3A_616] {strides = array<i32>} : memref<2x200x64xf32, #tpu.memory_space<vmem>>, vector<1x1x16xf32>,
        %get3A_618 = vector.shape_cast %get3A_617 : vector<1x1x16xf32> to vector<16xf32>
        %mul3A_619 = arith.constant 8.000000e+00 : f32
        %mul3A_620 = vector.broadcast %mul3A_619 : f32 to vector<16xf32>
        %mul3A_621 = arith.mulf %get3A_618, %mul3A_620 : vector<16xf32>
        %get3A_622 = arith.index_cast %scan3A_550 : i32 to index
        %get3A_623 = arith.constant 48 : index
        %get3A_624 = tpu.vector_load %arg7[%get3A_622, %get3A_623] {strides = array<i32>} : memref<200x64xf32, #tpu.memory_space<vmem>>, vector<1x16xf32>,
        %get3A_625 = vector.shape_cast %get3A_624 : vector<1x16xf32> to vector<16xf32>
        %add3A_626 = arith.addf %mul3A_621, %get3A_625 : vector<16xf32>
        %swap3A_627 = arith.constant 1 : i32
        %swap3A_628 = arith.index_cast %swap3A_627 : i32 to index
        %swap3A_629 = arith.index_cast %scan3A_550 : i32 to index
        %swap3A_630 = arith.constant 48 : index
        %swap3A_631 = tpu.vector_load %arg9[%swap3A_628, %swap3A_629, %swap3A_630] {strides = array<i32>} : memref<2x200x64xf32, #tpu.memory_space<vmem>>, vector<1x1x16xf32>,
        %swap3A_632 = vector.shape_cast %swap3A_631 : vector<1x1x16xf32> to vector<16xf32>
        %swap3A_633 = vector.shape_cast %add3A_626 : vector<16xf32> to vector<1x1x16xf32>
        tpu.vector_store %arg9[%swap3A_628, %swap3A_629, %swap3A_630], %swap3A_633 {strides = array<i32>} : memref<2x200x64xf32, #tpu.memory_space<vmem>>, vector<1x1x16xf32>,
        %scan3A_634 = arith.constant 1 : i32
        %scan3A_635 = arith.addi %scan3A_550, %scan3A_634 : i32
        %get3A_636 = arith.constant 1 : i32
        %get3A_637 = arith.index_cast %get3A_636 : i32 to index
        %get3A_638 = arith.index_cast %scan3A_635 : i32 to index
        %get3A_639 = arith.constant 0 : index
        %get3A_640 = tpu.vector_load %arg8[%get3A_637, %get3A_638, %get3A_639] {strides = array<i32>} : memref<2x200x64xf32, #tpu.memory_space<vmem>>, vector<1x1x16xf32>,
        %get3A_641 = vector.shape_cast %get3A_640 : vector<1x1x16xf32> to vector<16xf32>
        %mul3A_642 = arith.constant 8.000000e+00 : f32
        %mul3A_643 = vector.broadcast %mul3A_642 : f32 to vector<16xf32>
        %mul3A_644 = arith.mulf %get3A_641, %mul3A_643 : vector<16xf32>
        %get3A_645 = arith.index_cast %scan3A_635 : i32 to index
        %get3A_646 = arith.constant 0 : index
        %get3A_647 = tpu.vector_load %arg7[%get3A_645, %get3A_646] {strides = array<i32>} : memref<200x64xf32, #tpu.memory_space<vmem>>, vector<1x16xf32>,
        %get3A_648 = vector.shape_cast %get3A_647 : vector<1x16xf32> to vector<16xf32>
        %add3A_649 = arith.addf %mul3A_644, %get3A_648 : vector<16xf32>
        %swap3A_650 = arith.constant 1 : i32
        %swap3A_651 = arith.index_cast %swap3A_650 : i32 to index
        %swap3A_652 = arith.index_cast %scan3A_635 : i32 to index
        %swap3A_653 = arith.constant 0 : index
        %swap3A_654 = tpu.vector_load %arg9[%swap3A_651, %swap3A_652, %swap3A_653] {strides = array<i32>} : memref<2x200x64xf32, #tpu.memory_space<vmem>>, vector<1x1x16xf32>,
        %swap3A_655 = vector.shape_cast %swap3A_654 : vector<1x1x16xf32> to vector<16xf32>
        %swap3A_656 = vector.shape_cast %add3A_649 : vector<16xf32> to vector<1x1x16xf32>
        tpu.vector_store %arg9[%swap3A_651, %swap3A_652, %swap3A_653], %swap3A_656 {strides = array<i32>} : memref<2x200x64xf32, #tpu.memory_space<vmem>>, vector<1x1x16xf32>,
        %get3A_657 = arith.constant 1 : i32
        %get3A_658 = arith.index_cast %get3A_657 : i32 to index
        %get3A_659 = arith.index_cast %scan3A_635 : i32 to index
        %get3A_660 = arith.constant 16 : index
        %get3A_661 = tpu.vector_load %arg8[%get3A_658, %get3A_659, %get3A_660] {strides = array<i32>} : memref<2x200x64xf32, #tpu.memory_space<vmem>>, vector<1x1x16xf32>,
        %get3A_662 = vector.shape_cast %get3A_661 : vector<1x1x16xf32> to vector<16xf32>
        %mul3A_663 = arith.constant 8.000000e+00 : f32
        %mul3A_664 = vector.broadcast %mul3A_663 : f32 to vector<16xf32>
        %mul3A_665 = arith.mulf %get3A_662, %mul3A_664 : vector<16xf32>
        %get3A_666 = arith.index_cast %scan3A_635 : i32 to index
        %get3A_667 = arith.constant 16 : index
        %get3A_668 = tpu.vector_load %arg7[%get3A_666, %get3A_667] {strides = array<i32>} : memref<200x64xf32, #tpu.memory_space<vmem>>, vector<1x16xf32>,
        %get3A_669 = vector.shape_cast %get3A_668 : vector<1x16xf32> to vector<16xf32>
        %add3A_670 = arith.addf %mul3A_665, %get3A_669 : vector<16xf32>
        %swap3A_671 = arith.constant 1 : i32
        %swap3A_672 = arith.index_cast %swap3A_671 : i32 to index
        %swap3A_673 = arith.index_cast %scan3A_635 : i32 to index
        %swap3A_674 = arith.constant 16 : index
        %swap3A_675 = tpu.vector_load %arg9[%swap3A_672, %swap3A_673, %swap3A_674] {strides = array<i32>} : memref<2x200x64xf32, #tpu.memory_space<vmem>>, vector<1x1x16xf32>,
        %swap3A_676 = vector.shape_cast %swap3A_675 : vector<1x1x16xf32> to vector<16xf32>
        %swap3A_677 = vector.shape_cast %add3A_670 : vector<16xf32> to vector<1x1x16xf32>
        tpu.vector_store %arg9[%swap3A_672, %swap3A_673, %swap3A_674], %swap3A_677 {strides = array<i32>} : memref<2x200x64xf32, #tpu.memory_space<vmem>>, vector<1x1x16xf32>,
        %get3A_678 = arith.constant 1 : i32
        %get3A_679 = arith.index_cast %get3A_678 : i32 to index
        %get3A_680 = arith.index_cast %scan3A_635 : i32 to index
        %get3A_681 = arith.constant 32 : index
        %get3A_682 = tpu.vector_load %arg8[%get3A_679, %get3A_680, %get3A_681] {strides = array<i32>} : memref<2x200x64xf32, #tpu.memory_space<vmem>>, vector<1x1x16xf32>,
        %get3A_683 = vector.shape_cast %get3A_682 : vector<1x1x16xf32> to vector<16xf32>
        %mul3A_684 = arith.constant 8.000000e+00 : f32
        %mul3A_685 = vector.broadcast %mul3A_684 : f32 to vector<16xf32>
        %mul3A_686 = arith.mulf %get3A_683, %mul3A_685 : vector<16xf32>
        %get3A_687 = arith.index_cast %scan3A_635 : i32 to index
        %get3A_688 = arith.constant 32 : index
        %get3A_689 = tpu.vector_load %arg7[%get3A_687, %get3A_688] {strides = array<i32>} : memref<200x64xf32, #tpu.memory_space<vmem>>, vector<1x16xf32>,
        %get3A_690 = vector.shape_cast %get3A_689 : vector<1x16xf32> to vector<16xf32>
        %add3A_691 = arith.addf %mul3A_686, %get3A_690 : vector<16xf32>
        %swap3A_692 = arith.constant 1 : i32
        %swap3A_693 = arith.index_cast %swap3A_692 : i32 to index
        %swap3A_694 = arith.index_cast %scan3A_635 : i32 to index
        %swap3A_695 = arith.constant 32 : index
        %swap3A_696 = tpu.vector_load %arg9[%swap3A_693, %swap3A_694, %swap3A_695] {strides = array<i32>} : memref<2x200x64xf32, #tpu.memory_space<vmem>>, vector<1x1x16xf32>,
        %swap3A_697 = vector.shape_cast %swap3A_696 : vector<1x1x16xf32> to vector<16xf32>
        %swap3A_698 = vector.shape_cast %add3A_691 : vector<16xf32> to vector<1x1x16xf32>
        tpu.vector_store %arg9[%swap3A_693, %swap3A_694, %swap3A_695], %swap3A_698 {strides = array<i32>} : memref<2x200x64xf32, #tpu.memory_space<vmem>>, vector<1x1x16xf32>,
        %get3A_699 = arith.constant 1 : i32
        %get3A_700 = arith.index_cast %get3A_699 : i32 to index
        %get3A_701 = arith.index_cast %scan3A_635 : i32 to index
        %get3A_702 = arith.constant 48 : index
        %get3A_703 = tpu.vector_load %arg8[%get3A_700, %get3A_701, %get3A_702] {strides = array<i32>} : memref<2x200x64xf32, #tpu.memory_space<vmem>>, vector<1x1x16xf32>,
        %get3A_704 = vector.shape_cast %get3A_703 : vector<1x1x16xf32> to vector<16xf32>
        %mul3A_705 = arith.constant 8.000000e+00 : f32
        %mul3A_706 = vector.broadcast %mul3A_705 : f32 to vector<16xf32>
        %mul3A_707 = arith.mulf %get3A_704, %mul3A_706 : vector<16xf32>
        %get3A_708 = arith.index_cast %scan3A_635 : i32 to index
        %get3A_709 = arith.constant 48 : index
        %get3A_710 = tpu.vector_load %arg7[%get3A_708, %get3A_709] {strides = array<i32>} : memref<200x64xf32, #tpu.memory_space<vmem>>, vector<1x16xf32>,
        %get3A_711 = vector.shape_cast %get3A_710 : vector<1x16xf32> to vector<16xf32>
        %add3A_712 = arith.addf %mul3A_707, %get3A_711 : vector<16xf32>
        %swap3A_713 = arith.constant 1 : i32
        %swap3A_714 = arith.index_cast %swap3A_713 : i32 to index
        %swap3A_715 = arith.index_cast %scan3A_635 : i32 to index
        %swap3A_716 = arith.constant 48 : index
        %swap3A_717 = tpu.vector_load %arg9[%swap3A_714, %swap3A_715, %swap3A_716] {strides = array<i32>} : memref<2x200x64xf32, #tpu.memory_space<vmem>>, vector<1x1x16xf32>,
        %swap3A_718 = vector.shape_cast %swap3A_717 : vector<1x1x16xf32> to vector<16xf32>
        %swap3A_719 = vector.shape_cast %add3A_712 : vector<16xf32> to vector<1x1x16xf32>
        tpu.vector_store %arg9[%swap3A_714, %swap3A_715, %swap3A_716], %swap3A_719 {strides = array<i32>} : memref<2x200x64xf32, #tpu.memory_space<vmem>>, vector<1x1x16xf32>,
        %scan3A_720 = arith.constant 2 : i32
        %scan3A_721 = arith.addi %scan3A_550, %scan3A_720 : i32
        %get3A_722 = arith.constant 1 : i32
        %get3A_723 = arith.index_cast %get3A_722 : i32 to index
        %get3A_724 = arith.index_cast %scan3A_721 : i32 to index
        %get3A_725 = arith.constant 0 : index
        %get3A_726 = tpu.vector_load %arg8[%get3A_723, %get3A_724, %get3A_725] {strides = array<i32>} : memref<2x200x64xf32, #tpu.memory_space<vmem>>, vector<1x1x16xf32>,
        %get3A_727 = vector.shape_cast %get3A_726 : vector<1x1x16xf32> to vector<16xf32>
        %mul3A_728 = arith.constant 8.000000e+00 : f32
        %mul3A_729 = vector.broadcast %mul3A_728 : f32 to vector<16xf32>
        %mul3A_730 = arith.mulf %get3A_727, %mul3A_729 : vector<16xf32>
        %get3A_731 = arith.index_cast %scan3A_721 : i32 to index
        %get3A_732 = arith.constant 0 : index
        %get3A_733 = tpu.vector_load %arg7[%get3A_731, %get3A_732] {strides = array<i32>} : memref<200x64xf32, #tpu.memory_space<vmem>>, vector<1x16xf32>,
        %get3A_734 = vector.shape_cast %get3A_733 : vector<1x16xf32> to vector<16xf32>
        %add3A_735 = arith.addf %mul3A_730, %get3A_734 : vector<16xf32>
        %swap3A_736 = arith.constant 1 : i32
        %swap3A_737 = arith.index_cast %swap3A_736 : i32 to index
        %swap3A_738 = arith.index_cast %scan3A_721 : i32 to index
        %swap3A_739 = arith.constant 0 : index
        %swap3A_740 = tpu.vector_load %arg9[%swap3A_737, %swap3A_738, %swap3A_739] {strides = array<i32>} : memref<2x200x64xf32, #tpu.memory_space<vmem>>, vector<1x1x16xf32>,
        %swap3A_741 = vector.shape_cast %swap3A_740 : vector<1x1x16xf32> to vector<16xf32>
        %swap3A_742 = vector.shape_cast %add3A_735 : vector<16xf32> to vector<1x1x16xf32>
        tpu.vector_store %arg9[%swap3A_737, %swap3A_738, %swap3A_739], %swap3A_742 {strides = array<i32>} : memref<2x200x64xf32, #tpu.memory_space<vmem>>, vector<1x1x16xf32>,
        %get3A_743 = arith.constant 1 : i32
        %get3A_744 = arith.index_cast %get3A_743 : i32 to index
        %get3A_745 = arith.index_cast %scan3A_721 : i32 to index
        %get3A_746 = arith.constant 16 : index
        %get3A_747 = tpu.vector_load %arg8[%get3A_744, %get3A_745, %get3A_746] {strides = array<i32>} : memref<2x200x64xf32, #tpu.memory_space<vmem>>, vector<1x1x16xf32>,
        %get3A_748 = vector.shape_cast %get3A_747 : vector<1x1x16xf32> to vector<16xf32>
        %mul3A_749 = arith.constant 8.000000e+00 : f32
        %mul3A_750 = vector.broadcast %mul3A_749 : f32 to vector<16xf32>
        %mul3A_751 = arith.mulf %get3A_748, %mul3A_750 : vector<16xf32>
        %get3A_752 = arith.index_cast %scan3A_721 : i32 to index
        %get3A_753 = arith.constant 16 : index
        %get3A_754 = tpu.vector_load %arg7[%get3A_752, %get3A_753] {strides = array<i32>} : memref<200x64xf32, #tpu.memory_space<vmem>>, vector<1x16xf32>,
        %get3A_755 = vector.shape_cast %get3A_754 : vector<1x16xf32> to vector<16xf32>
        %add3A_756 = arith.addf %mul3A_751, %get3A_755 : vector<16xf32>
        %swap3A_757 = arith.constant 1 : i32
        %swap3A_758 = arith.index_cast %swap3A_757 : i32 to index
        %swap3A_759 = arith.index_cast %scan3A_721 : i32 to index
        %swap3A_760 = arith.constant 16 : index
        %swap3A_761 = tpu.vector_load %arg9[%swap3A_758, %swap3A_759, %swap3A_760] {strides = array<i32>} : memref<2x200x64xf32, #tpu.memory_space<vmem>>, vector<1x1x16xf32>,
        %swap3A_762 = vector.shape_cast %swap3A_761 : vector<1x1x16xf32> to vector<16xf32>
        %swap3A_763 = vector.shape_cast %add3A_756 : vector<16xf32> to vector<1x1x16xf32>
        tpu.vector_store %arg9[%swap3A_758, %swap3A_759, %swap3A_760], %swap3A_763 {strides = array<i32>} : memref<2x200x64xf32, #tpu.memory_space<vmem>>, vector<1x1x16xf32>,
        %get3A_764 = arith.constant 1 : i32
        %get3A_765 = arith.index_cast %get3A_764 : i32 to index
        %get3A_766 = arith.index_cast %scan3A_721 : i32 to index
        %get3A_767 = arith.constant 32 : index
        %get3A_768 = tpu.vector_load %arg8[%get3A_765, %get3A_766, %get3A_767] {strides = array<i32>} : memref<2x200x64xf32, #tpu.memory_space<vmem>>, vector<1x1x16xf32>,
        %get3A_769 = vector.shape_cast %get3A_768 : vector<1x1x16xf32> to vector<16xf32>
        %mul3A_770 = arith.constant 8.000000e+00 : f32
        %mul3A_771 = vector.broadcast %mul3A_770 : f32 to vector<16xf32>
        %mul3A_772 = arith.mulf %get3A_769, %mul3A_771 : vector<16xf32>
        %get3A_773 = arith.index_cast %scan3A_721 : i32 to index
        %get3A_774 = arith.constant 32 : index
        %get3A_775 = tpu.vector_load %arg7[%get3A_773, %get3A_774] {strides = array<i32>} : memref<200x64xf32, #tpu.memory_space<vmem>>, vector<1x16xf32>,
        %get3A_776 = vector.shape_cast %get3A_775 : vector<1x16xf32> to vector<16xf32>
        %add3A_777 = arith.addf %mul3A_772, %get3A_776 : vector<16xf32>
        %swap3A_778 = arith.constant 1 : i32
        %swap3A_779 = arith.index_cast %swap3A_778 : i32 to index
        %swap3A_780 = arith.index_cast %scan3A_721 : i32 to index
        %swap3A_781 = arith.constant 32 : index
        %swap3A_782 = tpu.vector_load %arg9[%swap3A_779, %swap3A_780, %swap3A_781] {strides = array<i32>} : memref<2x200x64xf32, #tpu.memory_space<vmem>>, vector<1x1x16xf32>,
        %swap3A_783 = vector.shape_cast %swap3A_782 : vector<1x1x16xf32> to vector<16xf32>
        %swap3A_784 = vector.shape_cast %add3A_777 : vector<16xf32> to vector<1x1x16xf32>
        tpu.vector_store %arg9[%swap3A_779, %swap3A_780, %swap3A_781], %swap3A_784 {strides = array<i32>} : memref<2x200x64xf32, #tpu.memory_space<vmem>>, vector<1x1x16xf32>,
        %get3A_785 = arith.constant 1 : i32
        %get3A_786 = arith.index_cast %get3A_785 : i32 to index
        %get3A_787 = arith.index_cast %scan3A_721 : i32 to index
        %get3A_788 = arith.constant 48 : index
        %get3A_789 = tpu.vector_load %arg8[%get3A_786, %get3A_787, %get3A_788] {strides = array<i32>} : memref<2x200x64xf32, #tpu.memory_space<vmem>>, vector<1x1x16xf32>,
        %get3A_790 = vector.shape_cast %get3A_789 : vector<1x1x16xf32> to vector<16xf32>
        %mul3A_791 = arith.constant 8.000000e+00 : f32
        %mul3A_792 = vector.broadcast %mul3A_791 : f32 to vector<16xf32>
        %mul3A_793 = arith.mulf %get3A_790, %mul3A_792 : vector<16xf32>
        %get3A_794 = arith.index_cast %scan3A_721 : i32 to index
        %get3A_795 = arith.constant 48 : index
        %get3A_796 = tpu.vector_load %arg7[%get3A_794, %get3A_795] {strides = array<i32>} : memref<200x64xf32, #tpu.memory_space<vmem>>, vector<1x16xf32>,
        %get3A_797 = vector.shape_cast %get3A_796 : vector<1x16xf32> to vector<16xf32>
        %add3A_798 = arith.addf %mul3A_793, %get3A_797 : vector<16xf32>
        %swap3A_799 = arith.constant 1 : i32
        %swap3A_800 = arith.index_cast %swap3A_799 : i32 to index
        %swap3A_801 = arith.index_cast %scan3A_721 : i32 to index
        %swap3A_802 = arith.constant 48 : index
        %swap3A_803 = tpu.vector_load %arg9[%swap3A_800, %swap3A_801, %swap3A_802] {strides = array<i32>} : memref<2x200x64xf32, #tpu.memory_space<vmem>>, vector<1x1x16xf32>,
        %swap3A_804 = vector.shape_cast %swap3A_803 : vector<1x1x16xf32> to vector<16xf32>
        %swap3A_805 = vector.shape_cast %add3A_798 : vector<16xf32> to vector<1x1x16xf32>
        tpu.vector_store %arg9[%swap3A_800, %swap3A_801, %swap3A_802], %swap3A_805 {strides = array<i32>} : memref<2x200x64xf32, #tpu.memory_space<vmem>>, vector<1x1x16xf32>,
        %scan3A_806 = arith.constant 3 : i32
        %scan3A_807 = arith.addi %scan3A_550, %scan3A_806 : i32
        %get3A_808 = arith.constant 1 : i32
        %get3A_809 = arith.index_cast %get3A_808 : i32 to index
        %get3A_810 = arith.index_cast %scan3A_807 : i32 to index
        %get3A_811 = arith.constant 0 : index
        %get3A_812 = tpu.vector_load %arg8[%get3A_809, %get3A_810, %get3A_811] {strides = array<i32>} : memref<2x200x64xf32, #tpu.memory_space<vmem>>, vector<1x1x16xf32>,
        %get3A_813 = vector.shape_cast %get3A_812 : vector<1x1x16xf32> to vector<16xf32>
        %mul3A_814 = arith.constant 8.000000e+00 : f32
        %mul3A_815 = vector.broadcast %mul3A_814 : f32 to vector<16xf32>
        %mul3A_816 = arith.mulf %get3A_813, %mul3A_815 : vector<16xf32>
        %get3A_817 = arith.index_cast %scan3A_807 : i32 to index
        %get3A_818 = arith.constant 0 : index
        %get3A_819 = tpu.vector_load %arg7[%get3A_817, %get3A_818] {strides = array<i32>} : memref<200x64xf32, #tpu.memory_space<vmem>>, vector<1x16xf32>,
        %get3A_820 = vector.shape_cast %get3A_819 : vector<1x16xf32> to vector<16xf32>
        %add3A_821 = arith.addf %mul3A_816, %get3A_820 : vector<16xf32>
        %swap3A_822 = arith.constant 1 : i32
        %swap3A_823 = arith.index_cast %swap3A_822 : i32 to index
        %swap3A_824 = arith.index_cast %scan3A_807 : i32 to index
        %swap3A_825 = arith.constant 0 : index
        %swap3A_826 = tpu.vector_load %arg9[%swap3A_823, %swap3A_824, %swap3A_825] {strides = array<i32>} : memref<2x200x64xf32, #tpu.memory_space<vmem>>, vector<1x1x16xf32>,
        %swap3A_827 = vector.shape_cast %swap3A_826 : vector<1x1x16xf32> to vector<16xf32>
        %swap3A_828 = vector.shape_cast %add3A_821 : vector<16xf32> to vector<1x1x16xf32>
        tpu.vector_store %arg9[%swap3A_823, %swap3A_824, %swap3A_825], %swap3A_828 {strides = array<i32>} : memref<2x200x64xf32, #tpu.memory_space<vmem>>, vector<1x1x16xf32>,
        %get3A_829 = arith.constant 1 : i32
        %get3A_830 = arith.index_cast %get3A_829 : i32 to index
        %get3A_831 = arith.index_cast %scan3A_807 : i32 to index
        %get3A_832 = arith.constant 16 : index
        %get3A_833 = tpu.vector_load %arg8[%get3A_830, %get3A_831, %get3A_832] {strides = array<i32>} : memref<2x200x64xf32, #tpu.memory_space<vmem>>, vector<1x1x16xf32>,
        %get3A_834 = vector.shape_cast %get3A_833 : vector<1x1x16xf32> to vector<16xf32>
        %mul3A_835 = arith.constant 8.000000e+00 : f32
        %mul3A_836 = vector.broadcast %mul3A_835 : f32 to vector<16xf32>
        %mul3A_837 = arith.mulf %get3A_834, %mul3A_836 : vector<16xf32>
        %get3A_838 = arith.index_cast %scan3A_807 : i32 to index
        %get3A_839 = arith.constant 16 : index
        %get3A_840 = tpu.vector_load %arg7[%get3A_838, %get3A_839] {strides = array<i32>} : memref<200x64xf32, #tpu.memory_space<vmem>>, vector<1x16xf32>,
        %get3A_841 = vector.shape_cast %get3A_840 : vector<1x16xf32> to vector<16xf32>
        %add3A_842 = arith.addf %mul3A_837, %get3A_841 : vector<16xf32>
        %swap3A_843 = arith.constant 1 : i32
        %swap3A_844 = arith.index_cast %swap3A_843 : i32 to index
        %swap3A_845 = arith.index_cast %scan3A_807 : i32 to index
        %swap3A_846 = arith.constant 16 : index
        %swap3A_847 = tpu.vector_load %arg9[%swap3A_844, %swap3A_845, %swap3A_846] {strides = array<i32>} : memref<2x200x64xf32, #tpu.memory_space<vmem>>, vector<1x1x16xf32>,
        %swap3A_848 = vector.shape_cast %swap3A_847 : vector<1x1x16xf32> to vector<16xf32>
        %swap3A_849 = vector.shape_cast %add3A_842 : vector<16xf32> to vector<1x1x16xf32>
        tpu.vector_store %arg9[%swap3A_844, %swap3A_845, %swap3A_846], %swap3A_849 {strides = array<i32>} : memref<2x200x64xf32, #tpu.memory_space<vmem>>, vector<1x1x16xf32>,
        %get3A_850 = arith.constant 1 : i32
        %get3A_851 = arith.index_cast %get3A_850 : i32 to index
        %get3A_852 = arith.index_cast %scan3A_807 : i32 to index
        %get3A_853 = arith.constant 32 : index
        %get3A_854 = tpu.vector_load %arg8[%get3A_851, %get3A_852, %get3A_853] {strides = array<i32>} : memref<2x200x64xf32, #tpu.memory_space<vmem>>, vector<1x1x16xf32>,
        %get3A_855 = vector.shape_cast %get3A_854 : vector<1x1x16xf32> to vector<16xf32>
        %mul3A_856 = arith.constant 8.000000e+00 : f32
        %mul3A_857 = vector.broadcast %mul3A_856 : f32 to vector<16xf32>
        %mul3A_858 = arith.mulf %get3A_855, %mul3A_857 : vector<16xf32>
        %get3A_859 = arith.index_cast %scan3A_807 : i32 to index
        %get3A_860 = arith.constant 32 : index
        %get3A_861 = tpu.vector_load %arg7[%get3A_859, %get3A_860] {strides = array<i32>} : memref<200x64xf32, #tpu.memory_space<vmem>>, vector<1x16xf32>,
        %get3A_862 = vector.shape_cast %get3A_861 : vector<1x16xf32> to vector<16xf32>
        %add3A_863 = arith.addf %mul3A_858, %get3A_862 : vector<16xf32>
        %swap3A_864 = arith.constant 1 : i32
        %swap3A_865 = arith.index_cast %swap3A_864 : i32 to index
        %swap3A_866 = arith.index_cast %scan3A_807 : i32 to index
        %swap3A_867 = arith.constant 32 : index
        %swap3A_868 = tpu.vector_load %arg9[%swap3A_865, %swap3A_866, %swap3A_867] {strides = array<i32>} : memref<2x200x64xf32, #tpu.memory_space<vmem>>, vector<1x1x16xf32>,
        %swap3A_869 = vector.shape_cast %swap3A_868 : vector<1x1x16xf32> to vector<16xf32>
        %swap3A_870 = vector.shape_cast %add3A_863 : vector<16xf32> to vector<1x1x16xf32>
        tpu.vector_store %arg9[%swap3A_865, %swap3A_866, %swap3A_867], %swap3A_870 {strides = array<i32>} : memref<2x200x64xf32, #tpu.memory_space<vmem>>, vector<1x1x16xf32>,
        %get3A_871 = arith.constant 1 : i32
        %get3A_872 = arith.index_cast %get3A_871 : i32 to index
        %get3A_873 = arith.index_cast %scan3A_807 : i32 to index
        %get3A_874 = arith.constant 48 : index
        %get3A_875 = tpu.vector_load %arg8[%get3A_872, %get3A_873, %get3A_874] {strides = array<i32>} : memref<2x200x64xf32, #tpu.memory_space<vmem>>, vector<1x1x16xf32>,
        %get3A_876 = vector.shape_cast %get3A_875 : vector<1x1x16xf32> to vector<16xf32>
        %mul3A_877 = arith.constant 8.000000e+00 : f32
        %mul3A_878 = vector.broadcast %mul3A_877 : f32 to vector<16xf32>
        %mul3A_879 = arith.mulf %get3A_876, %mul3A_878 : vector<16xf32>
        %get3A_880 = arith.index_cast %scan3A_807 : i32 to index
        %get3A_881 = arith.constant 48 : index
        %get3A_882 = tpu.vector_load %arg7[%get3A_880, %get3A_881] {strides = array<i32>} : memref<200x64xf32, #tpu.memory_space<vmem>>, vector<1x16xf32>,
        %get3A_883 = vector.shape_cast %get3A_882 : vector<1x16xf32> to vector<16xf32>
        %add3A_884 = arith.addf %mul3A_879, %get3A_883 : vector<16xf32>
        %swap3A_885 = arith.constant 1 : i32
        %swap3A_886 = arith.index_cast %swap3A_885 : i32 to index
        %swap3A_887 = arith.index_cast %scan3A_807 : i32 to index
        %swap3A_888 = arith.constant 48 : index
        %swap3A_889 = tpu.vector_load %arg9[%swap3A_886, %swap3A_887, %swap3A_888] {strides = array<i32>} : memref<2x200x64xf32, #tpu.memory_space<vmem>>, vector<1x1x16xf32>,
        %swap3A_890 = vector.shape_cast %swap3A_889 : vector<1x1x16xf32> to vector<16xf32>
        %swap3A_891 = vector.shape_cast %add3A_884 : vector<16xf32> to vector<1x1x16xf32>
        tpu.vector_store %arg9[%swap3A_886, %swap3A_887, %swap3A_888], %swap3A_891 {strides = array<i32>} : memref<2x200x64xf32, #tpu.memory_space<vmem>>, vector<1x1x16xf32>,
      }
      %scan3A_525 = arith.constant 200 : i32
      %add3A_526 = arith.addi %mul3A_2, %add3A_491 : i32
      %mul3A_527 = arith.constant 200 : i32
      %mul3A_528 = arith.muli %add3A_526, %mul3A_527 : i32
      %dma_start3A_529 = arith.constant 1 : i32
      %dma_start3A_530 = arith.constant 1 : i32
      %dma_start3A_531 = arith.constant 0 : i32
      %dma_start3A_532 = arith.constant 0 : i32
      %dma_start3A_533 = tpu.memref_slice %arg9[%dma_start3A_529, %dma_start3A_531, %dma_start3A_532] : memref<2x200x64xf32, #tpu.memory_space<vmem>> -> memref<1x200x64xf32, #tpu.memory_space<vmem>>
      %dma_start3A_534 = tpu.memref_squeeze %dma_start3A_533 : memref<1x200x64xf32, #tpu.memory_space<vmem>> -> memref<200x64xf32, #tpu.memory_space<vmem>>
      %dma_start3A_535 = arith.constant 0 : i32
      %dma_start3A_536 = tpu.memref_slice %arg5[%mul3A_528, %dma_start3A_535] : memref<819200x64xf32, #tpu.memory_space<hbm>> -> memref<200x64xf32, #tpu.memory_space<hbm>>
      %dma_start3A_537 = tpu.memref_slice %arg12[%dma_start3A_530] : memref<2x!tpu.dma_semaphore, #tpu.memory_space<semaphore_mem>> -> memref<1x!tpu.dma_semaphore, #tpu.memory_space<semaphore_mem>>
      %dma_start3A_538 = tpu.memref_squeeze %dma_start3A_537 : memref<1x!tpu.dma_semaphore, #tpu.memory_space<semaphore_mem>> -> memref<!tpu.dma_semaphore, #tpu.memory_space<semaphore_mem>>
      %dma_start3A_539 = arith.constant 0 : i32
      %dma_start3A_540 = tpu.memref_slice %arg5[%mul3A_528, %dma_start3A_539] : memref<819200x64xf32, #tpu.memory_space<hbm>> -> memref<200x64xf32, #tpu.memory_space<hbm>>
      %dma_start3A_541 = arith.constant 0 : i32
      %dma_start3A_542 = arith.constant 0 : i32
      %dma_start3A_543 = tpu.memref_slice %arg9[%dma_start3A_529, %dma_start3A_541, %dma_start3A_542] : memref<2x200x64xf32, #tpu.memory_space<vmem>> -> memref<1x200x64xf32, #tpu.memory_space<vmem>>
      %dma_start3A_544 = tpu.memref_squeeze %dma_start3A_543 : memref<1x200x64xf32, #tpu.memory_space<vmem>> -> memref<200x64xf32, #tpu.memory_space<vmem>>
      tpu.enqueue_dma source(%dma_start3A_544 : memref<200x64xf32, #tpu.memory_space<vmem>>) target(%dma_start3A_540 : memref<200x64xf32, #tpu.memory_space<hbm>>) target_semaphore(%dma_start3A_538 : memref<!tpu.dma_semaphore, #tpu.memory_space<semaphore_mem>>)
      %lt3A_545 = arith.constant 63 : i32
      %lt3A_546 = arith.cmpi slt, %scan3A_429, %lt3A_545 : i32
      %convert_element_type3A_547 = arith.extui %lt3A_546 : i1 to i32
      %cond3A_548 = arith.constant 0 : i32
      %cond3A_549 = arith.cmpi ne, %convert_element_type3A_547, %cond3A_548 : i32
      scf.if %cond3A_549 {
        %add3A_550 = arith.constant 2 : i32
        %add3A_551 = arith.addi %add3A_491, %add3A_550 : i32
        %add3A_552 = arith.addi %mul3A_2, %add3A_551 : i32
        %dma_wait3A_553 = arith.constant 1 : i32
        %dma_wait3A_554 = arith.constant 1 : i32
        %dma_wait3A_555 = arith.constant 0 : i32
        %dma_wait3A_556 = arith.constant 0 : i32
        %dma_wait3A_557 = tpu.memref_slice %arg6[%dma_wait3A_553, %dma_wait3A_555, %dma_wait3A_556] : memref<2x1x200xi32, #tpu.memory_space<vmem>> -> memref<1x1x200xi32, #tpu.memory_space<vmem>>
        %dma_wait3A_558 = tpu.memref_squeeze %dma_wait3A_557 : memref<1x1x200xi32, #tpu.memory_space<vmem>> -> memref<1x200xi32, #tpu.memory_space<vmem>>
        %dma_wait3A_559 = arith.constant 0 : i32
        %dma_wait3A_560 = tpu.memref_slice %arg3[%add3A_552, %dma_wait3A_559] : memref<4096x200xi32, #tpu.memory_space<hbm>> -> memref<1x200xi32, #tpu.memory_space<hbm>>
        %dma_wait3A_561 = tpu.memref_slice %arg10[%dma_wait3A_554] : memref<2x!tpu.dma_semaphore, #tpu.memory_space<semaphore_mem>> -> memref<1x!tpu.dma_semaphore, #tpu.memory_space<semaphore_mem>>
        %dma_wait3A_562 = tpu.memref_squeeze %dma_wait3A_561 : memref<1x!tpu.dma_semaphore, #tpu.memory_space<semaphore_mem>> -> memref<!tpu.dma_semaphore, #tpu.memory_space<semaphore_mem>>
        %dma_wait3A_563 = arith.constant 0 : i32
        %dma_wait3A_564 = arith.constant 0 : i32
        %dma_wait3A_565 = tpu.memref_slice %arg6[%dma_wait3A_553, %dma_wait3A_563, %dma_wait3A_564] : memref<2x1x200xi32, #tpu.memory_space<vmem>> -> memref<1x1x200xi32, #tpu.memory_space<vmem>>
        %dma_wait3A_566 = tpu.memref_squeeze %dma_wait3A_565 : memref<1x1x200xi32, #tpu.memory_space<vmem>> -> memref<1x200xi32, #tpu.memory_space<vmem>>
        %dma_wait3A_567 = arith.constant 0 : i32
        %dma_wait3A_568 = tpu.memref_slice %arg3[%add3A_552, %dma_wait3A_567] : memref<4096x200xi32, #tpu.memory_space<hbm>> -> memref<1x200xi32, #tpu.memory_space<hbm>>
        tpu.wait_dma2 semaphore(%dma_wait3A_562 : memref<!tpu.dma_semaphore, #tpu.memory_space<semaphore_mem>>) src(%dma_wait3A_568 : memref<1x200xi32, #tpu.memory_space<hbm>>) dst(%dma_wait3A_566 : memref<1x200xi32, #tpu.memory_space<vmem>>)
        %scan3A_569 = arith.constant 0 : i32
        %scan3A_570 = arith.constant 0 : i32
        %scan3A_571 = arith.constant 12 : i32
        %scan3A_572 = arith.addi %scan3A_570, %scan3A_571 : i32
        %scan3A_573 = arith.constant 1 : i32
        scf.for %scan3A_726 = %scan3A_570 to %scan3A_572 step %scan3A_573  : i32 {
          %mul3A_727 = arith.constant 16 : i32
          %mul3A_728 = arith.muli %scan3A_726, %mul3A_727 : i32
          %get3A_729 = arith.constant 1 : i32
          %get3A_730 = arith.constant 0 : i32
          %get3A_731 = arith.index_cast %get3A_729 : i32 to index
          %get3A_732 = arith.index_cast %get3A_730 : i32 to index
          %get3A_733 = arith.index_cast %mul3A_728 : i32 to index
          %get3A_734 = tpu.vector_load %arg6[%get3A_731, %get3A_732, %get3A_733] {strides = array<i32>} : memref<2x1x200xi32, #tpu.memory_space<vmem>>, vector<1x1x16xi32>,
          %get3A_735 = vector.shape_cast %get3A_734 : vector<1x1x16xi32> to vector<16xi32>
          %mul3A_736 = arith.constant 16 : i32
          %mul3A_737 = arith.muli %scan3A_726, %mul3A_736 : i32
          %add3A_738 = arith.constant 0 : i32
          %add3A_739 = arith.addi %mul3A_737, %add3A_738 : i32
          %slice3A_740 = vector.extract_strided_slice %get3A_735 {offsets = [0], sizes = [1], strides = [1]} : vector<16xi32> to vector<1xi32>
          %squeeze3A_741 = vector.extract %slice3A_740[0] : i32 from vector<1xi32>
          %dma_start3A_742 = arith.constant 1 : i32
          %dma_start3A_743 = arith.constant 1 : i32
          %dma_start3A_744 = arith.constant 0 : i32
          %dma_start3A_745 = tpu.memref_slice %arg8[%dma_start3A_742, %add3A_739, %dma_start3A_744] : memref<2x200x64xf32, #tpu.memory_space<vmem>> -> memref<1x1x64xf32, #tpu.memory_space<vmem>>
          %dma_start3A_746 = tpu.memref_squeeze %dma_start3A_745 : memref<1x1x64xf32, #tpu.memory_space<vmem>> -> memref<1x64xf32, #tpu.memory_space<vmem>>
          %dma_start3A_747 = arith.constant 0 : i32
          %dma_start3A_748 = tpu.memref_slice %arg2[%squeeze3A_741, %dma_start3A_747] : memref<1000000x64xf32, #tpu.memory_space<hbm>> -> memref<1x64xf32, #tpu.memory_space<hbm>>
          %dma_start3A_749 = tpu.memref_slice %arg11[%dma_start3A_743] : memref<2x!tpu.dma_semaphore, #tpu.memory_space<semaphore_mem>> -> memref<1x!tpu.dma_semaphore, #tpu.memory_space<semaphore_mem>>
          %dma_start3A_750 = tpu.memref_squeeze %dma_start3A_749 : memref<1x!tpu.dma_semaphore, #tpu.memory_space<semaphore_mem>> -> memref<!tpu.dma_semaphore, #tpu.memory_space<semaphore_mem>>
          %dma_start3A_751 = arith.constant 0 : i32
          %dma_start3A_752 = tpu.memref_slice %arg8[%dma_start3A_742, %add3A_739, %dma_start3A_751] : memref<2x200x64xf32, #tpu.memory_space<vmem>> -> memref<1x1x64xf32, #tpu.memory_space<vmem>>
          %dma_start3A_753 = tpu.memref_squeeze %dma_start3A_752 : memref<1x1x64xf32, #tpu.memory_space<vmem>> -> memref<1x64xf32, #tpu.memory_space<vmem>>
          %dma_start3A_754 = arith.constant 0 : i32
          %dma_start3A_755 = tpu.memref_slice %arg2[%squeeze3A_741, %dma_start3A_754] : memref<1000000x64xf32, #tpu.memory_space<hbm>> -> memref<1x64xf32, #tpu.memory_space<hbm>>
          tpu.enqueue_dma source(%dma_start3A_755 : memref<1x64xf32, #tpu.memory_space<hbm>>) target(%dma_start3A_753 : memref<1x64xf32, #tpu.memory_space<vmem>>) target_semaphore(%dma_start3A_750 : memref<!tpu.dma_semaphore, #tpu.memory_space<semaphore_mem>>)
          %mul3A_756 = arith.constant 16 : i32
          %mul3A_757 = arith.muli %scan3A_726, %mul3A_756 : i32
          %add3A_758 = arith.constant 1 : i32
          %add3A_759 = arith.addi %mul3A_757, %add3A_758 : i32
          %slice3A_760 = vector.extract_strided_slice %get3A_735 {offsets = [1], sizes = [1], strides = [1]} : vector<16xi32> to vector<1xi32>
          %squeeze3A_761 = vector.extract %slice3A_760[0] : i32 from vector<1xi32>
          %dma_start3A_762 = arith.constant 1 : i32
          %dma_start3A_763 = arith.constant 1 : i32
          %dma_start3A_764 = arith.constant 0 : i32
          %dma_start3A_765 = tpu.memref_slice %arg8[%dma_start3A_762, %add3A_759, %dma_start3A_764] : memref<2x200x64xf32, #tpu.memory_space<vmem>> -> memref<1x1x64xf32, #tpu.memory_space<vmem>>
          %dma_start3A_766 = tpu.memref_squeeze %dma_start3A_765 : memref<1x1x64xf32, #tpu.memory_space<vmem>> -> memref<1x64xf32, #tpu.memory_space<vmem>>
          %dma_start3A_767 = arith.constant 0 : i32
          %dma_start3A_768 = tpu.memref_slice %arg2[%squeeze3A_761, %dma_start3A_767] : memref<1000000x64xf32, #tpu.memory_space<hbm>> -> memref<1x64xf32, #tpu.memory_space<hbm>>
          %dma_start3A_769 = tpu.memref_slice %arg11[%dma_start3A_763] : memref<2x!tpu.dma_semaphore, #tpu.memory_space<semaphore_mem>> -> memref<1x!tpu.dma_semaphore, #tpu.memory_space<semaphore_mem>>
          %dma_start3A_770 = tpu.memref_squeeze %dma_start3A_769 : memref<1x!tpu.dma_semaphore, #tpu.memory_space<semaphore_mem>> -> memref<!tpu.dma_semaphore, #tpu.memory_space<semaphore_mem>>
          %dma_start3A_771 = arith.constant 0 : i32
          %dma_start3A_772 = tpu.memref_slice %arg8[%dma_start3A_762, %add3A_759, %dma_start3A_771] : memref<2x200x64xf32, #tpu.memory_space<vmem>> -> memref<1x1x64xf32, #tpu.memory_space<vmem>>
          %dma_start3A_773 = tpu.memref_squeeze %dma_start3A_772 : memref<1x1x64xf32, #tpu.memory_space<vmem>> -> memref<1x64xf32, #tpu.memory_space<vmem>>
          %dma_start3A_774 = arith.constant 0 : i32
          %dma_start3A_775 = tpu.memref_slice %arg2[%squeeze3A_761, %dma_start3A_774] : memref<1000000x64xf32, #tpu.memory_space<hbm>> -> memref<1x64xf32, #tpu.memory_space<hbm>>
          tpu.enqueue_dma source(%dma_start3A_775 : memref<1x64xf32, #tpu.memory_space<hbm>>) target(%dma_start3A_773 : memref<1x64xf32, #tpu.memory_space<vmem>>) target_semaphore(%dma_start3A_770 : memref<!tpu.dma_semaphore, #tpu.memory_space<semaphore_mem>>)
          %mul3A_776 = arith.constant 16 : i32
          %mul3A_777 = arith.muli %scan3A_726, %mul3A_776 : i32
          %add3A_778 = arith.constant 2 : i32
          %add3A_779 = arith.addi %mul3A_777, %add3A_778 : i32
          %slice3A_780 = vector.extract_strided_slice %get3A_735 {offsets = [2], sizes = [1], strides = [1]} : vector<16xi32> to vector<1xi32>
          %squeeze3A_781 = vector.extract %slice3A_780[0] : i32 from vector<1xi32>
          %dma_start3A_782 = arith.constant 1 : i32
          %dma_start3A_783 = arith.constant 1 : i32
          %dma_start3A_784 = arith.constant 0 : i32
          %dma_start3A_785 = tpu.memref_slice %arg8[%dma_start3A_782, %add3A_779, %dma_start3A_784] : memref<2x200x64xf32, #tpu.memory_space<vmem>> -> memref<1x1x64xf32, #tpu.memory_space<vmem>>
          %dma_start3A_786 = tpu.memref_squeeze %dma_start3A_785 : memref<1x1x64xf32, #tpu.memory_space<vmem>> -> memref<1x64xf32, #tpu.memory_space<vmem>>
          %dma_start3A_787 = arith.constant 0 : i32
          %dma_start3A_788 = tpu.memref_slice %arg2[%squeeze3A_781, %dma_start3A_787] : memref<1000000x64xf32, #tpu.memory_space<hbm>> -> memref<1x64xf32, #tpu.memory_space<hbm>>
          %dma_start3A_789 = tpu.memref_slice %arg11[%dma_start3A_783] : memref<2x!tpu.dma_semaphore, #tpu.memory_space<semaphore_mem>> -> memref<1x!tpu.dma_semaphore, #tpu.memory_space<semaphore_mem>>
          %dma_start3A_790 = tpu.memref_squeeze %dma_start3A_789 : memref<1x!tpu.dma_semaphore, #tpu.memory_space<semaphore_mem>> -> memref<!tpu.dma_semaphore, #tpu.memory_space<semaphore_mem>>
          %dma_start3A_791 = arith.constant 0 : i32
          %dma_start3A_792 = tpu.memref_slice %arg8[%dma_start3A_782, %add3A_779, %dma_start3A_791] : memref<2x200x64xf32, #tpu.memory_space<vmem>> -> memref<1x1x64xf32, #tpu.memory_space<vmem>>
          %dma_start3A_793 = tpu.memref_squeeze %dma_start3A_792 : memref<1x1x64xf32, #tpu.memory_space<vmem>> -> memref<1x64xf32, #tpu.memory_space<vmem>>
          %dma_start3A_794 = arith.constant 0 : i32
          %dma_start3A_795 = tpu.memref_slice %arg2[%squeeze3A_781, %dma_start3A_794] : memref<1000000x64xf32, #tpu.memory_space<hbm>> -> memref<1x64xf32, #tpu.memory_space<hbm>>
          tpu.enqueue_dma source(%dma_start3A_795 : memref<1x64xf32, #tpu.memory_space<hbm>>) target(%dma_start3A_793 : memref<1x64xf32, #tpu.memory_space<vmem>>) target_semaphore(%dma_start3A_790 : memref<!tpu.dma_semaphore, #tpu.memory_space<semaphore_mem>>)
          %mul3A_796 = arith.constant 16 : i32
          %mul3A_797 = arith.muli %scan3A_726, %mul3A_796 : i32
          %add3A_798 = arith.constant 3 : i32
          %add3A_799 = arith.addi %mul3A_797, %add3A_798 : i32
          %slice3A_800 = vector.extract_strided_slice %get3A_735 {offsets = [3], sizes = [1], strides = [1]} : vector<16xi32> to vector<1xi32>
          %squeeze3A_801 = vector.extract %slice3A_800[0] : i32 from vector<1xi32>
          %dma_start3A_802 = arith.constant 1 : i32
          %dma_start3A_803 = arith.constant 1 : i32
          %dma_start3A_804 = arith.constant 0 : i32
          %dma_start3A_805 = tpu.memref_slice %arg8[%dma_start3A_802, %add3A_799, %dma_start3A_804] : memref<2x200x64xf32, #tpu.memory_space<vmem>> -> memref<1x1x64xf32, #tpu.memory_space<vmem>>
          %dma_start3A_806 = tpu.memref_squeeze %dma_start3A_805 : memref<1x1x64xf32, #tpu.memory_space<vmem>> -> memref<1x64xf32, #tpu.memory_space<vmem>>
          %dma_start3A_807 = arith.constant 0 : i32
          %dma_start3A_808 = tpu.memref_slice %arg2[%squeeze3A_801, %dma_start3A_807] : memref<1000000x64xf32, #tpu.memory_space<hbm>> -> memref<1x64xf32, #tpu.memory_space<hbm>>
          %dma_start3A_809 = tpu.memref_slice %arg11[%dma_start3A_803] : memref<2x!tpu.dma_semaphore, #tpu.memory_space<semaphore_mem>> -> memref<1x!tpu.dma_semaphore, #tpu.memory_space<semaphore_mem>>
          %dma_start3A_810 = tpu.memref_squeeze %dma_start3A_809 : memref<1x!tpu.dma_semaphore, #tpu.memory_space<semaphore_mem>> -> memref<!tpu.dma_semaphore, #tpu.memory_space<semaphore_mem>>
          %dma_start3A_811 = arith.constant 0 : i32
          %dma_start3A_812 = tpu.memref_slice %arg8[%dma_start3A_802, %add3A_799, %dma_start3A_811] : memref<2x200x64xf32, #tpu.memory_space<vmem>> -> memref<1x1x64xf32, #tpu.memory_space<vmem>>
          %dma_start3A_813 = tpu.memref_squeeze %dma_start3A_812 : memref<1x1x64xf32, #tpu.memory_space<vmem>> -> memref<1x64xf32, #tpu.memory_space<vmem>>
          %dma_start3A_814 = arith.constant 0 : i32
          %dma_start3A_815 = tpu.memref_slice %arg2[%squeeze3A_801, %dma_start3A_814] : memref<1000000x64xf32, #tpu.memory_space<hbm>> -> memref<1x64xf32, #tpu.memory_space<hbm>>
          tpu.enqueue_dma source(%dma_start3A_815 : memref<1x64xf32, #tpu.memory_space<hbm>>) target(%dma_start3A_813 : memref<1x64xf32, #tpu.memory_space<vmem>>) target_semaphore(%dma_start3A_810 : memref<!tpu.dma_semaphore, #tpu.memory_space<semaphore_mem>>)
          %mul3A_816 = arith.constant 16 : i32
          %mul3A_817 = arith.muli %scan3A_726, %mul3A_816 : i32
          %add3A_818 = arith.constant 4 : i32
          %add3A_819 = arith.addi %mul3A_817, %add3A_818 : i32
          %slice3A_820 = vector.extract_strided_slice %get3A_735 {offsets = [4], sizes = [1], strides = [1]} : vector<16xi32> to vector<1xi32>
          %squeeze3A_821 = vector.extract %slice3A_820[0] : i32 from vector<1xi32>
          %dma_start3A_822 = arith.constant 1 : i32
          %dma_start3A_823 = arith.constant 1 : i32
          %dma_start3A_824 = arith.constant 0 : i32
          %dma_start3A_825 = tpu.memref_slice %arg8[%dma_start3A_822, %add3A_819, %dma_start3A_824] : memref<2x200x64xf32, #tpu.memory_space<vmem>> -> memref<1x1x64xf32, #tpu.memory_space<vmem>>
          %dma_start3A_826 = tpu.memref_squeeze %dma_start3A_825 : memref<1x1x64xf32, #tpu.memory_space<vmem>> -> memref<1x64xf32, #tpu.memory_space<vmem>>
          %dma_start3A_827 = arith.constant 0 : i32
          %dma_start3A_828 = tpu.memref_slice %arg2[%squeeze3A_821, %dma_start3A_827] : memref<1000000x64xf32, #tpu.memory_space<hbm>> -> memref<1x64xf32, #tpu.memory_space<hbm>>
          %dma_start3A_829 = tpu.memref_slice %arg11[%dma_start3A_823] : memref<2x!tpu.dma_semaphore, #tpu.memory_space<semaphore_mem>> -> memref<1x!tpu.dma_semaphore, #tpu.memory_space<semaphore_mem>>
          %dma_start3A_830 = tpu.memref_squeeze %dma_start3A_829 : memref<1x!tpu.dma_semaphore, #tpu.memory_space<semaphore_mem>> -> memref<!tpu.dma_semaphore, #tpu.memory_space<semaphore_mem>>
          %dma_start3A_831 = arith.constant 0 : i32
          %dma_start3A_832 = tpu.memref_slice %arg8[%dma_start3A_822, %add3A_819, %dma_start3A_831] : memref<2x200x64xf32, #tpu.memory_space<vmem>> -> memref<1x1x64xf32, #tpu.memory_space<vmem>>
          %dma_start3A_833 = tpu.memref_squeeze %dma_start3A_832 : memref<1x1x64xf32, #tpu.memory_space<vmem>> -> memref<1x64xf32, #tpu.memory_space<vmem>>
          %dma_start3A_834 = arith.constant 0 : i32
          %dma_start3A_835 = tpu.memref_slice %arg2[%squeeze3A_821, %dma_start3A_834] : memref<1000000x64xf32, #tpu.memory_space<hbm>> -> memref<1x64xf32, #tpu.memory_space<hbm>>
          tpu.enqueue_dma source(%dma_start3A_835 : memref<1x64xf32, #tpu.memory_space<hbm>>) target(%dma_start3A_833 : memref<1x64xf32, #tpu.memory_space<vmem>>) target_semaphore(%dma_start3A_830 : memref<!tpu.dma_semaphore, #tpu.memory_space<semaphore_mem>>)
          %mul3A_836 = arith.constant 16 : i32
          %mul3A_837 = arith.muli %scan3A_726, %mul3A_836 : i32
          %add3A_838 = arith.constant 5 : i32
          %add3A_839 = arith.addi %mul3A_837, %add3A_838 : i32
          %slice3A_840 = vector.extract_strided_slice %get3A_735 {offsets = [5], sizes = [1], strides = [1]} : vector<16xi32> to vector<1xi32>
          %squeeze3A_841 = vector.extract %slice3A_840[0] : i32 from vector<1xi32>
          %dma_start3A_842 = arith.constant 1 : i32
          %dma_start3A_843 = arith.constant 1 : i32
          %dma_start3A_844 = arith.constant 0 : i32
          %dma_start3A_845 = tpu.memref_slice %arg8[%dma_start3A_842, %add3A_839, %dma_start3A_844] : memref<2x200x64xf32, #tpu.memory_space<vmem>> -> memref<1x1x64xf32, #tpu.memory_space<vmem>>
          %dma_start3A_846 = tpu.memref_squeeze %dma_start3A_845 : memref<1x1x64xf32, #tpu.memory_space<vmem>> -> memref<1x64xf32, #tpu.memory_space<vmem>>
          %dma_start3A_847 = arith.constant 0 : i32
          %dma_start3A_848 = tpu.memref_slice %arg2[%squeeze3A_841, %dma_start3A_847] : memref<1000000x64xf32, #tpu.memory_space<hbm>> -> memref<1x64xf32, #tpu.memory_space<hbm>>
          %dma_start3A_849 = tpu.memref_slice %arg11[%dma_start3A_843] : memref<2x!tpu.dma_semaphore, #tpu.memory_space<semaphore_mem>> -> memref<1x!tpu.dma_semaphore, #tpu.memory_space<semaphore_mem>>
          %dma_start3A_850 = tpu.memref_squeeze %dma_start3A_849 : memref<1x!tpu.dma_semaphore, #tpu.memory_space<semaphore_mem>> -> memref<!tpu.dma_semaphore, #tpu.memory_space<semaphore_mem>>
          %dma_start3A_851 = arith.constant 0 : i32
          %dma_start3A_852 = tpu.memref_slice %arg8[%dma_start3A_842, %add3A_839, %dma_start3A_851] : memref<2x200x64xf32, #tpu.memory_space<vmem>> -> memref<1x1x64xf32, #tpu.memory_space<vmem>>
          %dma_start3A_853 = tpu.memref_squeeze %dma_start3A_852 : memref<1x1x64xf32, #tpu.memory_space<vmem>> -> memref<1x64xf32, #tpu.memory_space<vmem>>
          %dma_start3A_854 = arith.constant 0 : i32
          %dma_start3A_855 = tpu.memref_slice %arg2[%squeeze3A_841, %dma_start3A_854] : memref<1000000x64xf32, #tpu.memory_space<hbm>> -> memref<1x64xf32, #tpu.memory_space<hbm>>
          tpu.enqueue_dma source(%dma_start3A_855 : memref<1x64xf32, #tpu.memory_space<hbm>>) target(%dma_start3A_853 : memref<1x64xf32, #tpu.memory_space<vmem>>) target_semaphore(%dma_start3A_850 : memref<!tpu.dma_semaphore, #tpu.memory_space<semaphore_mem>>)
          %mul3A_856 = arith.constant 16 : i32
          %mul3A_857 = arith.muli %scan3A_726, %mul3A_856 : i32
          %add3A_858 = arith.constant 6 : i32
          %add3A_859 = arith.addi %mul3A_857, %add3A_858 : i32
          %slice3A_860 = vector.extract_strided_slice %get3A_735 {offsets = [6], sizes = [1], strides = [1]} : vector<16xi32> to vector<1xi32>
          %squeeze3A_861 = vector.extract %slice3A_860[0] : i32 from vector<1xi32>
          %dma_start3A_862 = arith.constant 1 : i32
          %dma_start3A_863 = arith.constant 1 : i32
          %dma_start3A_864 = arith.constant 0 : i32
          %dma_start3A_865 = tpu.memref_slice %arg8[%dma_start3A_862, %add3A_859, %dma_start3A_864] : memref<2x200x64xf32, #tpu.memory_space<vmem>> -> memref<1x1x64xf32, #tpu.memory_space<vmem>>
          %dma_start3A_866 = tpu.memref_squeeze %dma_start3A_865 : memref<1x1x64xf32, #tpu.memory_space<vmem>> -> memref<1x64xf32, #tpu.memory_space<vmem>>
          %dma_start3A_867 = arith.constant 0 : i32
          %dma_start3A_868 = tpu.memref_slice %arg2[%squeeze3A_861, %dma_start3A_867] : memref<1000000x64xf32, #tpu.memory_space<hbm>> -> memref<1x64xf32, #tpu.memory_space<hbm>>
          %dma_start3A_869 = tpu.memref_slice %arg11[%dma_start3A_863] : memref<2x!tpu.dma_semaphore, #tpu.memory_space<semaphore_mem>> -> memref<1x!tpu.dma_semaphore, #tpu.memory_space<semaphore_mem>>
          %dma_start3A_870 = tpu.memref_squeeze %dma_start3A_869 : memref<1x!tpu.dma_semaphore, #tpu.memory_space<semaphore_mem>> -> memref<!tpu.dma_semaphore, #tpu.memory_space<semaphore_mem>>
          %dma_start3A_871 = arith.constant 0 : i32
          %dma_start3A_872 = tpu.memref_slice %arg8[%dma_start3A_862, %add3A_859, %dma_start3A_871] : memref<2x200x64xf32, #tpu.memory_space<vmem>> -> memref<1x1x64xf32, #tpu.memory_space<vmem>>
          %dma_start3A_873 = tpu.memref_squeeze %dma_start3A_872 : memref<1x1x64xf32, #tpu.memory_space<vmem>> -> memref<1x64xf32, #tpu.memory_space<vmem>>
          %dma_start3A_874 = arith.constant 0 : i32
          %dma_start3A_875 = tpu.memref_slice %arg2[%squeeze3A_861, %dma_start3A_874] : memref<1000000x64xf32, #tpu.memory_space<hbm>> -> memref<1x64xf32, #tpu.memory_space<hbm>>
          tpu.enqueue_dma source(%dma_start3A_875 : memref<1x64xf32, #tpu.memory_space<hbm>>) target(%dma_start3A_873 : memref<1x64xf32, #tpu.memory_space<vmem>>) target_semaphore(%dma_start3A_870 : memref<!tpu.dma_semaphore, #tpu.memory_space<semaphore_mem>>)
          %mul3A_876 = arith.constant 16 : i32
          %mul3A_877 = arith.muli %scan3A_726, %mul3A_876 : i32
          %add3A_878 = arith.constant 7 : i32
          %add3A_879 = arith.addi %mul3A_877, %add3A_878 : i32
          %slice3A_880 = vector.extract_strided_slice %get3A_735 {offsets = [7], sizes = [1], strides = [1]} : vector<16xi32> to vector<1xi32>
          %squeeze3A_881 = vector.extract %slice3A_880[0] : i32 from vector<1xi32>
          %dma_start3A_882 = arith.constant 1 : i32
          %dma_start3A_883 = arith.constant 1 : i32
          %dma_start3A_884 = arith.constant 0 : i32
          %dma_start3A_885 = tpu.memref_slice %arg8[%dma_start3A_882, %add3A_879, %dma_start3A_884] : memref<2x200x64xf32, #tpu.memory_space<vmem>> -> memref<1x1x64xf32, #tpu.memory_space<vmem>>
          %dma_start3A_886 = tpu.memref_squeeze %dma_start3A_885 : memref<1x1x64xf32, #tpu.memory_space<vmem>> -> memref<1x64xf32, #tpu.memory_space<vmem>>
          %dma_start3A_887 = arith.constant 0 : i32
          %dma_start3A_888 = tpu.memref_slice %arg2[%squeeze3A_881, %dma_start3A_887] : memref<1000000x64xf32, #tpu.memory_space<hbm>> -> memref<1x64xf32, #tpu.memory_space<hbm>>
          %dma_start3A_889 = tpu.memref_slice %arg11[%dma_start3A_883] : memref<2x!tpu.dma_semaphore, #tpu.memory_space<semaphore_mem>> -> memref<1x!tpu.dma_semaphore, #tpu.memory_space<semaphore_mem>>
          %dma_start3A_890 = tpu.memref_squeeze %dma_start3A_889 : memref<1x!tpu.dma_semaphore, #tpu.memory_space<semaphore_mem>> -> memref<!tpu.dma_semaphore, #tpu.memory_space<semaphore_mem>>
          %dma_start3A_891 = arith.constant 0 : i32
          %dma_start3A_892 = tpu.memref_slice %arg8[%dma_start3A_882, %add3A_879, %dma_start3A_891] : memref<2x200x64xf32, #tpu.memory_space<vmem>> -> memref<1x1x64xf32, #tpu.memory_space<vmem>>
          %dma_start3A_893 = tpu.memref_squeeze %dma_start3A_892 : memref<1x1x64xf32, #tpu.memory_space<vmem>> -> memref<1x64xf32, #tpu.memory_space<vmem>>
          %dma_start3A_894 = arith.constant 0 : i32
          %dma_start3A_895 = tpu.memref_slice %arg2[%squeeze3A_881, %dma_start3A_894] : memref<1000000x64xf32, #tpu.memory_space<hbm>> -> memref<1x64xf32, #tpu.memory_space<hbm>>
          tpu.enqueue_dma source(%dma_start3A_895 : memref<1x64xf32, #tpu.memory_space<hbm>>) target(%dma_start3A_893 : memref<1x64xf32, #tpu.memory_space<vmem>>) target_semaphore(%dma_start3A_890 : memref<!tpu.dma_semaphore, #tpu.memory_space<semaphore_mem>>)
          %mul3A_896 = arith.constant 16 : i32
          %mul3A_897 = arith.muli %scan3A_726, %mul3A_896 : i32
          %add3A_898 = arith.constant 8 : i32
          %add3A_899 = arith.addi %mul3A_897, %add3A_898 : i32
          %slice3A_900 = vector.extract_strided_slice %get3A_735 {offsets = [8], sizes = [1], strides = [1]} : vector<16xi32> to vector<1xi32>
          %squeeze3A_901 = vector.extract %slice3A_900[0] : i32 from vector<1xi32>
          %dma_start3A_902 = arith.constant 1 : i32
          %dma_start3A_903 = arith.constant 1 : i32
          %dma_start3A_904 = arith.constant 0 : i32
          %dma_start3A_905 = tpu.memref_slice %arg8[%dma_start3A_902, %add3A_899, %dma_start3A_904] : memref<2x200x64xf32, #tpu.memory_space<vmem>> -> memref<1x1x64xf32, #tpu.memory_space<vmem>>
          %dma_start3A_906 = tpu.memref_squeeze %dma_start3A_905 : memref<1x1x64xf32, #tpu.memory_space<vmem>> -> memref<1x64xf32, #tpu.memory_space<vmem>>
          %dma_start3A_907 = arith.constant 0 : i32
          %dma_start3A_908 = tpu.memref_slice %arg2[%squeeze3A_901, %dma_start3A_907] : memref<1000000x64xf32, #tpu.memory_space<hbm>> -> memref<1x64xf32, #tpu.memory_space<hbm>>
          %dma_start3A_909 = tpu.memref_slice %arg11[%dma_start3A_903] : memref<2x!tpu.dma_semaphore, #tpu.memory_space<semaphore_mem>> -> memref<1x!tpu.dma_semaphore, #tpu.memory_space<semaphore_mem>>
          %dma_start3A_910 = tpu.memref_squeeze %dma_start3A_909 : memref<1x!tpu.dma_semaphore, #tpu.memory_space<semaphore_mem>> -> memref<!tpu.dma_semaphore, #tpu.memory_space<semaphore_mem>>
          %dma_start3A_911 = arith.constant 0 : i32
          %dma_start3A_912 = tpu.memref_slice %arg8[%dma_start3A_902, %add3A_899, %dma_start3A_911] : memref<2x200x64xf32, #tpu.memory_space<vmem>> -> memref<1x1x64xf32, #tpu.memory_space<vmem>>
          %dma_start3A_913 = tpu.memref_squeeze %dma_start3A_912 : memref<1x1x64xf32, #tpu.memory_space<vmem>> -> memref<1x64xf32, #tpu.memory_space<vmem>>
          %dma_start3A_914 = arith.constant 0 : i32
          %dma_start3A_915 = tpu.memref_slice %arg2[%squeeze3A_901, %dma_start3A_914] : memref<1000000x64xf32, #tpu.memory_space<hbm>> -> memref<1x64xf32, #tpu.memory_space<hbm>>
          tpu.enqueue_dma source(%dma_start3A_915 : memref<1x64xf32, #tpu.memory_space<hbm>>) target(%dma_start3A_913 : memref<1x64xf32, #tpu.memory_space<vmem>>) target_semaphore(%dma_start3A_910 : memref<!tpu.dma_semaphore, #tpu.memory_space<semaphore_mem>>)
          %mul3A_916 = arith.constant 16 : i32
          %mul3A_917 = arith.muli %scan3A_726, %mul3A_916 : i32
          %add3A_918 = arith.constant 9 : i32
          %add3A_919 = arith.addi %mul3A_917, %add3A_918 : i32
          %slice3A_920 = vector.extract_strided_slice %get3A_735 {offsets = [9], sizes = [1], strides = [1]} : vector<16xi32> to vector<1xi32>
          %squeeze3A_921 = vector.extract %slice3A_920[0] : i32 from vector<1xi32>
          %dma_start3A_922 = arith.constant 1 : i32
          %dma_start3A_923 = arith.constant 1 : i32
          %dma_start3A_924 = arith.constant 0 : i32
          %dma_start3A_925 = tpu.memref_slice %arg8[%dma_start3A_922, %add3A_919, %dma_start3A_924] : memref<2x200x64xf32, #tpu.memory_space<vmem>> -> memref<1x1x64xf32, #tpu.memory_space<vmem>>
          %dma_start3A_926 = tpu.memref_squeeze %dma_start3A_925 : memref<1x1x64xf32, #tpu.memory_space<vmem>> -> memref<1x64xf32, #tpu.memory_space<vmem>>
          %dma_start3A_927 = arith.constant 0 : i32
          %dma_start3A_928 = tpu.memref_slice %arg2[%squeeze3A_921, %dma_start3A_927] : memref<1000000x64xf32, #tpu.memory_space<hbm>> -> memref<1x64xf32, #tpu.memory_space<hbm>>
          %dma_start3A_929 = tpu.memref_slice %arg11[%dma_start3A_923] : memref<2x!tpu.dma_semaphore, #tpu.memory_space<semaphore_mem>> -> memref<1x!tpu.dma_semaphore, #tpu.memory_space<semaphore_mem>>
          %dma_start3A_930 = tpu.memref_squeeze %dma_start3A_929 : memref<1x!tpu.dma_semaphore, #tpu.memory_space<semaphore_mem>> -> memref<!tpu.dma_semaphore, #tpu.memory_space<semaphore_mem>>
          %dma_start3A_931 = arith.constant 0 : i32
          %dma_start3A_932 = tpu.memref_slice %arg8[%dma_start3A_922, %add3A_919, %dma_start3A_931] : memref<2x200x64xf32, #tpu.memory_space<vmem>> -> memref<1x1x64xf32, #tpu.memory_space<vmem>>
          %dma_start3A_933 = tpu.memref_squeeze %dma_start3A_932 : memref<1x1x64xf32, #tpu.memory_space<vmem>> -> memref<1x64xf32, #tpu.memory_space<vmem>>
          %dma_start3A_934 = arith.constant 0 : i32
          %dma_start3A_935 = tpu.memref_slice %arg2[%squeeze3A_921, %dma_start3A_934] : memref<1000000x64xf32, #tpu.memory_space<hbm>> -> memref<1x64xf32, #tpu.memory_space<hbm>>
          tpu.enqueue_dma source(%dma_start3A_935 : memref<1x64xf32, #tpu.memory_space<hbm>>) target(%dma_start3A_933 : memref<1x64xf32, #tpu.memory_space<vmem>>) target_semaphore(%dma_start3A_930 : memref<!tpu.dma_semaphore, #tpu.memory_space<semaphore_mem>>)
          %mul3A_936 = arith.constant 16 : i32
          %mul3A_937 = arith.muli %scan3A_726, %mul3A_936 : i32
          %add3A_938 = arith.constant 10 : i32
          %add3A_939 = arith.addi %mul3A_937, %add3A_938 : i32
          %slice3A_940 = vector.extract_strided_slice %get3A_735 {offsets = [10], sizes = [1], strides = [1]} : vector<16xi32> to vector<1xi32>
          %squeeze3A_941 = vector.extract %slice3A_940[0] : i32 from vector<1xi32>
          %dma_start3A_942 = arith.constant 1 : i32
          %dma_start3A_943 = arith.constant 1 : i32
          %dma_start3A_944 = arith.constant 0 : i32
          %dma_start3A_945 = tpu.memref_slice %arg8[%dma_start3A_942, %add3A_939, %dma_start3A_944] : memref<2x200x64xf32, #tpu.memory_space<vmem>> -> memref<1x1x64xf32, #tpu.memory_space<vmem>>
          %dma_start3A_946 = tpu.memref_squeeze %dma_start3A_945 : memref<1x1x64xf32, #tpu.memory_space<vmem>> -> memref<1x64xf32, #tpu.memory_space<vmem>>
          %dma_start3A_947 = arith.constant 0 : i32
          %dma_start3A_948 = tpu.memref_slice %arg2[%squeeze3A_941, %dma_start3A_947] : memref<1000000x64xf32, #tpu.memory_space<hbm>> -> memref<1x64xf32, #tpu.memory_space<hbm>>
          %dma_start3A_949 = tpu.memref_slice %arg11[%dma_start3A_943] : memref<2x!tpu.dma_semaphore, #tpu.memory_space<semaphore_mem>> -> memref<1x!tpu.dma_semaphore, #tpu.memory_space<semaphore_mem>>
          %dma_start3A_950 = tpu.memref_squeeze %dma_start3A_949 : memref<1x!tpu.dma_semaphore, #tpu.memory_space<semaphore_mem>> -> memref<!tpu.dma_semaphore, #tpu.memory_space<semaphore_mem>>
          %dma_start3A_951 = arith.constant 0 : i32
          %dma_start3A_952 = tpu.memref_slice %arg8[%dma_start3A_942, %add3A_939, %dma_start3A_951] : memref<2x200x64xf32, #tpu.memory_space<vmem>> -> memref<1x1x64xf32, #tpu.memory_space<vmem>>
          %dma_start3A_953 = tpu.memref_squeeze %dma_start3A_952 : memref<1x1x64xf32, #tpu.memory_space<vmem>> -> memref<1x64xf32, #tpu.memory_space<vmem>>
          %dma_start3A_954 = arith.constant 0 : i32
          %dma_start3A_955 = tpu.memref_slice %arg2[%squeeze3A_941, %dma_start3A_954] : memref<1000000x64xf32, #tpu.memory_space<hbm>> -> memref<1x64xf32, #tpu.memory_space<hbm>>
          tpu.enqueue_dma source(%dma_start3A_955 : memref<1x64xf32, #tpu.memory_space<hbm>>) target(%dma_start3A_953 : memref<1x64xf32, #tpu.memory_space<vmem>>) target_semaphore(%dma_start3A_950 : memref<!tpu.dma_semaphore, #tpu.memory_space<semaphore_mem>>)
          %mul3A_956 = arith.constant 16 : i32
          %mul3A_957 = arith.muli %scan3A_726, %mul3A_956 : i32
          %add3A_958 = arith.constant 11 : i32
          %add3A_959 = arith.addi %mul3A_957, %add3A_958 : i32
          %slice3A_960 = vector.extract_strided_slice %get3A_735 {offsets = [11], sizes = [1], strides = [1]} : vector<16xi32> to vector<1xi32>
          %squeeze3A_961 = vector.extract %slice3A_960[0] : i32 from vector<1xi32>
          %dma_start3A_962 = arith.constant 1 : i32
          %dma_start3A_963 = arith.constant 1 : i32
          %dma_start3A_964 = arith.constant 0 : i32
          %dma_start3A_965 = tpu.memref_slice %arg8[%dma_start3A_962, %add3A_959, %dma_start3A_964] : memref<2x200x64xf32, #tpu.memory_space<vmem>> -> memref<1x1x64xf32, #tpu.memory_space<vmem>>
          %dma_start3A_966 = tpu.memref_squeeze %dma_start3A_965 : memref<1x1x64xf32, #tpu.memory_space<vmem>> -> memref<1x64xf32, #tpu.memory_space<vmem>>
          %dma_start3A_967 = arith.constant 0 : i32
          %dma_start3A_968 = tpu.memref_slice %arg2[%squeeze3A_961, %dma_start3A_967] : memref<1000000x64xf32, #tpu.memory_space<hbm>> -> memref<1x64xf32, #tpu.memory_space<hbm>>
          %dma_start3A_969 = tpu.memref_slice %arg11[%dma_start3A_963] : memref<2x!tpu.dma_semaphore, #tpu.memory_space<semaphore_mem>> -> memref<1x!tpu.dma_semaphore, #tpu.memory_space<semaphore_mem>>
          %dma_start3A_970 = tpu.memref_squeeze %dma_start3A_969 : memref<1x!tpu.dma_semaphore, #tpu.memory_space<semaphore_mem>> -> memref<!tpu.dma_semaphore, #tpu.memory_space<semaphore_mem>>
          %dma_start3A_971 = arith.constant 0 : i32
          %dma_start3A_972 = tpu.memref_slice %arg8[%dma_start3A_962, %add3A_959, %dma_start3A_971] : memref<2x200x64xf32, #tpu.memory_space<vmem>> -> memref<1x1x64xf32, #tpu.memory_space<vmem>>
          %dma_start3A_973 = tpu.memref_squeeze %dma_start3A_972 : memref<1x1x64xf32, #tpu.memory_space<vmem>> -> memref<1x64xf32, #tpu.memory_space<vmem>>
          %dma_start3A_974 = arith.constant 0 : i32
          %dma_start3A_975 = tpu.memref_slice %arg2[%squeeze3A_961, %dma_start3A_974] : memref<1000000x64xf32, #tpu.memory_space<hbm>> -> memref<1x64xf32, #tpu.memory_space<hbm>>
          tpu.enqueue_dma source(%dma_start3A_975 : memref<1x64xf32, #tpu.memory_space<hbm>>) target(%dma_start3A_973 : memref<1x64xf32, #tpu.memory_space<vmem>>) target_semaphore(%dma_start3A_970 : memref<!tpu.dma_semaphore, #tpu.memory_space<semaphore_mem>>)
          %mul3A_976 = arith.constant 16 : i32
          %mul3A_977 = arith.muli %scan3A_726, %mul3A_976 : i32
          %add3A_978 = arith.constant 12 : i32
          %add3A_979 = arith.addi %mul3A_977, %add3A_978 : i32
          %slice3A_980 = vector.extract_strided_slice %get3A_735 {offsets = [12], sizes = [1], strides = [1]} : vector<16xi32> to vector<1xi32>
          %squeeze3A_981 = vector.extract %slice3A_980[0] : i32 from vector<1xi32>
          %dma_start3A_982 = arith.constant 1 : i32
          %dma_start3A_983 = arith.constant 1 : i32
          %dma_start3A_984 = arith.constant 0 : i32
          %dma_start3A_985 = tpu.memref_slice %arg8[%dma_start3A_982, %add3A_979, %dma_start3A_984] : memref<2x200x64xf32, #tpu.memory_space<vmem>> -> memref<1x1x64xf32, #tpu.memory_space<vmem>>
          %dma_start3A_986 = tpu.memref_squeeze %dma_start3A_985 : memref<1x1x64xf32, #tpu.memory_space<vmem>> -> memref<1x64xf32, #tpu.memory_space<vmem>>
          %dma_start3A_987 = arith.constant 0 : i32
          %dma_start3A_988 = tpu.memref_slice %arg2[%squeeze3A_981, %dma_start3A_987] : memref<1000000x64xf32, #tpu.memory_space<hbm>> -> memref<1x64xf32, #tpu.memory_space<hbm>>
          %dma_start3A_989 = tpu.memref_slice %arg11[%dma_start3A_983] : memref<2x!tpu.dma_semaphore, #tpu.memory_space<semaphore_mem>> -> memref<1x!tpu.dma_semaphore, #tpu.memory_space<semaphore_mem>>
          %dma_start3A_990 = tpu.memref_squeeze %dma_start3A_989 : memref<1x!tpu.dma_semaphore, #tpu.memory_space<semaphore_mem>> -> memref<!tpu.dma_semaphore, #tpu.memory_space<semaphore_mem>>
          %dma_start3A_991 = arith.constant 0 : i32
          %dma_start3A_992 = tpu.memref_slice %arg8[%dma_start3A_982, %add3A_979, %dma_start3A_991] : memref<2x200x64xf32, #tpu.memory_space<vmem>> -> memref<1x1x64xf32, #tpu.memory_space<vmem>>
          %dma_start3A_993 = tpu.memref_squeeze %dma_start3A_992 : memref<1x1x64xf32, #tpu.memory_space<vmem>> -> memref<1x64xf32, #tpu.memory_space<vmem>>
          %dma_start3A_994 = arith.constant 0 : i32
          %dma_start3A_995 = tpu.memref_slice %arg2[%squeeze3A_981, %dma_start3A_994] : memref<1000000x64xf32, #tpu.memory_space<hbm>> -> memref<1x64xf32, #tpu.memory_space<hbm>>
          tpu.enqueue_dma source(%dma_start3A_995 : memref<1x64xf32, #tpu.memory_space<hbm>>) target(%dma_start3A_993 : memref<1x64xf32, #tpu.memory_space<vmem>>) target_semaphore(%dma_start3A_990 : memref<!tpu.dma_semaphore, #tpu.memory_space<semaphore_mem>>)
          %mul3A_996 = arith.constant 16 : i32
          %mul3A_997 = arith.muli %scan3A_726, %mul3A_996 : i32
          %add3A_998 = arith.constant 13 : i32
          %add3A_999 = arith.addi %mul3A_997, %add3A_998 : i32
          %slice3A_1000 = vector.extract_strided_slice %get3A_735 {offsets = [13], sizes = [1], strides = [1]} : vector<16xi32> to vector<1xi32>
          %squeeze3A_1001 = vector.extract %slice3A_1000[0] : i32 from vector<1xi32>
          %dma_start3A_1002 = arith.constant 1 : i32
          %dma_start3A_1003 = arith.constant 1 : i32
          %dma_start3A_1004 = arith.constant 0 : i32
          %dma_start3A_1005 = tpu.memref_slice %arg8[%dma_start3A_1002, %add3A_999, %dma_start3A_1004] : memref<2x200x64xf32, #tpu.memory_space<vmem>> -> memref<1x1x64xf32, #tpu.memory_space<vmem>>
          %dma_start3A_1006 = tpu.memref_squeeze %dma_start3A_1005 : memref<1x1x64xf32, #tpu.memory_space<vmem>> -> memref<1x64xf32, #tpu.memory_space<vmem>>
          %dma_start3A_1007 = arith.constant 0 : i32
          %dma_start3A_1008 = tpu.memref_slice %arg2[%squeeze3A_1001, %dma_start3A_1007] : memref<1000000x64xf32, #tpu.memory_space<hbm>> -> memref<1x64xf32, #tpu.memory_space<hbm>>
          %dma_start3A_1009 = tpu.memref_slice %arg11[%dma_start3A_1003] : memref<2x!tpu.dma_semaphore, #tpu.memory_space<semaphore_mem>> -> memref<1x!tpu.dma_semaphore, #tpu.memory_space<semaphore_mem>>
          %dma_start3A_1010 = tpu.memref_squeeze %dma_start3A_1009 : memref<1x!tpu.dma_semaphore, #tpu.memory_space<semaphore_mem>> -> memref<!tpu.dma_semaphore, #tpu.memory_space<semaphore_mem>>
          %dma_start3A_1011 = arith.constant 0 : i32
          %dma_start3A_1012 = tpu.memref_slice %arg8[%dma_start3A_1002, %add3A_999, %dma_start3A_1011] : memref<2x200x64xf32, #tpu.memory_space<vmem>> -> memref<1x1x64xf32, #tpu.memory_space<vmem>>
          %dma_start3A_1013 = tpu.memref_squeeze %dma_start3A_1012 : memref<1x1x64xf32, #tpu.memory_space<vmem>> -> memref<1x64xf32, #tpu.memory_space<vmem>>
          %dma_start3A_1014 = arith.constant 0 : i32
          %dma_start3A_1015 = tpu.memref_slice %arg2[%squeeze3A_1001, %dma_start3A_1014] : memref<1000000x64xf32, #tpu.memory_space<hbm>> -> memref<1x64xf32, #tpu.memory_space<hbm>>
          tpu.enqueue_dma source(%dma_start3A_1015 : memref<1x64xf32, #tpu.memory_space<hbm>>) target(%dma_start3A_1013 : memref<1x64xf32, #tpu.memory_space<vmem>>) target_semaphore(%dma_start3A_1010 : memref<!tpu.dma_semaphore, #tpu.memory_space<semaphore_mem>>)
          %mul3A_1016 = arith.constant 16 : i32
          %mul3A_1017 = arith.muli %scan3A_726, %mul3A_1016 : i32
          %add3A_1018 = arith.constant 14 : i32
          %add3A_1019 = arith.addi %mul3A_1017, %add3A_1018 : i32
          %slice3A_1020 = vector.extract_strided_slice %get3A_735 {offsets = [14], sizes = [1], strides = [1]} : vector<16xi32> to vector<1xi32>
          %squeeze3A_1021 = vector.extract %slice3A_1020[0] : i32 from vector<1xi32>
          %dma_start3A_1022 = arith.constant 1 : i32
          %dma_start3A_1023 = arith.constant 1 : i32
          %dma_start3A_1024 = arith.constant 0 : i32
          %dma_start3A_1025 = tpu.memref_slice %arg8[%dma_start3A_1022, %add3A_1019, %dma_start3A_1024] : memref<2x200x64xf32, #tpu.memory_space<vmem>> -> memref<1x1x64xf32, #tpu.memory_space<vmem>>
          %dma_start3A_1026 = tpu.memref_squeeze %dma_start3A_1025 : memref<1x1x64xf32, #tpu.memory_space<vmem>> -> memref<1x64xf32, #tpu.memory_space<vmem>>
          %dma_start3A_1027 = arith.constant 0 : i32
          %dma_start3A_1028 = tpu.memref_slice %arg2[%squeeze3A_1021, %dma_start3A_1027] : memref<1000000x64xf32, #tpu.memory_space<hbm>> -> memref<1x64xf32, #tpu.memory_space<hbm>>
          %dma_start3A_1029 = tpu.memref_slice %arg11[%dma_start3A_1023] : memref<2x!tpu.dma_semaphore, #tpu.memory_space<semaphore_mem>> -> memref<1x!tpu.dma_semaphore, #tpu.memory_space<semaphore_mem>>
          %dma_start3A_1030 = tpu.memref_squeeze %dma_start3A_1029 : memref<1x!tpu.dma_semaphore, #tpu.memory_space<semaphore_mem>> -> memref<!tpu.dma_semaphore, #tpu.memory_space<semaphore_mem>>
          %dma_start3A_1031 = arith.constant 0 : i32
          %dma_start3A_1032 = tpu.memref_slice %arg8[%dma_start3A_1022, %add3A_1019, %dma_start3A_1031] : memref<2x200x64xf32, #tpu.memory_space<vmem>> -> memref<1x1x64xf32, #tpu.memory_space<vmem>>
          %dma_start3A_1033 = tpu.memref_squeeze %dma_start3A_1032 : memref<1x1x64xf32, #tpu.memory_space<vmem>> -> memref<1x64xf32, #tpu.memory_space<vmem>>
          %dma_start3A_1034 = arith.constant 0 : i32
          %dma_start3A_1035 = tpu.memref_slice %arg2[%squeeze3A_1021, %dma_start3A_1034] : memref<1000000x64xf32, #tpu.memory_space<hbm>> -> memref<1x64xf32, #tpu.memory_space<hbm>>
          tpu.enqueue_dma source(%dma_start3A_1035 : memref<1x64xf32, #tpu.memory_space<hbm>>) target(%dma_start3A_1033 : memref<1x64xf32, #tpu.memory_space<vmem>>) target_semaphore(%dma_start3A_1030 : memref<!tpu.dma_semaphore, #tpu.memory_space<semaphore_mem>>)
          %mul3A_1036 = arith.constant 16 : i32
          %mul3A_1037 = arith.muli %scan3A_726, %mul3A_1036 : i32
          %add3A_1038 = arith.constant 15 : i32
          %add3A_1039 = arith.addi %mul3A_1037, %add3A_1038 : i32
          %slice3A_1040 = vector.extract_strided_slice %get3A_735 {offsets = [15], sizes = [1], strides = [1]} : vector<16xi32> to vector<1xi32>
          %squeeze3A_1041 = vector.extract %slice3A_1040[0] : i32 from vector<1xi32>
          %dma_start3A_1042 = arith.constant 1 : i32
          %dma_start3A_1043 = arith.constant 1 : i32
          %dma_start3A_1044 = arith.constant 0 : i32
          %dma_start3A_1045 = tpu.memref_slice %arg8[%dma_start3A_1042, %add3A_1039, %dma_start3A_1044] : memref<2x200x64xf32, #tpu.memory_space<vmem>> -> memref<1x1x64xf32, #tpu.memory_space<vmem>>
          %dma_start3A_1046 = tpu.memref_squeeze %dma_start3A_1045 : memref<1x1x64xf32, #tpu.memory_space<vmem>> -> memref<1x64xf32, #tpu.memory_space<vmem>>
          %dma_start3A_1047 = arith.constant 0 : i32
          %dma_start3A_1048 = tpu.memref_slice %arg2[%squeeze3A_1041, %dma_start3A_1047] : memref<1000000x64xf32, #tpu.memory_space<hbm>> -> memref<1x64xf32, #tpu.memory_space<hbm>>
          %dma_start3A_1049 = tpu.memref_slice %arg11[%dma_start3A_1043] : memref<2x!tpu.dma_semaphore, #tpu.memory_space<semaphore_mem>> -> memref<1x!tpu.dma_semaphore, #tpu.memory_space<semaphore_mem>>
          %dma_start3A_1050 = tpu.memref_squeeze %dma_start3A_1049 : memref<1x!tpu.dma_semaphore, #tpu.memory_space<semaphore_mem>> -> memref<!tpu.dma_semaphore, #tpu.memory_space<semaphore_mem>>
          %dma_start3A_1051 = arith.constant 0 : i32
          %dma_start3A_1052 = tpu.memref_slice %arg8[%dma_start3A_1042, %add3A_1039, %dma_start3A_1051] : memref<2x200x64xf32, #tpu.memory_space<vmem>> -> memref<1x1x64xf32, #tpu.memory_space<vmem>>
          %dma_start3A_1053 = tpu.memref_squeeze %dma_start3A_1052 : memref<1x1x64xf32, #tpu.memory_space<vmem>> -> memref<1x64xf32, #tpu.memory_space<vmem>>
          %dma_start3A_1054 = arith.constant 0 : i32
          %dma_start3A_1055 = tpu.memref_slice %arg2[%squeeze3A_1041, %dma_start3A_1054] : memref<1000000x64xf32, #tpu.memory_space<hbm>> -> memref<1x64xf32, #tpu.memory_space<hbm>>
          tpu.enqueue_dma source(%dma_start3A_1055 : memref<1x64xf32, #tpu.memory_space<hbm>>) target(%dma_start3A_1053 : memref<1x64xf32, #tpu.memory_space<vmem>>) target_semaphore(%dma_start3A_1050 : memref<!tpu.dma_semaphore, #tpu.memory_space<semaphore_mem>>)
        }
        %scan3A_574 = arith.constant 12 : i32
        %get3A_575 = arith.constant 1 : i32
        %get3A_576 = arith.constant 0 : i32
        %get3A_577 = arith.index_cast %get3A_575 : i32 to index
        %get3A_578 = arith.index_cast %get3A_576 : i32 to index
        %get3A_579 = arith.constant 184 : index
        %get3A_580 = tpu.vector_load %arg6[%get3A_577, %get3A_578, %get3A_579] {strides = array<i32>} : memref<2x1x200xi32, #tpu.memory_space<vmem>>, vector<1x1x16xi32>,
        %get3A_581 = vector.shape_cast %get3A_580 : vector<1x1x16xi32> to vector<16xi32>
        %slice3A_582 = vector.extract_strided_slice %get3A_581 {offsets = [8], sizes = [1], strides = [1]} : vector<16xi32> to vector<1xi32>
        %squeeze3A_583 = vector.extract %slice3A_582[0] : i32 from vector<1xi32>
        %dma_start3A_584 = arith.constant 1 : i32
        %dma_start3A_585 = arith.constant 1 : i32
        %dma_start3A_586 = arith.constant 192 : i32
        %dma_start3A_587 = arith.constant 0 : i32
        %dma_start3A_588 = tpu.memref_slice %arg8[%dma_start3A_584, %dma_start3A_586, %dma_start3A_587] : memref<2x200x64xf32, #tpu.memory_space<vmem>> -> memref<1x1x64xf32, #tpu.memory_space<vmem>>
        %dma_start3A_589 = tpu.memref_squeeze %dma_start3A_588 : memref<1x1x64xf32, #tpu.memory_space<vmem>> -> memref<1x64xf32, #tpu.memory_space<vmem>>
        %dma_start3A_590 = arith.constant 0 : i32
        %dma_start3A_591 = tpu.memref_slice %arg2[%squeeze3A_583, %dma_start3A_590] : memref<1000000x64xf32, #tpu.memory_space<hbm>> -> memref<1x64xf32, #tpu.memory_space<hbm>>
        %dma_start3A_592 = tpu.memref_slice %arg11[%dma_start3A_585] : memref<2x!tpu.dma_semaphore, #tpu.memory_space<semaphore_mem>> -> memref<1x!tpu.dma_semaphore, #tpu.memory_space<semaphore_mem>>
        %dma_start3A_593 = tpu.memref_squeeze %dma_start3A_592 : memref<1x!tpu.dma_semaphore, #tpu.memory_space<semaphore_mem>> -> memref<!tpu.dma_semaphore, #tpu.memory_space<semaphore_mem>>
        %dma_start3A_594 = arith.constant 192 : i32
        %dma_start3A_595 = arith.constant 0 : i32
        %dma_start3A_596 = tpu.memref_slice %arg8[%dma_start3A_584, %dma_start3A_594, %dma_start3A_595] : memref<2x200x64xf32, #tpu.memory_space<vmem>> -> memref<1x1x64xf32, #tpu.memory_space<vmem>>
        %dma_start3A_597 = tpu.memref_squeeze %dma_start3A_596 : memref<1x1x64xf32, #tpu.memory_space<vmem>> -> memref<1x64xf32, #tpu.memory_space<vmem>>
        %dma_start3A_598 = arith.constant 0 : i32
        %dma_start3A_599 = tpu.memref_slice %arg2[%squeeze3A_583, %dma_start3A_598] : memref<1000000x64xf32, #tpu.memory_space<hbm>> -> memref<1x64xf32, #tpu.memory_space<hbm>>
        tpu.enqueue_dma source(%dma_start3A_599 : memref<1x64xf32, #tpu.memory_space<hbm>>) target(%dma_start3A_597 : memref<1x64xf32, #tpu.memory_space<vmem>>) target_semaphore(%dma_start3A_593 : memref<!tpu.dma_semaphore, #tpu.memory_space<semaphore_mem>>)
        %slice3A_600 = vector.extract_strided_slice %get3A_581 {offsets = [9], sizes = [1], strides = [1]} : vector<16xi32> to vector<1xi32>
        %squeeze3A_601 = vector.extract %slice3A_600[0] : i32 from vector<1xi32>
        %dma_start3A_602 = arith.constant 1 : i32
        %dma_start3A_603 = arith.constant 1 : i32
        %dma_start3A_604 = arith.constant 193 : i32
        %dma_start3A_605 = arith.constant 0 : i32
        %dma_start3A_606 = tpu.memref_slice %arg8[%dma_start3A_602, %dma_start3A_604, %dma_start3A_605] : memref<2x200x64xf32, #tpu.memory_space<vmem>> -> memref<1x1x64xf32, #tpu.memory_space<vmem>>
        %dma_start3A_607 = tpu.memref_squeeze %dma_start3A_606 : memref<1x1x64xf32, #tpu.memory_space<vmem>> -> memref<1x64xf32, #tpu.memory_space<vmem>>
        %dma_start3A_608 = arith.constant 0 : i32
        %dma_start3A_609 = tpu.memref_slice %arg2[%squeeze3A_601, %dma_start3A_608] : memref<1000000x64xf32, #tpu.memory_space<hbm>> -> memref<1x64xf32, #tpu.memory_space<hbm>>
        %dma_start3A_610 = tpu.memref_slice %arg11[%dma_start3A_603] : memref<2x!tpu.dma_semaphore, #tpu.memory_space<semaphore_mem>> -> memref<1x!tpu.dma_semaphore, #tpu.memory_space<semaphore_mem>>
        %dma_start3A_611 = tpu.memref_squeeze %dma_start3A_610 : memref<1x!tpu.dma_semaphore, #tpu.memory_space<semaphore_mem>> -> memref<!tpu.dma_semaphore, #tpu.memory_space<semaphore_mem>>
        %dma_start3A_612 = arith.constant 193 : i32
        %dma_start3A_613 = arith.constant 0 : i32
        %dma_start3A_614 = tpu.memref_slice %arg8[%dma_start3A_602, %dma_start3A_612, %dma_start3A_613] : memref<2x200x64xf32, #tpu.memory_space<vmem>> -> memref<1x1x64xf32, #tpu.memory_space<vmem>>
        %dma_start3A_615 = tpu.memref_squeeze %dma_start3A_614 : memref<1x1x64xf32, #tpu.memory_space<vmem>> -> memref<1x64xf32, #tpu.memory_space<vmem>>
        %dma_start3A_616 = arith.constant 0 : i32
        %dma_start3A_617 = tpu.memref_slice %arg2[%squeeze3A_601, %dma_start3A_616] : memref<1000000x64xf32, #tpu.memory_space<hbm>> -> memref<1x64xf32, #tpu.memory_space<hbm>>
        tpu.enqueue_dma source(%dma_start3A_617 : memref<1x64xf32, #tpu.memory_space<hbm>>) target(%dma_start3A_615 : memref<1x64xf32, #tpu.memory_space<vmem>>) target_semaphore(%dma_start3A_611 : memref<!tpu.dma_semaphore, #tpu.memory_space<semaphore_mem>>)
        %slice3A_618 = vector.extract_strided_slice %get3A_581 {offsets = [10], sizes = [1], strides = [1]} : vector<16xi32> to vector<1xi32>
        %squeeze3A_619 = vector.extract %slice3A_618[0] : i32 from vector<1xi32>
        %dma_start3A_620 = arith.constant 1 : i32
        %dma_start3A_621 = arith.constant 1 : i32
        %dma_start3A_622 = arith.constant 194 : i32
        %dma_start3A_623 = arith.constant 0 : i32
        %dma_start3A_624 = tpu.memref_slice %arg8[%dma_start3A_620, %dma_start3A_622, %dma_start3A_623] : memref<2x200x64xf32, #tpu.memory_space<vmem>> -> memref<1x1x64xf32, #tpu.memory_space<vmem>>
        %dma_start3A_625 = tpu.memref_squeeze %dma_start3A_624 : memref<1x1x64xf32, #tpu.memory_space<vmem>> -> memref<1x64xf32, #tpu.memory_space<vmem>>
        %dma_start3A_626 = arith.constant 0 : i32
        %dma_start3A_627 = tpu.memref_slice %arg2[%squeeze3A_619, %dma_start3A_626] : memref<1000000x64xf32, #tpu.memory_space<hbm>> -> memref<1x64xf32, #tpu.memory_space<hbm>>
        %dma_start3A_628 = tpu.memref_slice %arg11[%dma_start3A_621] : memref<2x!tpu.dma_semaphore, #tpu.memory_space<semaphore_mem>> -> memref<1x!tpu.dma_semaphore, #tpu.memory_space<semaphore_mem>>
        %dma_start3A_629 = tpu.memref_squeeze %dma_start3A_628 : memref<1x!tpu.dma_semaphore, #tpu.memory_space<semaphore_mem>> -> memref<!tpu.dma_semaphore, #tpu.memory_space<semaphore_mem>>
        %dma_start3A_630 = arith.constant 194 : i32
        %dma_start3A_631 = arith.constant 0 : i32
        %dma_start3A_632 = tpu.memref_slice %arg8[%dma_start3A_620, %dma_start3A_630, %dma_start3A_631] : memref<2x200x64xf32, #tpu.memory_space<vmem>> -> memref<1x1x64xf32, #tpu.memory_space<vmem>>
        %dma_start3A_633 = tpu.memref_squeeze %dma_start3A_632 : memref<1x1x64xf32, #tpu.memory_space<vmem>> -> memref<1x64xf32, #tpu.memory_space<vmem>>
        %dma_start3A_634 = arith.constant 0 : i32
        %dma_start3A_635 = tpu.memref_slice %arg2[%squeeze3A_619, %dma_start3A_634] : memref<1000000x64xf32, #tpu.memory_space<hbm>> -> memref<1x64xf32, #tpu.memory_space<hbm>>
        tpu.enqueue_dma source(%dma_start3A_635 : memref<1x64xf32, #tpu.memory_space<hbm>>) target(%dma_start3A_633 : memref<1x64xf32, #tpu.memory_space<vmem>>) target_semaphore(%dma_start3A_629 : memref<!tpu.dma_semaphore, #tpu.memory_space<semaphore_mem>>)
        %slice3A_636 = vector.extract_strided_slice %get3A_581 {offsets = [11], sizes = [1], strides = [1]} : vector<16xi32> to vector<1xi32>
        %squeeze3A_637 = vector.extract %slice3A_636[0] : i32 from vector<1xi32>
        %dma_start3A_638 = arith.constant 1 : i32
        %dma_start3A_639 = arith.constant 1 : i32
        %dma_start3A_640 = arith.constant 195 : i32
        %dma_start3A_641 = arith.constant 0 : i32
        %dma_start3A_642 = tpu.memref_slice %arg8[%dma_start3A_638, %dma_start3A_640, %dma_start3A_641] : memref<2x200x64xf32, #tpu.memory_space<vmem>> -> memref<1x1x64xf32, #tpu.memory_space<vmem>>
        %dma_start3A_643 = tpu.memref_squeeze %dma_start3A_642 : memref<1x1x64xf32, #tpu.memory_space<vmem>> -> memref<1x64xf32, #tpu.memory_space<vmem>>
        %dma_start3A_644 = arith.constant 0 : i32
        %dma_start3A_645 = tpu.memref_slice %arg2[%squeeze3A_637, %dma_start3A_644] : memref<1000000x64xf32, #tpu.memory_space<hbm>> -> memref<1x64xf32, #tpu.memory_space<hbm>>
        %dma_start3A_646 = tpu.memref_slice %arg11[%dma_start3A_639] : memref<2x!tpu.dma_semaphore, #tpu.memory_space<semaphore_mem>> -> memref<1x!tpu.dma_semaphore, #tpu.memory_space<semaphore_mem>>
        %dma_start3A_647 = tpu.memref_squeeze %dma_start3A_646 : memref<1x!tpu.dma_semaphore, #tpu.memory_space<semaphore_mem>> -> memref<!tpu.dma_semaphore, #tpu.memory_space<semaphore_mem>>
        %dma_start3A_648 = arith.constant 195 : i32
        %dma_start3A_649 = arith.constant 0 : i32
        %dma_start3A_650 = tpu.memref_slice %arg8[%dma_start3A_638, %dma_start3A_648, %dma_start3A_649] : memref<2x200x64xf32, #tpu.memory_space<vmem>> -> memref<1x1x64xf32, #tpu.memory_space<vmem>>
        %dma_start3A_651 = tpu.memref_squeeze %dma_start3A_650 : memref<1x1x64xf32, #tpu.memory_space<vmem>> -> memref<1x64xf32, #tpu.memory_space<vmem>>
        %dma_start3A_652 = arith.constant 0 : i32
        %dma_start3A_653 = tpu.memref_slice %arg2[%squeeze3A_637, %dma_start3A_652] : memref<1000000x64xf32, #tpu.memory_space<hbm>> -> memref<1x64xf32, #tpu.memory_space<hbm>>
        tpu.enqueue_dma source(%dma_start3A_653 : memref<1x64xf32, #tpu.memory_space<hbm>>) target(%dma_start3A_651 : memref<1x64xf32, #tpu.memory_space<vmem>>) target_semaphore(%dma_start3A_647 : memref<!tpu.dma_semaphore, #tpu.memory_space<semaphore_mem>>)
        %slice3A_654 = vector.extract_strided_slice %get3A_581 {offsets = [12], sizes = [1], strides = [1]} : vector<16xi32> to vector<1xi32>
        %squeeze3A_655 = vector.extract %slice3A_654[0] : i32 from vector<1xi32>
        %dma_start3A_656 = arith.constant 1 : i32
        %dma_start3A_657 = arith.constant 1 : i32
        %dma_start3A_658 = arith.constant 196 : i32
        %dma_start3A_659 = arith.constant 0 : i32
        %dma_start3A_660 = tpu.memref_slice %arg8[%dma_start3A_656, %dma_start3A_658, %dma_start3A_659] : memref<2x200x64xf32, #tpu.memory_space<vmem>> -> memref<1x1x64xf32, #tpu.memory_space<vmem>>
        %dma_start3A_661 = tpu.memref_squeeze %dma_start3A_660 : memref<1x1x64xf32, #tpu.memory_space<vmem>> -> memref<1x64xf32, #tpu.memory_space<vmem>>
        %dma_start3A_662 = arith.constant 0 : i32
        %dma_start3A_663 = tpu.memref_slice %arg2[%squeeze3A_655, %dma_start3A_662] : memref<1000000x64xf32, #tpu.memory_space<hbm>> -> memref<1x64xf32, #tpu.memory_space<hbm>>
        %dma_start3A_664 = tpu.memref_slice %arg11[%dma_start3A_657] : memref<2x!tpu.dma_semaphore, #tpu.memory_space<semaphore_mem>> -> memref<1x!tpu.dma_semaphore, #tpu.memory_space<semaphore_mem>>
        %dma_start3A_665 = tpu.memref_squeeze %dma_start3A_664 : memref<1x!tpu.dma_semaphore, #tpu.memory_space<semaphore_mem>> -> memref<!tpu.dma_semaphore, #tpu.memory_space<semaphore_mem>>
        %dma_start3A_666 = arith.constant 196 : i32
        %dma_start3A_667 = arith.constant 0 : i32
        %dma_start3A_668 = tpu.memref_slice %arg8[%dma_start3A_656, %dma_start3A_666, %dma_start3A_667] : memref<2x200x64xf32, #tpu.memory_space<vmem>> -> memref<1x1x64xf32, #tpu.memory_space<vmem>>
        %dma_start3A_669 = tpu.memref_squeeze %dma_start3A_668 : memref<1x1x64xf32, #tpu.memory_space<vmem>> -> memref<1x64xf32, #tpu.memory_space<vmem>>
        %dma_start3A_670 = arith.constant 0 : i32
        %dma_start3A_671 = tpu.memref_slice %arg2[%squeeze3A_655, %dma_start3A_670] : memref<1000000x64xf32, #tpu.memory_space<hbm>> -> memref<1x64xf32, #tpu.memory_space<hbm>>
        tpu.enqueue_dma source(%dma_start3A_671 : memref<1x64xf32, #tpu.memory_space<hbm>>) target(%dma_start3A_669 : memref<1x64xf32, #tpu.memory_space<vmem>>) target_semaphore(%dma_start3A_665 : memref<!tpu.dma_semaphore, #tpu.memory_space<semaphore_mem>>)
        %slice3A_672 = vector.extract_strided_slice %get3A_581 {offsets = [13], sizes = [1], strides = [1]} : vector<16xi32> to vector<1xi32>
        %squeeze3A_673 = vector.extract %slice3A_672[0] : i32 from vector<1xi32>
        %dma_start3A_674 = arith.constant 1 : i32
        %dma_start3A_675 = arith.constant 1 : i32
        %dma_start3A_676 = arith.constant 197 : i32
        %dma_start3A_677 = arith.constant 0 : i32
        %dma_start3A_678 = tpu.memref_slice %arg8[%dma_start3A_674, %dma_start3A_676, %dma_start3A_677] : memref<2x200x64xf32, #tpu.memory_space<vmem>> -> memref<1x1x64xf32, #tpu.memory_space<vmem>>
        %dma_start3A_679 = tpu.memref_squeeze %dma_start3A_678 : memref<1x1x64xf32, #tpu.memory_space<vmem>> -> memref<1x64xf32, #tpu.memory_space<vmem>>
        %dma_start3A_680 = arith.constant 0 : i32
        %dma_start3A_681 = tpu.memref_slice %arg2[%squeeze3A_673, %dma_start3A_680] : memref<1000000x64xf32, #tpu.memory_space<hbm>> -> memref<1x64xf32, #tpu.memory_space<hbm>>
        %dma_start3A_682 = tpu.memref_slice %arg11[%dma_start3A_675] : memref<2x!tpu.dma_semaphore, #tpu.memory_space<semaphore_mem>> -> memref<1x!tpu.dma_semaphore, #tpu.memory_space<semaphore_mem>>
        %dma_start3A_683 = tpu.memref_squeeze %dma_start3A_682 : memref<1x!tpu.dma_semaphore, #tpu.memory_space<semaphore_mem>> -> memref<!tpu.dma_semaphore, #tpu.memory_space<semaphore_mem>>
        %dma_start3A_684 = arith.constant 197 : i32
        %dma_start3A_685 = arith.constant 0 : i32
        %dma_start3A_686 = tpu.memref_slice %arg8[%dma_start3A_674, %dma_start3A_684, %dma_start3A_685] : memref<2x200x64xf32, #tpu.memory_space<vmem>> -> memref<1x1x64xf32, #tpu.memory_space<vmem>>
        %dma_start3A_687 = tpu.memref_squeeze %dma_start3A_686 : memref<1x1x64xf32, #tpu.memory_space<vmem>> -> memref<1x64xf32, #tpu.memory_space<vmem>>
        %dma_start3A_688 = arith.constant 0 : i32
        %dma_start3A_689 = tpu.memref_slice %arg2[%squeeze3A_673, %dma_start3A_688] : memref<1000000x64xf32, #tpu.memory_space<hbm>> -> memref<1x64xf32, #tpu.memory_space<hbm>>
        tpu.enqueue_dma source(%dma_start3A_689 : memref<1x64xf32, #tpu.memory_space<hbm>>) target(%dma_start3A_687 : memref<1x64xf32, #tpu.memory_space<vmem>>) target_semaphore(%dma_start3A_683 : memref<!tpu.dma_semaphore, #tpu.memory_space<semaphore_mem>>)
        %slice3A_690 = vector.extract_strided_slice %get3A_581 {offsets = [14], sizes = [1], strides = [1]} : vector<16xi32> to vector<1xi32>
        %squeeze3A_691 = vector.extract %slice3A_690[0] : i32 from vector<1xi32>
        %dma_start3A_692 = arith.constant 1 : i32
        %dma_start3A_693 = arith.constant 1 : i32
        %dma_start3A_694 = arith.constant 198 : i32
        %dma_start3A_695 = arith.constant 0 : i32
        %dma_start3A_696 = tpu.memref_slice %arg8[%dma_start3A_692, %dma_start3A_694, %dma_start3A_695] : memref<2x200x64xf32, #tpu.memory_space<vmem>> -> memref<1x1x64xf32, #tpu.memory_space<vmem>>
        %dma_start3A_697 = tpu.memref_squeeze %dma_start3A_696 : memref<1x1x64xf32, #tpu.memory_space<vmem>> -> memref<1x64xf32, #tpu.memory_space<vmem>>
        %dma_start3A_698 = arith.constant 0 : i32
        %dma_start3A_699 = tpu.memref_slice %arg2[%squeeze3A_691, %dma_start3A_698] : memref<1000000x64xf32, #tpu.memory_space<hbm>> -> memref<1x64xf32, #tpu.memory_space<hbm>>
        %dma_start3A_700 = tpu.memref_slice %arg11[%dma_start3A_693] : memref<2x!tpu.dma_semaphore, #tpu.memory_space<semaphore_mem>> -> memref<1x!tpu.dma_semaphore, #tpu.memory_space<semaphore_mem>>
        %dma_start3A_701 = tpu.memref_squeeze %dma_start3A_700 : memref<1x!tpu.dma_semaphore, #tpu.memory_space<semaphore_mem>> -> memref<!tpu.dma_semaphore, #tpu.memory_space<semaphore_mem>>
        %dma_start3A_702 = arith.constant 198 : i32
        %dma_start3A_703 = arith.constant 0 : i32
        %dma_start3A_704 = tpu.memref_slice %arg8[%dma_start3A_692, %dma_start3A_702, %dma_start3A_703] : memref<2x200x64xf32, #tpu.memory_space<vmem>> -> memref<1x1x64xf32, #tpu.memory_space<vmem>>
        %dma_start3A_705 = tpu.memref_squeeze %dma_start3A_704 : memref<1x1x64xf32, #tpu.memory_space<vmem>> -> memref<1x64xf32, #tpu.memory_space<vmem>>
        %dma_start3A_706 = arith.constant 0 : i32
        %dma_start3A_707 = tpu.memref_slice %arg2[%squeeze3A_691, %dma_start3A_706] : memref<1000000x64xf32, #tpu.memory_space<hbm>> -> memref<1x64xf32, #tpu.memory_space<hbm>>
        tpu.enqueue_dma source(%dma_start3A_707 : memref<1x64xf32, #tpu.memory_space<hbm>>) target(%dma_start3A_705 : memref<1x64xf32, #tpu.memory_space<vmem>>) target_semaphore(%dma_start3A_701 : memref<!tpu.dma_semaphore, #tpu.memory_space<semaphore_mem>>)
        %slice3A_708 = vector.extract_strided_slice %get3A_581 {offsets = [15], sizes = [1], strides = [1]} : vector<16xi32> to vector<1xi32>
        %squeeze3A_709 = vector.extract %slice3A_708[0] : i32 from vector<1xi32>
        %dma_start3A_710 = arith.constant 1 : i32
        %dma_start3A_711 = arith.constant 1 : i32
        %dma_start3A_712 = arith.constant 199 : i32
        %dma_start3A_713 = arith.constant 0 : i32
        %dma_start3A_714 = tpu.memref_slice %arg8[%dma_start3A_710, %dma_start3A_712, %dma_start3A_713] : memref<2x200x64xf32, #tpu.memory_space<vmem>> -> memref<1x1x64xf32, #tpu.memory_space<vmem>>
        %dma_start3A_715 = tpu.memref_squeeze %dma_start3A_714 : memref<1x1x64xf32, #tpu.memory_space<vmem>> -> memref<1x64xf32, #tpu.memory_space<vmem>>
        %dma_start3A_716 = arith.constant 0 : i32
        %dma_start3A_717 = tpu.memref_slice %arg2[%squeeze3A_709, %dma_start3A_716] : memref<1000000x64xf32, #tpu.memory_space<hbm>> -> memref<1x64xf32, #tpu.memory_space<hbm>>
        %dma_start3A_718 = tpu.memref_slice %arg11[%dma_start3A_711] : memref<2x!tpu.dma_semaphore, #tpu.memory_space<semaphore_mem>> -> memref<1x!tpu.dma_semaphore, #tpu.memory_space<semaphore_mem>>
        %dma_start3A_719 = tpu.memref_squeeze %dma_start3A_718 : memref<1x!tpu.dma_semaphore, #tpu.memory_space<semaphore_mem>> -> memref<!tpu.dma_semaphore, #tpu.memory_space<semaphore_mem>>
        %dma_start3A_720 = arith.constant 199 : i32
        %dma_start3A_721 = arith.constant 0 : i32
        %dma_start3A_722 = tpu.memref_slice %arg8[%dma_start3A_710, %dma_start3A_720, %dma_start3A_721] : memref<2x200x64xf32, #tpu.memory_space<vmem>> -> memref<1x1x64xf32, #tpu.memory_space<vmem>>
        %dma_start3A_723 = tpu.memref_squeeze %dma_start3A_722 : memref<1x1x64xf32, #tpu.memory_space<vmem>> -> memref<1x64xf32, #tpu.memory_space<vmem>>
        %dma_start3A_724 = arith.constant 0 : i32
        %dma_start3A_725 = tpu.memref_slice %arg2[%squeeze3A_709, %dma_start3A_724] : memref<1000000x64xf32, #tpu.memory_space<hbm>> -> memref<1x64xf32, #tpu.memory_space<hbm>>
        tpu.enqueue_dma source(%dma_start3A_725 : memref<1x64xf32, #tpu.memory_space<hbm>>) target(%dma_start3A_723 : memref<1x64xf32, #tpu.memory_space<vmem>>) target_semaphore(%dma_start3A_719 : memref<!tpu.dma_semaphore, #tpu.memory_space<semaphore_mem>>)
      } else {
      }
    }
    %scan3A_388 = arith.constant 64 : i32
    %add3A_389 = arith.constant 126 : i32
    %add3A_390 = arith.addi %mul3A_2, %add3A_389 : i32
    %mul3A_391 = arith.constant 200 : i32
    %mul3A_392 = arith.muli %add3A_390, %mul3A_391 : i32
    %dma_wait3A_393 = arith.constant 0 : i32
    %dma_wait3A_394 = arith.constant 0 : i32
    %dma_wait3A_395 = arith.constant 0 : i32
    %dma_wait3A_396 = arith.constant 0 : i32
    %dma_wait3A_397 = tpu.memref_slice %arg9[%dma_wait3A_393, %dma_wait3A_395, %dma_wait3A_396] : memref<2x200x64xf32, #tpu.memory_space<vmem>> -> memref<1x200x64xf32, #tpu.memory_space<vmem>>
    %dma_wait3A_398 = tpu.memref_squeeze %dma_wait3A_397 : memref<1x200x64xf32, #tpu.memory_space<vmem>> -> memref<200x64xf32, #tpu.memory_space<vmem>>
    %dma_wait3A_399 = arith.constant 0 : i32
    %dma_wait3A_400 = tpu.memref_slice %arg5[%mul3A_392, %dma_wait3A_399] : memref<819200x64xf32, #tpu.memory_space<hbm>> -> memref<200x64xf32, #tpu.memory_space<hbm>>
    %dma_wait3A_401 = tpu.memref_slice %arg12[%dma_wait3A_394] : memref<2x!tpu.dma_semaphore, #tpu.memory_space<semaphore_mem>> -> memref<1x!tpu.dma_semaphore, #tpu.memory_space<semaphore_mem>>
    %dma_wait3A_402 = tpu.memref_squeeze %dma_wait3A_401 : memref<1x!tpu.dma_semaphore, #tpu.memory_space<semaphore_mem>> -> memref<!tpu.dma_semaphore, #tpu.memory_space<semaphore_mem>>
    %dma_wait3A_403 = arith.constant 0 : i32
    %dma_wait3A_404 = tpu.memref_slice %arg5[%mul3A_392, %dma_wait3A_403] : memref<819200x64xf32, #tpu.memory_space<hbm>> -> memref<200x64xf32, #tpu.memory_space<hbm>>
    %dma_wait3A_405 = arith.constant 0 : i32
    %dma_wait3A_406 = arith.constant 0 : i32
    %dma_wait3A_407 = tpu.memref_slice %arg9[%dma_wait3A_393, %dma_wait3A_405, %dma_wait3A_406] : memref<2x200x64xf32, #tpu.memory_space<vmem>> -> memref<1x200x64xf32, #tpu.memory_space<vmem>>
    %dma_wait3A_408 = tpu.memref_squeeze %dma_wait3A_407 : memref<1x200x64xf32, #tpu.memory_space<vmem>> -> memref<200x64xf32, #tpu.memory_space<vmem>>
    tpu.wait_dma2 semaphore(%dma_wait3A_402 : memref<!tpu.dma_semaphore, #tpu.memory_space<semaphore_mem>>) src(%dma_wait3A_408 : memref<200x64xf32, #tpu.memory_space<vmem>>) dst(%dma_wait3A_404 : memref<200x64xf32, #tpu.memory_space<hbm>>)
    %add3A_409 = arith.constant 127 : i32
    %add3A_410 = arith.addi %mul3A_2, %add3A_409 : i32
    %mul3A_411 = arith.constant 200 : i32
    %mul3A_412 = arith.muli %add3A_410, %mul3A_411 : i32
    %dma_wait3A_413 = arith.constant 1 : i32
    %dma_wait3A_414 = arith.constant 1 : i32
    %dma_wait3A_415 = arith.constant 0 : i32
    %dma_wait3A_416 = arith.constant 0 : i32
    %dma_wait3A_417 = tpu.memref_slice %arg9[%dma_wait3A_413, %dma_wait3A_415, %dma_wait3A_416] : memref<2x200x64xf32, #tpu.memory_space<vmem>> -> memref<1x200x64xf32, #tpu.memory_space<vmem>>
    %dma_wait3A_418 = tpu.memref_squeeze %dma_wait3A_417 : memref<1x200x64xf32, #tpu.memory_space<vmem>> -> memref<200x64xf32, #tpu.memory_space<vmem>>
    %dma_wait3A_419 = arith.constant 0 : i32
    %dma_wait3A_420 = tpu.memref_slice %arg5[%mul3A_412, %dma_wait3A_419] : memref<819200x64xf32, #tpu.memory_space<hbm>> -> memref<200x64xf32, #tpu.memory_space<hbm>>
    %dma_wait3A_421 = tpu.memref_slice %arg12[%dma_wait3A_414] : memref<2x!tpu.dma_semaphore, #tpu.memory_space<semaphore_mem>> -> memref<1x!tpu.dma_semaphore, #tpu.memory_space<semaphore_mem>>
    %dma_wait3A_422 = tpu.memref_squeeze %dma_wait3A_421 : memref<1x!tpu.dma_semaphore, #tpu.memory_space<semaphore_mem>> -> memref<!tpu.dma_semaphore, #tpu.memory_space<semaphore_mem>>
    %dma_wait3A_423 = arith.constant 0 : i32
    %dma_wait3A_424 = tpu.memref_slice %arg5[%mul3A_412, %dma_wait3A_423] : memref<819200x64xf32, #tpu.memory_space<hbm>> -> memref<200x64xf32, #tpu.memory_space<hbm>>
    %dma_wait3A_425 = arith.constant 0 : i32
    %dma_wait3A_426 = arith.constant 0 : i32
    %dma_wait3A_427 = tpu.memref_slice %arg9[%dma_wait3A_413, %dma_wait3A_425, %dma_wait3A_426] : memref<2x200x64xf32, #tpu.memory_space<vmem>> -> memref<1x200x64xf32, #tpu.memory_space<vmem>>
    %dma_wait3A_428 = tpu.memref_squeeze %dma_wait3A_427 : memref<1x200x64xf32, #tpu.memory_space<vmem>> -> memref<200x64xf32, #tpu.memory_space<vmem>>
    tpu.wait_dma2 semaphore(%dma_wait3A_422 : memref<!tpu.dma_semaphore, #tpu.memory_space<semaphore_mem>>) src(%dma_wait3A_428 : memref<200x64xf32, #tpu.memory_space<vmem>>) dst(%dma_wait3A_424 : memref<200x64xf32, #tpu.memory_space<hbm>>)
    return
  }
}

</mosaic_0001>

<sc_bundles>
// kernel: kernel.3.cloned.1.call-start
scs
__scs_entry_jumppad:
0x0: {  	(pc) =	sbr.rel $0x88, $3  }
0x1: {  	(tag) =	ssettag $0x0;
	lr =	simm.s32 $0x1  }
0x2: {  	[smem:$0x3F9F] =	sst lr;
	_ =	strace $0xD0000000  }
0x3: {  	_ = 	snop  }
0x4: {  	_ = 	snop  }
0x5: {  	_ = 	snop  }
0x6: {  	_ = 	snop  }
0x7: {  	_ = 	snop  }
__scs_overlays_trampoline_lowered:
0x8: {  	[smem:$0x3FAE] =	sst s0  }
0x9: {  	[smem:$0x3FAF] =	sst s1  }
0xa: {  	[smem:$0x3FB0] =	sst s2  }
0xb: {  	[smem:$0x3FB1] =	sst s3  }
0xc: {  	[smem:$0x3FB2] =	sst s4  }
0xd: {  	[smem:$0x3FB3] =	sst s5  }
0xe: {  	[smem:$0x3FB4] =	sst s6  }
0xf: {  	[smem:$0x3FB5] =	sst s7  }
0x10: {  	[smem:$0x3FB6] =	sst s8  }
0x11: {  	[smem:$0x3FB7] =	sst s9;
	s0 =	simm.s32 @!p0 $0x0  }
0x12: {  	s1 =	sld [smem:$0x3F9D];
	s0 =	simm.s32 @p0 $0x1  }
0x13: {  	[smem:$0x3FB8] =	sst s0;
	s0 =	simm.s32 @!p1 $0x0  }
0x14: {  	s2 =	sld [smem:$0x3F9C];
	s0 =	simm.s32 @p1 $0x1  }
0x15: {  	[smem:$0x3FB9] =	sst s0;
	s0 =	simm.s32 @!p2 $0x0  }
0x16: {  	s3 =	sld [smem:$0x3FDB];
	s0 =	simm.s32 @p2 $0x1  }
0x17: {  	s4 =	simm.s32 $0x1BF5;
	[smem:$0x3FBB] =	sst s0  }
0x18: {  	s0 =	sld [smem:$0x3F9E];
	_ =	swait.ge [sflag:s4], $0x0  }
0x19: {  	s7 =	sld [smem:$0x3F9F]  }
0x1a: {  	s8 =	sadd.s32 $0xFFFFE003, lr  }
0x1b: {  	s9 =	sadd.s32 $0xFFFFFEF7, lr;
	s5 =	simm.s32 $0xFFFFFFFF;
	p2 =	slt.u32 s8, $0xFFFFF086  }
0x1c: {  	p1 =	slt.u32 s9, $0xF7A;
	s5 =	simm.s32 @!p2 $0x0  }
0x1d: {  	s5 =	simm.s32 @p1 $0x1;
	p0 =	seq.s32 s7, s2  }
0x1e: {  	s7 =	smul.u32 @!p0 $0xF7A, s2;
	p2 =	seq.s32 @!p0 s5, $0x0  }
0x1f: {  	s9 =	smul.u32 $0xF7A, s1;
	s8 =	simm.s32 @!p0 $0x1BF5;
	p2 =	por !p2, p0  }
0x20: {  	[sflag:s8] =	ssyncset.s32 @!p0 $0xFFFFF086;
	s6 =	sadd.s32 @!p0 s3, s7;
	s7 =	simm.s32 @!p0 $0x108  }
0x21: {  	s3 =	sadd.s32 s3, s9;
	s6 =	sadd.s32 @!p0 $0x88, s6;
	s7 =	simm.s32 @p2 $0x1082  }
0x22: {  	[simem:s7], [sflag:s8] =	dma.local @!p0 [hbm:s6], $0xF7A  }
0x23: {  	s9 =	sor.u32 $0xD0000000, s2;
	s6 =	simm.s32 $0x108;
	_ =	swait.ge @!p0 [sflag:s8], $0x0  }
0x24: {  	s3 =	sadd.s32 $0x88, s3;
	s6 =	simm.s32 @!p1 $0x1082;
	[sflag:s4] =	ssyncset.s32 $0xFFFFF086  }
0x25: {  	[simem:s6], [sflag:s4] =	dma.local [hbm:s3], $0xF7A  }
0x26: {  	[smem:$0x3F9F] =	sst s1;
	(tag) =	ssettag s2;
	_ =	strace s9  }
0x27: {  	s1 =	sld [smem:$0x3FAF]  }
0x28: {  	s2 =	sld [smem:$0x3FB0]  }
0x29: {  	s4 =	sld [smem:$0x3FB2]  }
0x2a: {  	p0 =	seq.s32 s5, $0x0;
	s5 =	sld [smem:$0x3FB3]  }
0x2b: {  	s6 =	sld [smem:$0x3FB4]  }
0x2c: {  	s7 =	sld [smem:$0x3FB5]  }
0x2d: {  	s3 =	simm.s32 $0x108;
	s8 =	sld [smem:$0x3FB6]  }
0x2e: {  	s3 =	simm.s32 @!p0 $0x1082;
	s9 =	sld [smem:$0x3FB7]  }
0x2f: {  	lr =	sadd.s32 s0, s3;
	s0 =	sld [smem:$0x3FAE]  }
0x30: {  	s3 =	sld [smem:$0x3FB1]  }
0x31: {  	[smem:$0x3FBA] =	sst s10  }
0x32: {  	s10 =	sld [smem:$0x3FB8];
	_ =	sdelay $0x3  }
0x33: {  	p0 =	seq.s32 s10, $0x1;
	s10 =	sld [smem:$0x3FBA];
	_ =	sdelay $0x3  }
0x34: {  	[smem:$0x3FBA] =	sst s10  }
0x35: {  	s10 =	sld [smem:$0x3FB9];
	_ =	sdelay $0x3  }
0x36: {  	p1 =	seq.s32 s10, $0x1;
	s10 =	sld [smem:$0x3FBA];
	_ =	sdelay $0x3  }
0x37: {  	[smem:$0x3FBA] =	sst s10  }
0x38: {  	s10 =	sld [smem:$0x3FBB]  }
0x39: {  	_ = 	snop;
	(pc) =	sbr.ind lr, $3  }
0x3a: {  	_ = 	snop  }
0x3b: {  	_ = 	snop  }
0x3c: {  	p2 =	seq.s32 s10, $0x1;
	s10 =	sld [smem:$0x3FBA]  }
0x3d: {  	_ =	shalt  }
0x3e: {  	_ =	shalt  }
0x3f: {  	_ =	shalt  }
0x40: {  	_ =	shalt  }
0x41: {  	_ =	shalt  }
0x42: {  	_ =	shalt  }
0x43: {  	_ =	shalt  }
0x44: {  	_ =	shalt  }
0x45: {  	_ =	shalt  }
0x46: {  	_ =	shalt  }
0x47: {  	_ =	shalt  }
0x48: {  	_ =	shalt  }
0x49: {  	_ =	shalt  }
0x4a: {  	_ =	shalt  }
0x4b: {  	_ =	shalt  }
0x4c: {  	_ =	shalt  }
0x4d: {  	_ =	shalt  }
0x4e: {  	_ =	shalt  }
0x4f: {  	_ =	shalt  }
0x50: {  	_ =	shalt  }
0x51: {  	_ =	shalt  }
0x52: {  	_ =	shalt  }
0x53: {  	_ =	shalt  }
0x54: {  	_ =	shalt  }
0x55: {  	_ =	shalt  }
0x56: {  	_ =	shalt  }
0x57: {  	_ =	shalt  }
0x58: {  	_ =	shalt  }
0x59: {  	_ =	shalt  }
0x5a: {  	_ =	shalt  }
0x5b: {  	_ =	shalt  }
0x5c: {  	_ =	shalt  }
0x5d: {  	_ =	shalt  }
0x5e: {  	_ =	shalt  }
0x5f: {  	_ =	shalt  }
0x60: {  	_ =	shalt  }
0x61: {  	_ =	shalt  }
0x62: {  	_ =	shalt  }
0x63: {  	_ =	shalt  }
0x64: {  	_ =	shalt  }
0x65: {  	_ =	shalt  }
0x66: {  	_ =	shalt  }
0x67: {  	_ =	shalt  }
0x68: {  	_ =	shalt  }
0x69: {  	_ =	shalt  }
0x6a: {  	_ =	shalt  }
0x6b: {  	_ =	shalt  }
0x6c: {  	_ =	shalt  }
0x6d: {  	_ =	shalt  }
0x6e: {  	_ =	shalt  }
0x6f: {  	_ =	shalt  }
0x70: {  	_ =	shalt  }
0x71: {  	_ =	shalt  }
0x72: {  	_ =	shalt  }
0x73: {  	_ =	shalt  }
0x74: {  	_ =	shalt  }
0x75: {  	_ =	shalt  }
0x76: {  	_ =	shalt  }
0x77: {  	_ =	shalt  }
0x78: {  	_ =	shalt  }
0x79: {  	_ =	shalt  }
0x7a: {  	_ =	shalt  }
0x7b: {  	_ =	shalt  }
0x7c: {  	_ =	shalt  }
0x7d: {  	_ =	shalt  }
0x7e: {  	_ =	shalt  }
0x7f: {  	_ =	shalt  }
0x80: {  	_ =	shalt  }
0x81: {  	_ =	shalt  }
0x82: {  	_ =	shalt  }
0x83: {  	_ =	shalt  }
0x84: {  	_ =	shalt  }
0x85: {  	_ =	shalt  }
0x86: {  	_ =	shalt  }
0x87: {  	_ =	shalt  }
.Lfunc_end0:
.L_simem_size_0:
called_computation.1_lowered:
.L_overlay_start_0:
0x88: {  	s2 =	sld [smem:$0x3FD9]  }
0x89: {  	s3 =	sld [smem:$0x3FFE];
	_ =	sdelay $0x1  }
0x8a: {  	s1 =	srdreg.scid  }
0x8b: {  	s0 =	sand.u32 $0x1, s1  }
0x8c: {  	s17 =	sshll.u32 s0, $0xA;
	s2 =	sadd.s32 s3, s2  }
0x8d: {  	s2 =	sadd.s32 s2, s17  }
0x8e: {  	[smem:$0x3FC6] =	sst s2  }
0x8f: {  	_ = 	snop  }
0x90: {  	s2 =	sld [smem:$0x3FD0];
	(tm) =	ssettm $0x1  }
0x91: {  	s18 =	sld [smem:$0x3FFB];
	_ =	sdelay $0x3  }
0x92: {  	_ =	strace s18  }
0x93: {  	s3 =	sld [smem:$0x3FFC];
	_ =	sdelay $0x3  }
0x94: {  	_ =	strace s3  }
0x95: {  	s3 =	sld [smem:$0x3FFD];
	_ =	sdelay $0x3  }
0x96: {  	_ =	strace s3  }
0x97: {  	_ =	strace $0x8FFFFFFF  }
0x98: {  	s19 =	sld [smem:$0x3FDB];
	_ =	sdelay $0x1  }
0x99: {  	s4 =	simm.s32 $_scs_section_size  }
0x9a: {  	s5 =	simm.s32 $_size__tile_overlayer_lowered;
	s6 =	simm.s32 $_tile_overlayer_lowered  }
0x9b: {  	s22 =	simm.s32 $0x1BFF;
	s21 =	sshll.u32 s6, $0x1;
	s3 =	sadd.s32 s4, s19  }
0x9c: {  	s7 =	simm.s32 $0x0;
	s20 =	sshll.u32 s5, $0x1;
	s5 =	sadd.s32 s21, s3  }
0x9d: {  	[timem:s7], [sflag:s22] =	dma.local [hbm:s5], s20  }
0x9e: {  	_ =	swait.ge [sflag:s22], s20  }
0x9f: {  	s4 =	ssub.s32 $0x0, s20;
	[sflag:s22] =	ssyncset.done $0x0  }
0xa0: {  	[sflag:s22] =	ssyncadd.s32 s4;
	_ =	sdelay $0x1  }
0xa1: {  	s23 =	simm.s32 $0x1B8B  }
0xa2: {  	_ =	swait.ge [sflag:s23], $0x1  }
0xa3: {  	[sflag:s23] =	ssyncset.done $0x0  }
0xa4: {  	s25 =	simm.s32 $0x1B8E;
	s24 =	sld [smem:$0x3FFE];
	[sflag:s23] =	ssyncadd.s32 $0xFFFFFFFF  }
0xa5: {  	s26 =	simm.s32 $execute0_lowered;
	[smem:$0x3FD2] =	sst s25  }
0xa6: {  	s5 =	sshll.u32 s26, $0x1;
	_ =	strace $0x80000046;
	[dreg:$0x1] =	wrdreg $0xFFFFFFFF  }
0xa7: {  	s28 =	simm.s32 $_size_execute0_lowered;
	s3 =	sadd.s32 s3, s5;
	[dreg:$0x0] =	wrdreg $0x0  }
0xa8: {  	s5 =	sshll.u32 s28, $0x1;
	[dreg:$0x2] =	wrdreg s3  }
0xa9: {  	[dreg:$0x3] =	wrdreg s5  }
0xaa: {  	[dreg:$0x4] =	wrdreg $0xC0  }
0xab: {  	_ =	task [dreg:s7], $0x5FFFF  }
0xac: {  	[dreg:$0x1] =	wrdreg $0xFFFFFFFF  }
0xad: {  	[dreg:$0x0] =	wrdreg $0x60  }
0xae: {  	[dreg:$0x2] =	wrdreg s24  }
0xaf: {  	[dreg:$0x3] =	wrdreg s2  }
0xb0: {  	[dreg:$0x4] =	wrdreg $0x9  }
0xb1: {  	_ =	task.clear_ibuf [dreg:s7], $0x5FFFF;
	_ =	strace $0x90000046  }
0xb2: {  	s29 =	simm.s32 $0x9;
	_ =	strace $0x80000048  }
0xb3: {  	_ =	swait.ge [sflag:s29], $0x1  }
0xb4: {  	[sflag:s29] =	ssyncadd.s32 $0xFFFFFFFF  }
0xb5: {  	_ =	strace $0x90000048  }
0xb6: {  	_ =	sfence  }
0xb7: {  	s30 =	sld [smem:$0x0];
	_ =	sdelay $0x2  }
0xb8: {  	s31 =	sshll.u32 s1, $0xD;
	s1 =	sshrl.u32 s1, $0x2  }
0xb9: {  	s3 =	sand.u32 $0x4000, s31;
	s1 =	sadd.s32 s1, s30  }
0xba: {  	s0 =	sor.u32 s3, s0;
	s1 =	sshll.u32 s1, $0x11  }
0xbb: {  	s0 =	sor.u32 s1, s0  }
0xbc: {  	s0 =	sadd.s32 $0x8F2B, s0  }
0xbd: {  	[sflag:s0] =	ssyncadd.remote.s32 $0x1  }
0xbe: {  	_ =	sfence.sel $0xFFFF  }
0xbf: {  	[dreg:$0x0] =	wrdreg $0xFFFFFFFF;
	(pc) =	sbr.abs _section_cstart, $3  }
0xc0: {  	[dreg:$0x1] =	wrdreg $0xFFFFFFFF  }
0xc1: {  	_ =	task.clear_ibuf [dreg:s7], $0x2FFFF;
	_ =	strace $0x9FFFFFFF  }
0xc2: {  	(tm) =	ssettm $0x7FFFFFFF  }
0xc3: {  	_ =	shalt  }
tec
execute0_lowered:
.L_overlay_start_1:
0x0: {  	(tag) =	ssettag $0x1  }
0x1: {  	s0 =	rddreg [dreg:$0x0]  }
0x2: {  	s2 =	rddreg [dreg:$0x1];
	s1 =	srdreg.scid;
	s3 =	simm.s32 $0x0  }
0x3: {  	s4 =	stileid.u32;
	s25 =	simm.s32 $0x2;
	s15 =	simm.s32 $0x3  }
0x4: {  	s14 =	simm.s32 $0x4;
	s1 =	sand.u32 $0x1, s1;
	[smem:$0x7FF] =	sst s3  }
0x5: {  	s4 =	sshll.u32 s4, $0x8;
	s8 =	sadd.s32 $0xF42E00, s0;
	s5 =	sshll.u32 s1, $0x7  }
0x6: {  	_ =	strace $0x80000047;
	s1 =	ssub.s32 $0x2, s1;
	s4 =	sor.u32 s5, s4  }
.Ltmp0:
0x7: {  	s6 =	sshrl.u32 s1, $0x1;
	s7 =	sshll.u32 s4, $0x5;
	(pc) =	sbr.rel .LBB2_1-.Ltmp0, $4  }
0x8: {  	[dreg:$0x3] =	wrdreg s8;
	s1 =	ssub.s32 s1, s6;
	s29 =	sadd.s32 s2, s7  }
0x9: {  	s9 =	simm.s32 $0x5;
	s31 =	smax.u32 s1, $0x1;
	[dreg:$0x4] =	wrdreg s29  }
0xa: {  	s8 =	sadd.s32 $0xF43C00, s0;
	s30 =	sadd.s32 $0x10, s29;
	[dreg:$0x6] =	wrdreg s31  }
0xb: {  	s5 =	sadd.s32 $0xA00, s0;
	s6 =	simm.s32 $0x0;
	[dreg:$0x5] =	wrdreg s30  }
.LBB2_21:
0xc: {  	_ =	swait.ge [sflag:s9], $0x6400  }
0xd: {  	[sflag:s9] =	ssyncset.done $0x0  }
0xe: {  	s1 =	simm.s32 $0x6;
	[sflag:s9] =	ssyncadd.s32 $0xFFFF9C00  }
0xf: {  	_ =	swait.ge [sflag:s1], $0x6400  }
0x10: {  	s6 =	rddreg [dreg:$0x7]  }
0x11: {  	s0 =	rddreg [dreg:$0x6];
	s6 =	sadd.s32 $0x1, s6  }
0x12: {  	p0 =	sne.s32 s6, s0  }
.Ltmp1:
0x13: {  	_ = 	snop;
	(pc) =	sbr.rel @!p0 .LBB2_22-.Ltmp1, $3  }
0x14: {  	_ =	sdelay $0x1  }
0x15: {  	[sflag:s1] =	ssyncset.done $0x0  }
0x16: {  	[sflag:s1] =	ssyncadd.s32 $0xFFFF9C00  }
.LBB2_1:
0x17: {  	[dreg:$0x7] =	wrdreg s6  }
0x18: {  	s0 =	rddreg [dreg:$0x3];
	s1 =	simm.s32 $0x200;
	s24 =	simm.s32 $0x7  }
0x19: {  	[tilespmem:s1], [sflag:$0x7] =	stream.linear.gather [hbm4b:s0+s3], $0x6400, $0x38;
	[tilespmem:$0x1F600] =	vst v63  }
0x1a: {  	_ =	swait.ge [sflag:s24], $0x6400  }
0x1b: {  	s28 =	simm.s32 $0x80;
	[sflag:s24] =	ssyncset.done $0x0  }
0x1c: {  	s29 =	simm.s32 $0x400;
	s26 =	rddreg [dreg:$0x4];
	[sflag:s24] =	ssyncadd.s32 $0xFFFF9C00  }
0x1d: {  	[tilespmem:s3], [sflag:$0x1] =	stream.strided.gather [hbm4b:s26+s28], $0x100, s29, s28, $0x38;
	[tilespmem:$0x1F600] =	vst v63  }
0x1e: {  	s7 =	simm.s32 $0x100;
	s31 =	simm.s32 $0x1;
	s30 =	rddreg [dreg:$0x5]  }
0x1f: {  	[tilespmem:s7], [sflag:$0x2] =	stream.strided.gather [hbm4b:s30+s28], $0x100, s29, s28, $0x38;
	[tilespmem:$0x1F600] =	vst v63  }
0x20: {  	_ =	swait.ge [sflag:s31], $0x100  }
0x21: {  	[sflag:s31] =	ssyncset.done $0x0  }
0x22: {  	[sflag:s31] =	ssyncadd.s32 $0xFFFFFF00  }
0x23: {  	v0 =	vld [tilespmem:s3+$0x0];
	_ =	sdelay $0x4  }
0x24: {  	v0 =	vshll.u32 v0, $0x4  }
0x25: {  	(v2sf) =	vpush v0, $0x0  }
0x26: {  	(v2sf) =	vpush v0, $0x1  }
0x27: {  	(v2sf) =	vpush v0, $0x2;
	_ =	sdelay $0x1  }
0x28: {  	(v2sf) =	vpush v0, $0x4;
	_ =	sdelay $0x1  }
0x29: {  	(v2sf) =	vpush v0, $0x3  }
0x2a: {  	(v2sf) =	vpush v0, $0x5  }
0x2b: {  	s10 =	simm.s32 $0x2000;
	s12 =	simm.s32 $0x0;
	s7 =	simm.s32 $0x0;
	(v2sf) =	vpush v0, $0x6  }
.LBB2_2:
0x2c: {  	p0 =	sne.s32 s10, $0x16000  }
0x2d: {  	s28 =	sadd.s32 $0x6680, s7;
	s20 =	sadd.s32 $0x6B80, s7;
	s17 =	smov.u32 s10  }
0x2e: {  	s10 =	sadd.s32 $0x2000, s10;
	s23 =	sadd.s32 $0x6980, s7;
	s18 =	sadd.s32 $0x6C00, s7;
	(v2sf) =	vpush v0, $0x7  }
0x2f: {  	s26 =	sadd.s32 $0x6880, s7;
	s22 =	sadd.s32 $0x6A00, s7;
	s19 =	sadd.s32 $0x6C80, s7  }
0x30: {  	s29 =	sadd.s32 $0x6600, s7;
	s30 =	sadd.s32 $0x6800, s7;
	(v2sf) =	vpush v0, $0x8  }
0x31: {  	s31 =	sadd.s32 $0x6900, s7;
	s12 =	sadd.s32 $0x10, s12  }
0x32: {  	s0 =	sadd.s32 $0x6700, s7;
	s21 =	sadd.s32 $0x6B00, s7;
	s24 =	spop (v2sf);
	(v2sf) =	vpush v0, $0x9  }
0x33: {  	s1 =	sand.u32 $0x1FFFFFF0, s24;
	s24 =	sadd.s32 $0x6A80, s7;
	s11 =	spop (v2sf)  }
0x34: {  	s1 =	sadd.s32 s5, s1;
	s11 =	sand.u32 $0x1FFFFFF0, s11;
	s13 =	spop (v2sf);
	(v2sf) =	vpush v0, $0xA  }
0x35: {  	[tilespmem:s29], [sflag:$0x3] =	stream.linear.gather [hbm4b:s1+s3], $0x80, $0x38;
	[tilespmem:$0x1F600] =	vst v63  }
0x36: {  	s1 =	sadd.s32 s5, s11;
	s11 =	sadd.s32 $0x6780, s7;
	s29 =	spop (v2sf);
	(v2sf) =	vpush v0, $0xB  }
0x37: {  	[tilespmem:s28], [sflag:$0x3] =	stream.linear.gather [hbm4b:s1+s3], $0x80, $0x38;
	[tilespmem:$0x1F600] =	vst v63  }
0x38: {  	s1 =	sand.u32 $0x1FFFFFF0, s13;
	s13 =	sand.u32 $0x1FFFFFF0, s29;
	s28 =	spop (v2sf);
	(v2sf) =	vpush v0, $0xC  }
0x39: {  	s1 =	sadd.s32 s5, s1;
	s28 =	sand.u32 $0x1FFFFFF0, s28;
	s29 =	spop (v2sf)  }
0x3a: {  	[tilespmem:s0], [sflag:$0x3] =	stream.linear.gather [hbm4b:s1+s3], $0x80, $0x38;
	(v2sf) =	vpush v0, $0xD;
	[tilespmem:$0x1F600] =	vst v63  }
0x3b: {  	s0 =	sadd.s32 s5, s28;
	s1 =	sand.u32 $0x1FFFFFF0, s29;
	s28 =	spop (v2sf)  }
0x3c: {  	[tilespmem:s11], [sflag:$0x3] =	stream.linear.gather [hbm4b:s0+s3], $0x80, $0x38;
	(v2sf) =	vpush v0, $0xE;
	[tilespmem:$0x1F600] =	vst v63  }
0x3d: {  	s0 =	sadd.s32 s5, s13;
	s11 =	sand.u32 $0x1FFFFFF0, s28;
	s13 =	spop (v2sf)  }
0x3e: {  	[tilespmem:s30], [sflag:$0x3] =	stream.linear.gather [hbm4b:s0+s3], $0x80, $0x38;
	(v2sf) =	vpush v0, $0xF;
	[tilespmem:$0x1F600] =	vst v63  }
0x3f: {  	s0 =	sadd.s32 s5, s1;
	s1 =	sand.u32 $0x1FFFFFF0, s13;
	s13 =	spop (v2sf)  }
0x40: {  	[tilespmem:s26], [sflag:$0x3] =	stream.linear.gather [hbm4b:s0+s3], $0x80, $0x38;
	[tilespmem:$0x1F600] =	vst v63  }
0x41: {  	s0 =	sadd.s32 s5, s11;
	s11 =	sand.u32 $0x1FFFFFF0, s13;
	s13 =	spop (v2sf)  }
0x42: {  	[tilespmem:s31], [sflag:$0x3] =	stream.linear.gather [hbm4b:s0+s3], $0x80, $0x38;
	[tilespmem:$0x1F600] =	vst v63  }
0x43: {  	s0 =	sadd.s32 s5, s1;
	s1 =	sand.u32 $0x1FFFFFF0, s13;
	s13 =	spop (v2sf)  }
0x44: {  	[tilespmem:s23], [sflag:$0x3] =	stream.linear.gather [hbm4b:s0+s3], $0x80, $0x38;
	[tilespmem:$0x1F600] =	vst v63  }
0x45: {  	s0 =	sadd.s32 s5, s11;
	s11 =	sand.u32 $0x1FFFFFF0, s13;
	s13 =	spop (v2sf)  }
0x46: {  	[tilespmem:s22], [sflag:$0x3] =	stream.linear.gather [hbm4b:s0+s3], $0x80, $0x38;
	[tilespmem:$0x1F600] =	vst v63  }
0x47: {  	s0 =	sadd.s32 s5, s1;
	s1 =	sand.u32 $0x1FFFFFF0, s13;
	s13 =	spop (v2sf)  }
0x48: {  	[tilespmem:s24], [sflag:$0x3] =	stream.linear.gather [hbm4b:s0+s3], $0x80, $0x38;
	[tilespmem:$0x1F600] =	vst v63  }
0x49: {  	s0 =	sadd.s32 s5, s11;
	s11 =	sand.u32 $0x1FFFFFF0, s13;
	s13 =	spop (v2sf)  }
0x4a: {  	[tilespmem:s21], [sflag:$0x3] =	stream.linear.gather [hbm4b:s0+s3], $0x80, $0x38;
	[tilespmem:$0x1F600] =	vst v63  }
0x4b: {  	s0 =	sadd.s32 s5, s1;
	s1 =	sand.u32 $0x1FFFFFF0, s13;
	s13 =	spop (v2sf)  }
0x4c: {  	[tilespmem:s20], [sflag:$0x3] =	stream.linear.gather [hbm4b:s0+s3], $0x80, $0x38;
	[tilespmem:$0x1F600] =	vst v63  }
0x4d: {  	s0 =	sadd.s32 s5, s11;
	s11 =	sand.u32 $0x1FFFFFF0, s13;
	s13 =	spop (v2sf)  }
0x4e: {  	[tilespmem:s18], [sflag:$0x3] =	stream.linear.gather [hbm4b:s0+s3], $0x80, $0x38;
	[tilespmem:$0x1F600] =	vst v63  }
0x4f: {  	s0 =	sadd.s32 s5, s1;
	s1 =	sand.u32 $0x1FFFFFF0, s13  }
0x50: {  	[tilespmem:s19], [sflag:$0x3] =	stream.linear.gather [hbm4b:s0+s3], $0x80, $0x38;
	[tilespmem:$0x1F600] =	vst v63  }
0x51: {  	s11 =	sadd.s32 s5, s11;
	s0 =	sadd.s32 $0x6D00, s7  }
0x52: {  	[tilespmem:s0], [sflag:$0x3] =	stream.linear.gather [hbm4b:s11+s3], $0x80, $0x38;
	[tilespmem:$0x1F600] =	vst v63  }
0x53: {  	s1 =	sadd.s32 s5, s1;
	s0 =	sadd.s32 $0x6D80, s7  }
0x54: {  	[tilespmem:s0], [sflag:$0x3] =	stream.linear.gather [hbm4b:s1+s3], $0x80, $0x38;
	[tilespmem:$0x1F600] =	vst v63  }
0x55: {  	v0 =	vld [tilespmem:s12+$0x0];
	_ =	sdelay $0x4  }
0x56: {  	v0 =	vshll.u32 v0, $0x4  }
0x57: {  	(v2sf) =	vpush v0, $0x0  }
0x58: {  	(v2sf) =	vpush v0, $0x1  }
0x59: {  	(v2sf) =	vpush v0, $0x2;
	_ =	sdelay $0x1  }
0x5a: {  	(v2sf) =	vpush v0, $0x4  }
.Ltmp2:
0x5b: {  	(pc) =	sbr.rel @p0 .LBB2_2-.Ltmp2, $3  }
0x5c: {  	(v2sf) =	vpush v0, $0x3  }
0x5d: {  	(v2sf) =	vpush v0, $0x5;
	_ =	sdelay $0x1  }
0x5e: {  	s7 =	sshra.s32 s17, $0x2;
	(v2sf) =	vpush v0, $0x6  }
0x5f: {  	_ =	sdelay $0x4  }
0x60: {  	s0 =	spop (v2sf)  }
0x61: {  	s1 =	spop (v2sf)  }
0x62: {  	s10 =	sadd.s32 $0x6600, s7;
	s0 =	sand.u32 $0x1FFFFFF0, s0;
	s22 =	spop (v2sf);
	(v2sf) =	vpush v0, $0x7  }
0x63: {  	s21 =	sadd.s32 $0x6680, s7;
	s0 =	sadd.s32 s5, s0;
	s1 =	sand.u32 $0x1FFFFFF0, s1  }
0x64: {  	[tilespmem:s10], [sflag:$0x3] =	stream.linear.gather [hbm4b:s0+s3], $0x80, $0x38;
	[tilespmem:$0x1F600] =	vst v63  }
0x65: {  	s1 =	sadd.s32 s5, s1;
	s23 =	sand.u32 $0x1FFFFFF0, s22;
	s26 =	spop (v2sf)  }
0x66: {  	[tilespmem:s21], [sflag:$0x3] =	stream.linear.gather [hbm4b:s1+s3], $0x80, $0x38;
	[tilespmem:$0x1F600] =	vst v63  }
0x67: {  	s24 =	sadd.s32 $0x6700, s7;
	s0 =	sadd.s32 s5, s23;
	s28 =	spop (v2sf);
	(v2sf) =	vpush v0, $0x8  }
0x68: {  	[tilespmem:s24], [sflag:$0x3] =	stream.linear.gather [hbm4b:s0+s3], $0x80, $0x38;
	[tilespmem:$0x1F600] =	vst v63  }
0x69: {  	s0 =	sand.u32 $0x1FFFFFF0, s28;
	s1 =	spop (v2sf);
	(v2sf) =	vpush v0, $0x9  }
0x6a: {  	s29 =	sadd.s32 $0x6780, s7;
	s30 =	sand.u32 $0x1FFFFFF0, s26;
	s0 =	sadd.s32 s5, s0  }
0x6b: {  	[tilespmem:s29], [sflag:$0x3] =	stream.linear.gather [hbm4b:s0+s3], $0x80, $0x38;
	[tilespmem:$0x1F600] =	vst v63  }
0x6c: {  	s31 =	sadd.s32 $0x6800, s7;
	s0 =	sadd.s32 s5, s30;
	s10 =	spop (v2sf);
	(v2sf) =	vpush v0, $0xA  }
0x6d: {  	[tilespmem:s31], [sflag:$0x3] =	stream.linear.gather [hbm4b:s0+s3], $0x80, $0x38;
	[tilespmem:$0x1F600] =	vst v63  }
0x6e: {  	s0 =	sand.u32 $0x1FFFFFF0, s1  }
0x6f: {  	s6 =	sadd.s32 $0x6880, s7;
	s0 =	sadd.s32 s5, s0  }
0x70: {  	[tilespmem:s6], [sflag:$0x3] =	stream.linear.gather [hbm4b:s0+s3], $0x80, $0x38;
	[tilespmem:$0x1F600] =	vst v63  }
0x71: {  	s12 =	spop (v2sf);
	(v2sf) =	vpush v0, $0xB  }
0x72: {  	s0 =	sand.u32 $0x1FFFFFF0, s10  }
0x73: {  	s11 =	sadd.s32 $0x6900, s7;
	s0 =	sadd.s32 s5, s0  }
0x74: {  	[tilespmem:s11], [sflag:$0x3] =	stream.linear.gather [hbm4b:s0+s3], $0x80, $0x38;
	[tilespmem:$0x1F600] =	vst v63  }
0x75: {  	s0 =	sand.u32 $0x1FFFFFF0, s12  }
0x76: {  	s13 =	sadd.s32 $0x6980, s7;
	s0 =	sadd.s32 s5, s0;
	s16 =	spop (v2sf);
	(v2sf) =	vpush v0, $0xC  }
0x77: {  	[tilespmem:s13], [sflag:$0x3] =	stream.linear.gather [hbm4b:s0+s3], $0x80, $0x38;
	[tilespmem:$0x1F600] =	vst v63  }
0x78: {  	s0 =	sand.u32 $0x1FFFFFF0, s16;
	s18 =	spop (v2sf);
	(v2sf) =	vpush v0, $0xD  }
0x79: {  	s17 =	sadd.s32 $0x6A00, s7;
	s0 =	sadd.s32 s5, s0  }
0x7a: {  	[tilespmem:s17], [sflag:$0x3] =	stream.linear.gather [hbm4b:s0+s3], $0x80, $0x38;
	[tilespmem:$0x1F600] =	vst v63  }
0x7b: {  	s20 =	spop (v2sf);
	(v2sf) =	vpush v0, $0xE  }
0x7c: {  	s0 =	sand.u32 $0x1FFFFFF0, s18  }
0x7d: {  	s19 =	sadd.s32 $0x6A80, s7;
	s0 =	sadd.s32 s5, s0  }
0x7e: {  	[tilespmem:s19], [sflag:$0x3] =	stream.linear.gather [hbm4b:s0+s3], $0x80, $0x38;
	[tilespmem:$0x1F600] =	vst v63  }
0x7f: {  	s0 =	sand.u32 $0x1FFFFFF0, s20  }
0x80: {  	s21 =	sadd.s32 $0x6B00, s7;
	s0 =	sadd.s32 s5, s0;
	s22 =	spop (v2sf);
	(v2sf) =	vpush v0, $0xF  }
0x81: {  	[tilespmem:s21], [sflag:$0x3] =	stream.linear.gather [hbm4b:s0+s3], $0x80, $0x38;
	[tilespmem:$0x1F600] =	vst v63  }
0x82: {  	s0 =	sand.u32 $0x1FFFFFF0, s22  }
0x83: {  	s23 =	sadd.s32 $0x6B80, s7;
	s0 =	sadd.s32 s5, s0  }
0x84: {  	[tilespmem:s23], [sflag:$0x3] =	stream.linear.gather [hbm4b:s0+s3], $0x80, $0x38;
	[tilespmem:$0x1F600] =	vst v63  }
0x85: {  	s24 =	spop (v2sf)  }
0x86: {  	s0 =	sand.u32 $0x1FFFFFF0, s24  }
0x87: {  	s26 =	sadd.s32 $0x6C00, s7;
	s28 =	spop (v2sf);
	s0 =	sadd.s32 s5, s0  }
0x88: {  	[tilespmem:s26], [sflag:$0x3] =	stream.linear.gather [hbm4b:s0+s3], $0x80, $0x38;
	[tilespmem:$0x1F600] =	vst v63  }
0x89: {  	s0 =	sand.u32 $0x1FFFFFF0, s28  }
0x8a: {  	s29 =	sadd.s32 $0x6C80, s7;
	s30 =	spop (v2sf);
	s0 =	sadd.s32 s5, s0  }
0x8b: {  	[tilespmem:s29], [sflag:$0x3] =	stream.linear.gather [hbm4b:s0+s3], $0x80, $0x38;
	[tilespmem:$0x1F600] =	vst v63  }
0x8c: {  	s0 =	sand.u32 $0x1FFFFFF0, s30  }
0x8d: {  	s31 =	sadd.s32 $0x6D00, s7;
	s0 =	sadd.s32 s5, s0  }
0x8e: {  	[tilespmem:s31], [sflag:$0x3] =	stream.linear.gather [hbm4b:s0+s3], $0x80, $0x38;
	[tilespmem:$0x1F600] =	vst v63  }
0x8f: {  	s6 =	spop (v2sf)  }
0x90: {  	s0 =	sand.u32 $0x1FFFFFF0, s6  }
0x91: {  	s10 =	sadd.s32 $0x6D80, s7;
	s0 =	sadd.s32 s5, s0  }
0x92: {  	[tilespmem:s10], [sflag:$0x3] =	stream.linear.gather [hbm4b:s0+s3], $0x80, $0x38;
	[tilespmem:$0x1F600] =	vst v63  }
0x93: {  	v0 =	vld [tilespmem:$0xB8];
	_ =	sdelay $0x4  }
0x94: {  	v0 =	vshll.u32 v0, $0x4  }
0x95: {  	(v2sf) =	vpush v0, $0x8;
	_ =	sdelay $0x1  }
0x96: {  	(v2sf) =	vpush v0, $0x9;
	_ =	sdelay $0x1  }
0x97: {  	(v2sf) =	vpush v0, $0xA  }
0x98: {  	(v2sf) =	vpush v0, $0xB;
	_ =	sdelay $0x5  }
0x99: {  	(v2sf) =	vpush v0, $0xC;
	_ =	sdelay $0x3  }
0x9a: {  	s11 =	spop (v2sf)  }
0x9b: {  	s7 =	simm.s32 $0x0;
	(v2sf) =	vpush v0, $0xD;
	s0 =	sand.u32 $0x1FFFFFF0, s11  }
0x9c: {  	s12 =	simm.s32 $0xC600;
	s13 =	spop (v2sf);
	s0 =	sadd.s32 s5, s0  }
0x9d: {  	(v2sf) =	vpush v0, $0xE;
	[tilespmem:s12], [sflag:$0x3] =	stream.linear.gather [hbm4b:s0+s7], $0x80, $0x38;
	[tilespmem:$0x1F600] =	vst v63  }
0x9e: {  	s17 =	spop (v2sf);
	s0 =	sand.u32 $0x1FFFFFF0, s13  }
0x9f: {  	s16 =	simm.s32 $0xC680;
	s19 =	spop (v2sf);
	s0 =	sadd.s32 s5, s0  }
0xa0: {  	(v2sf) =	vpush v0, $0xF;
	[tilespmem:s16], [sflag:$0x3] =	stream.linear.gather [hbm4b:s0+s7], $0x80, $0x38;
	[tilespmem:$0x1F600] =	vst v63  }
0xa1: {  	s0 =	sand.u32 $0x1FFFFFF0, s17  }
0xa2: {  	s18 =	simm.s32 $0xC700;
	s0 =	sadd.s32 s5, s0  }
0xa3: {  	[tilespmem:s18], [sflag:$0x3] =	stream.linear.gather [hbm4b:s0+s7], $0x80, $0x38;
	[tilespmem:$0x1F600] =	vst v63  }
0xa4: {  	s0 =	sand.u32 $0x1FFFFFF0, s19  }
0xa5: {  	s20 =	simm.s32 $0xC780;
	s21 =	spop (v2sf);
	s0 =	sadd.s32 s5, s0  }
0xa6: {  	[tilespmem:s20], [sflag:$0x3] =	stream.linear.gather [hbm4b:s0+s7], $0x80, $0x38;
	[tilespmem:$0x1F600] =	vst v63  }
0xa7: {  	s0 =	sand.u32 $0x1FFFFFF0, s21  }
0xa8: {  	s22 =	simm.s32 $0xC800;
	s0 =	sadd.s32 s5, s0  }
0xa9: {  	[tilespmem:s22], [sflag:$0x3] =	stream.linear.gather [hbm4b:s0+s7], $0x80, $0x38;
	[tilespmem:$0x1F600] =	vst v63  }
0xaa: {  	s23 =	spop (v2sf)  }
0xab: {  	s0 =	sand.u32 $0x1FFFFFF0, s23  }
0xac: {  	s24 =	simm.s32 $0xC880;
	s26 =	spop (v2sf);
	s0 =	sadd.s32 s5, s0  }
0xad: {  	[tilespmem:s24], [sflag:$0x3] =	stream.linear.gather [hbm4b:s0+s7], $0x80, $0x38;
	[tilespmem:$0x1F600] =	vst v63  }
0xae: {  	s0 =	sand.u32 $0x1FFFFFF0, s26  }
0xaf: {  	s28 =	simm.s32 $0xC900;
	s29 =	spop (v2sf);
	s0 =	sadd.s32 s5, s0  }
0xb0: {  	[tilespmem:s28], [sflag:$0x3] =	stream.linear.gather [hbm4b:s0+s7], $0x80, $0x38;
	[tilespmem:$0x1F600] =	vst v63  }
0xb1: {  	s0 =	sand.u32 $0x1FFFFFF0, s29  }
0xb2: {  	s30 =	simm.s32 $0xC980;
	s0 =	sadd.s32 s5, s0  }
0xb3: {  	[tilespmem:s30], [sflag:$0x3] =	stream.linear.gather [hbm4b:s0+s7], $0x80, $0x38;
	[tilespmem:$0x1F600] =	vst v63  }
0xb4: {  	_ =	swait.ge [sflag:s25], $0x100  }
0xb5: {  	[sflag:s25] =	ssyncset.done $0x0  }
0xb6: {  	s31 =	sand.u32 $0xF0, s7;
	[sflag:s25] =	ssyncadd.s32 $0xFFFFFF00  }
0xb7: {  	v0 =	vld [tilespmem:s31+$0x100];
	_ =	sdelay $0x4  }
0xb8: {  	v0 =	vshll.u32 v0, $0x4  }
0xb9: {  	(v2sf) =	vpush v0, $0x0  }
0xba: {  	(v2sf) =	vpush v0, $0x2  }
0xbb: {  	(v2sf) =	vpush v0, $0x1;
	_ =	sdelay $0x1  }
0xbc: {  	(v2sf) =	vpush v0, $0x3  }
0xbd: {  	(v2sf) =	vpush v0, $0x4;
	_ =	sdelay $0x2  }
0xbe: {  	s10 =	simm.s32 $0x2000;
	s12 =	simm.s32 $0x10  }
.LBB2_4:
0xbf: {  	p0 =	sne.s32 s10, $0x16000;
	(v2sf) =	vpush v0, $0x5;
	s0 =	smov.u32 s10;
	s10 =	sadd.s32 $0x2000, s10  }
0xc0: {  	s17 =	sshra.s32 s7, $0x2;
	s7 =	smov.u32 s0  }
0xc1: {  	s0 =	sadd.s32 $0xCA80, s17;
	(v2sf) =	vpush v0, $0x6  }
0xc2: {  	s1 =	sadd.s32 $0xCA00, s17  }
0xc3: {  	s20 =	sadd.s32 $0xCF80, s17;
	s19 =	sadd.s32 $0xD000, s17;
	s18 =	sadd.s32 $0xD080, s17;
	(v2sf) =	vpush v0, $0x7  }
0xc4: {  	s23 =	sadd.s32 $0xCE00, s17;
	s22 =	sadd.s32 $0xCE80, s17;
	s21 =	sadd.s32 $0xCF00, s17  }
0xc5: {  	s11 =	sadd.s32 $0xCD00, s17;
	s24 =	sadd.s32 $0xCD80, s17;
	s13 =	spop (v2sf);
	(v2sf) =	vpush v0, $0x8  }
0xc6: {  	s26 =	sadd.s32 $0xCB00, s17;
	s13 =	sand.u32 $0x1FFFFFF0, s13;
	s28 =	spop (v2sf)  }
0xc7: {  	s29 =	sadd.s32 $0xCC80, s17;
	s13 =	sadd.s32 s5, s13;
	s30 =	spop (v2sf);
	(v2sf) =	vpush v0, $0x9  }
0xc8: {  	[tilespmem:s1], [sflag:$0x4] =	stream.linear.gather [hbm4b:s13+s3], $0x80, $0x38;
	[tilespmem:$0x1F600] =	vst v63  }
0xc9: {  	s1 =	sand.u32 $0x1FFFFFF0, s30;
	s13 =	sand.u32 $0x1FFFFFF0, s28;
	s28 =	spop (v2sf);
	(v2sf) =	vpush v0, $0xA  }
0xca: {  	s30 =	sadd.s32 $0xCC00, s17;
	s1 =	sadd.s32 s5, s1;
	s31 =	spop (v2sf)  }
0xcb: {  	[tilespmem:s0], [sflag:$0x4] =	stream.linear.gather [hbm4b:s1+s3], $0x80, $0x38;
	(v2sf) =	vpush v0, $0xB;
	[tilespmem:$0x1F600] =	vst v63  }
0xcc: {  	s0 =	sadd.s32 s5, s13;
	s1 =	sand.u32 $0x1FFFFFF0, s28;
	s13 =	sand.u32 $0x1FFFFFF0, s31  }
0xcd: {  	[tilespmem:s26], [sflag:$0x4] =	stream.linear.gather [hbm4b:s0+s3], $0x80, $0x38;
	(v2sf) =	vpush v0, $0xC;
	[tilespmem:$0x1F600] =	vst v63  }
0xce: {  	s1 =	sadd.s32 s5, s1;
	s0 =	sadd.s32 $0xCB80, s17;
	s26 =	spop (v2sf)  }
0xcf: {  	[tilespmem:s0], [sflag:$0x4] =	stream.linear.gather [hbm4b:s1+s3], $0x80, $0x38;
	(v2sf) =	vpush v0, $0xD;
	[tilespmem:$0x1F600] =	vst v63  }
0xd0: {  	s0 =	sadd.s32 s5, s13;
	s1 =	sand.u32 $0x1FFFFFF0, s26;
	s13 =	spop (v2sf)  }
0xd1: {  	[tilespmem:s30], [sflag:$0x4] =	stream.linear.gather [hbm4b:s0+s3], $0x80, $0x38;
	(v2sf) =	vpush v0, $0xE;
	[tilespmem:$0x1F600] =	vst v63  }
0xd2: {  	s0 =	sadd.s32 s5, s1;
	s1 =	sand.u32 $0x1FFFFFF0, s13;
	s13 =	spop (v2sf)  }
0xd3: {  	[tilespmem:s29], [sflag:$0x4] =	stream.linear.gather [hbm4b:s0+s3], $0x80, $0x38;
	(v2sf) =	vpush v0, $0xF;
	[tilespmem:$0x1F600] =	vst v63  }
0xd4: {  	s0 =	sadd.s32 s5, s1;
	s1 =	sand.u32 $0x1FFFFFF0, s13;
	s13 =	spop (v2sf)  }
0xd5: {  	[tilespmem:s11], [sflag:$0x4] =	stream.linear.gather [hbm4b:s0+s3], $0x80, $0x38;
	[tilespmem:$0x1F600] =	vst v63  }
0xd6: {  	s0 =	sadd.s32 s5, s1;
	s1 =	sand.u32 $0x1FFFFFF0, s13;
	s11 =	spop (v2sf)  }
0xd7: {  	[tilespmem:s24], [sflag:$0x4] =	stream.linear.gather [hbm4b:s0+s3], $0x80, $0x38;
	[tilespmem:$0x1F600] =	vst v63  }
0xd8: {  	s0 =	sadd.s32 s5, s1;
	s1 =	sand.u32 $0x1FFFFFF0, s11;
	s11 =	spop (v2sf)  }
0xd9: {  	[tilespmem:s23], [sflag:$0x4] =	stream.linear.gather [hbm4b:s0+s3], $0x80, $0x38;
	[tilespmem:$0x1F600] =	vst v63  }
0xda: {  	s0 =	sadd.s32 s5, s1;
	s1 =	sand.u32 $0x1FFFFFF0, s11;
	s11 =	spop (v2sf)  }
0xdb: {  	[tilespmem:s22], [sflag:$0x4] =	stream.linear.gather [hbm4b:s0+s3], $0x80, $0x38;
	[tilespmem:$0x1F600] =	vst v63  }
0xdc: {  	s0 =	sadd.s32 s5, s1;
	s1 =	sand.u32 $0x1FFFFFF0, s11;
	s11 =	spop (v2sf)  }
0xdd: {  	[tilespmem:s21], [sflag:$0x4] =	stream.linear.gather [hbm4b:s0+s3], $0x80, $0x38;
	[tilespmem:$0x1F600] =	vst v63  }
0xde: {  	s0 =	sadd.s32 s5, s1;
	s1 =	sand.u32 $0x1FFFFFF0, s11;
	s11 =	spop (v2sf)  }
0xdf: {  	[tilespmem:s20], [sflag:$0x4] =	stream.linear.gather [hbm4b:s0+s3], $0x80, $0x38;
	[tilespmem:$0x1F600] =	vst v63  }
0xe0: {  	s0 =	sadd.s32 s5, s1;
	s1 =	sand.u32 $0x1FFFFFF0, s11;
	s11 =	spop (v2sf)  }
0xe1: {  	[tilespmem:s19], [sflag:$0x4] =	stream.linear.gather [hbm4b:s0+s3], $0x80, $0x38;
	[tilespmem:$0x1F600] =	vst v63  }
0xe2: {  	s0 =	sadd.s32 s5, s1;
	s1 =	sand.u32 $0x1FFFFFF0, s11;
	s11 =	spop (v2sf)  }
0xe3: {  	[tilespmem:s18], [sflag:$0x4] =	stream.linear.gather [hbm4b:s0+s3], $0x80, $0x38;
	[tilespmem:$0x1F600] =	vst v63  }
0xe4: {  	s1 =	sadd.s32 s5, s1;
	s0 =	sadd.s32 $0xD100, s17;
	s11 =	sand.u32 $0x1FFFFFF0, s11  }
0xe5: {  	[tilespmem:s0], [sflag:$0x4] =	stream.linear.gather [hbm4b:s1+s3], $0x80, $0x38;
	[tilespmem:$0x1F600] =	vst v63  }
0xe6: {  	s11 =	sadd.s32 s5, s11;
	s0 =	sand.u32 $0xF0, s12;
	s1 =	sadd.s32 $0xD180, s17  }
0xe7: {  	[tilespmem:s1], [sflag:$0x4] =	stream.linear.gather [hbm4b:s11+s3], $0x80, $0x38;
	[tilespmem:$0x1F600] =	vst v63  }
0xe8: {  	v0 =	vld [tilespmem:s0+$0x100];
	_ =	sdelay $0x4  }
0xe9: {  	v0 =	vshll.u32 v0, $0x4  }
0xea: {  	(v2sf) =	vpush v0, $0x0  }
0xeb: {  	(v2sf) =	vpush v0, $0x2  }
0xec: {  	(v2sf) =	vpush v0, $0x1;
	_ =	sdelay $0x1  }
.Ltmp3:
0xed: {  	(v2sf) =	vpush v0, $0x3;
	(pc) =	sbr.rel @p0 .LBB2_4-.Ltmp3, $2  }
0xee: {  	(v2sf) =	vpush v0, $0x4;
	_ =	sdelay $0x2  }
0xef: {  	s12 =	sadd.s32 $0x10, s12  }
0xf0: {  	_ =	sdelay $0x5  }
0xf1: {  	s0 =	spop (v2sf)  }
0xf2: {  	s10 =	spop (v2sf);
	(v2sf) =	vpush v0, $0x5;
	_ =	sdelay $0x1  }
0xf3: {  	s24 =	spop (v2sf);
	(v2sf) =	vpush v0, $0x6;
	_ =	sdelay $0x2  }
0xf4: {  	s30 =	spop (v2sf);
	(v2sf) =	vpush v0, $0x7  }
0xf5: {  	s7 =	sshra.s32 s7, $0x2;
	s0 =	sand.u32 $0x1FFFFFF0, s0  }
0xf6: {  	s1 =	sadd.s32 $0xCA00, s7;
	s0 =	sadd.s32 s5, s0  }
0xf7: {  	[tilespmem:s1], [sflag:$0x4] =	stream.linear.gather [hbm4b:s0+s3], $0x80, $0x38;
	[tilespmem:$0x1F600] =	vst v63  }
0xf8: {  	s0 =	sand.u32 $0x1FFFFFF0, s24;
	s1 =	spop (v2sf);
	(v2sf) =	vpush v0, $0x8  }
0xf9: {  	s26 =	sadd.s32 $0xCA80, s7;
	s28 =	sand.u32 $0x1FFFFFF0, s10;
	s0 =	sadd.s32 s5, s0  }
0xfa: {  	[tilespmem:s26], [sflag:$0x4] =	stream.linear.gather [hbm4b:s0+s3], $0x80, $0x38;
	[tilespmem:$0x1F600] =	vst v63  }
0xfb: {  	s29 =	sadd.s32 $0xCB00, s7;
	s0 =	sadd.s32 s5, s28  }
0xfc: {  	[tilespmem:s29], [sflag:$0x4] =	stream.linear.gather [hbm4b:s0+s3], $0x80, $0x38;
	[tilespmem:$0x1F600] =	vst v63  }
0xfd: {  	s0 =	sand.u32 $0x1FFFFFF0, s30  }
0xfe: {  	s31 =	sadd.s32 $0xCB80, s7;
	s0 =	sadd.s32 s5, s0;
	s10 =	spop (v2sf);
	(v2sf) =	vpush v0, $0x9  }
0xff: {  	[tilespmem:s31], [sflag:$0x4] =	stream.linear.gather [hbm4b:s0+s3], $0x80, $0x38;
	[tilespmem:$0x1F600] =	vst v63  }
0x100: {  	s0 =	sand.u32 $0x1FFFFFF0, s1;
	s12 =	spop (v2sf);
	(v2sf) =	vpush v0, $0xA  }
0x101: {  	s6 =	sadd.s32 $0xCC00, s7;
	s0 =	sadd.s32 s5, s0  }
0x102: {  	[tilespmem:s6], [sflag:$0x4] =	stream.linear.gather [hbm4b:s0+s3], $0x80, $0x38;
	[tilespmem:$0x1F600] =	vst v63  }
0x103: {  	s0 =	sand.u32 $0x1FFFFFF0, s10;
	s16 =	spop (v2sf);
	(v2sf) =	vpush v0, $0xB  }
0x104: {  	s11 =	sadd.s32 $0xCC80, s7;
	s0 =	sadd.s32 s5, s0  }
0x105: {  	[tilespmem:s11], [sflag:$0x4] =	stream.linear.gather [hbm4b:s0+s3], $0x80, $0x38;
	[tilespmem:$0x1F600] =	vst v63  }
0x106: {  	s0 =	sand.u32 $0x1FFFFFF0, s12  }
0x107: {  	s13 =	sadd.s32 $0xCD00, s7;
	s0 =	sadd.s32 s5, s0;
	s18 =	spop (v2sf)  }
0x108: {  	(v2sf) =	vpush v0, $0xC;
	[tilespmem:s13], [sflag:$0x4] =	stream.linear.gather [hbm4b:s0+s3], $0x80, $0x38;
	[tilespmem:$0x1F600] =	vst v63  }
0x109: {  	s0 =	sand.u32 $0x1FFFFFF0, s16  }
0x10a: {  	s17 =	sadd.s32 $0xCD80, s7;
	s0 =	sadd.s32 s5, s0  }
0x10b: {  	[tilespmem:s17], [sflag:$0x4] =	stream.linear.gather [hbm4b:s0+s3], $0x80, $0x38;
	[tilespmem:$0x1F600] =	vst v63  }
0x10c: {  	s0 =	sand.u32 $0x1FFFFFF0, s18  }
0x10d: {  	s19 =	sadd.s32 $0xCE00, s7;
	s0 =	sadd.s32 s5, s0;
	s20 =	spop (v2sf);
	(v2sf) =	vpush v0, $0xD  }
0x10e: {  	[tilespmem:s19], [sflag:$0x4] =	stream.linear.gather [hbm4b:s0+s3], $0x80, $0x38;
	[tilespmem:$0x1F600] =	vst v63  }
0x10f: {  	s0 =	sand.u32 $0x1FFFFFF0, s20;
	s22 =	spop (v2sf);
	(v2sf) =	vpush v0, $0xE  }
0x110: {  	s21 =	sadd.s32 $0xCE80, s7;
	s0 =	sadd.s32 s5, s0  }
0x111: {  	[tilespmem:s21], [sflag:$0x4] =	stream.linear.gather [hbm4b:s0+s3], $0x80, $0x38;
	[tilespmem:$0x1F600] =	vst v63  }
0x112: {  	s24 =	spop (v2sf);
	(v2sf) =	vpush v0, $0xF  }
0x113: {  	s0 =	sand.u32 $0x1FFFFFF0, s22  }
0x114: {  	s23 =	sadd.s32 $0xCF00, s7;
	s0 =	sadd.s32 s5, s0  }
0x115: {  	[tilespmem:s23], [sflag:$0x4] =	stream.linear.gather [hbm4b:s0+s3], $0x80, $0x38;
	[tilespmem:$0x1F600] =	vst v63  }
0x116: {  	s0 =	sand.u32 $0x1FFFFFF0, s24  }
0x117: {  	s26 =	sadd.s32 $0xCF80, s7;
	s28 =	spop (v2sf);
	s0 =	sadd.s32 s5, s0  }
0x118: {  	[tilespmem:s26], [sflag:$0x4] =	stream.linear.gather [hbm4b:s0+s3], $0x80, $0x38;
	[tilespmem:$0x1F600] =	vst v63  }
0x119: {  	s0 =	sand.u32 $0x1FFFFFF0, s28  }
0x11a: {  	s29 =	sadd.s32 $0xD000, s7;
	s0 =	sadd.s32 s5, s0  }
0x11b: {  	[tilespmem:s29], [sflag:$0x4] =	stream.linear.gather [hbm4b:s0+s3], $0x80, $0x38;
	[tilespmem:$0x1F600] =	vst v63  }
0x11c: {  	s30 =	spop (v2sf)  }
0x11d: {  	s0 =	sand.u32 $0x1FFFFFF0, s30  }
0x11e: {  	s31 =	sadd.s32 $0xD080, s7;
	s1 =	spop (v2sf);
	s0 =	sadd.s32 s5, s0  }
0x11f: {  	[tilespmem:s31], [sflag:$0x4] =	stream.linear.gather [hbm4b:s0+s3], $0x80, $0x38;
	[tilespmem:$0x1F600] =	vst v63  }
0x120: {  	s0 =	sand.u32 $0x1FFFFFF0, s1  }
0x121: {  	s6 =	sadd.s32 $0xD100, s7;
	s10 =	spop (v2sf);
	s0 =	sadd.s32 s5, s0  }
0x122: {  	[tilespmem:s6], [sflag:$0x4] =	stream.linear.gather [hbm4b:s0+s3], $0x80, $0x38;
	[tilespmem:$0x1F600] =	vst v63  }
0x123: {  	s0 =	sand.u32 $0x1FFFFFF0, s10  }
0x124: {  	s11 =	sadd.s32 $0xD180, s7;
	s0 =	sadd.s32 s5, s0  }
0x125: {  	[tilespmem:s11], [sflag:$0x4] =	stream.linear.gather [hbm4b:s0+s3], $0x80, $0x38;
	[tilespmem:$0x1F600] =	vst v63  }
0x126: {  	v63 =	vld [tilespmem:$0x1B8];
	_ =	sdelay $0x4  }
0x127: {  	v0 =	vshll.u32 v63, $0x4  }
0x128: {  	(v2sf) =	vpush v0, $0x8;
	_ =	sdelay $0x1  }
0x129: {  	(v2sf) =	vpush v0, $0x9;
	_ =	sdelay $0x1  }
0x12a: {  	(v2sf) =	vpush v0, $0xA;
	_ =	sdelay $0x2  }
0x12b: {  	(v2sf) =	vpush v0, $0xB;
	_ =	sdelay $0x7  }
0x12c: {  	s12 =	spop (v2sf);
	(v2sf) =	vpush v0, $0xC;
	_ =	sdelay $0x1  }
0x12d: {  	s16 =	spop (v2sf);
	(v2sf) =	vpush v0, $0xD  }
0x12e: {  	s13 =	simm.s32 $0x12A00;
	s0 =	sand.u32 $0x1FFFFFF0, s12  }
0x12f: {  	s12 =	simm.s32 $0x0;
	s0 =	sadd.s32 s5, s0;
	s18 =	spop (v2sf)  }
0x130: {  	(v2sf) =	vpush v0, $0xE;
	[tilespmem:s13], [sflag:$0x4] =	stream.linear.gather [hbm4b:s0+s12], $0x80, $0x38;
	[tilespmem:$0x1F600] =	vst v63  }
0x131: {  	s0 =	sand.u32 $0x1FFFFFF0, s16  }
0x132: {  	s17 =	simm.s32 $0x12A80;
	s20 =	spop (v2sf);
	s0 =	sadd.s32 s5, s0  }
0x133: {  	(v2sf) =	vpush v0, $0xF;
	[tilespmem:s17], [sflag:$0x4] =	stream.linear.gather [hbm4b:s0+s12], $0x80, $0x38;
	[tilespmem:$0x1F600] =	vst v63  }
0x134: {  	s0 =	sand.u32 $0x1FFFFFF0, s18  }
0x135: {  	s19 =	simm.s32 $0x12B00;
	s0 =	sadd.s32 s5, s0  }
0x136: {  	[tilespmem:s19], [sflag:$0x4] =	stream.linear.gather [hbm4b:s0+s12], $0x80, $0x38;
	[tilespmem:$0x1F600] =	vst v63  }
0x137: {  	s0 =	sand.u32 $0x1FFFFFF0, s20  }
0x138: {  	s21 =	simm.s32 $0x12B80;
	s0 =	sadd.s32 s5, s0  }
0x139: {  	[tilespmem:s21], [sflag:$0x4] =	stream.linear.gather [hbm4b:s0+s12], $0x80, $0x38;
	[tilespmem:$0x1F600] =	vst v63  }
0x13a: {  	s22 =	spop (v2sf)  }
0x13b: {  	s0 =	sand.u32 $0x1FFFFFF0, s22  }
0x13c: {  	s23 =	simm.s32 $0x12C00;
	s24 =	spop (v2sf);
	s0 =	sadd.s32 s5, s0  }
0x13d: {  	[tilespmem:s23], [sflag:$0x4] =	stream.linear.gather [hbm4b:s0+s12], $0x80, $0x38;
	[tilespmem:$0x1F600] =	vst v63  }
0x13e: {  	s0 =	sand.u32 $0x1FFFFFF0, s24  }
0x13f: {  	s26 =	simm.s32 $0x12C80;
	s28 =	spop (v2sf);
	s0 =	sadd.s32 s5, s0  }
0x140: {  	[tilespmem:s26], [sflag:$0x4] =	stream.linear.gather [hbm4b:s0+s12], $0x80, $0x38;
	[tilespmem:$0x1F600] =	vst v63  }
0x141: {  	s0 =	sand.u32 $0x1FFFFFF0, s28  }
0x142: {  	s29 =	simm.s32 $0x12D00;
	s30 =	spop (v2sf);
	s0 =	sadd.s32 s5, s0  }
0x143: {  	[tilespmem:s29], [sflag:$0x4] =	stream.linear.gather [hbm4b:s0+s12], $0x80, $0x38;
	[tilespmem:$0x1F600] =	vst v63  }
0x144: {  	s0 =	sand.u32 $0x1FFFFFF0, s30  }
0x145: {  	s31 =	simm.s32 $0x12D80;
	s0 =	sadd.s32 s5, s0  }
0x146: {  	[tilespmem:s31], [sflag:$0x4] =	stream.linear.gather [hbm4b:s0+s12], $0x80, $0x38;
	[tilespmem:$0x1F600] =	vst v63  }
.LBB2_6:
0x147: {  	p0 =	seq.s32 s12, $0x3F  }
0x148: {  	s10 =	sshll.u32 s12, $0x1;
	_ =	swait.ge [sflag:s15], $0x6400;
	p1 =	seq.s32 @!p0 s12, $0x0  }
0x149: {  	s0 =	sadd.s32 @!p0 $0x2, s10;
	[sflag:s15] =	ssyncset.done $0x0;
	p1 =	por p0, !p1  }
.Ltmp4:
0x14a: {  	s1 =	sadd.s32 @!p0 s4, s0;
	s0 =	sshll.u32 @!p0 s0, $0x4;
	(pc) =	sbr.rel @!p1 .LBB2_7-.Ltmp4, $4  }
0x14b: {  	s7 =	simm.s32 @!p0 $0x400;
	s1 =	sshll.u32 @!p0 s1, $0x5;
	s0 =	sand.u32 @!p0 $0x60, s0  }
0x14c: {  	s11 =	simm.s32 @!p0 $0x0;
	s1 =	sand.u32 @!p0 $0x3FF00, s1;
	s0 =	sadd.s32 @!p0 s2, s0  }
0x14d: {  	[sflag:s15] =	ssyncadd.s32 $0xFFFF9C00;
	s0 =	sadd.s32 @!p0 s1, s0;
	s1 =	simm.s32 @!p0 $0x80  }
0x14e: {  	[tilespmem:s11], [sflag:$0x1] =	stream.strided.gather @!p0 [hbm4b:s0+s1], $0x100, s7, s1, $0x38;
	[tilespmem:$0x1F600] =	vst v63  }
.Ltmp5:
0x14f: {  	(pc) =	sbr.rel .LBB2_9-.Ltmp5, $4  }
0x150: {  	_ = 	snop  }
0x151: {  	_ =	swait.ge [sflag:s9], $0x6400  }
0x152: {  	[sflag:s9] =	ssyncset.done $0x0  }
0x153: {  	p1 =	por $0x0, $0x0;
	[sflag:s9] =	ssyncadd.s32 $0xFFFF9C00  }
.LBB2_7:
0x154: {  	p1 =	por @!p0 $0x1, $0x1  }
.LBB2_9:
0x155: {  	s7 =	simm.s32 $0x6700  }
0x156: {  	v0 =	vld [tilespmem:s7+$0xFFFFFF00]  }
0x157: {  	s17 =	simm.s32 $0x300  }
0x158: {  	v1 =	vld [tilespmem:s17+$0xFFFFFF00];
	_ =	sdelay $0x2  }
0x159: {  	v0 =	vmul.f32 $8.000000000e+00, v0;
	_ =	sdelay $0x1  }
0x15a: {  	v0 =	vadd.f32 v1, v0  }
0x15b: {  	s18 =	simm.s32 $0x12F00  }
0x15c: {  	[tilespmem:s18+$0xFFFFFF00] =	vst v0  }
0x15d: {  	v0 =	vld [tilespmem:s7+$0xFFFFFF10];
	_ =	sdelay $0x1  }
0x15e: {  	v1 =	vld [tilespmem:s17+$0xFFFFFF10];
	_ =	sdelay $0x2  }
0x15f: {  	v0 =	vmul.f32 $8.000000000e+00, v0;
	_ =	sdelay $0x1  }
0x160: {  	v0 =	vadd.f32 v1, v0;
	_ =	sdelay $0x1  }
0x161: {  	[tilespmem:s18+$0xFFFFFF10] =	vst v0  }
0x162: {  	v0 =	vld [tilespmem:s7+$0xFFFFFF20];
	_ =	sdelay $0x1  }
0x163: {  	v1 =	vld [tilespmem:s17+$0xFFFFFF20];
	_ =	sdelay $0x2  }
0x164: {  	v0 =	vmul.f32 $8.000000000e+00, v0;
	_ =	sdelay $0x1  }
0x165: {  	v0 =	vadd.f32 v1, v0;
	_ =	sdelay $0x1  }
0x166: {  	[tilespmem:s18+$0xFFFFFF20] =	vst v0  }
0x167: {  	v0 =	vld [tilespmem:s7+$0xFFFFFF30];
	_ =	sdelay $0x1  }
0x168: {  	v1 =	vld [tilespmem:s17+$0xFFFFFF30];
	_ =	sdelay $0x2  }
0x169: {  	v0 =	vmul.f32 $8.000000000e+00, v0;
	_ =	sdelay $0x1  }
0x16a: {  	v0 =	vadd.f32 v1, v0;
	_ =	sdelay $0x1  }
0x16b: {  	[tilespmem:s18+$0xFFFFFF30] =	vst v0  }
0x16c: {  	v0 =	vld [tilespmem:s7+$0xFFFFFF80];
	_ =	sdelay $0x1  }
0x16d: {  	v1 =	vld [tilespmem:s17+$0xFFFFFF80];
	_ =	sdelay $0x2  }
0x16e: {  	v0 =	vmul.f32 $8.000000000e+00, v0;
	_ =	sdelay $0x1  }
0x16f: {  	v0 =	vadd.f32 v1, v0;
	_ =	sdelay $0x1  }
0x170: {  	[tilespmem:s18+$0xFFFFFF80] =	vst v0  }
0x171: {  	v0 =	vld [tilespmem:s7+$0xFFFFFF90];
	_ =	sdelay $0x1  }
0x172: {  	v1 =	vld [tilespmem:s17+$0xFFFFFF90];
	_ =	sdelay $0x2  }
0x173: {  	v0 =	vmul.f32 $8.000000000e+00, v0;
	_ =	sdelay $0x1  }
0x174: {  	v0 =	vadd.f32 v1, v0;
	_ =	sdelay $0x1  }
0x175: {  	[tilespmem:s18+$0xFFFFFF90] =	vst v0  }
0x176: {  	v0 =	vld [tilespmem:s7+$0xFFFFFFA0];
	_ =	sdelay $0x1  }
0x177: {  	v1 =	vld [tilespmem:s17+$0xFFFFFFA0];
	_ =	sdelay $0x2  }
0x178: {  	v0 =	vmul.f32 $8.000000000e+00, v0;
	_ =	sdelay $0x1  }
0x179: {  	v0 =	vadd.f32 v1, v0;
	_ =	sdelay $0x1  }
0x17a: {  	[tilespmem:s18+$0xFFFFFFA0] =	vst v0  }
0x17b: {  	v0 =	vld [tilespmem:s7+$0xFFFFFFB0];
	_ =	sdelay $0x1  }
0x17c: {  	v1 =	vld [tilespmem:s17+$0xFFFFFFB0];
	_ =	sdelay $0x2  }
0x17d: {  	v0 =	vmul.f32 $8.000000000e+00, v0;
	_ =	sdelay $0x1  }
0x17e: {  	v0 =	vadd.f32 v1, v0;
	_ =	sdelay $0x1  }
0x17f: {  	[tilespmem:s18+$0xFFFFFFB0] =	vst v0  }
0x180: {  	v0 =	vld [tilespmem:s7+$0x0];
	_ =	sdelay $0x1  }
0x181: {  	v1 =	vld [tilespmem:s17+$0x0];
	_ =	sdelay $0x2  }
0x182: {  	v0 =	vmul.f32 $8.000000000e+00, v0;
	_ =	sdelay $0x1  }
0x183: {  	v0 =	vadd.f32 v1, v0;
	_ =	sdelay $0x1  }
0x184: {  	[tilespmem:s18+$0x0] =	vst v0  }
0x185: {  	v0 =	vld [tilespmem:s7+$0x10];
	_ =	sdelay $0x1  }
0x186: {  	v1 =	vld [tilespmem:s17+$0x10];
	_ =	sdelay $0x2  }
0x187: {  	v0 =	vmul.f32 $8.000000000e+00, v0;
	_ =	sdelay $0x1  }
0x188: {  	v0 =	vadd.f32 v1, v0;
	_ =	sdelay $0x1  }
0x189: {  	[tilespmem:s18+$0x10] =	vst v0  }
0x18a: {  	v0 =	vld [tilespmem:s7+$0x20];
	_ =	sdelay $0x1  }
0x18b: {  	v1 =	vld [tilespmem:s17+$0x20];
	_ =	sdelay $0x2  }
0x18c: {  	v0 =	vmul.f32 $8.000000000e+00, v0;
	_ =	sdelay $0x1  }
0x18d: {  	v0 =	vadd.f32 v1, v0;
	_ =	sdelay $0x1  }
0x18e: {  	[tilespmem:s18+$0x20] =	vst v0  }
0x18f: {  	v0 =	vld [tilespmem:s7+$0x30];
	_ =	sdelay $0x1  }
0x190: {  	v1 =	vld [tilespmem:s17+$0x30];
	_ =	sdelay $0x2  }
0x191: {  	v0 =	vmul.f32 $8.000000000e+00, v0;
	_ =	sdelay $0x1  }
0x192: {  	v0 =	vadd.f32 v1, v0;
	_ =	sdelay $0x1  }
0x193: {  	[tilespmem:s18+$0x30] =	vst v0  }
0x194: {  	v0 =	vld [tilespmem:s7+$0x80];
	_ =	sdelay $0x1  }
0x195: {  	v1 =	vld [tilespmem:s17+$0x80];
	_ =	sdelay $0x2  }
0x196: {  	v0 =	vmul.f32 $8.000000000e+00, v0;
	_ =	sdelay $0x1  }
0x197: {  	v0 =	vadd.f32 v1, v0;
	_ =	sdelay $0x1  }
0x198: {  	[tilespmem:s18+$0x80] =	vst v0  }
0x199: {  	v0 =	vld [tilespmem:s7+$0x90];
	_ =	sdelay $0x1  }
0x19a: {  	v1 =	vld [tilespmem:s17+$0x90];
	_ =	sdelay $0x2  }
0x19b: {  	v0 =	vmul.f32 $8.000000000e+00, v0;
	_ =	sdelay $0x1  }
0x19c: {  	v0 =	vadd.f32 v1, v0;
	_ =	sdelay $0x1  }
0x19d: {  	[tilespmem:s18+$0x90] =	vst v0  }
0x19e: {  	v0 =	vld [tilespmem:s7+$0xA0];
	_ =	sdelay $0x1  }
0x19f: {  	v1 =	vld [tilespmem:s17+$0xA0];
	_ =	sdelay $0x2  }
0x1a0: {  	v0 =	vmul.f32 $8.000000000e+00, v0;
	_ =	sdelay $0x1  }
0x1a1: {  	v0 =	vadd.f32 v1, v0;
	_ =	sdelay $0x1  }
0x1a2: {  	[tilespmem:s18+$0xA0] =	vst v0  }
0x1a3: {  	v0 =	vld [tilespmem:s7+$0xB0];
	_ =	sdelay $0x1  }
0x1a4: {  	v1 =	vld [tilespmem:s17+$0xB0];
	_ =	sdelay $0x2  }
0x1a5: {  	v0 =	vmul.f32 $8.000000000e+00, v0;
	_ =	sdelay $0x1  }
0x1a6: {  	v0 =	vadd.f32 v1, v0  }
0x1a7: {  	s19 =	simm.s32 $0x0;
	s20 =	simm.s32 $0x13100  }
.LBB2_10:
0x1a8: {  	s19 =	sadd.s32 $0x4, s19;
	[tilespmem:s18+$0xB0] =	vst v0;
	s7 =	sadd.s32 $0x200, s7;
	s17 =	sadd.s32 $0x200, s17  }
0x1a9: {  	s18 =	smov.u32 s20;
	v0 =	vld [tilespmem:s7+$0xFFFFFF00];
	p2 =	slt.u32 s19, $0xC4;
	_ =	sdelay $0x1  }
0x1aa: {  	v1 =	vld [tilespmem:s17+$0xFFFFFF00];
	_ =	sdelay $0x2  }
0x1ab: {  	v0 =	vmul.f32 $8.000000000e+00, v0;
	_ =	sdelay $0x1  }
0x1ac: {  	v0 =	vadd.f32 v1, v0;
	_ =	sdelay $0x1  }
0x1ad: {  	[tilespmem:s20+$0xFFFFFF00] =	vst v0  }
0x1ae: {  	v0 =	vld [tilespmem:s7+$0xFFFFFF10];
	_ =	sdelay $0x1  }
0x1af: {  	v1 =	vld [tilespmem:s17+$0xFFFFFF10];
	_ =	sdelay $0x2  }
0x1b0: {  	v0 =	vmul.f32 $8.000000000e+00, v0;
	_ =	sdelay $0x1  }
0x1b1: {  	v0 =	vadd.f32 v1, v0;
	_ =	sdelay $0x1  }
0x1b2: {  	[tilespmem:s20+$0xFFFFFF10] =	vst v0  }
0x1b3: {  	v0 =	vld [tilespmem:s7+$0xFFFFFF20];
	_ =	sdelay $0x1  }
0x1b4: {  	v1 =	vld [tilespmem:s17+$0xFFFFFF20];
	_ =	sdelay $0x2  }
0x1b5: {  	v0 =	vmul.f32 $8.000000000e+00, v0;
	_ =	sdelay $0x1  }
0x1b6: {  	v0 =	vadd.f32 v1, v0;
	_ =	sdelay $0x1  }
0x1b7: {  	[tilespmem:s20+$0xFFFFFF20] =	vst v0  }
0x1b8: {  	v0 =	vld [tilespmem:s7+$0xFFFFFF30];
	_ =	sdelay $0x1  }
0x1b9: {  	v1 =	vld [tilespmem:s17+$0xFFFFFF30];
	_ =	sdelay $0x2  }
0x1ba: {  	v0 =	vmul.f32 $8.000000000e+00, v0;
	_ =	sdelay $0x1  }
0x1bb: {  	v0 =	vadd.f32 v1, v0;
	_ =	sdelay $0x1  }
0x1bc: {  	[tilespmem:s20+$0xFFFFFF30] =	vst v0  }
0x1bd: {  	v0 =	vld [tilespmem:s7+$0xFFFFFF80];
	_ =	sdelay $0x1  }
0x1be: {  	v1 =	vld [tilespmem:s17+$0xFFFFFF80];
	_ =	sdelay $0x2  }
0x1bf: {  	v0 =	vmul.f32 $8.000000000e+00, v0;
	_ =	sdelay $0x1  }
0x1c0: {  	v0 =	vadd.f32 v1, v0;
	_ =	sdelay $0x1  }
0x1c1: {  	[tilespmem:s20+$0xFFFFFF80] =	vst v0  }
0x1c2: {  	v0 =	vld [tilespmem:s7+$0xFFFFFF90];
	_ =	sdelay $0x1  }
0x1c3: {  	v1 =	vld [tilespmem:s17+$0xFFFFFF90];
	_ =	sdelay $0x2  }
0x1c4: {  	v0 =	vmul.f32 $8.000000000e+00, v0;
	_ =	sdelay $0x1  }
0x1c5: {  	v0 =	vadd.f32 v1, v0;
	_ =	sdelay $0x1  }
0x1c6: {  	[tilespmem:s20+$0xFFFFFF90] =	vst v0  }
0x1c7: {  	v0 =	vld [tilespmem:s7+$0xFFFFFFA0];
	_ =	sdelay $0x1  }
0x1c8: {  	v1 =	vld [tilespmem:s17+$0xFFFFFFA0];
	_ =	sdelay $0x2  }
0x1c9: {  	v0 =	vmul.f32 $8.000000000e+00, v0;
	_ =	sdelay $0x1  }
0x1ca: {  	v0 =	vadd.f32 v1, v0;
	_ =	sdelay $0x1  }
0x1cb: {  	[tilespmem:s20+$0xFFFFFFA0] =	vst v0  }
0x1cc: {  	v0 =	vld [tilespmem:s7+$0xFFFFFFB0];
	_ =	sdelay $0x1  }
0x1cd: {  	v1 =	vld [tilespmem:s17+$0xFFFFFFB0];
	_ =	sdelay $0x2  }
0x1ce: {  	v0 =	vmul.f32 $8.000000000e+00, v0;
	_ =	sdelay $0x1  }
0x1cf: {  	v0 =	vadd.f32 v1, v0;
	_ =	sdelay $0x1  }
0x1d0: {  	[tilespmem:s20+$0xFFFFFFB0] =	vst v0  }
0x1d1: {  	v0 =	vld [tilespmem:s7+$0x0];
	_ =	sdelay $0x1  }
0x1d2: {  	v1 =	vld [tilespmem:s17+$0x0];
	_ =	sdelay $0x2  }
0x1d3: {  	v0 =	vmul.f32 $8.000000000e+00, v0;
	_ =	sdelay $0x1  }
0x1d4: {  	v0 =	vadd.f32 v1, v0;
	_ =	sdelay $0x1  }
0x1d5: {  	[tilespmem:s20+$0x0] =	vst v0  }
0x1d6: {  	v0 =	vld [tilespmem:s7+$0x10]  }
0x1d7: {  	v1 =	vld [tilespmem:s17+$0x10];
	_ =	sdelay $0x3  }
0x1d8: {  	v0 =	vmul.f32 $8.000000000e+00, v0;
	_ =	sdelay $0x1  }
0x1d9: {  	v0 =	vadd.f32 v1, v0;
	_ =	sdelay $0x1  }
0x1da: {  	[tilespmem:s20+$0x10] =	vst v0  }
0x1db: {  	v0 =	vld [tilespmem:s7+$0x20]  }
0x1dc: {  	v1 =	vld [tilespmem:s17+$0x20];
	_ =	sdelay $0x3  }
0x1dd: {  	v0 =	vmul.f32 $8.000000000e+00, v0;
	_ =	sdelay $0x1  }
0x1de: {  	v0 =	vadd.f32 v1, v0;
	_ =	sdelay $0x1  }
0x1df: {  	[tilespmem:s20+$0x20] =	vst v0  }
0x1e0: {  	v0 =	vld [tilespmem:s7+$0x30]  }
0x1e1: {  	v1 =	vld [tilespmem:s17+$0x30];
	_ =	sdelay $0x3  }
0x1e2: {  	v0 =	vmul.f32 $8.000000000e+00, v0;
	_ =	sdelay $0x1  }
0x1e3: {  	v0 =	vadd.f32 v1, v0;
	_ =	sdelay $0x1  }
0x1e4: {  	[tilespmem:s20+$0x30] =	vst v0  }
0x1e5: {  	v0 =	vld [tilespmem:s7+$0x80]  }
0x1e6: {  	v1 =	vld [tilespmem:s17+$0x80];
	_ =	sdelay $0x3  }
0x1e7: {  	v0 =	vmul.f32 $8.000000000e+00, v0;
	_ =	sdelay $0x1  }
0x1e8: {  	v0 =	vadd.f32 v1, v0;
	_ =	sdelay $0x1  }
0x1e9: {  	[tilespmem:s20+$0x80] =	vst v0  }
0x1ea: {  	v0 =	vld [tilespmem:s7+$0x90]  }
0x1eb: {  	v1 =	vld [tilespmem:s17+$0x90];
	_ =	sdelay $0x3  }
0x1ec: {  	v0 =	vmul.f32 $8.000000000e+00, v0;
	_ =	sdelay $0x1  }
0x1ed: {  	v0 =	vadd.f32 v1, v0;
	_ =	sdelay $0x1  }
0x1ee: {  	[tilespmem:s20+$0x90] =	vst v0  }
0x1ef: {  	v0 =	vld [tilespmem:s7+$0xA0]  }
0x1f0: {  	v1 =	vld [tilespmem:s17+$0xA0];
	_ =	sdelay $0x3  }
0x1f1: {  	v0 =	vmul.f32 $8.000000000e+00, v0;
	_ =	sdelay $0x1  }
0x1f2: {  	v0 =	vadd.f32 v1, v0;
	_ =	sdelay $0x1  }
0x1f3: {  	[tilespmem:s20+$0xA0] =	vst v0  }
0x1f4: {  	v0 =	vld [tilespmem:s7+$0xB0]  }
0x1f5: {  	v1 =	vld [tilespmem:s17+$0xB0];
	_ =	sdelay $0x2  }
.Ltmp6:
0x1f6: {  	(pc) =	sbr.rel @p2 .LBB2_10-.Ltmp6, $3  }
0x1f7: {  	v0 =	vmul.f32 $8.000000000e+00, v0;
	_ =	sdelay $0x1  }
0x1f8: {  	v0 =	vadd.f32 v1, v0  }
0x1f9: {  	s20 =	sadd.s32 $0x200, s20  }
.Ltmp7:
0x1fa: {  	s0 =	sadd.s32 s4, s10;
	(pc) =	sbr.rel @p0 .LBB2_15-.Ltmp7, $3  }
0x1fb: {  	s0 =	smul.u32 $0xC80, s0;
	_ =	sdelay $0x1  }
0x1fc: {  	[tilespmem:s18+$0xB0] =	vst v0;
	s1 =	simm.s32 $0x12E00;
	s0 =	sadd.s32 s8, s0  }
0x1fd: {  	[hbm4b:s0+s3] =	stream.linear.scatter [tilespmem:s1], [sflag:$0x5], $0x6400, $0x38;
	[tilespmem:$0x1F600] =	vst v63  }
0x1fe: {  	s0 =	simm.s32 $0x1  }
0x1ff: {  	_ =	swait.ge [sflag:s0], $0x100  }
0x200: {  	[sflag:s0] =	ssyncset.done $0x0  }
0x201: {  	s17 =	simm.s32 $0x0;
	[sflag:s0] =	ssyncadd.s32 $0xFFFFFF00  }
0x202: {  	v0 =	vld [tilespmem:s17+$0x0];
	_ =	sdelay $0x4  }
0x203: {  	v0 =	vshll.u32 v0, $0x4  }
0x204: {  	(v2sf) =	vpush v0, $0x0  }
0x205: {  	(v2sf) =	vpush v0, $0x1  }
0x206: {  	(v2sf) =	vpush v0, $0x2;
	_ =	sdelay $0x1  }
0x207: {  	(v2sf) =	vpush v0, $0x4;
	_ =	sdelay $0x1  }
0x208: {  	(v2sf) =	vpush v0, $0x3  }
0x209: {  	(v2sf) =	vpush v0, $0x5  }
0x20a: {  	s18 =	simm.s32 $0x2000;
	s7 =	simm.s32 $0x0;
	(v2sf) =	vpush v0, $0x6  }
.LBB2_13:
0x20b: {  	p2 =	sne.s32 s18, $0x16000  }
0x20c: {  	s0 =	sadd.s32 $0x6680, s7;
	s22 =	sadd.s32 $0x6B80, s7;
	s19 =	smov.u32 s18  }
0x20d: {  	s18 =	sadd.s32 $0x2000, s18;
	s26 =	sadd.s32 $0x6980, s7;
	s20 =	sadd.s32 $0x6C00, s7;
	(v2sf) =	vpush v0, $0x7  }
0x20e: {  	s29 =	sadd.s32 $0x6880, s7;
	s24 =	sadd.s32 $0x6A00, s7;
	s21 =	sadd.s32 $0x6C80, s7  }
0x20f: {  	s1 =	sadd.s32 $0x6600, s7;
	s11 =	sadd.s32 $0x6800, s7;
	(v2sf) =	vpush v0, $0x8  }
0x210: {  	s13 =	sadd.s32 $0x6900, s7;
	s17 =	sadd.s32 $0x10, s17  }
0x211: {  	s30 =	sadd.s32 $0x6700, s7;
	s23 =	sadd.s32 $0x6B00, s7;
	s28 =	spop (v2sf);
	(v2sf) =	vpush v0, $0x9  }
0x212: {  	s31 =	sand.u32 $0x1FFFFFF0, s28;
	s28 =	sadd.s32 $0x6A80, s7;
	s6 =	spop (v2sf)  }
0x213: {  	s31 =	sadd.s32 s5, s31;
	s6 =	sand.u32 $0x1FFFFFF0, s6;
	s16 =	spop (v2sf);
	(v2sf) =	vpush v0, $0xA  }
0x214: {  	[tilespmem:s1], [sflag:$0x3] =	stream.linear.gather [hbm4b:s31+s3], $0x80, $0x38;
	[tilespmem:$0x1F600] =	vst v63  }
0x215: {  	s1 =	sadd.s32 s5, s6;
	s6 =	sadd.s32 $0x6780, s7;
	s31 =	spop (v2sf);
	(v2sf) =	vpush v0, $0xB  }
0x216: {  	[tilespmem:s0], [sflag:$0x3] =	stream.linear.gather [hbm4b:s1+s3], $0x80, $0x38;
	[tilespmem:$0x1F600] =	vst v63  }
0x217: {  	s0 =	sand.u32 $0x1FFFFFF0, s16;
	s1 =	sand.u32 $0x1FFFFFF0, s31;
	s16 =	spop (v2sf);
	(v2sf) =	vpush v0, $0xC  }
0x218: {  	s0 =	sadd.s32 s5, s0;
	s16 =	sand.u32 $0x1FFFFFF0, s16;
	s31 =	spop (v2sf)  }
0x219: {  	[tilespmem:s30], [sflag:$0x3] =	stream.linear.gather [hbm4b:s0+s3], $0x80, $0x38;
	(v2sf) =	vpush v0, $0xD;
	[tilespmem:$0x1F600] =	vst v63  }
0x21a: {  	s0 =	sadd.s32 s5, s16;
	s16 =	sand.u32 $0x1FFFFFF0, s31;
	s30 =	spop (v2sf)  }
0x21b: {  	[tilespmem:s6], [sflag:$0x3] =	stream.linear.gather [hbm4b:s0+s3], $0x80, $0x38;
	(v2sf) =	vpush v0, $0xE;
	[tilespmem:$0x1F600] =	vst v63  }
0x21c: {  	s0 =	sadd.s32 s5, s1;
	s1 =	sand.u32 $0x1FFFFFF0, s30;
	s6 =	spop (v2sf)  }
0x21d: {  	[tilespmem:s11], [sflag:$0x3] =	stream.linear.gather [hbm4b:s0+s3], $0x80, $0x38;
	(v2sf) =	vpush v0, $0xF;
	[tilespmem:$0x1F600] =	vst v63  }
0x21e: {  	s0 =	sadd.s32 s5, s16;
	s6 =	sand.u32 $0x1FFFFFF0, s6;
	s11 =	spop (v2sf)  }
0x21f: {  	[tilespmem:s29], [sflag:$0x3] =	stream.linear.gather [hbm4b:s0+s3], $0x80, $0x38;
	[tilespmem:$0x1F600] =	vst v63  }
0x220: {  	s0 =	sadd.s32 s5, s1;
	s1 =	sand.u32 $0x1FFFFFF0, s11;
	s11 =	spop (v2sf)  }
0x221: {  	[tilespmem:s13], [sflag:$0x3] =	stream.linear.gather [hbm4b:s0+s3], $0x80, $0x38;
	[tilespmem:$0x1F600] =	vst v63  }
0x222: {  	s0 =	sadd.s32 s5, s6;
	s6 =	sand.u32 $0x1FFFFFF0, s11;
	s11 =	spop (v2sf)  }
0x223: {  	[tilespmem:s26], [sflag:$0x3] =	stream.linear.gather [hbm4b:s0+s3], $0x80, $0x38;
	[tilespmem:$0x1F600] =	vst v63  }
0x224: {  	s0 =	sadd.s32 s5, s1;
	s1 =	sand.u32 $0x1FFFFFF0, s11;
	s11 =	spop (v2sf)  }
0x225: {  	[tilespmem:s24], [sflag:$0x3] =	stream.linear.gather [hbm4b:s0+s3], $0x80, $0x38;
	[tilespmem:$0x1F600] =	vst v63  }
0x226: {  	s0 =	sadd.s32 s5, s6;
	s6 =	sand.u32 $0x1FFFFFF0, s11;
	s11 =	spop (v2sf)  }
0x227: {  	[tilespmem:s28], [sflag:$0x3] =	stream.linear.gather [hbm4b:s0+s3], $0x80, $0x38;
	[tilespmem:$0x1F600] =	vst v63  }
0x228: {  	s0 =	sadd.s32 s5, s1;
	s1 =	sand.u32 $0x1FFFFFF0, s11;
	s11 =	spop (v2sf)  }
0x229: {  	[tilespmem:s23], [sflag:$0x3] =	stream.linear.gather [hbm4b:s0+s3], $0x80, $0x38;
	[tilespmem:$0x1F600] =	vst v63  }
0x22a: {  	s0 =	sadd.s32 s5, s6;
	s6 =	sand.u32 $0x1FFFFFF0, s11;
	s11 =	spop (v2sf)  }
0x22b: {  	[tilespmem:s22], [sflag:$0x3] =	stream.linear.gather [hbm4b:s0+s3], $0x80, $0x38;
	[tilespmem:$0x1F600] =	vst v63  }
0x22c: {  	s0 =	sadd.s32 s5, s1;
	s1 =	sand.u32 $0x1FFFFFF0, s11;
	s11 =	spop (v2sf)  }
0x22d: {  	[tilespmem:s20], [sflag:$0x3] =	stream.linear.gather [hbm4b:s0+s3], $0x80, $0x38;
	[tilespmem:$0x1F600] =	vst v63  }
0x22e: {  	s0 =	sadd.s32 s5, s6;
	s6 =	sand.u32 $0x1FFFFFF0, s11  }
0x22f: {  	[tilespmem:s21], [sflag:$0x3] =	stream.linear.gather [hbm4b:s0+s3], $0x80, $0x38;
	[tilespmem:$0x1F600] =	vst v63  }
0x230: {  	s1 =	sadd.s32 s5, s1;
	s0 =	sadd.s32 $0x6D00, s7  }
0x231: {  	[tilespmem:s0], [sflag:$0x3] =	stream.linear.gather [hbm4b:s1+s3], $0x80, $0x38;
	[tilespmem:$0x1F600] =	vst v63  }
0x232: {  	s0 =	sadd.s32 $0x6D80, s7;
	s1 =	sadd.s32 s5, s6  }
0x233: {  	[tilespmem:s0], [sflag:$0x3] =	stream.linear.gather [hbm4b:s1+s3], $0x80, $0x38;
	[tilespmem:$0x1F600] =	vst v63  }
0x234: {  	v0 =	vld [tilespmem:s17+$0x0];
	_ =	sdelay $0x4  }
0x235: {  	v0 =	vshll.u32 v0, $0x4  }
0x236: {  	(v2sf) =	vpush v0, $0x0  }
0x237: {  	(v2sf) =	vpush v0, $0x1  }
0x238: {  	(v2sf) =	vpush v0, $0x2;
	_ =	sdelay $0x1  }
0x239: {  	(v2sf) =	vpush v0, $0x4  }
.Ltmp8:
0x23a: {  	(pc) =	sbr.rel @p2 .LBB2_13-.Ltmp8, $3  }
0x23b: {  	(v2sf) =	vpush v0, $0x3  }
0x23c: {  	(v2sf) =	vpush v0, $0x5;
	_ =	sdelay $0x1  }
0x23d: {  	s7 =	sshra.s32 s19, $0x2;
	(v2sf) =	vpush v0, $0x6  }
0x23e: {  	_ =	sdelay $0x5  }
0x23f: {  	s0 =	spop (v2sf)  }
0x240: {  	s1 =	spop (v2sf)  }
0x241: {  	s20 =	spop (v2sf)  }
0x242: {  	s23 =	spop (v2sf);
	(v2sf) =	vpush v0, $0x7  }
0x243: {  	s0 =	sand.u32 $0x1FFFFFF0, s0  }
0x244: {  	s6 =	sadd.s32 $0x6600, s7;
	s0 =	sadd.s32 s5, s0  }
0x245: {  	[tilespmem:s6], [sflag:$0x3] =	stream.linear.gather [hbm4b:s0+s3], $0x80, $0x38;
	[tilespmem:$0x1F600] =	vst v63  }
0x246: {  	s1 =	sand.u32 $0x1FFFFFF0, s1;
	s24 =	spop (v2sf);
	(v2sf) =	vpush v0, $0x8  }
0x247: {  	s19 =	sadd.s32 $0x6680, s7;
	s1 =	sadd.s32 s5, s1  }
0x248: {  	[tilespmem:s19], [sflag:$0x3] =	stream.linear.gather [hbm4b:s1+s3], $0x80, $0x38;
	[tilespmem:$0x1F600] =	vst v63  }
0x249: {  	s21 =	sand.u32 $0x1FFFFFF0, s20;
	s30 =	spop (v2sf);
	(v2sf) =	vpush v0, $0x9  }
0x24a: {  	s22 =	sadd.s32 $0x6700, s7;
	s0 =	sadd.s32 s5, s21  }
0x24b: {  	[tilespmem:s22], [sflag:$0x3] =	stream.linear.gather [hbm4b:s0+s3], $0x80, $0x38;
	[tilespmem:$0x1F600] =	vst v63  }
0x24c: {  	s0 =	sand.u32 $0x1FFFFFF0, s24;
	s1 =	spop (v2sf);
	(v2sf) =	vpush v0, $0xA  }
0x24d: {  	s26 =	sadd.s32 $0x6780, s7;
	s28 =	sand.u32 $0x1FFFFFF0, s23;
	s0 =	sadd.s32 s5, s0  }
0x24e: {  	[tilespmem:s26], [sflag:$0x3] =	stream.linear.gather [hbm4b:s0+s3], $0x80, $0x38;
	[tilespmem:$0x1F600] =	vst v63  }
0x24f: {  	s29 =	sadd.s32 $0x6800, s7;
	s0 =	sadd.s32 s5, s28  }
0x250: {  	[tilespmem:s29], [sflag:$0x3] =	stream.linear.gather [hbm4b:s0+s3], $0x80, $0x38;
	[tilespmem:$0x1F600] =	vst v63  }
0x251: {  	s0 =	sand.u32 $0x1FFFFFF0, s30;
	s11 =	spop (v2sf);
	(v2sf) =	vpush v0, $0xB  }
0x252: {  	s31 =	sadd.s32 $0x6880, s7;
	s0 =	sadd.s32 s5, s0  }
0x253: {  	[tilespmem:s31], [sflag:$0x3] =	stream.linear.gather [hbm4b:s0+s3], $0x80, $0x38;
	[tilespmem:$0x1F600] =	vst v63  }
0x254: {  	s0 =	sand.u32 $0x1FFFFFF0, s1  }
0x255: {  	s6 =	sadd.s32 $0x6900, s7;
	s0 =	sadd.s32 s5, s0;
	s16 =	spop (v2sf);
	(v2sf) =	vpush v0, $0xC  }
0x256: {  	[tilespmem:s6], [sflag:$0x3] =	stream.linear.gather [hbm4b:s0+s3], $0x80, $0x38;
	[tilespmem:$0x1F600] =	vst v63  }
0x257: {  	s0 =	sand.u32 $0x1FFFFFF0, s11  }
0x258: {  	s13 =	sadd.s32 $0x6980, s7;
	s0 =	sadd.s32 s5, s0;
	s18 =	spop (v2sf);
	(v2sf) =	vpush v0, $0xD  }
0x259: {  	[tilespmem:s13], [sflag:$0x3] =	stream.linear.gather [hbm4b:s0+s3], $0x80, $0x38;
	[tilespmem:$0x1F600] =	vst v63  }
0x25a: {  	s0 =	sand.u32 $0x1FFFFFF0, s16  }
0x25b: {  	s17 =	sadd.s32 $0x6A00, s7;
	s0 =	sadd.s32 s5, s0;
	s20 =	spop (v2sf);
	(v2sf) =	vpush v0, $0xE  }
0x25c: {  	[tilespmem:s17], [sflag:$0x3] =	stream.linear.gather [hbm4b:s0+s3], $0x80, $0x38;
	[tilespmem:$0x1F600] =	vst v63  }
0x25d: {  	s0 =	sand.u32 $0x1FFFFFF0, s18  }
0x25e: {  	s19 =	sadd.s32 $0x6A80, s7;
	s0 =	sadd.s32 s5, s0  }
0x25f: {  	[tilespmem:s19], [sflag:$0x3] =	stream.linear.gather [hbm4b:s0+s3], $0x80, $0x38;
	[tilespmem:$0x1F600] =	vst v63  }
0x260: {  	s0 =	sand.u32 $0x1FFFFFF0, s20;
	s22 =	spop (v2sf);
	(v2sf) =	vpush v0, $0xF  }
0x261: {  	s21 =	sadd.s32 $0x6B00, s7;
	s0 =	sadd.s32 s5, s0  }
0x262: {  	[tilespmem:s21], [sflag:$0x3] =	stream.linear.gather [hbm4b:s0+s3], $0x80, $0x38;
	[tilespmem:$0x1F600] =	vst v63  }
0x263: {  	s0 =	sand.u32 $0x1FFFFFF0, s22  }
0x264: {  	s23 =	sadd.s32 $0x6B80, s7;
	s0 =	sadd.s32 s5, s0;
	s24 =	spop (v2sf)  }
0x265: {  	[tilespmem:s23], [sflag:$0x3] =	stream.linear.gather [hbm4b:s0+s3], $0x80, $0x38;
	[tilespmem:$0x1F600] =	vst v63  }
0x266: {  	s0 =	sand.u32 $0x1FFFFFF0, s24  }
0x267: {  	s26 =	sadd.s32 $0x6C00, s7;
	s28 =	spop (v2sf);
	s0 =	sadd.s32 s5, s0  }
0x268: {  	[tilespmem:s26], [sflag:$0x3] =	stream.linear.gather [hbm4b:s0+s3], $0x80, $0x38;
	[tilespmem:$0x1F600] =	vst v63  }
0x269: {  	s0 =	sand.u32 $0x1FFFFFF0, s28  }
0x26a: {  	s29 =	sadd.s32 $0x6C80, s7;
	s30 =	spop (v2sf);
	s0 =	sadd.s32 s5, s0  }
0x26b: {  	[tilespmem:s29], [sflag:$0x3] =	stream.linear.gather [hbm4b:s0+s3], $0x80, $0x38;
	[tilespmem:$0x1F600] =	vst v63  }
0x26c: {  	s0 =	sand.u32 $0x1FFFFFF0, s30  }
0x26d: {  	s31 =	sadd.s32 $0x6D00, s7;
	s0 =	sadd.s32 s5, s0  }
0x26e: {  	[tilespmem:s31], [sflag:$0x3] =	stream.linear.gather [hbm4b:s0+s3], $0x80, $0x38;
	[tilespmem:$0x1F600] =	vst v63  }
0x26f: {  	s6 =	spop (v2sf)  }
0x270: {  	s0 =	sand.u32 $0x1FFFFFF0, s6  }
0x271: {  	s7 =	sadd.s32 $0x6D80, s7;
	s0 =	sadd.s32 s5, s0  }
0x272: {  	[tilespmem:s7], [sflag:$0x3] =	stream.linear.gather [hbm4b:s0+s3], $0x80, $0x38;
	[tilespmem:$0x1F600] =	vst v63  }
0x273: {  	v63 =	vld [tilespmem:$0xB8];
	_ =	sdelay $0x4  }
0x274: {  	v0 =	vshll.u32 v63, $0x4  }
0x275: {  	(v2sf) =	vpush v0, $0x8;
	_ =	sdelay $0x1  }
0x276: {  	(v2sf) =	vpush v0, $0x9;
	_ =	sdelay $0x1  }
0x277: {  	(v2sf) =	vpush v0, $0xA;
	_ =	sdelay $0x2  }
0x278: {  	(v2sf) =	vpush v0, $0xB;
	_ =	sdelay $0x7  }
0x279: {  	s11 =	spop (v2sf);
	(v2sf) =	vpush v0, $0xC;
	_ =	sdelay $0x1  }
0x27a: {  	s16 =	spop (v2sf);
	(v2sf) =	vpush v0, $0xD  }
0x27b: {  	s0 =	sand.u32 $0x1FFFFFF0, s11  }
0x27c: {  	s13 =	simm.s32 $0xC600;
	s0 =	sadd.s32 s5, s0;
	s18 =	spop (v2sf)  }
0x27d: {  	(v2sf) =	vpush v0, $0xE;
	[tilespmem:s13], [sflag:$0x3] =	stream.linear.gather [hbm4b:s0+s3], $0x80, $0x38;
	[tilespmem:$0x1F600] =	vst v63  }
0x27e: {  	s0 =	sand.u32 $0x1FFFFFF0, s16  }
0x27f: {  	s17 =	simm.s32 $0xC680;
	s20 =	spop (v2sf);
	s0 =	sadd.s32 s5, s0  }
0x280: {  	(v2sf) =	vpush v0, $0xF;
	[tilespmem:s17], [sflag:$0x3] =	stream.linear.gather [hbm4b:s0+s3], $0x80, $0x38;
	[tilespmem:$0x1F600] =	vst v63  }
0x281: {  	s0 =	sand.u32 $0x1FFFFFF0, s18  }
0x282: {  	s19 =	simm.s32 $0xC700;
	s0 =	sadd.s32 s5, s0  }
0x283: {  	[tilespmem:s19], [sflag:$0x3] =	stream.linear.gather [hbm4b:s0+s3], $0x80, $0x38;
	[tilespmem:$0x1F600] =	vst v63  }
0x284: {  	s0 =	sand.u32 $0x1FFFFFF0, s20  }
0x285: {  	s21 =	simm.s32 $0xC780;
	s0 =	sadd.s32 s5, s0  }
0x286: {  	[tilespmem:s21], [sflag:$0x3] =	stream.linear.gather [hbm4b:s0+s3], $0x80, $0x38;
	[tilespmem:$0x1F600] =	vst v63  }
0x287: {  	s22 =	spop (v2sf)  }
0x288: {  	s0 =	sand.u32 $0x1FFFFFF0, s22  }
0x289: {  	s23 =	simm.s32 $0xC800;
	s24 =	spop (v2sf);
	s0 =	sadd.s32 s5, s0  }
0x28a: {  	[tilespmem:s23], [sflag:$0x3] =	stream.linear.gather [hbm4b:s0+s3], $0x80, $0x38;
	[tilespmem:$0x1F600] =	vst v63  }
0x28b: {  	s0 =	sand.u32 $0x1FFFFFF0, s24  }
0x28c: {  	s26 =	simm.s32 $0xC880;
	s28 =	spop (v2sf);
	s0 =	sadd.s32 s5, s0  }
0x28d: {  	[tilespmem:s26], [sflag:$0x3] =	stream.linear.gather [hbm4b:s0+s3], $0x80, $0x38;
	[tilespmem:$0x1F600] =	vst v63  }
0x28e: {  	s0 =	sand.u32 $0x1FFFFFF0, s28  }
0x28f: {  	s29 =	simm.s32 $0xC900;
	s30 =	spop (v2sf);
	s0 =	sadd.s32 s5, s0  }
0x290: {  	[tilespmem:s29], [sflag:$0x3] =	stream.linear.gather [hbm4b:s0+s3], $0x80, $0x38;
	[tilespmem:$0x1F600] =	vst v63  }
0x291: {  	s0 =	sand.u32 $0x1FFFFFF0, s30  }
0x292: {  	s31 =	simm.s32 $0xC980;
	s0 =	sadd.s32 s5, s0  }
0x293: {  	[tilespmem:s31], [sflag:$0x3] =	stream.linear.gather [hbm4b:s0+s3], $0x80, $0x38;
	[tilespmem:$0x1F600] =	vst v63  }
.LBB2_15:
0x294: {  	s0 =	sadd.s32 @!p0 $0x3, s10;
	_ =	swait.ge [sflag:s14], $0x6400  }
0x295: {  	s6 =	simm.s32 @!p0 $0x400;
	s1 =	sadd.s32 @!p0 s4, s0;
	s0 =	sshll.u32 @!p0 s0, $0x4  }
0x296: {  	s7 =	simm.s32 @!p0 $0x100;
	s1 =	sshll.u32 @!p0 s1, $0x5;
	s0 =	sand.u32 @!p0 $0x70, s0  }
0x297: {  	[sflag:s14] =	ssyncset.done $0x0;
	s1 =	sand.u32 @!p0 $0x3FF00, s1;
	s0 =	sadd.s32 @!p0 s2, s0  }
0x298: {  	[sflag:s14] =	ssyncadd.s32 $0xFFFF9C00;
	s0 =	sadd.s32 @!p0 s1, s0;
	s1 =	simm.s32 @!p0 $0x80  }
0x299: {  	[tilespmem:s7], [sflag:$0x2] =	stream.strided.gather @!p0 [hbm4b:s0+s1], $0x100, s6, s1, $0x38;
	[tilespmem:$0x1F600] =	vst v63  }
0x29a: {  	s0 =	simm.s32 @!p1 $0x6  }
0x29b: {  	_ =	swait.ge @!p1 [sflag:s0], $0x6400  }
0x29c: {  	[sflag:s0] =	ssyncset.done @!p1 $0x0  }
0x29d: {  	s7 =	simm.s32 $0x0;
	[sflag:s0] =	ssyncadd.s32 @!p1 $0xFFFF9C00  }
0x29e: {  	v0 =	vld [tilespmem:s7+$0xCBB0]  }
0x29f: {  	v1 =	vld [tilespmem:s7+$0xCA00]  }
0x2a0: {  	v2 =	vld [tilespmem:s7+$0x3B0]  }
0x2a1: {  	v3 =	vld [tilespmem:s7+$0xCA10]  }
0x2a2: {  	v4 =	vld [tilespmem:s7+$0xCA20]  }
0x2a3: {  	v5 =	vld [tilespmem:s7+$0xCA30]  }
0x2a4: {  	v6 =	vld [tilespmem:s7+$0xCA80]  }
0x2a5: {  	v8 =	vld [tilespmem:s7+$0xCA90]  }
0x2a6: {  	v9 =	vld [tilespmem:s7+$0xCAB0]  }
0x2a7: {  	v10 =	vld [tilespmem:s7+$0xCB10]  }
0x2a8: {  	v11 =	vld [tilespmem:s7+$0xCB20]  }
0x2a9: {  	v12 =	vld [tilespmem:s7+$0xCB30]  }
0x2aa: {  	v13 =	vld [tilespmem:s7+$0xCB80]  }
0x2ab: {  	v14 =	vld [tilespmem:s7+$0xCB90]  }
0x2ac: {  	v15 =	vld [tilespmem:s7+$0xCBA0]  }
0x2ad: {  	v7 =	vld [tilespmem:s7+$0x200]  }
0x2ae: {  	v16 =	vld [tilespmem:s7+$0x210]  }
0x2af: {  	v17 =	vld [tilespmem:s7+$0x220]  }
0x2b0: {  	v18 =	vld [tilespmem:s7+$0x230];
	v1 =	vmul.f32 $8.000000000e+00, v1  }
0x2b1: {  	v19 =	vld [tilespmem:s7+$0x280];
	v0 =	vmul.f32 $8.000000000e+00, v0  }
0x2b2: {  	v20 =	vld [tilespmem:s7+$0x290];
	v3 =	vmul.f32 $8.000000000e+00, v3;
	v1 =	vadd.f32 v7, v1  }
0x2b3: {  	v4 =	vmul.f32 $8.000000000e+00, v4;
	v0 =	vadd.f32 v2, v0;
	v2 =	vld [tilespmem:s7+$0xCAA0]  }
0x2b4: {  	v21 =	vld [tilespmem:s7+$0x2A0];
	v3 =	vadd.f32 v16, v3;
	[tilespmem:s7+$0x19200] =	vst v1;
	v1 =	vmul.f32 $8.000000000e+00, v5  }
0x2b5: {  	v4 =	vadd.f32 v17, v4;
	[tilespmem:s7+$0x193B0] =	vst v0;
	v0 =	vld [tilespmem:s7+$0xCB00]  }
0x2b6: {  	v60 =	vld [tilespmem:s7+$0x2B0];
	[tilespmem:s7+$0x19210] =	vst v3;
	v3 =	vmul.f32 $8.000000000e+00, v6;
	v1 =	vadd.f32 v18, v1  }
0x2b7: {  	v61 =	vld [tilespmem:s7+$0x300];
	[tilespmem:s7+$0x19220] =	vst v4;
	v4 =	vmul.f32 $8.000000000e+00, v8  }
0x2b8: {  	v7 =	vld [tilespmem:s7+$0x310];
	v3 =	vadd.f32 v19, v3;
	[tilespmem:s7+$0x19230] =	vst v1;
	v1 =	vmul.f32 $8.000000000e+00, v2  }
0x2b9: {  	v62 =	vmul.f32 $8.000000000e+00, v9;
	v6 =	vld [tilespmem:s7+$0x320];
	v5 =	vmul.f32 $8.000000000e+00, v10;
	v2 =	vadd.f32 v20, v4  }
0x2ba: {  	v8 =	vld [tilespmem:s7+$0x330];
	[tilespmem:s7+$0x19280] =	vst v3;
	v4 =	vmul.f32 $8.000000000e+00, v11;
	v63 =	vmul.f32 $8.000000000e+00, v0;
	v1 =	vadd.f32 v21, v1  }
0x2bb: {  	v9 =	vld [tilespmem:s7+$0x380];
	v3 =	vmul.f32 $8.000000000e+00, v12;
	v12 =	vadd.f32 v60, v62;
	v0 =	vmul.f32 $8.000000000e+00, v14;
	[tilespmem:s7+$0x19290] =	vst v2  }
0x2bc: {  	s10 =	sor.u32 $0x1, s10;
	s17 =	simm.s32 $0x0;
	s18 =	simm.s32 $0x800;
	v10 =	vld [tilespmem:s7+$0x390];
	v2 =	vmul.f32 $8.000000000e+00, v13;
	v11 =	vadd.f32 v61, v63;
	[tilespmem:s7+$0x192A0] =	vst v1;
	v1 =	vmul.f32 $8.000000000e+00, v15  }
.LBB2_16:
0x2bd: {  	s0 =	sshra.s32 s18, $0x2;
	s17 =	sadd.s32 $0x4, s17;
	[tilespmem:s7+$0x192B0] =	vst v12;
	v5 =	vadd.f32 v7, v5;
	v7 =	vld [tilespmem:s7+$0x3A0]  }
0x2be: {  	v12 =	vld [tilespmem:s0+$0xCBB0];
	p1 =	slt.u32 s17, $0xC4;
	[tilespmem:s7+$0x19300] =	vst v11;
	v4 =	vadd.f32 v6, v4  }
0x2bf: {  	v6 =	vld [tilespmem:s0+$0xCA00];
	[tilespmem:s7+$0x19310] =	vst v5;
	v3 =	vadd.f32 v8, v3  }
0x2c0: {  	v5 =	vld [tilespmem:s0+$0x3B0];
	[tilespmem:s7+$0x19320] =	vst v4;
	v2 =	vadd.f32 v9, v2  }
0x2c1: {  	v4 =	vld [tilespmem:s0+$0xCA10];
	[tilespmem:s7+$0x19330] =	vst v3;
	v0 =	vadd.f32 v10, v0  }
0x2c2: {  	v3 =	vld [tilespmem:s0+$0xCA20];
	[tilespmem:s7+$0x19380] =	vst v2;
	v1 =	vadd.f32 v7, v1  }
0x2c3: {  	v2 =	vld [tilespmem:s0+$0xCA30];
	v7 =	vmul.f32 $8.000000000e+00, v12;
	[tilespmem:s7+$0x19390] =	vst v0  }
0x2c4: {  	v6 =	vmul.f32 $8.000000000e+00, v6;
	v0 =	vld [tilespmem:s0+$0xCA80];
	[tilespmem:s7+$0x193A0] =	vst v1;
	s7 =	smov.u32 s0  }
0x2c5: {  	v1 =	vld [tilespmem:s7+$0xCA90];
	v5 =	vadd.f32 v5, v7  }
0x2c6: {  	v7 =	vmul.f32 $8.000000000e+00, v4;
	v4 =	vld [tilespmem:s7+$0xCAA0]  }
0x2c7: {  	v8 =	vmul.f32 $8.000000000e+00, v3;
	v3 =	vld [tilespmem:s7+$0xCAB0];
	[tilespmem:s7+$0x193B0] =	vst v5  }
0x2c8: {  	v9 =	vmul.f32 $8.000000000e+00, v2;
	v2 =	vld [tilespmem:s7+$0xCB00]  }
0x2c9: {  	v10 =	vmul.f32 $8.000000000e+00, v0;
	v0 =	vld [tilespmem:s7+$0xCB10]  }
0x2ca: {  	v11 =	vmul.f32 $8.000000000e+00, v1;
	v1 =	vld [tilespmem:s7+$0xCB20]  }
0x2cb: {  	v12 =	vmul.f32 $8.000000000e+00, v4;
	v13 =	vld [tilespmem:s7+$0xCB30]  }
0x2cc: {  	v14 =	vmul.f32 $8.000000000e+00, v3;
	v15 =	vld [tilespmem:s7+$0xCB80]  }
0x2cd: {  	v16 =	vmul.f32 $8.000000000e+00, v2;
	v17 =	vld [tilespmem:s7+$0xCB90]  }
0x2ce: {  	v5 =	vmul.f32 $8.000000000e+00, v0;
	v18 =	vld [tilespmem:s7+$0xCBA0]  }
0x2cf: {  	v19 =	vld [tilespmem:s7+$0x200];
	v4 =	vmul.f32 $8.000000000e+00, v1  }
0x2d0: {  	v20 =	vld [tilespmem:s7+$0x210];
	v3 =	vmul.f32 $8.000000000e+00, v13  }
0x2d1: {  	v13 =	vld [tilespmem:s7+$0x220];
	v2 =	vmul.f32 $8.000000000e+00, v15  }
0x2d2: {  	v15 =	vld [tilespmem:s7+$0x230];
	v0 =	vmul.f32 $8.000000000e+00, v17  }
0x2d3: {  	v17 =	vld [tilespmem:s7+$0x280];
	v1 =	vmul.f32 $8.000000000e+00, v18  }
0x2d4: {  	v6 =	vadd.f32 v19, v6;
	v18 =	vld [tilespmem:s7+$0x290]  }
0x2d5: {  	v7 =	vadd.f32 v20, v7;
	v19 =	vld [tilespmem:s7+$0x2A0]  }
0x2d6: {  	[tilespmem:s7+$0x19200] =	vst v6;
	v6 =	vadd.f32 v13, v8;
	v13 =	vld [tilespmem:s7+$0x2B0]  }
0x2d7: {  	[tilespmem:s7+$0x19210] =	vst v7;
	v8 =	vadd.f32 v15, v9;
	v15 =	vld [tilespmem:s7+$0x300]  }
.Ltmp9:
0x2d8: {  	[tilespmem:s7+$0x19220] =	vst v6;
	v9 =	vadd.f32 v17, v10;
	v7 =	vld [tilespmem:s7+$0x310];
	(pc) =	sbr.rel @p1 .LBB2_16-.Ltmp9, $4  }
0x2d9: {  	[tilespmem:s7+$0x19230] =	vst v8;
	v10 =	vadd.f32 v18, v11;
	v6 =	vld [tilespmem:s7+$0x320]  }
0x2da: {  	[tilespmem:s7+$0x19280] =	vst v9;
	v11 =	vadd.f32 v19, v12;
	v8 =	vld [tilespmem:s7+$0x330]  }
0x2db: {  	[tilespmem:s7+$0x19290] =	vst v10;
	v12 =	vadd.f32 v13, v14;
	v9 =	vld [tilespmem:s7+$0x380]  }
0x2dc: {  	s18 =	sadd.s32 $0x800, s18;
	[tilespmem:s7+$0x192A0] =	vst v11;
	v11 =	vadd.f32 v15, v16;
	v10 =	vld [tilespmem:s7+$0x390]  }
0x2dd: {  	[tilespmem:s7+$0x192B0] =	vst v12;
	v5 =	vadd.f32 v7, v5;
	v63 =	vld [tilespmem:s7+$0x3A0]  }
0x2de: {  	[tilespmem:s7+$0x19300] =	vst v11;
	v4 =	vadd.f32 v6, v4  }
0x2df: {  	[tilespmem:s7+$0x19310] =	vst v5;
	v3 =	vadd.f32 v8, v3  }
0x2e0: {  	[tilespmem:s7+$0x19320] =	vst v4;
	v2 =	vadd.f32 v9, v2  }
.Ltmp10:
0x2e1: {  	s0 =	sadd.s32 s4, s10;
	[tilespmem:s7+$0x19330] =	vst v3;
	v0 =	vadd.f32 v10, v0;
	(pc) =	sbr.rel @p0 .LBB2_21-.Ltmp10, $4  }
0x2e2: {  	s0 =	smul.u32 $0xC80, s0;
	[tilespmem:s7+$0x19380] =	vst v2;
	v1 =	vadd.f32 v63, v1  }
0x2e3: {  	[tilespmem:s7+$0x19390] =	vst v0  }
0x2e4: {  	s1 =	simm.s32 $0x19200;
	s0 =	sadd.s32 s8, s0;
	[tilespmem:s7+$0x193A0] =	vst v1  }
0x2e5: {  	[hbm4b:s0+s3] =	stream.linear.scatter [tilespmem:s1], [sflag:$0x6], $0x6400, $0x38;
	[tilespmem:$0x1F600] =	vst v63  }
0x2e6: {  	_ =	swait.ge [sflag:s25], $0x100  }
0x2e7: {  	s7 =	simm.s32 $0x0;
	[sflag:s25] =	ssyncset.done $0x0  }
0x2e8: {  	s0 =	sand.u32 $0xF0, s7;
	[sflag:s25] =	ssyncadd.s32 $0xFFFFFF00  }
0x2e9: {  	v0 =	vld [tilespmem:s0+$0x100];
	_ =	sdelay $0x4  }
0x2ea: {  	v0 =	vshll.u32 v0, $0x4  }
0x2eb: {  	(v2sf) =	vpush v0, $0x0  }
0x2ec: {  	(v2sf) =	vpush v0, $0x2  }
0x2ed: {  	(v2sf) =	vpush v0, $0x1;
	_ =	sdelay $0x1  }
0x2ee: {  	(v2sf) =	vpush v0, $0x3  }
0x2ef: {  	(v2sf) =	vpush v0, $0x4;
	_ =	sdelay $0x2  }
0x2f0: {  	s10 =	simm.s32 $0x2000;
	s17 =	simm.s32 $0x10  }
.LBB2_19:
0x2f1: {  	p0 =	sne.s32 s10, $0x16000;
	(v2sf) =	vpush v0, $0x5;
	s0 =	smov.u32 s10;
	s10 =	sadd.s32 $0x2000, s10  }
0x2f2: {  	s18 =	sshra.s32 s7, $0x2;
	s7 =	smov.u32 s0  }
0x2f3: {  	s0 =	sadd.s32 $0xCA80, s18;
	(v2sf) =	vpush v0, $0x6  }
0x2f4: {  	s1 =	sadd.s32 $0xCA00, s18  }
0x2f5: {  	s21 =	sadd.s32 $0xCF80, s18;
	s20 =	sadd.s32 $0xD000, s18;
	s19 =	sadd.s32 $0xD080, s18;
	(v2sf) =	vpush v0, $0x7  }
0x2f6: {  	s24 =	sadd.s32 $0xCE00, s18;
	s23 =	sadd.s32 $0xCE80, s18;
	s22 =	sadd.s32 $0xCF00, s18  }
0x2f7: {  	s6 =	sadd.s32 $0xCD00, s18;
	s26 =	sadd.s32 $0xCD80, s18;
	s11 =	spop (v2sf);
	(v2sf) =	vpush v0, $0x8  }
0x2f8: {  	s13 =	sadd.s32 $0xCB00, s18;
	s11 =	sand.u32 $0x1FFFFFF0, s11;
	s16 =	spop (v2sf)  }
0x2f9: {  	s28 =	sadd.s32 $0xCC80, s18;
	s11 =	sadd.s32 s5, s11;
	s29 =	spop (v2sf);
	(v2sf) =	vpush v0, $0x9  }
0x2fa: {  	[tilespmem:s1], [sflag:$0x4] =	stream.linear.gather [hbm4b:s11+s3], $0x80, $0x38;
	[tilespmem:$0x1F600] =	vst v63  }
0x2fb: {  	s1 =	sand.u32 $0x1FFFFFF0, s29;
	s11 =	sand.u32 $0x1FFFFFF0, s16;
	s16 =	spop (v2sf);
	(v2sf) =	vpush v0, $0xA  }
0x2fc: {  	s29 =	sadd.s32 $0xCC00, s18;
	s1 =	sadd.s32 s5, s1;
	s30 =	spop (v2sf)  }
0x2fd: {  	[tilespmem:s0], [sflag:$0x4] =	stream.linear.gather [hbm4b:s1+s3], $0x80, $0x38;
	(v2sf) =	vpush v0, $0xB;
	[tilespmem:$0x1F600] =	vst v63  }
0x2fe: {  	s0 =	sadd.s32 s5, s11;
	s1 =	sand.u32 $0x1FFFFFF0, s16;
	s11 =	sand.u32 $0x1FFFFFF0, s30  }
0x2ff: {  	[tilespmem:s13], [sflag:$0x4] =	stream.linear.gather [hbm4b:s0+s3], $0x80, $0x38;
	(v2sf) =	vpush v0, $0xC;
	[tilespmem:$0x1F600] =	vst v63  }
0x300: {  	s1 =	sadd.s32 s5, s1;
	s0 =	sadd.s32 $0xCB80, s18;
	s13 =	spop (v2sf)  }
0x301: {  	[tilespmem:s0], [sflag:$0x4] =	stream.linear.gather [hbm4b:s1+s3], $0x80, $0x38;
	(v2sf) =	vpush v0, $0xD;
	[tilespmem:$0x1F600] =	vst v63  }
0x302: {  	s0 =	sadd.s32 s5, s11;
	s1 =	sand.u32 $0x1FFFFFF0, s13;
	s11 =	spop (v2sf)  }
0x303: {  	[tilespmem:s29], [sflag:$0x4] =	stream.linear.gather [hbm4b:s0+s3], $0x80, $0x38;
	(v2sf) =	vpush v0, $0xE;
	[tilespmem:$0x1F600] =	vst v63  }
0x304: {  	s0 =	sadd.s32 s5, s1;
	s1 =	sand.u32 $0x1FFFFFF0, s11;
	s11 =	spop (v2sf)  }
0x305: {  	[tilespmem:s28], [sflag:$0x4] =	stream.linear.gather [hbm4b:s0+s3], $0x80, $0x38;
	(v2sf) =	vpush v0, $0xF;
	[tilespmem:$0x1F600] =	vst v63  }
0x306: {  	s0 =	sadd.s32 s5, s1;
	s1 =	sand.u32 $0x1FFFFFF0, s11;
	s11 =	spop (v2sf)  }
0x307: {  	[tilespmem:s6], [sflag:$0x4] =	stream.linear.gather [hbm4b:s0+s3], $0x80, $0x38;
	[tilespmem:$0x1F600] =	vst v63  }
0x308: {  	s0 =	sadd.s32 s5, s1;
	s1 =	sand.u32 $0x1FFFFFF0, s11;
	s6 =	spop (v2sf)  }
0x309: {  	[tilespmem:s26], [sflag:$0x4] =	stream.linear.gather [hbm4b:s0+s3], $0x80, $0x38;
	[tilespmem:$0x1F600] =	vst v63  }
0x30a: {  	s0 =	sadd.s32 s5, s1;
	s1 =	sand.u32 $0x1FFFFFF0, s6;
	s6 =	spop (v2sf)  }
0x30b: {  	[tilespmem:s24], [sflag:$0x4] =	stream.linear.gather [hbm4b:s0+s3], $0x80, $0x38;
	[tilespmem:$0x1F600] =	vst v63  }
0x30c: {  	s0 =	sadd.s32 s5, s1;
	s1 =	sand.u32 $0x1FFFFFF0, s6;
	s6 =	spop (v2sf)  }
0x30d: {  	[tilespmem:s23], [sflag:$0x4] =	stream.linear.gather [hbm4b:s0+s3], $0x80, $0x38;
	[tilespmem:$0x1F600] =	vst v63  }
0x30e: {  	s0 =	sadd.s32 s5, s1;
	s1 =	sand.u32 $0x1FFFFFF0, s6;
	s6 =	spop (v2sf)  }
0x30f: {  	[tilespmem:s22], [sflag:$0x4] =	stream.linear.gather [hbm4b:s0+s3], $0x80, $0x38;
	[tilespmem:$0x1F600] =	vst v63  }
0x310: {  	s0 =	sadd.s32 s5, s1;
	s1 =	sand.u32 $0x1FFFFFF0, s6;
	s6 =	spop (v2sf)  }
0x311: {  	[tilespmem:s21], [sflag:$0x4] =	stream.linear.gather [hbm4b:s0+s3], $0x80, $0x38;
	[tilespmem:$0x1F600] =	vst v63  }
0x312: {  	s0 =	sadd.s32 s5, s1;
	s1 =	sand.u32 $0x1FFFFFF0, s6;
	s6 =	spop (v2sf)  }
0x313: {  	[tilespmem:s20], [sflag:$0x4] =	stream.linear.gather [hbm4b:s0+s3], $0x80, $0x38;
	[tilespmem:$0x1F600] =	vst v63  }
0x314: {  	s0 =	sadd.s32 s5, s1;
	s1 =	sand.u32 $0x1FFFFFF0, s6;
	s6 =	spop (v2sf)  }
0x315: {  	[tilespmem:s19], [sflag:$0x4] =	stream.linear.gather [hbm4b:s0+s3], $0x80, $0x38;
	[tilespmem:$0x1F600] =	vst v63  }
0x316: {  	s1 =	sadd.s32 s5, s1;
	s0 =	sadd.s32 $0xD100, s18;
	s6 =	sand.u32 $0x1FFFFFF0, s6  }
0x317: {  	[tilespmem:s0], [sflag:$0x4] =	stream.linear.gather [hbm4b:s1+s3], $0x80, $0x38;
	[tilespmem:$0x1F600] =	vst v63  }
0x318: {  	s6 =	sadd.s32 s5, s6;
	s0 =	sand.u32 $0xF0, s17;
	s1 =	sadd.s32 $0xD180, s18  }
0x319: {  	[tilespmem:s1], [sflag:$0x4] =	stream.linear.gather [hbm4b:s6+s3], $0x80, $0x38;
	[tilespmem:$0x1F600] =	vst v63  }
0x31a: {  	v0 =	vld [tilespmem:s0+$0x100];
	_ =	sdelay $0x4  }
0x31b: {  	v0 =	vshll.u32 v0, $0x4  }
0x31c: {  	(v2sf) =	vpush v0, $0x0  }
0x31d: {  	(v2sf) =	vpush v0, $0x2  }
0x31e: {  	(v2sf) =	vpush v0, $0x1;
	_ =	sdelay $0x1  }
.Ltmp11:
0x31f: {  	(v2sf) =	vpush v0, $0x3;
	(pc) =	sbr.rel @p0 .LBB2_19-.Ltmp11, $2  }
0x320: {  	(v2sf) =	vpush v0, $0x4;
	_ =	sdelay $0x2  }
0x321: {  	s17 =	sadd.s32 $0x10, s17  }
0x322: {  	_ =	sdelay $0x5  }
0x323: {  	s0 =	spop (v2sf)  }
0x324: {  	s6 =	spop (v2sf);
	(v2sf) =	vpush v0, $0x5;
	_ =	sdelay $0x1  }
0x325: {  	s20 =	spop (v2sf);
	(v2sf) =	vpush v0, $0x6;
	_ =	sdelay $0x2  }
0x326: {  	s24 =	spop (v2sf);
	(v2sf) =	vpush v0, $0x7  }
0x327: {  	s7 =	sshra.s32 s7, $0x2;
	s0 =	sand.u32 $0x1FFFFFF0, s0  }
0x328: {  	s1 =	sadd.s32 $0xCA00, s7;
	s0 =	sadd.s32 s5, s0  }
0x329: {  	[tilespmem:s1], [sflag:$0x4] =	stream.linear.gather [hbm4b:s0+s3], $0x80, $0x38;
	[tilespmem:$0x1F600] =	vst v63  }
0x32a: {  	s0 =	sand.u32 $0x1FFFFFF0, s20;
	s28 =	spop (v2sf);
	(v2sf) =	vpush v0, $0x8  }
0x32b: {  	s21 =	sadd.s32 $0xCA80, s7;
	s22 =	sand.u32 $0x1FFFFFF0, s6;
	s0 =	sadd.s32 s5, s0  }
0x32c: {  	[tilespmem:s21], [sflag:$0x4] =	stream.linear.gather [hbm4b:s0+s3], $0x80, $0x38;
	[tilespmem:$0x1F600] =	vst v63  }
0x32d: {  	s23 =	sadd.s32 $0xCB00, s7;
	s0 =	sadd.s32 s5, s22  }
0x32e: {  	[tilespmem:s23], [sflag:$0x4] =	stream.linear.gather [hbm4b:s0+s3], $0x80, $0x38;
	[tilespmem:$0x1F600] =	vst v63  }
0x32f: {  	s0 =	sand.u32 $0x1FFFFFF0, s24  }
0x330: {  	s26 =	sadd.s32 $0xCB80, s7;
	s0 =	sadd.s32 s5, s0;
	s30 =	spop (v2sf);
	(v2sf) =	vpush v0, $0x9  }
0x331: {  	[tilespmem:s26], [sflag:$0x4] =	stream.linear.gather [hbm4b:s0+s3], $0x80, $0x38;
	[tilespmem:$0x1F600] =	vst v63  }
0x332: {  	s0 =	sand.u32 $0x1FFFFFF0, s28;
	s6 =	spop (v2sf);
	(v2sf) =	vpush v0, $0xA  }
0x333: {  	s29 =	sadd.s32 $0xCC00, s7;
	s0 =	sadd.s32 s5, s0  }
0x334: {  	[tilespmem:s29], [sflag:$0x4] =	stream.linear.gather [hbm4b:s0+s3], $0x80, $0x38;
	[tilespmem:$0x1F600] =	vst v63  }
0x335: {  	s0 =	sand.u32 $0x1FFFFFF0, s30;
	s11 =	spop (v2sf);
	(v2sf) =	vpush v0, $0xB  }
0x336: {  	s31 =	sadd.s32 $0xCC80, s7;
	s0 =	sadd.s32 s5, s0  }
0x337: {  	[tilespmem:s31], [sflag:$0x4] =	stream.linear.gather [hbm4b:s0+s3], $0x80, $0x38;
	[tilespmem:$0x1F600] =	vst v63  }
0x338: {  	s0 =	sand.u32 $0x1FFFFFF0, s6  }
0x339: {  	s10 =	sadd.s32 $0xCD00, s7;
	s0 =	sadd.s32 s5, s0;
	s16 =	spop (v2sf)  }
0x33a: {  	(v2sf) =	vpush v0, $0xC;
	[tilespmem:s10], [sflag:$0x4] =	stream.linear.gather [hbm4b:s0+s3], $0x80, $0x38;
	[tilespmem:$0x1F600] =	vst v63  }
0x33b: {  	s0 =	sand.u32 $0x1FFFFFF0, s11  }
0x33c: {  	s13 =	sadd.s32 $0xCD80, s7;
	s0 =	sadd.s32 s5, s0  }
0x33d: {  	[tilespmem:s13], [sflag:$0x4] =	stream.linear.gather [hbm4b:s0+s3], $0x80, $0x38;
	[tilespmem:$0x1F600] =	vst v63  }
0x33e: {  	s0 =	sand.u32 $0x1FFFFFF0, s16  }
0x33f: {  	s17 =	sadd.s32 $0xCE00, s7;
	s0 =	sadd.s32 s5, s0;
	s18 =	spop (v2sf);
	(v2sf) =	vpush v0, $0xD  }
0x340: {  	[tilespmem:s17], [sflag:$0x4] =	stream.linear.gather [hbm4b:s0+s3], $0x80, $0x38;
	[tilespmem:$0x1F600] =	vst v63  }
0x341: {  	s0 =	sand.u32 $0x1FFFFFF0, s18;
	s20 =	spop (v2sf);
	(v2sf) =	vpush v0, $0xE  }
0x342: {  	s19 =	sadd.s32 $0xCE80, s7;
	s0 =	sadd.s32 s5, s0  }
0x343: {  	[tilespmem:s19], [sflag:$0x4] =	stream.linear.gather [hbm4b:s0+s3], $0x80, $0x38;
	[tilespmem:$0x1F600] =	vst v63  }
0x344: {  	s22 =	spop (v2sf);
	(v2sf) =	vpush v0, $0xF  }
0x345: {  	s0 =	sand.u32 $0x1FFFFFF0, s20  }
0x346: {  	s21 =	sadd.s32 $0xCF00, s7;
	s0 =	sadd.s32 s5, s0  }
0x347: {  	[tilespmem:s21], [sflag:$0x4] =	stream.linear.gather [hbm4b:s0+s3], $0x80, $0x38;
	[tilespmem:$0x1F600] =	vst v63  }
0x348: {  	s0 =	sand.u32 $0x1FFFFFF0, s22  }
0x349: {  	s23 =	sadd.s32 $0xCF80, s7;
	s24 =	spop (v2sf);
	s0 =	sadd.s32 s5, s0  }
0x34a: {  	[tilespmem:s23], [sflag:$0x4] =	stream.linear.gather [hbm4b:s0+s3], $0x80, $0x38;
	[tilespmem:$0x1F600] =	vst v63  }
0x34b: {  	s0 =	sand.u32 $0x1FFFFFF0, s24  }
0x34c: {  	s26 =	sadd.s32 $0xD000, s7;
	s0 =	sadd.s32 s5, s0  }
0x34d: {  	[tilespmem:s26], [sflag:$0x4] =	stream.linear.gather [hbm4b:s0+s3], $0x80, $0x38;
	[tilespmem:$0x1F600] =	vst v63  }
0x34e: {  	s28 =	spop (v2sf)  }
0x34f: {  	s0 =	sand.u32 $0x1FFFFFF0, s28  }
0x350: {  	s29 =	sadd.s32 $0xD080, s7;
	s30 =	spop (v2sf);
	s0 =	sadd.s32 s5, s0  }
0x351: {  	[tilespmem:s29], [sflag:$0x4] =	stream.linear.gather [hbm4b:s0+s3], $0x80, $0x38;
	[tilespmem:$0x1F600] =	vst v63  }
0x352: {  	s0 =	sand.u32 $0x1FFFFFF0, s30  }
0x353: {  	s31 =	sadd.s32 $0xD100, s7;
	s6 =	spop (v2sf);
	s0 =	sadd.s32 s5, s0  }
0x354: {  	[tilespmem:s31], [sflag:$0x4] =	stream.linear.gather [hbm4b:s0+s3], $0x80, $0x38;
	[tilespmem:$0x1F600] =	vst v63  }
0x355: {  	s0 =	sand.u32 $0x1FFFFFF0, s6  }
0x356: {  	s10 =	sadd.s32 $0xD180, s7;
	s0 =	sadd.s32 s5, s0  }
0x357: {  	[tilespmem:s10], [sflag:$0x4] =	stream.linear.gather [hbm4b:s0+s3], $0x80, $0x38;
	[tilespmem:$0x1F600] =	vst v63  }
0x358: {  	v63 =	vld [tilespmem:$0x1B8];
	_ =	sdelay $0x4  }
0x359: {  	v0 =	vshll.u32 v63, $0x4  }
0x35a: {  	(v2sf) =	vpush v0, $0x8;
	_ =	sdelay $0x1  }
0x35b: {  	(v2sf) =	vpush v0, $0x9;
	_ =	sdelay $0x1  }
0x35c: {  	(v2sf) =	vpush v0, $0xA;
	_ =	sdelay $0x2  }
0x35d: {  	(v2sf) =	vpush v0, $0xB;
	_ =	sdelay $0x7  }
0x35e: {  	s11 =	spop (v2sf);
	(v2sf) =	vpush v0, $0xC;
	_ =	sdelay $0x1  }
0x35f: {  	s16 =	spop (v2sf);
	(v2sf) =	vpush v0, $0xD  }
0x360: {  	s0 =	sand.u32 $0x1FFFFFF0, s11  }
0x361: {  	s13 =	simm.s32 $0x12A00;
	s0 =	sadd.s32 s5, s0;
	s18 =	spop (v2sf)  }
0x362: {  	(v2sf) =	vpush v0, $0xE;
	[tilespmem:s13], [sflag:$0x4] =	stream.linear.gather [hbm4b:s0+s3], $0x80, $0x38;
	[tilespmem:$0x1F600] =	vst v63  }
0x363: {  	s0 =	sand.u32 $0x1FFFFFF0, s16  }
0x364: {  	s17 =	simm.s32 $0x12A80;
	s20 =	spop (v2sf);
	s0 =	sadd.s32 s5, s0  }
0x365: {  	(v2sf) =	vpush v0, $0xF;
	[tilespmem:s17], [sflag:$0x4] =	stream.linear.gather [hbm4b:s0+s3], $0x80, $0x38;
	[tilespmem:$0x1F600] =	vst v63  }
0x366: {  	s0 =	sand.u32 $0x1FFFFFF0, s18  }
0x367: {  	s19 =	simm.s32 $0x12B00;
	s0 =	sadd.s32 s5, s0  }
0x368: {  	[tilespmem:s19], [sflag:$0x4] =	stream.linear.gather [hbm4b:s0+s3], $0x80, $0x38;
	[tilespmem:$0x1F600] =	vst v63  }
0x369: {  	s0 =	sand.u32 $0x1FFFFFF0, s20  }
0x36a: {  	s21 =	simm.s32 $0x12B80;
	s0 =	sadd.s32 s5, s0  }
0x36b: {  	[tilespmem:s21], [sflag:$0x4] =	stream.linear.gather [hbm4b:s0+s3], $0x80, $0x38;
	[tilespmem:$0x1F600] =	vst v63  }
0x36c: {  	s22 =	spop (v2sf)  }
0x36d: {  	s0 =	sand.u32 $0x1FFFFFF0, s22  }
0x36e: {  	s23 =	simm.s32 $0x12C00;
	s24 =	spop (v2sf);
	s0 =	sadd.s32 s5, s0  }
0x36f: {  	[tilespmem:s23], [sflag:$0x4] =	stream.linear.gather [hbm4b:s0+s3], $0x80, $0x38;
	[tilespmem:$0x1F600] =	vst v63  }
0x370: {  	s0 =	sand.u32 $0x1FFFFFF0, s24  }
0x371: {  	s26 =	simm.s32 $0x12C80;
	s28 =	spop (v2sf);
	s0 =	sadd.s32 s5, s0  }
0x372: {  	[tilespmem:s26], [sflag:$0x4] =	stream.linear.gather [hbm4b:s0+s3], $0x80, $0x38;
	[tilespmem:$0x1F600] =	vst v63  }
0x373: {  	s29 =	simm.s32 $0x12D00;
	s0 =	sand.u32 $0x1FFFFFF0, s28  }
.Ltmp12:
0x374: {  	s30 =	spop (v2sf);
	s0 =	sadd.s32 s5, s0;
	(pc) =	sbr.rel .LBB2_6-.Ltmp12, $4  }
0x375: {  	[tilespmem:s29], [sflag:$0x4] =	stream.linear.gather [hbm4b:s0+s3], $0x80, $0x38;
	[tilespmem:$0x1F600] =	vst v63  }
0x376: {  	s0 =	sand.u32 $0x1FFFFFF0, s30  }
0x377: {  	s12 =	sadd.s32 $0x1, s12;
	s31 =	simm.s32 $0x12D80;
	s0 =	sadd.s32 s5, s0  }
0x378: {  	[tilespmem:s31], [sflag:$0x4] =	stream.linear.gather [hbm4b:s0+s3], $0x80, $0x38;
	[tilespmem:$0x1F600] =	vst v63  }
.LBB2_22:
0x379: {  	_ =	sfence.sel $0x180000  }
0x37a: {  	[bflag:$0x0] =	sbarrier.arrive $0xFFFF  }
0x37b: {  	_ =	strace $0x90000047  }
0x37c: {  	s0 =	stileid.u32;
	[bflag:$0x2] =	sbarrier.arrive $0xFFFF  }
0x37d: {  	p0 =	sne.s32 s0, $0x0;
	s0 =	rddreg [dreg:$0x2]  }
0x37e: {  	s0 =	sadd.s32 @!p0 $0x100000, s0  }
0x37f: {  	[sflag:s0] =	ssyncadd.tile.s32 @!p0 $0x1;
	_ =	shalt  }
.Lfunc_end2:
_tile_overlayer_lowered:
.L_overlay_start_2:
0x380: {  	(tag) =	ssettag $0x2  }
0x381: {  	s0 =	rddreg [dreg:$0x0];
	s2 =	stileid.u32  }
0x382: {  	s1 =	rddreg [dreg:$0x1];
	p0 =	sne.s32 s2, $0x0  }
0x383: {  	s3 =	rddreg [dreg:$0x2];
	[bflag:$0x3] =	sbarrier.arrive $0xFFFF;
	s2 =	simm.s32 @!p0 $0x1C07  }
0x384: {  	[timem:s3], [sflag:s2] =	dma.local @!p0 [hbm:s0], s1  }
0x385: {  	s0 =	simm.s32 @!p0 $0x7  }
0x386: {  	_ =	swait.ge @!p0 [sflag:s0], s1  }
0x387: {  	s1 =	ssub.s32 @!p0 $0x0, s1;
	[sflag:s0] =	ssyncset.done @!p0 $0x0  }
0x388: {  	[sflag:s0] =	ssyncadd.s32 @!p0 s1  }
0x389: {  	[bflag:$0x3] =	sbarrier.arrive $0xFFFF  }
0x38a: {  	_ =	shalt  }

// kernel: sparse-core-data-format-call.cloned.1.call-start
scs
called_computation_lowered:
.L_overlay_start_0:
0x0: {  	s2 =	sld [smem:$0x3FD9]  }
0x1: {  	s3 =	sld [smem:$0x3FFE];
	_ =	sdelay $0x1  }
0x2: {  	s1 =	srdreg.scid  }
0x3: {  	s0 =	sand.u32 $0x1, s1  }
0x4: {  	s18 =	sshll.u32 s0, $0xA;
	s2 =	sadd.s32 s3, s2  }
0x5: {  	s2 =	sadd.s32 s2, s18  }
0x6: {  	[smem:$0x3FC6] =	sst s2  }
0x7: {  	_ = 	snop  }
0x8: {  	s2 =	sld [smem:$0x3FD0];
	(tm) =	ssettm $0x1  }
0x9: {  	s19 =	sld [smem:$0x3FFB];
	_ =	sdelay $0x3  }
0xa: {  	_ =	strace s19  }
0xb: {  	s3 =	sld [smem:$0x3FFC];
	_ =	sdelay $0x3  }
0xc: {  	_ =	strace s3  }
0xd: {  	s3 =	sld [smem:$0x3FFD];
	_ =	sdelay $0x3  }
0xe: {  	_ =	strace s3  }
0xf: {  	_ =	strace $0x8FFFFFFF  }
0x10: {  	s20 =	sld [smem:$0x3FDB];
	_ =	sdelay $0x1  }
0x11: {  	s4 =	simm.s32 $_scs_section_size  }
0x12: {  	s5 =	simm.s32 $_size__tile_overlayer_lowered;
	s6 =	simm.s32 $_tile_overlayer_lowered  }
0x13: {  	s23 =	simm.s32 $0x1BFF;
	s22 =	sshll.u32 s6, $0x1;
	s3 =	sadd.s32 s4, s20  }
0x14: {  	s7 =	simm.s32 $0x0;
	s21 =	sshll.u32 s5, $0x1;
	s5 =	sadd.s32 s22, s3  }
0x15: {  	[timem:s7], [sflag:s23] =	dma.local [hbm:s5], s21  }
0x16: {  	_ =	swait.ge [sflag:s23], s21  }
0x17: {  	s4 =	ssub.s32 $0x0, s21;
	[sflag:s23] =	ssyncset.done $0x0  }
0x18: {  	[sflag:s23] =	ssyncadd.s32 s4;
	_ =	sdelay $0x1  }
0x19: {  	s24 =	simm.s32 $0x1B8B  }
0x1a: {  	_ =	swait.ge [sflag:s24], $0x1  }
0x1b: {  	[sflag:s24] =	ssyncset.done $0x0  }
0x1c: {  	s26 =	simm.s32 $0x1B8E;
	s25 =	sld [smem:$0x3FFE];
	[sflag:s24] =	ssyncadd.s32 $0xFFFFFFFF  }
0x1d: {  	s27 =	simm.s32 $execute0_lowered;
	[smem:$0x3FD2] =	sst s26  }
0x1e: {  	s5 =	sshll.u32 s27, $0x1;
	_ =	strace $0x80000049;
	[dreg:$0x1] =	wrdreg $0xFFFFFFFF  }
0x1f: {  	s28 =	simm.s32 $_size_execute0_lowered;
	s3 =	sadd.s32 s3, s5;
	[dreg:$0x0] =	wrdreg $0x0  }
0x20: {  	s5 =	sshll.u32 s28, $0x1;
	[dreg:$0x2] =	wrdreg s3  }
0x21: {  	[dreg:$0x3] =	wrdreg s5  }
0x22: {  	[dreg:$0x4] =	wrdreg $0xC0  }
0x23: {  	_ =	task [dreg:s7], $0x5FFFF  }
0x24: {  	[dreg:$0x1] =	wrdreg $0xFFFFFFFF  }
0x25: {  	[dreg:$0x0] =	wrdreg $0x60  }
0x26: {  	[dreg:$0x2] =	wrdreg s25  }
0x27: {  	[dreg:$0x3] =	wrdreg s2  }
0x28: {  	[dreg:$0x4] =	wrdreg $0x9  }
0x29: {  	_ =	task.clear_ibuf [dreg:s7], $0x5FFFF;
	_ =	strace $0x90000049  }
0x2a: {  	s29 =	simm.s32 $0x9;
	_ =	strace $0x8000004B  }
0x2b: {  	_ =	swait.ge [sflag:s29], $0x1  }
0x2c: {  	[sflag:s29] =	ssyncadd.s32 $0xFFFFFFFF  }
0x2d: {  	_ =	strace $0x9000004B  }
0x2e: {  	_ =	sfence  }
0x2f: {  	s30 =	sld [smem:$0x0];
	_ =	sdelay $0x2  }
0x30: {  	s31 =	sshll.u32 s1, $0xD;
	s1 =	sshrl.u32 s1, $0x2  }
0x31: {  	s3 =	sand.u32 $0x4000, s31;
	s1 =	sadd.s32 s1, s30  }
0x32: {  	s0 =	sor.u32 s3, s0;
	s1 =	sshll.u32 s1, $0x11  }
0x33: {  	s0 =	sor.u32 s1, s0  }
0x34: {  	s0 =	sadd.s32 $0x8F2B, s0  }
0x35: {  	[sflag:s0] =	ssyncadd.remote.s32 $0x1  }
0x36: {  	_ =	sfence.sel $0xFFFF  }
0x37: {  	[dreg:$0x0] =	wrdreg $0xFFFFFFFF;
	(pc) =	sbr.abs _section_cstart, $3  }
0x38: {  	[dreg:$0x1] =	wrdreg $0xFFFFFFFF  }
0x39: {  	_ =	task.clear_ibuf [dreg:s7], $0x2FFFF;
	_ =	strace $0x9FFFFFFF  }
0x3a: {  	(tm) =	ssettm $0x7FFFFFFF  }
0x3b: {  	_ =	shalt  }
tec
execute0_lowered:
.L_overlay_start_1:
0x0: {  	(tag) =	ssettag $0x1  }
0x1: {  	s0 =	srdreg.scid  }
0x2: {  	s1 =	sshll.u32 s0, $0x4  }
0x3: {  	s0 =	stileid.u32;
	s1 =	sand.u32 $0x10, s1  }
0x4: {  	s1 =	sor.u32 s0, s1  }
0x5: {  	s6 =	rddreg [dreg:$0x0];
	s4 =	simm.s32 $0x1;
	s2 =	sshll.u32 s1, $0x7  }
0x6: {  	s7 =	simm.s32 $0x2;
	s12 =	simm.s32 $0x0;
	s1 =	ssub.s32 $0x1000, s2  }
0x7: {  	s8 =	simm.s32 $0x8000;
	s13 =	simm.s32 $0x0;
	s3 =	sand.u32 $0xF80, s1  }
0x8: {  	s9 =	simm.s32 $0x0;
	s5 =	sshrl.u32 s1, $0xC;
	p0 =	sne.s32 s3, $0x0  }
.Ltmp0:
0x9: {  	s1 =	rddreg [dreg:$0x2];
	s4 =	simm.s32 @!p0 $0x0;
	(pc) =	sbr.rel .LBB1_1-.Ltmp0, $4  }
0xa: {  	s11 =	simm.s32 $0x0;
	s3 =	rddreg [dreg:$0x1];
	s5 =	sadd.s32 s4, s5  }
0xb: {  	_ =	strace $0x8000004A;
	s4 =	simm.s32 $0x1;
	s5 =	smul.u32 $0xC8, s5  }
0xc: {  	s6 =	sadd.s32 $0xF43C00, s6;
	s10 =	smov.u32 s2;
	[sflag:s4] =	ssyncpa.u1 $0x0  }
0xd: {  	p0 =	por $0x0, $0x0;
	[sflag:s7] =	ssyncpa.u1 $0x0;
	s7 =	sor.u32 $0x1, s5  }
.LBB1_4:
0xe: {  	s16 =	sshll.u32 s13, $0x3;
	s17 =	sand.u32 $0x78, s13  }
0xf: {  	s30 =	sand.u32 $0x7E00, s13;
	s12 =	sshll.u32 s12, $0xF;
	s16 =	sand.u32 $0xC00, s16  }
0x10: {  	[tilespmem:s15+$0x810 ss:$0x81] =	vst.msk $0xffff, v2;
	s31 =	sand.u32 $0x7, s13;
	s16 =	sor.u32 s17, s16;
	s17 =	sadd.s32 s3, s30  }
0x11: {  	[tilespmem:s15+$0x1020 ss:$0x81] =	vst.msk $0xffff, v0;
	s13 =	sshll.u32 s31, $0x12;
	s12 =	sadd.s32 s12, s17;
	s16 =	sshrl.u32 s16, $0x3  }
0x12: {  	[tilespmem:s15+$0x0 ss:$0x81] =	vst.msk $0xffff, v1;
	s13 =	sor.u32 $0x400, s13;
	s12 =	sadd.s32 s16, s12  }
0x13: {  	[hbm4b:s12+s13] =	stream.strided.scatter [tilespmem:s14], [sflag:$0x2], $0x2000, s8, s13, $0x20;
	[tilespmem:$0x8080] =	vst v63  }
.LBB1_5:
0x14: {  	s14 =	sadd.s32 $0x1, s9  }
0x15: {  	s12 =	sadd.s32 $0x1000, s10;
	s16 =	smov.u32 s10;
	p2 =	sgt.s32 s14, $0xC7  }
0x16: {  	s16 =	smov.u32 @p2 s12  }
0x17: {  	s14 =	simm.s32 @p2 $0x0;
	p2 =	sgt.s32 s16, $0xFFF  }
0x18: {  	s16 =	smov.u32 @p2 s2;
	p2 =	sne.s32 s11, s7  }
.Ltmp1:
0x19: {  	p1 =	slt.u32 s11, $0x2;
	(pc) =	sbr.rel @!p2 .LBB1_6-.Ltmp1, $4  }
0x1a: {  	s15 =	simm.s32 @!p1 $0x2  }
0x1b: {  	s13 =	smov.u32 s10;
	p0 =	por !p0, !p0;
	_ =	swait.ge @!p1 [sflag:s15], $0x2000  }
0x1c: {  	s12 =	smov.u32 s9;
	[sflag:s15] =	ssyncset.done @!p1 $0x0;
	s9 =	smov.u32 s14  }
0x1d: {  	s11 =	sadd.s32 $0x1, s11;
	[sflag:s15] =	ssyncadd.s32 @!p1 $0xFFFFE000;
	s10 =	smov.u32 s16  }
.LBB1_1:
0x1e: {  	p1 =	sge.u32 s11, s5  }
0x1f: {  	s14 =	sand.u32 @!p1 $0x1FFFFFF, s9  }
0x20: {  	s15 =	smulhi.u32 @!p1 $0x147AE15, s14;
	_ =	sdelay $0x1  }
0x21: {  	s15 =	smul.u32 @!p1 $0xC8, s15  }
0x22: {  	s16 =	sxor.u32 @!p1 $0xFFFFFFFF, s11;
	s17 =	smul.u32 @!p1 $0xC80, s10  }
0x23: {  	s31 =	sadd.s32 $0xFFFFFFFF, s11;
	s16 =	sshll.u32 @!p1 s16, $0xD;
	s14 =	ssub.s32 @!p1 s14, s15  }
0x24: {  	s15 =	sand.u32 @!p1 $0x2000, s16;
	s16 =	sadd.s32 @!p1 s6, s17;
	s14 =	sshll.u32 @!p1 s14, $0x4  }
0x25: {  	s17 =	simm.s32 @!p1 $0x6400;
	s14 =	sadd.s32 @!p1 s14, s16;
	s16 =	simm.s32 @!p1 $0x40  }
0x26: {  	[tilespmem:s15], [sflag:$0x1] =	stream.strided.gather @!p1 [hbm4b:s14+s16], $0x2000, s17, s16, $0x38;
	[tilespmem:$0x8080] =	vst v63  }
0x27: {  	p1 =	sge.u32 s31, s5  }
.Ltmp2:
0x28: {  	_ = 	snop;
	(pc) =	sbr.rel @p1 .LBB1_5-.Ltmp2, $1  }
0x29: {  	_ =	sdelay $0x3  }
0x2a: {  	s14 =	simm.s32 $0x1  }
0x2b: {  	_ =	swait.ge [sflag:s4], $0x2000;
	s14 =	simm.s32 @!p0 $0x0  }
0x2c: {  	[sflag:s4] =	ssyncset.done $0x0;
	s15 =	sshll.u32 s14, $0xD  }
0x2d: {  	[sflag:s4] =	ssyncadd.s32 $0xFFFFE000;
	s18 =	sor.u32 $0x20, s15  }
0x2e: {  	s14 =	smul.u32 $0x8100, s14;
	v3 =	vld [tilespmem:s18+$0x10]  }
0x2f: {  	s30 =	sand.u32 $0x1, s11;
	v2 =	vld [tilespmem:s18+$0xFFFFFFF0]  }
0x30: {  	s15 =	smul.u32 $0x8100, s30;
	s14 =	sshrl.u32 s14, $0x2;
	v0 =	vld [tilespmem:s18+$0x0]  }
0x31: {  	v1 =	vld [tilespmem:s18+$0xFFFFFFE0];
	s16 =	sor.u32 $0x4000, s14  }
0x32: {  	s31 =	sshrl.u32 s15, $0x2;
	s15 =	sadd.s32 $0x0, s16  }
0x33: {  	s17 =	simm.s32 $0x4;
	s18 =	sadd.s32 $0x40, s18;
	s14 =	sor.u32 $0x4000, s31;
	[tilespmem:s15+$0x1830 ss:$0x81] =	vst.msk $0xffff, v3  }
.LBB1_3:
0x34: {  	v3 =	vld [tilespmem:s18+$0x10];
	p1 =	sne.s32 s17, $0x1FC;
	[tilespmem:s15+$0x810 ss:$0x81] =	vst.msk $0xffff, v2;
	s19 =	smov.u32 s17;
	s17 =	sadd.s32 $0x4, s17  }
.Ltmp3:
0x35: {  	v2 =	vld [tilespmem:s18+$0xFFFFFFF0];
	[tilespmem:s15+$0x1020 ss:$0x81] =	vst.msk $0xffff, v0;
	(pc) =	sbr.rel @p1 .LBB1_3-.Ltmp3, $4  }
0x36: {  	v0 =	vld [tilespmem:s18+$0x0];
	[tilespmem:s15+$0x0 ss:$0x81] =	vst.msk $0xffff, v1  }
0x37: {  	s15 =	sshra.s32 s19, $0x2;
	v1 =	vld [tilespmem:s18+$0xFFFFFFE0]  }
0x38: {  	s15 =	sadd.s32 s15, s16  }
0x39: {  	s18 =	sadd.s32 $0x40, s18;
	[tilespmem:s15+$0x1830 ss:$0x81] =	vst.msk $0xffff, v3  }
.Ltmp4:
0x3a: {  	_ = 	snop;
	(pc) =	sbr.rel .LBB1_4-.Ltmp4, $1  }
0x3b: {  	_ =	sdelay $0x3  }
.LBB1_6:
0x3c: {  	_ =	sfence.sel $0x180000  }
0x3d: {  	s2 =	simm.s32 $0x1;
	[bflag:$0x0] =	sbarrier.arrive $0xFFFF  }
0x3e: {  	s31 =	simm.s32 $0x2;
	[sflag:s2] =	ssyncpa.u1 $0x1  }
0x3f: {  	[sflag:s31] =	ssyncpa.u1 $0x1  }
0x40: {  	p0 =	sne.s32 s0, $0x0;
	_ =	strace $0x9000004A  }
0x41: {  	s0 =	sadd.s32 @!p0 $0x100000, s1;
	[bflag:$0x2] =	sbarrier.arrive $0xFFFF  }
0x42: {  	[sflag:s0] =	ssyncadd.tile.s32 @!p0 $0x1;
	_ =	shalt  }
.Lfunc_end1:
_tile_overlayer_lowered:
.L_overlay_start_2:
0x43: {  	(tag) =	ssettag $0x2  }
0x44: {  	s0 =	rddreg [dreg:$0x0];
	s2 =	stileid.u32  }
0x45: {  	s1 =	rddreg [dreg:$0x1];
	p0 =	sne.s32 s2, $0x0  }
0x46: {  	s3 =	rddreg [dreg:$0x2];
	[bflag:$0x3] =	sbarrier.arrive $0xFFFF;
	s2 =	simm.s32 @!p0 $0x1C01  }
0x47: {  	[timem:s3], [sflag:s2] =	dma.local @!p0 [hbm:s0], s1  }
0x48: {  	s0 =	simm.s32 @!p0 $0x1  }
0x49: {  	_ =	swait.ge @!p0 [sflag:s0], s1  }
0x4a: {  	s1 =	ssub.s32 @!p0 $0x0, s1;
	[sflag:s0] =	ssyncset.done @!p0 $0x0  }
0x4b: {  	[sflag:s0] =	ssyncadd.s32 @!p0 s1  }
0x4c: {  	[bflag:$0x3] =	sbarrier.arrive $0xFFFF  }
0x4d: {  	_ =	shalt  }

</sc_bundles>
